<compile_context>
chip_gen: v7x
topology: tpu7x:2x2x1
jax: 0.10.2.dev20260603
libtpu: 0.0.44.dev20260713+nightly
codegen_flags: <defaults>
</compile_context>

<pallas_src>
import jax
import jax.numpy as jnp
import numpy as np
from jax import lax
from jax.experimental import pallas as pl
from jax.experimental.pallas import tpu as pltpu
from jax.experimental.pallas import tpu_sc as plsc

N_NODES = 10000
N_EDGES = 320000
D = 128

_Z = np.int32(0)

_NC = 2
_NS = 16
_L = 16
_NW = _NC * _NS
_EPW = N_EDGES // _NW
_C = 80
_NCHUNK = _EPW // _C
_NPAD = 10240
_SLAB = _NPAD // _NS



def _sc_body(q2_hbm, ef_hbm, dst_hbm, mix_out, den_out,
             dst0, dst1, dsts0, dsts1, efw0, efw1, q2r0, q2r1, t0, t1,
             spmix, spden,
             semd0, semd1, semg0, semg1, seme0, seme1,
             semt0, semt1, semm0, semm1):
    c = lax.axis_index("c")
    s = lax.axis_index("s")
    wid = s * np.int32(_NC) + c
    row0 = s * np.int32(_SLAB)
    dst_b = (dst0, dst1)
    dsts_b = (dsts0, dsts1)
    efw_b = (efw0, efw1)
    q2r_b = (q2r0, q2r1)
    t_b = (t0, t1)
    semd_b = (semd0, semd1)
    semg_b = (semg0, semg1)
    seme_b = (seme0, seme1)
    semt_b = (semt0, semt1)
    semm_b = (semm0, semm1)

    def _zrow(j, carry):
        for k in range(8):
            efw0[j, pl.ds(k * _L, _L)] = jnp.zeros((_L,), jnp.float32)
        return carry

    lax.fori_loop(np.int32(0), np.int32(_C), _zrow, np.int32(0))
    for g in range(_C // _L):
        t0[pl.ds(g * _L, _L)] = jnp.zeros((_L,), jnp.float32)
    for j in range(_SLAB // _C):
        pltpu.sync_copy(efw0, spmix.at[pl.ds(row0 + np.int32(j * _C), _C), :])
        pltpu.sync_copy(t0, spden.at[pl.ds(row0 + np.int32(j * _C), _C)])
    plsc.subcore_barrier()

    base_w = wid * np.int32(_EPW)
    lane = lax.iota(jnp.int32, _L)
    perms = [(lane + np.int32(sh)) & np.int32(_L - 1) for sh in (8, 4, 2, 1)]
    dnums = lax.GatherDimensionNumbers(
        offset_dims=(), collapsed_slice_dims=(0,), start_index_map=(0,))

    def _hsum(v):
        for pm in perms:
            v = v + lax.gather(v, pm[:, None], dnums, (1,),
                               mode=lax.GatherScatterMode.PROMISE_IN_BOUNDS)
        return v

    def _ebase(k):
        return base_w + k * np.int32(_C)

    def _issue_loads(k, b):
        pltpu.async_copy(q2_hbm.at[dst_b[b]], q2r_b[b], semg_b[b])
        pltpu.async_copy(ef_hbm.at[pl.ds(_ebase(k), _C), :], efw_b[b], seme_b[b])

    def _wait_loads(b):
        pltpu.make_async_copy(q2_hbm.at[dst_b[b]], q2r_b[b], semg_b[b]).wait()
        pltpu.make_async_copy(ef_hbm.at[pl.ds(np.int32(0), _C), :], efw_b[b],
                              seme_b[b]).wait()

    def _issue_dst(k, b):
        pltpu.async_copy(dst_hbm.at[pl.ds(_ebase(k), _C)], dst_b[b], semd_b[b])

    def _wait_dst(b):
        pltpu.make_async_copy(dst_hbm.at[pl.ds(np.int32(0), _C)], dst_b[b],
                              semd_b[b]).wait()

    def _wait_scatters(b):
        pltpu.make_async_copy(t_b[b], spden.at[dsts_b[b]], semt_b[b]).wait()
        pltpu.make_async_copy(efw_b[b], spmix.at[dsts_b[b]], semm_b[b]).wait()

    def _compute(b):
        efw_v = efw_b[b]
        q2r_v = q2r_b[b]
        t_v = t_b[b]

        def _grp(g, cc):
            e0 = g * np.int32(_L)

            def _edge(e, tvec):
                row = e0 + e
                r = [efw_v[row, pl.ds(k * _L, _L)] for k in range(D // _L)]
                acc = r[0] * q2r_v[row, pl.ds(0, _L)]
                for k in range(1, D // _L):
                    acc = acc + r[k] * q2r_v[row, pl.ds(k * _L, _L)]
                exv = jnp.exp(jnp.minimum(_hsum(acc), np.float32(80.0)))
                for k in range(D // _L):
                    efw_v[row, pl.ds(k * _L, _L)] = r[k] * exv
                return jnp.where(lane == e, exv, tvec)

            tvec = lax.fori_loop(np.int32(0), np.int32(_L), _edge,
                                 jnp.zeros((_L,), jnp.float32))
            t_v[pl.ds(e0, _L)] = tvec
            return cc

        lax.fori_loop(np.int32(0), np.int32(_C // _L), _grp, np.int32(0))

    def _issue_scatters(b):
        for g in range(_C // _L):
            sl = pl.ds(g * _L, _L)
            dsts_b[b][sl] = dst_b[b][sl]
        pltpu.async_copy(t_b[b], spden.at[dsts_b[b]], semt_b[b], add=True)
        pltpu.async_copy(efw_b[b], spmix.at[dsts_b[b]], semm_b[b], add=True)

    def _body(k, b, wait_scat):
        nb = 1 - b
        if wait_scat:
            _wait_scatters(nb)
        _wait_loads(b)
        _wait_dst(nb)
        _issue_loads(k + np.int32(1), nb)
        _compute(b)
        _issue_scatters(b)
        _issue_dst(jnp.minimum(k + np.int32(2), np.int32(_NCHUNK - 1)), b)

    pltpu.sync_copy(dst_hbm.at[pl.ds(_ebase(np.int32(0)), _C)], dst0)
    _issue_loads(np.int32(0), 0)
    _issue_dst(np.int32(1), 1)
    _body(np.int32(0), 0, wait_scat=False)
    _body(np.int32(1), 1, wait_scat=True)

    def _pipe(j, carry):
        for u in range(2):
            _body(j * np.int32(2) + np.int32(u), u, wait_scat=True)
        return carry

    lax.fori_loop(np.int32(1), np.int32((_NCHUNK - 1) // 2), _pipe, np.int32(0))
    _wait_scatters(1)
    _wait_dst(1)
    _wait_loads(0)
    _compute(0)
    _issue_scatters(0)
    _wait_scatters(0)
    plsc.subcore_barrier()

    for j in range(_SLAB // _C):
        r = row0 + np.int32(j * _C)
        pltpu.sync_copy(spmix.at[pl.ds(r, _C), :], efw0)
        pltpu.sync_copy(efw0, mix_out.at[c, pl.ds(r, _C), :])
        pltpu.sync_copy(spden.at[pl.ds(r, _C)], t0)
        pltpu.sync_copy(t0, den_out.at[pl.ds(c * np.int32(_NPAD) + r, _C)])


def _sc_pass(q2, edge_feats, dst32):
    mesh = plsc.VectorSubcoreMesh(core_axis_name="c", subcore_axis_name="s",
                                  num_cores=_NC, num_subcores=_NS)
    fn = pl.kernel(
        _sc_body,
        out_type=[
            jax.ShapeDtypeStruct((_NC, _NPAD, D), jnp.float32),
            jax.ShapeDtypeStruct((_NC * _NPAD,), jnp.float32),
        ],
        mesh=mesh,
        scratch_types=[
            pltpu.VMEM((_C,), jnp.int32),
            pltpu.VMEM((_C,), jnp.int32),
            pltpu.VMEM((_C,), jnp.int32),
            pltpu.VMEM((_C,), jnp.int32),
            pltpu.VMEM((_C, D), jnp.float32),
            pltpu.VMEM((_C, D), jnp.float32),
            pltpu.VMEM((_C, D), jnp.float32),
            pltpu.VMEM((_C, D), jnp.float32),
            pltpu.VMEM((_C,), jnp.float32),
            pltpu.VMEM((_C,), jnp.float32),
            pltpu.VMEM_SHARED((_NPAD, D), jnp.float32),
            pltpu.VMEM_SHARED((_NPAD,), jnp.float32),
        ] + [pltpu.SemaphoreType.DMA] * 10,
        compiler_params=pltpu.CompilerParams(use_tc_tiling_on_sc=False),
    )
    return fn(q2, edge_feats, dst32)



_BLK = 1000


def _q2_body(dstf_ref, wattn2_ref, q2_ref):
    q2_ref[...] = lax.dot_general(
        dstf_ref[...], wattn2_ref[...], (((1,), (1,)), ((), ())),
        preferred_element_type=jnp.float32)


def _dense_q2(dst_feats, W_attn):
    w2 = W_attn[D:, :]
    return pl.pallas_call(
        _q2_body,
        grid=(N_NODES // 1000,),
        in_specs=[
            pl.BlockSpec((1000, D), lambda i: (i, _Z)),
            pl.BlockSpec((D, D), lambda i: (_Z, _Z)),
        ],
        out_specs=pl.BlockSpec((1000, D), lambda i: (i, _Z)),
        out_shape=jax.ShapeDtypeStruct((N_NODES, D), jnp.float32),
    )(dst_feats, w2)


def _dense_tail_body(dstf_ref, mixp_ref, denp_ref, wao_ref, wattn_ref,
                     wneis_ref, wagg_ref, wnode_ref, bnode_ref, out_ref):
    dstf = dstf_ref[...]
    mixp = mixp_ref[...]
    denp = denp_ref[...]
    wao = wao_ref[...]
    wattn = wattn_ref[...]

    den = denp[0] + denp[1]
    pos = den > 0
    invd = jnp.where(pos, 1.0 / jnp.where(pos, den, jnp.ones_like(den)),
                     jnp.zeros_like(den))
    sw = jnp.where(pos, jnp.ones_like(den), jnp.zeros_like(den))
    mix2 = (mixp[0] + mixp[1]) * invd

    def mm(a, b):
        return lax.dot_general(a, b, (((1,), (0,)), ((), ())),
                               preferred_element_type=jnp.float32)

    a1 = wao[:, :128].T
    a2 = wao[:, 128:256].T
    b_fold = mm(wattn.T, wao[:, 256:].T)
    pre = mm(dstf * sw, a1) + mm(mix2, a2) + mm(dstf, b_fold)
    attn_out = jnp.tanh(pre)
    agg = jax.nn.relu(mm(attn_out, wneis_ref[...].T))
    feats_t = mm(dstf, wagg_ref[...].T)
    wnode = wnode_ref[...]
    out = mm(feats_t, wnode[:, :128].T) + mm(agg, wnode[:, 128:].T)
    out_ref[...] = out + bnode_ref[...]


def _dense_tail(dst_feats, mix_parts, den_parts, W_attn_out, W_attn, W_neis,
                W_agg, W_node, b_node):
    out = pl.pallas_call(
        _dense_tail_body,
        grid=(N_NODES // _BLK,),
        in_specs=[
            pl.BlockSpec((_BLK, D), lambda i: (i, _Z)),
            pl.BlockSpec((_NC, _BLK, D), lambda i: (_Z, i, _Z)),
            pl.BlockSpec((_NC, _BLK, 1), lambda i: (_Z, i, _Z)),
            pl.BlockSpec((2 * D, 4 * D), lambda i: (_Z, _Z)),
            pl.BlockSpec((2 * D, D), lambda i: (_Z, _Z)),
            pl.BlockSpec((D, 2 * D), lambda i: (_Z, _Z)),
            pl.BlockSpec((D, D), lambda i: (_Z, _Z)),
            pl.BlockSpec((D, 2 * D), lambda i: (_Z, _Z)),
            pl.BlockSpec((1, D), lambda i: (_Z, _Z)),
        ],
        out_specs=pl.BlockSpec((_BLK, D), lambda i: (i, _Z)),
        out_shape=jax.ShapeDtypeStruct((N_NODES, D), jnp.float32),
    )(dst_feats, mix_parts, den_parts.reshape(_NC, _NPAD, 1), W_attn_out,
      W_attn, W_neis, W_agg, W_node, b_node.reshape(1, D))
    return out



def kernel(src_feats, dst_feats, edge_feats, edge_index, W_attn, W_agg,
           W_neis, W_attn_out, W_node, b_node, W_edge, b_edge):
    del src_feats, W_edge, b_edge
    with jax.enable_x64(False):
        dst32 = edge_index[1].astype(jnp.int32)

        q2 = _dense_q2(dst_feats, W_attn)
        mix_parts, den_parts = _sc_pass(q2, edge_feats, dst32)

        return _dense_tail(dst_feats, mix_parts, den_parts, W_attn_out,
                           W_attn, W_neis, W_agg, W_node, b_node)

# --- scband reference (transcript-rebuilt; emitter-appended) ---
"""Pipeline reference for scband-homo-attention-conv-9363028705369 (READ-ONLY COPY).

The authoritative reference and input builder live on the scoring server;
editing this copy changes nothing except your own understanding.
"""

import jax
jax.config.update("jax_enable_x64", True)
import jax.numpy as jnp
import numpy as np

N_NODES = 10000
N_EDGES = 320000
D = 128
D_OUT = 128


def _segment_softmax(scores, seg, num_segments):
    seg_max = jax.ops.segment_max(scores, seg, num_segments=num_segments)
    seg_max = jnp.where(jnp.isneginf(seg_max), 0.0, seg_max)
    ex = jnp.exp(scores - seg_max[seg])
    denom = jax.ops.segment_sum(ex, seg, num_segments=num_segments)
    return ex / (denom[seg] + 1e-16)


def setup_inputs(seed: int = 0):
    key = jax.random.key(seed)
    ks = jax.random.split(key, 12)

    def lin(k, out_f, in_f):
        b = 1.0 / np.sqrt(in_f)
        return jax.random.uniform(k, (out_f, in_f), jnp.float32, -b, b)

    inp = {
        "src_feats": jax.random.normal(ks[0], (N_NODES, D), jnp.float32),
        "dst_feats": jax.random.normal(ks[1], (N_NODES, D), jnp.float32),
        "edge_feats": jax.random.normal(ks[2], (N_EDGES, D), jnp.float32),
        "edge_index": jax.random.randint(ks[3], (2, N_EDGES), 0, N_NODES, jnp.int64),
        "W_attn": lin(ks[4], 2 * D, D),            # attention_mlp: Linear(d, 2d, bias=False)
        "W_agg": lin(ks[5], D, D),                 # agg_mlp: Linear(d, d, bias=False)
        "W_neis": lin(ks[6], D, 2 * D),            # agg_neis: Linear(2d, d, bias=False) + ReLU
        "W_attn_out": lin(ks[7], 2 * D, 4 * D),    # torchnlp Attention linear_out: Linear(4d, 2d, bias=False)
        "W_node": lin(ks[8], D_OUT, 2 * D),        # node_readout
        "b_node": jax.random.uniform(ks[9], (D_OUT,), jnp.float32, -1.0 / np.sqrt(2 * D), 1.0 / np.sqrt(2 * D)),
        "W_edge": lin(ks[10], D_OUT, 3 * D),       # edge_readout
        "b_edge": jax.random.uniform(ks[11], (D_OUT,), jnp.float32, -1.0 / np.sqrt(3 * D), 1.0 / np.sqrt(3 * D)),
    }
    return inp


def reference(src_feats, dst_feats, edge_feats, edge_index, W_attn, W_agg, W_neis, W_attn_out, W_node, b_node, W_edge, b_edge):
    src = edge_index[0]
    dst = edge_index[1]
    n = dst_feats.shape[0]
    # _reduce (degree-bucketed in DGL) rewritten as per-edge segment-softmax:
    # query = attention_mlp(dst_feats) -> [n, 2d]
    query = dst_feats @ W_attn.T
    # H row per incoming edge = cat([dst_feat, edge_feat]) -> [E, 2d]
    H = jnp.concatenate([dst_feats[dst], edge_feats], axis=1)
    # dot-attention score per edge, softmax over each dst node's incoming edges
    scores = jnp.sum(query[dst] * H, axis=1)
    w = _segment_softmax(scores, dst, n)
    mix = jax.ops.segment_sum(w[:, None] * H, dst, num_segments=n)   # [n, 2d]
    combined = jnp.concatenate([mix, query], axis=1)                  # [n, 4d]
    attn_out = jnp.tanh(combined @ W_attn_out.T)                      # torchnlp Attention output
    agg = jax.nn.relu(attn_out @ W_neis.T)                            # agg_neis -> [n, d]
    # _agg_neighbors
    feats_t = dst_feats @ W_agg.T                                     # agg_mlp
    combined_feats = jnp.concatenate([feats_t, agg], axis=1)          # [n, 2d]
    node_out = combined_feats @ W_node.T + b_node
    # _e_cat_u_v + edge_readout (stored as self._edge_features in torch, not returned)
    edge_agg = jnp.concatenate([edge_feats, src_feats[src], dst_feats[dst]], axis=1)
    edge_out = edge_agg @ W_edge.T + b_edge
    del edge_out
    return node_out

if __name__ == "__main__":
    import jax
    _d = setup_inputs()
    print(jax.jit(kernel)(*tuple(_d.values())))

</pallas_src>

<mosaic_0001>
#map = affine_map<(d0, d1) -> (0, 0)>
#map1 = affine_map<(d0, d1) -> (0)>
#map2 = affine_map<(d0, d1) -> (0, 0, 0)>
module attributes {stable_mosaic.version = 14 : i64} {
  func.func @_sc_body(%arg0: i32, %arg1: i32, %arg2: memref<10000x128xf32, #tpu.memory_space<hbm>>, %arg3: memref<320000x128xf32, #tpu.memory_space<hbm>>, %arg4: memref<320000xi32, #tpu.memory_space<hbm>>, %arg5: memref<2x10240x128xf32, #tpu.memory_space<hbm>>, %arg6: memref<20480xf32, #tpu.memory_space<hbm>>, %arg7: memref<80xi32, #tpu.memory_space<vmem>>, %arg8: memref<80xi32, #tpu.memory_space<vmem>>, %arg9: memref<80xi32, #tpu.memory_space<vmem>>, %arg10: memref<80xi32, #tpu.memory_space<vmem>>, %arg11: memref<80x128xf32, #tpu.memory_space<vmem>>, %arg12: memref<80x128xf32, #tpu.memory_space<vmem>>, %arg13: memref<80x128xf32, #tpu.memory_space<vmem>>, %arg14: memref<80x128xf32, #tpu.memory_space<vmem>>, %arg15: memref<80xf32, #tpu.memory_space<vmem>>, %arg16: memref<80xf32, #tpu.memory_space<vmem>>, %arg17: memref<10240x128xf32, #tpu.memory_space<vmem_shared>>, %arg18: memref<10240xf32, #tpu.memory_space<vmem_shared>>, %arg19: memref<!tpu.dma_semaphore, #tpu.memory_space<semaphore_mem>>, %arg20: memref<!tpu.dma_semaphore, #tpu.memory_space<semaphore_mem>>, %arg21: memref<!tpu.dma_semaphore, #tpu.memory_space<semaphore_mem>>, %arg22: memref<!tpu.dma_semaphore, #tpu.memory_space<semaphore_mem>>, %arg23: memref<!tpu.dma_semaphore, #tpu.memory_space<semaphore_mem>>, %arg24: memref<!tpu.dma_semaphore, #tpu.memory_space<semaphore_mem>>, %arg25: memref<!tpu.dma_semaphore, #tpu.memory_space<semaphore_mem>>, %arg26: memref<!tpu.dma_semaphore, #tpu.memory_space<semaphore_mem>>, %arg27: memref<!tpu.dma_semaphore, #tpu.memory_space<semaphore_mem>>, %arg28: memref<!tpu.dma_semaphore, #tpu.memory_space<semaphore_mem>>) attributes {dimension_semantics = [#tpu.dimension_semantics<core_parallel>, #tpu.dimension_semantics<subcore_parallel>], iteration_bounds = array<i64: 2, 16>, scalar_prefetch = 0 : i64, scratch_operands = 22 : i64, tpu.core_type = #tpu.core_type<sc_vector_subcore>, window_params = [{transform_indices = #map}, {transform_indices = #map}, {transform_indices = #map1}, {transform_indices = #map2}, {transform_indices = #map1}]} {
    %mul3A = arith.constant 2 : i32
    %mul3A_0 = arith.muli %arg1, %mul3A : i32
    %add3A = arith.addi %mul3A_0, %arg0 : i32
    %mul3A_1 = arith.constant 640 : i32
    %mul3A_2 = arith.muli %arg1, %mul3A_1 : i32
    %scan3A = arith.constant 0 : i32
    %scan3A_3 = arith.constant 0 : i32
    %scan3A_4 = arith.constant 80 : i32
    %scan3A_5 = arith.addi %scan3A_3, %scan3A_4 : i32
    %scan3A_6 = arith.constant 1 : i32
    scf.for %scan3A_377 = %scan3A_3 to %scan3A_5 step %scan3A_6  : i32 {
      %broadcast_in_dim3A_378 = arith.constant 0.000000e+00 : f32
      %broadcast_in_dim3A_379 = vector.broadcast %broadcast_in_dim3A_378 : f32 to vector<16xf32>
      %swap3A_380 = arith.index_cast %scan3A_377 : i32 to index
      %swap3A_381 = arith.constant 0 : index
      %swap3A_382 = tpu.vector_load %arg11[%swap3A_380, %swap3A_381] {strides = array<i32>} : memref<80x128xf32, #tpu.memory_space<vmem>>, vector<1x16xf32>,
      %swap3A_383 = vector.shape_cast %swap3A_382 : vector<1x16xf32> to vector<16xf32>
      %swap3A_384 = vector.shape_cast %broadcast_in_dim3A_379 : vector<16xf32> to vector<1x16xf32>
      tpu.vector_store %arg11[%swap3A_380, %swap3A_381], %swap3A_384 {strides = array<i32>} : memref<80x128xf32, #tpu.memory_space<vmem>>, vector<1x16xf32>,
      %broadcast_in_dim3A_385 = arith.constant 0.000000e+00 : f32
      %broadcast_in_dim3A_386 = vector.broadcast %broadcast_in_dim3A_385 : f32 to vector<16xf32>
      %swap3A_387 = arith.index_cast %scan3A_377 : i32 to index
      %swap3A_388 = arith.constant 16 : index
      %swap3A_389 = tpu.vector_load %arg11[%swap3A_387, %swap3A_388] {strides = array<i32>} : memref<80x128xf32, #tpu.memory_space<vmem>>, vector<1x16xf32>,
      %swap3A_390 = vector.shape_cast %swap3A_389 : vector<1x16xf32> to vector<16xf32>
      %swap3A_391 = vector.shape_cast %broadcast_in_dim3A_386 : vector<16xf32> to vector<1x16xf32>
      tpu.vector_store %arg11[%swap3A_387, %swap3A_388], %swap3A_391 {strides = array<i32>} : memref<80x128xf32, #tpu.memory_space<vmem>>, vector<1x16xf32>,
      %broadcast_in_dim3A_392 = arith.constant 0.000000e+00 : f32
      %broadcast_in_dim3A_393 = vector.broadcast %broadcast_in_dim3A_392 : f32 to vector<16xf32>
      %swap3A_394 = arith.index_cast %scan3A_377 : i32 to index
      %swap3A_395 = arith.constant 32 : index
      %swap3A_396 = tpu.vector_load %arg11[%swap3A_394, %swap3A_395] {strides = array<i32>} : memref<80x128xf32, #tpu.memory_space<vmem>>, vector<1x16xf32>,
      %swap3A_397 = vector.shape_cast %swap3A_396 : vector<1x16xf32> to vector<16xf32>
      %swap3A_398 = vector.shape_cast %broadcast_in_dim3A_393 : vector<16xf32> to vector<1x16xf32>
      tpu.vector_store %arg11[%swap3A_394, %swap3A_395], %swap3A_398 {strides = array<i32>} : memref<80x128xf32, #tpu.memory_space<vmem>>, vector<1x16xf32>,
      %broadcast_in_dim3A_399 = arith.constant 0.000000e+00 : f32
      %broadcast_in_dim3A_400 = vector.broadcast %broadcast_in_dim3A_399 : f32 to vector<16xf32>
      %swap3A_401 = arith.index_cast %scan3A_377 : i32 to index
      %swap3A_402 = arith.constant 48 : index
      %swap3A_403 = tpu.vector_load %arg11[%swap3A_401, %swap3A_402] {strides = array<i32>} : memref<80x128xf32, #tpu.memory_space<vmem>>, vector<1x16xf32>,
      %swap3A_404 = vector.shape_cast %swap3A_403 : vector<1x16xf32> to vector<16xf32>
      %swap3A_405 = vector.shape_cast %broadcast_in_dim3A_400 : vector<16xf32> to vector<1x16xf32>
      tpu.vector_store %arg11[%swap3A_401, %swap3A_402], %swap3A_405 {strides = array<i32>} : memref<80x128xf32, #tpu.memory_space<vmem>>, vector<1x16xf32>,
      %broadcast_in_dim3A_406 = arith.constant 0.000000e+00 : f32
      %broadcast_in_dim3A_407 = vector.broadcast %broadcast_in_dim3A_406 : f32 to vector<16xf32>
      %swap3A_408 = arith.index_cast %scan3A_377 : i32 to index
      %swap3A_409 = arith.constant 64 : index
      %swap3A_410 = tpu.vector_load %arg11[%swap3A_408, %swap3A_409] {strides = array<i32>} : memref<80x128xf32, #tpu.memory_space<vmem>>, vector<1x16xf32>,
      %swap3A_411 = vector.shape_cast %swap3A_410 : vector<1x16xf32> to vector<16xf32>
      %swap3A_412 = vector.shape_cast %broadcast_in_dim3A_407 : vector<16xf32> to vector<1x16xf32>
      tpu.vector_store %arg11[%swap3A_408, %swap3A_409], %swap3A_412 {strides = array<i32>} : memref<80x128xf32, #tpu.memory_space<vmem>>, vector<1x16xf32>,
      %broadcast_in_dim3A_413 = arith.constant 0.000000e+00 : f32
      %broadcast_in_dim3A_414 = vector.broadcast %broadcast_in_dim3A_413 : f32 to vector<16xf32>
      %swap3A_415 = arith.index_cast %scan3A_377 : i32 to index
      %swap3A_416 = arith.constant 80 : index
      %swap3A_417 = tpu.vector_load %arg11[%swap3A_415, %swap3A_416] {strides = array<i32>} : memref<80x128xf32, #tpu.memory_space<vmem>>, vector<1x16xf32>,
      %swap3A_418 = vector.shape_cast %swap3A_417 : vector<1x16xf32> to vector<16xf32>
      %swap3A_419 = vector.shape_cast %broadcast_in_dim3A_414 : vector<16xf32> to vector<1x16xf32>
      tpu.vector_store %arg11[%swap3A_415, %swap3A_416], %swap3A_419 {strides = array<i32>} : memref<80x128xf32, #tpu.memory_space<vmem>>, vector<1x16xf32>,
      %broadcast_in_dim3A_420 = arith.constant 0.000000e+00 : f32
      %broadcast_in_dim3A_421 = vector.broadcast %broadcast_in_dim3A_420 : f32 to vector<16xf32>
      %swap3A_422 = arith.index_cast %scan3A_377 : i32 to index
      %swap3A_423 = arith.constant 96 : index
      %swap3A_424 = tpu.vector_load %arg11[%swap3A_422, %swap3A_423] {strides = array<i32>} : memref<80x128xf32, #tpu.memory_space<vmem>>, vector<1x16xf32>,
      %swap3A_425 = vector.shape_cast %swap3A_424 : vector<1x16xf32> to vector<16xf32>
      %swap3A_426 = vector.shape_cast %broadcast_in_dim3A_421 : vector<16xf32> to vector<1x16xf32>
      tpu.vector_store %arg11[%swap3A_422, %swap3A_423], %swap3A_426 {strides = array<i32>} : memref<80x128xf32, #tpu.memory_space<vmem>>, vector<1x16xf32>,
      %broadcast_in_dim3A_427 = arith.constant 0.000000e+00 : f32
      %broadcast_in_dim3A_428 = vector.broadcast %broadcast_in_dim3A_427 : f32 to vector<16xf32>
      %swap3A_429 = arith.index_cast %scan3A_377 : i32 to index
      %swap3A_430 = arith.constant 112 : index
      %swap3A_431 = tpu.vector_load %arg11[%swap3A_429, %swap3A_430] {strides = array<i32>} : memref<80x128xf32, #tpu.memory_space<vmem>>, vector<1x16xf32>,
      %swap3A_432 = vector.shape_cast %swap3A_431 : vector<1x16xf32> to vector<16xf32>
      %swap3A_433 = vector.shape_cast %broadcast_in_dim3A_428 : vector<16xf32> to vector<1x16xf32>
      tpu.vector_store %arg11[%swap3A_429, %swap3A_430], %swap3A_433 {strides = array<i32>} : memref<80x128xf32, #tpu.memory_space<vmem>>, vector<1x16xf32>,
    }
    %scan3A_7 = arith.constant 80 : i32
    %broadcast_in_dim3A = arith.constant 0.000000e+00 : f32
    %broadcast_in_dim3A_8 = vector.broadcast %broadcast_in_dim3A : f32 to vector<16xf32>
    %swap3A = arith.constant 0 : index
    %swap3A_9 = tpu.vector_load %arg15[%swap3A] {strides = array<i32>} : memref<80xf32, #tpu.memory_space<vmem>>, vector<16xf32>,
    %swap3A_10 = vector.shape_cast %swap3A_9 : vector<16xf32> to vector<16xf32>
    %swap3A_11 = vector.shape_cast %broadcast_in_dim3A_8 : vector<16xf32> to vector<16xf32>
    tpu.vector_store %arg15[%swap3A], %swap3A_11 {strides = array<i32>} : memref<80xf32, #tpu.memory_space<vmem>>, vector<16xf32>,
    %broadcast_in_dim3A_12 = arith.constant 0.000000e+00 : f32
    %broadcast_in_dim3A_13 = vector.broadcast %broadcast_in_dim3A_12 : f32 to vector<16xf32>
    %swap3A_14 = arith.constant 16 : index
    %swap3A_15 = tpu.vector_load %arg15[%swap3A_14] {strides = array<i32>} : memref<80xf32, #tpu.memory_space<vmem>>, vector<16xf32>,
    %swap3A_16 = vector.shape_cast %swap3A_15 : vector<16xf32> to vector<16xf32>
    %swap3A_17 = vector.shape_cast %broadcast_in_dim3A_13 : vector<16xf32> to vector<16xf32>
    tpu.vector_store %arg15[%swap3A_14], %swap3A_17 {strides = array<i32>} : memref<80xf32, #tpu.memory_space<vmem>>, vector<16xf32>,
    %broadcast_in_dim3A_18 = arith.constant 0.000000e+00 : f32
    %broadcast_in_dim3A_19 = vector.broadcast %broadcast_in_dim3A_18 : f32 to vector<16xf32>
    %swap3A_20 = arith.constant 32 : index
    %swap3A_21 = tpu.vector_load %arg15[%swap3A_20] {strides = array<i32>} : memref<80xf32, #tpu.memory_space<vmem>>, vector<16xf32>,
    %swap3A_22 = vector.shape_cast %swap3A_21 : vector<16xf32> to vector<16xf32>
    %swap3A_23 = vector.shape_cast %broadcast_in_dim3A_19 : vector<16xf32> to vector<16xf32>
    tpu.vector_store %arg15[%swap3A_20], %swap3A_23 {strides = array<i32>} : memref<80xf32, #tpu.memory_space<vmem>>, vector<16xf32>,
    %broadcast_in_dim3A_24 = arith.constant 0.000000e+00 : f32
    %broadcast_in_dim3A_25 = vector.broadcast %broadcast_in_dim3A_24 : f32 to vector<16xf32>
    %swap3A_26 = arith.constant 48 : index
    %swap3A_27 = tpu.vector_load %arg15[%swap3A_26] {strides = array<i32>} : memref<80xf32, #tpu.memory_space<vmem>>, vector<16xf32>,
    %swap3A_28 = vector.shape_cast %swap3A_27 : vector<16xf32> to vector<16xf32>
    %swap3A_29 = vector.shape_cast %broadcast_in_dim3A_25 : vector<16xf32> to vector<16xf32>
    tpu.vector_store %arg15[%swap3A_26], %swap3A_29 {strides = array<i32>} : memref<80xf32, #tpu.memory_space<vmem>>, vector<16xf32>,
    %broadcast_in_dim3A_30 = arith.constant 0.000000e+00 : f32
    %broadcast_in_dim3A_31 = vector.broadcast %broadcast_in_dim3A_30 : f32 to vector<16xf32>
    %swap3A_32 = arith.constant 64 : index
    %swap3A_33 = tpu.vector_load %arg15[%swap3A_32] {strides = array<i32>} : memref<80xf32, #tpu.memory_space<vmem>>, vector<16xf32>,
    %swap3A_34 = vector.shape_cast %swap3A_33 : vector<16xf32> to vector<16xf32>
    %swap3A_35 = vector.shape_cast %broadcast_in_dim3A_31 : vector<16xf32> to vector<16xf32>
    tpu.vector_store %arg15[%swap3A_32], %swap3A_35 {strides = array<i32>} : memref<80xf32, #tpu.memory_space<vmem>>, vector<16xf32>,
    %add3A_36 = arith.constant 0 : i32
    %add3A_37 = arith.addi %mul3A_2, %add3A_36 : i32
    "tpu.region"() ({
      %run_scoped3A = tpu.sem_alloc : memref<!tpu.dma_semaphore, #tpu.memory_space<semaphore_mem>>
      %dma_start3A_377 = arith.constant 0 : i32
      %dma_start3A_378 = tpu.memref_slice %arg17[%add3A_37, %dma_start3A_377] : memref<10240x128xf32, #tpu.memory_space<vmem_shared>> -> memref<80x128xf32, #tpu.memory_space<vmem_shared>>
      %dma_start3A_379 = arith.constant 0 : i32
      %dma_start3A_380 = tpu.memref_slice %arg17[%add3A_37, %dma_start3A_379] : memref<10240x128xf32, #tpu.memory_space<vmem_shared>> -> memref<80x128xf32, #tpu.memory_space<vmem_shared>>
      tpu.enqueue_dma source(%arg11 : memref<80x128xf32, #tpu.memory_space<vmem>>) target(%dma_start3A_380 : memref<80x128xf32, #tpu.memory_space<vmem_shared>>) target_semaphore(%run_scoped3A : memref<!tpu.dma_semaphore, #tpu.memory_space<semaphore_mem>>)
      %dma_wait3A_381 = arith.constant 0 : i32
      %dma_wait3A_382 = tpu.memref_slice %arg17[%add3A_37, %dma_wait3A_381] : memref<10240x128xf32, #tpu.memory_space<vmem_shared>> -> memref<80x128xf32, #tpu.memory_space<vmem_shared>>
      %dma_wait3A_383 = arith.constant 0 : i32
      %dma_wait3A_384 = tpu.memref_slice %arg17[%add3A_37, %dma_wait3A_383] : memref<10240x128xf32, #tpu.memory_space<vmem_shared>> -> memref<80x128xf32, #tpu.memory_space<vmem_shared>>
      tpu.wait_dma2 semaphore(%run_scoped3A : memref<!tpu.dma_semaphore, #tpu.memory_space<semaphore_mem>>) src(%arg11 : memref<80x128xf32, #tpu.memory_space<vmem>>) dst(%dma_wait3A_384 : memref<80x128xf32, #tpu.memory_space<vmem_shared>>)
      tpu.yield
    }) : () -> ()
    %add3A_38 = arith.constant 0 : i32
    %add3A_39 = arith.addi %mul3A_2, %add3A_38 : i32
    "tpu.region"() ({
      %run_scoped3A = tpu.sem_alloc : memref<!tpu.dma_semaphore, #tpu.memory_space<semaphore_mem>>
      %dma_start3A_377 = tpu.memref_slice %arg18[%add3A_39] : memref<10240xf32, #tpu.memory_space<vmem_shared>> -> memref<80xf32, #tpu.memory_space<vmem_shared>>
      %dma_start3A_378 = tpu.memref_slice %arg18[%add3A_39] : memref<10240xf32, #tpu.memory_space<vmem_shared>> -> memref<80xf32, #tpu.memory_space<vmem_shared>>
      tpu.enqueue_dma source(%arg15 : memref<80xf32, #tpu.memory_space<vmem>>) target(%dma_start3A_378 : memref<80xf32, #tpu.memory_space<vmem_shared>>) target_semaphore(%run_scoped3A : memref<!tpu.dma_semaphore, #tpu.memory_space<semaphore_mem>>)
      %dma_wait3A_379 = tpu.memref_slice %arg18[%add3A_39] : memref<10240xf32, #tpu.memory_space<vmem_shared>> -> memref<80xf32, #tpu.memory_space<vmem_shared>>
      %dma_wait3A_380 = tpu.memref_slice %arg18[%add3A_39] : memref<10240xf32, #tpu.memory_space<vmem_shared>> -> memref<80xf32, #tpu.memory_space<vmem_shared>>
      tpu.wait_dma2 semaphore(%run_scoped3A : memref<!tpu.dma_semaphore, #tpu.memory_space<semaphore_mem>>) src(%arg15 : memref<80xf32, #tpu.memory_space<vmem>>) dst(%dma_wait3A_380 : memref<80xf32, #tpu.memory_space<vmem_shared>>)
      tpu.yield
    }) : () -> ()
    %add3A_40 = arith.constant 80 : i32
    %add3A_41 = arith.addi %mul3A_2, %add3A_40 : i32
    "tpu.region"() ({
      %run_scoped3A = tpu.sem_alloc : memref<!tpu.dma_semaphore, #tpu.memory_space<semaphore_mem>>
      %dma_start3A_377 = arith.constant 0 : i32
      %dma_start3A_378 = tpu.memref_slice %arg17[%add3A_41, %dma_start3A_377] : memref<10240x128xf32, #tpu.memory_space<vmem_shared>> -> memref<80x128xf32, #tpu.memory_space<vmem_shared>>
      %dma_start3A_379 = arith.constant 0 : i32
      %dma_start3A_380 = tpu.memref_slice %arg17[%add3A_41, %dma_start3A_379] : memref<10240x128xf32, #tpu.memory_space<vmem_shared>> -> memref<80x128xf32, #tpu.memory_space<vmem_shared>>
      tpu.enqueue_dma source(%arg11 : memref<80x128xf32, #tpu.memory_space<vmem>>) target(%dma_start3A_380 : memref<80x128xf32, #tpu.memory_space<vmem_shared>>) target_semaphore(%run_scoped3A : memref<!tpu.dma_semaphore, #tpu.memory_space<semaphore_mem>>)
      %dma_wait3A_381 = arith.constant 0 : i32
      %dma_wait3A_382 = tpu.memref_slice %arg17[%add3A_41, %dma_wait3A_381] : memref<10240x128xf32, #tpu.memory_space<vmem_shared>> -> memref<80x128xf32, #tpu.memory_space<vmem_shared>>
      %dma_wait3A_383 = arith.constant 0 : i32
      %dma_wait3A_384 = tpu.memref_slice %arg17[%add3A_41, %dma_wait3A_383] : memref<10240x128xf32, #tpu.memory_space<vmem_shared>> -> memref<80x128xf32, #tpu.memory_space<vmem_shared>>
      tpu.wait_dma2 semaphore(%run_scoped3A : memref<!tpu.dma_semaphore, #tpu.memory_space<semaphore_mem>>) src(%arg11 : memref<80x128xf32, #tpu.memory_space<vmem>>) dst(%dma_wait3A_384 : memref<80x128xf32, #tpu.memory_space<vmem_shared>>)
      tpu.yield
    }) : () -> ()
    %add3A_42 = arith.constant 80 : i32
    %add3A_43 = arith.addi %mul3A_2, %add3A_42 : i32
    "tpu.region"() ({
      %run_scoped3A = tpu.sem_alloc : memref<!tpu.dma_semaphore, #tpu.memory_space<semaphore_mem>>
      %dma_start3A_377 = tpu.memref_slice %arg18[%add3A_43] : memref<10240xf32, #tpu.memory_space<vmem_shared>> -> memref<80xf32, #tpu.memory_space<vmem_shared>>
      %dma_start3A_378 = tpu.memref_slice %arg18[%add3A_43] : memref<10240xf32, #tpu.memory_space<vmem_shared>> -> memref<80xf32, #tpu.memory_space<vmem_shared>>
      tpu.enqueue_dma source(%arg15 : memref<80xf32, #tpu.memory_space<vmem>>) target(%dma_start3A_378 : memref<80xf32, #tpu.memory_space<vmem_shared>>) target_semaphore(%run_scoped3A : memref<!tpu.dma_semaphore, #tpu.memory_space<semaphore_mem>>)
      %dma_wait3A_379 = tpu.memref_slice %arg18[%add3A_43] : memref<10240xf32, #tpu.memory_space<vmem_shared>> -> memref<80xf32, #tpu.memory_space<vmem_shared>>
      %dma_wait3A_380 = tpu.memref_slice %arg18[%add3A_43] : memref<10240xf32, #tpu.memory_space<vmem_shared>> -> memref<80xf32, #tpu.memory_space<vmem_shared>>
      tpu.wait_dma2 semaphore(%run_scoped3A : memref<!tpu.dma_semaphore, #tpu.memory_space<semaphore_mem>>) src(%arg15 : memref<80xf32, #tpu.memory_space<vmem>>) dst(%dma_wait3A_380 : memref<80xf32, #tpu.memory_space<vmem_shared>>)
      tpu.yield
    }) : () -> ()
    %add3A_44 = arith.constant 160 : i32
    %add3A_45 = arith.addi %mul3A_2, %add3A_44 : i32
    "tpu.region"() ({
      %run_scoped3A = tpu.sem_alloc : memref<!tpu.dma_semaphore, #tpu.memory_space<semaphore_mem>>
      %dma_start3A_377 = arith.constant 0 : i32
      %dma_start3A_378 = tpu.memref_slice %arg17[%add3A_45, %dma_start3A_377] : memref<10240x128xf32, #tpu.memory_space<vmem_shared>> -> memref<80x128xf32, #tpu.memory_space<vmem_shared>>
      %dma_start3A_379 = arith.constant 0 : i32
      %dma_start3A_380 = tpu.memref_slice %arg17[%add3A_45, %dma_start3A_379] : memref<10240x128xf32, #tpu.memory_space<vmem_shared>> -> memref<80x128xf32, #tpu.memory_space<vmem_shared>>
      tpu.enqueue_dma source(%arg11 : memref<80x128xf32, #tpu.memory_space<vmem>>) target(%dma_start3A_380 : memref<80x128xf32, #tpu.memory_space<vmem_shared>>) target_semaphore(%run_scoped3A : memref<!tpu.dma_semaphore, #tpu.memory_space<semaphore_mem>>)
      %dma_wait3A_381 = arith.constant 0 : i32
      %dma_wait3A_382 = tpu.memref_slice %arg17[%add3A_45, %dma_wait3A_381] : memref<10240x128xf32, #tpu.memory_space<vmem_shared>> -> memref<80x128xf32, #tpu.memory_space<vmem_shared>>
      %dma_wait3A_383 = arith.constant 0 : i32
      %dma_wait3A_384 = tpu.memref_slice %arg17[%add3A_45, %dma_wait3A_383] : memref<10240x128xf32, #tpu.memory_space<vmem_shared>> -> memref<80x128xf32, #tpu.memory_space<vmem_shared>>
      tpu.wait_dma2 semaphore(%run_scoped3A : memref<!tpu.dma_semaphore, #tpu.memory_space<semaphore_mem>>) src(%arg11 : memref<80x128xf32, #tpu.memory_space<vmem>>) dst(%dma_wait3A_384 : memref<80x128xf32, #tpu.memory_space<vmem_shared>>)
      tpu.yield
    }) : () -> ()
    %add3A_46 = arith.constant 160 : i32
    %add3A_47 = arith.addi %mul3A_2, %add3A_46 : i32
    "tpu.region"() ({
      %run_scoped3A = tpu.sem_alloc : memref<!tpu.dma_semaphore, #tpu.memory_space<semaphore_mem>>
      %dma_start3A_377 = tpu.memref_slice %arg18[%add3A_47] : memref<10240xf32, #tpu.memory_space<vmem_shared>> -> memref<80xf32, #tpu.memory_space<vmem_shared>>
      %dma_start3A_378 = tpu.memref_slice %arg18[%add3A_47] : memref<10240xf32, #tpu.memory_space<vmem_shared>> -> memref<80xf32, #tpu.memory_space<vmem_shared>>
      tpu.enqueue_dma source(%arg15 : memref<80xf32, #tpu.memory_space<vmem>>) target(%dma_start3A_378 : memref<80xf32, #tpu.memory_space<vmem_shared>>) target_semaphore(%run_scoped3A : memref<!tpu.dma_semaphore, #tpu.memory_space<semaphore_mem>>)
      %dma_wait3A_379 = tpu.memref_slice %arg18[%add3A_47] : memref<10240xf32, #tpu.memory_space<vmem_shared>> -> memref<80xf32, #tpu.memory_space<vmem_shared>>
      %dma_wait3A_380 = tpu.memref_slice %arg18[%add3A_47] : memref<10240xf32, #tpu.memory_space<vmem_shared>> -> memref<80xf32, #tpu.memory_space<vmem_shared>>
      tpu.wait_dma2 semaphore(%run_scoped3A : memref<!tpu.dma_semaphore, #tpu.memory_space<semaphore_mem>>) src(%arg15 : memref<80xf32, #tpu.memory_space<vmem>>) dst(%dma_wait3A_380 : memref<80xf32, #tpu.memory_space<vmem_shared>>)
      tpu.yield
    }) : () -> ()
    %add3A_48 = arith.constant 240 : i32
    %add3A_49 = arith.addi %mul3A_2, %add3A_48 : i32
    "tpu.region"() ({
      %run_scoped3A = tpu.sem_alloc : memref<!tpu.dma_semaphore, #tpu.memory_space<semaphore_mem>>
      %dma_start3A_377 = arith.constant 0 : i32
      %dma_start3A_378 = tpu.memref_slice %arg17[%add3A_49, %dma_start3A_377] : memref<10240x128xf32, #tpu.memory_space<vmem_shared>> -> memref<80x128xf32, #tpu.memory_space<vmem_shared>>
      %dma_start3A_379 = arith.constant 0 : i32
      %dma_start3A_380 = tpu.memref_slice %arg17[%add3A_49, %dma_start3A_379] : memref<10240x128xf32, #tpu.memory_space<vmem_shared>> -> memref<80x128xf32, #tpu.memory_space<vmem_shared>>
      tpu.enqueue_dma source(%arg11 : memref<80x128xf32, #tpu.memory_space<vmem>>) target(%dma_start3A_380 : memref<80x128xf32, #tpu.memory_space<vmem_shared>>) target_semaphore(%run_scoped3A : memref<!tpu.dma_semaphore, #tpu.memory_space<semaphore_mem>>)
      %dma_wait3A_381 = arith.constant 0 : i32
      %dma_wait3A_382 = tpu.memref_slice %arg17[%add3A_49, %dma_wait3A_381] : memref<10240x128xf32, #tpu.memory_space<vmem_shared>> -> memref<80x128xf32, #tpu.memory_space<vmem_shared>>
      %dma_wait3A_383 = arith.constant 0 : i32
      %dma_wait3A_384 = tpu.memref_slice %arg17[%add3A_49, %dma_wait3A_383] : memref<10240x128xf32, #tpu.memory_space<vmem_shared>> -> memref<80x128xf32, #tpu.memory_space<vmem_shared>>
      tpu.wait_dma2 semaphore(%run_scoped3A : memref<!tpu.dma_semaphore, #tpu.memory_space<semaphore_mem>>) src(%arg11 : memref<80x128xf32, #tpu.memory_space<vmem>>) dst(%dma_wait3A_384 : memref<80x128xf32, #tpu.memory_space<vmem_shared>>)
      tpu.yield
    }) : () -> ()
    %add3A_50 = arith.constant 240 : i32
    %add3A_51 = arith.addi %mul3A_2, %add3A_50 : i32
    "tpu.region"() ({
      %run_scoped3A = tpu.sem_alloc : memref<!tpu.dma_semaphore, #tpu.memory_space<semaphore_mem>>
      %dma_start3A_377 = tpu.memref_slice %arg18[%add3A_51] : memref<10240xf32, #tpu.memory_space<vmem_shared>> -> memref<80xf32, #tpu.memory_space<vmem_shared>>
      %dma_start3A_378 = tpu.memref_slice %arg18[%add3A_51] : memref<10240xf32, #tpu.memory_space<vmem_shared>> -> memref<80xf32, #tpu.memory_space<vmem_shared>>
      tpu.enqueue_dma source(%arg15 : memref<80xf32, #tpu.memory_space<vmem>>) target(%dma_start3A_378 : memref<80xf32, #tpu.memory_space<vmem_shared>>) target_semaphore(%run_scoped3A : memref<!tpu.dma_semaphore, #tpu.memory_space<semaphore_mem>>)
      %dma_wait3A_379 = tpu.memref_slice %arg18[%add3A_51] : memref<10240xf32, #tpu.memory_space<vmem_shared>> -> memref<80xf32, #tpu.memory_space<vmem_shared>>
      %dma_wait3A_380 = tpu.memref_slice %arg18[%add3A_51] : memref<10240xf32, #tpu.memory_space<vmem_shared>> -> memref<80xf32, #tpu.memory_space<vmem_shared>>
      tpu.wait_dma2 semaphore(%run_scoped3A : memref<!tpu.dma_semaphore, #tpu.memory_space<semaphore_mem>>) src(%arg15 : memref<80xf32, #tpu.memory_space<vmem>>) dst(%dma_wait3A_380 : memref<80xf32, #tpu.memory_space<vmem_shared>>)
      tpu.yield
    }) : () -> ()
    %add3A_52 = arith.constant 320 : i32
    %add3A_53 = arith.addi %mul3A_2, %add3A_52 : i32
    "tpu.region"() ({
      %run_scoped3A = tpu.sem_alloc : memref<!tpu.dma_semaphore, #tpu.memory_space<semaphore_mem>>
      %dma_start3A_377 = arith.constant 0 : i32
      %dma_start3A_378 = tpu.memref_slice %arg17[%add3A_53, %dma_start3A_377] : memref<10240x128xf32, #tpu.memory_space<vmem_shared>> -> memref<80x128xf32, #tpu.memory_space<vmem_shared>>
      %dma_start3A_379 = arith.constant 0 : i32
      %dma_start3A_380 = tpu.memref_slice %arg17[%add3A_53, %dma_start3A_379] : memref<10240x128xf32, #tpu.memory_space<vmem_shared>> -> memref<80x128xf32, #tpu.memory_space<vmem_shared>>
      tpu.enqueue_dma source(%arg11 : memref<80x128xf32, #tpu.memory_space<vmem>>) target(%dma_start3A_380 : memref<80x128xf32, #tpu.memory_space<vmem_shared>>) target_semaphore(%run_scoped3A : memref<!tpu.dma_semaphore, #tpu.memory_space<semaphore_mem>>)
      %dma_wait3A_381 = arith.constant 0 : i32
      %dma_wait3A_382 = tpu.memref_slice %arg17[%add3A_53, %dma_wait3A_381] : memref<10240x128xf32, #tpu.memory_space<vmem_shared>> -> memref<80x128xf32, #tpu.memory_space<vmem_shared>>
      %dma_wait3A_383 = arith.constant 0 : i32
      %dma_wait3A_384 = tpu.memref_slice %arg17[%add3A_53, %dma_wait3A_383] : memref<10240x128xf32, #tpu.memory_space<vmem_shared>> -> memref<80x128xf32, #tpu.memory_space<vmem_shared>>
      tpu.wait_dma2 semaphore(%run_scoped3A : memref<!tpu.dma_semaphore, #tpu.memory_space<semaphore_mem>>) src(%arg11 : memref<80x128xf32, #tpu.memory_space<vmem>>) dst(%dma_wait3A_384 : memref<80x128xf32, #tpu.memory_space<vmem_shared>>)
      tpu.yield
    }) : () -> ()
    %add3A_54 = arith.constant 320 : i32
    %add3A_55 = arith.addi %mul3A_2, %add3A_54 : i32
    "tpu.region"() ({
      %run_scoped3A = tpu.sem_alloc : memref<!tpu.dma_semaphore, #tpu.memory_space<semaphore_mem>>
      %dma_start3A_377 = tpu.memref_slice %arg18[%add3A_55] : memref<10240xf32, #tpu.memory_space<vmem_shared>> -> memref<80xf32, #tpu.memory_space<vmem_shared>>
      %dma_start3A_378 = tpu.memref_slice %arg18[%add3A_55] : memref<10240xf32, #tpu.memory_space<vmem_shared>> -> memref<80xf32, #tpu.memory_space<vmem_shared>>
      tpu.enqueue_dma source(%arg15 : memref<80xf32, #tpu.memory_space<vmem>>) target(%dma_start3A_378 : memref<80xf32, #tpu.memory_space<vmem_shared>>) target_semaphore(%run_scoped3A : memref<!tpu.dma_semaphore, #tpu.memory_space<semaphore_mem>>)
      %dma_wait3A_379 = tpu.memref_slice %arg18[%add3A_55] : memref<10240xf32, #tpu.memory_space<vmem_shared>> -> memref<80xf32, #tpu.memory_space<vmem_shared>>
      %dma_wait3A_380 = tpu.memref_slice %arg18[%add3A_55] : memref<10240xf32, #tpu.memory_space<vmem_shared>> -> memref<80xf32, #tpu.memory_space<vmem_shared>>
      tpu.wait_dma2 semaphore(%run_scoped3A : memref<!tpu.dma_semaphore, #tpu.memory_space<semaphore_mem>>) src(%arg15 : memref<80xf32, #tpu.memory_space<vmem>>) dst(%dma_wait3A_380 : memref<80xf32, #tpu.memory_space<vmem_shared>>)
      tpu.yield
    }) : () -> ()
    %add3A_56 = arith.constant 400 : i32
    %add3A_57 = arith.addi %mul3A_2, %add3A_56 : i32
    "tpu.region"() ({
      %run_scoped3A = tpu.sem_alloc : memref<!tpu.dma_semaphore, #tpu.memory_space<semaphore_mem>>
      %dma_start3A_377 = arith.constant 0 : i32
      %dma_start3A_378 = tpu.memref_slice %arg17[%add3A_57, %dma_start3A_377] : memref<10240x128xf32, #tpu.memory_space<vmem_shared>> -> memref<80x128xf32, #tpu.memory_space<vmem_shared>>
      %dma_start3A_379 = arith.constant 0 : i32
      %dma_start3A_380 = tpu.memref_slice %arg17[%add3A_57, %dma_start3A_379] : memref<10240x128xf32, #tpu.memory_space<vmem_shared>> -> memref<80x128xf32, #tpu.memory_space<vmem_shared>>
      tpu.enqueue_dma source(%arg11 : memref<80x128xf32, #tpu.memory_space<vmem>>) target(%dma_start3A_380 : memref<80x128xf32, #tpu.memory_space<vmem_shared>>) target_semaphore(%run_scoped3A : memref<!tpu.dma_semaphore, #tpu.memory_space<semaphore_mem>>)
      %dma_wait3A_381 = arith.constant 0 : i32
      %dma_wait3A_382 = tpu.memref_slice %arg17[%add3A_57, %dma_wait3A_381] : memref<10240x128xf32, #tpu.memory_space<vmem_shared>> -> memref<80x128xf32, #tpu.memory_space<vmem_shared>>
      %dma_wait3A_383 = arith.constant 0 : i32
      %dma_wait3A_384 = tpu.memref_slice %arg17[%add3A_57, %dma_wait3A_383] : memref<10240x128xf32, #tpu.memory_space<vmem_shared>> -> memref<80x128xf32, #tpu.memory_space<vmem_shared>>
      tpu.wait_dma2 semaphore(%run_scoped3A : memref<!tpu.dma_semaphore, #tpu.memory_space<semaphore_mem>>) src(%arg11 : memref<80x128xf32, #tpu.memory_space<vmem>>) dst(%dma_wait3A_384 : memref<80x128xf32, #tpu.memory_space<vmem_shared>>)
      tpu.yield
    }) : () -> ()
    %add3A_58 = arith.constant 400 : i32
    %add3A_59 = arith.addi %mul3A_2, %add3A_58 : i32
    "tpu.region"() ({
      %run_scoped3A = tpu.sem_alloc : memref<!tpu.dma_semaphore, #tpu.memory_space<semaphore_mem>>
      %dma_start3A_377 = tpu.memref_slice %arg18[%add3A_59] : memref<10240xf32, #tpu.memory_space<vmem_shared>> -> memref<80xf32, #tpu.memory_space<vmem_shared>>
      %dma_start3A_378 = tpu.memref_slice %arg18[%add3A_59] : memref<10240xf32, #tpu.memory_space<vmem_shared>> -> memref<80xf32, #tpu.memory_space<vmem_shared>>
      tpu.enqueue_dma source(%arg15 : memref<80xf32, #tpu.memory_space<vmem>>) target(%dma_start3A_378 : memref<80xf32, #tpu.memory_space<vmem_shared>>) target_semaphore(%run_scoped3A : memref<!tpu.dma_semaphore, #tpu.memory_space<semaphore_mem>>)
      %dma_wait3A_379 = tpu.memref_slice %arg18[%add3A_59] : memref<10240xf32, #tpu.memory_space<vmem_shared>> -> memref<80xf32, #tpu.memory_space<vmem_shared>>
      %dma_wait3A_380 = tpu.memref_slice %arg18[%add3A_59] : memref<10240xf32, #tpu.memory_space<vmem_shared>> -> memref<80xf32, #tpu.memory_space<vmem_shared>>
      tpu.wait_dma2 semaphore(%run_scoped3A : memref<!tpu.dma_semaphore, #tpu.memory_space<semaphore_mem>>) src(%arg15 : memref<80xf32, #tpu.memory_space<vmem>>) dst(%dma_wait3A_380 : memref<80xf32, #tpu.memory_space<vmem_shared>>)
      tpu.yield
    }) : () -> ()
    %add3A_60 = arith.constant 480 : i32
    %add3A_61 = arith.addi %mul3A_2, %add3A_60 : i32
    "tpu.region"() ({
      %run_scoped3A = tpu.sem_alloc : memref<!tpu.dma_semaphore, #tpu.memory_space<semaphore_mem>>
      %dma_start3A_377 = arith.constant 0 : i32
      %dma_start3A_378 = tpu.memref_slice %arg17[%add3A_61, %dma_start3A_377] : memref<10240x128xf32, #tpu.memory_space<vmem_shared>> -> memref<80x128xf32, #tpu.memory_space<vmem_shared>>
      %dma_start3A_379 = arith.constant 0 : i32
      %dma_start3A_380 = tpu.memref_slice %arg17[%add3A_61, %dma_start3A_379] : memref<10240x128xf32, #tpu.memory_space<vmem_shared>> -> memref<80x128xf32, #tpu.memory_space<vmem_shared>>
      tpu.enqueue_dma source(%arg11 : memref<80x128xf32, #tpu.memory_space<vmem>>) target(%dma_start3A_380 : memref<80x128xf32, #tpu.memory_space<vmem_shared>>) target_semaphore(%run_scoped3A : memref<!tpu.dma_semaphore, #tpu.memory_space<semaphore_mem>>)
      %dma_wait3A_381 = arith.constant 0 : i32
      %dma_wait3A_382 = tpu.memref_slice %arg17[%add3A_61, %dma_wait3A_381] : memref<10240x128xf32, #tpu.memory_space<vmem_shared>> -> memref<80x128xf32, #tpu.memory_space<vmem_shared>>
      %dma_wait3A_383 = arith.constant 0 : i32
      %dma_wait3A_384 = tpu.memref_slice %arg17[%add3A_61, %dma_wait3A_383] : memref<10240x128xf32, #tpu.memory_space<vmem_shared>> -> memref<80x128xf32, #tpu.memory_space<vmem_shared>>
      tpu.wait_dma2 semaphore(%run_scoped3A : memref<!tpu.dma_semaphore, #tpu.memory_space<semaphore_mem>>) src(%arg11 : memref<80x128xf32, #tpu.memory_space<vmem>>) dst(%dma_wait3A_384 : memref<80x128xf32, #tpu.memory_space<vmem_shared>>)
      tpu.yield
    }) : () -> ()
    %add3A_62 = arith.constant 480 : i32
    %add3A_63 = arith.addi %mul3A_2, %add3A_62 : i32
    "tpu.region"() ({
      %run_scoped3A = tpu.sem_alloc : memref<!tpu.dma_semaphore, #tpu.memory_space<semaphore_mem>>
      %dma_start3A_377 = tpu.memref_slice %arg18[%add3A_63] : memref<10240xf32, #tpu.memory_space<vmem_shared>> -> memref<80xf32, #tpu.memory_space<vmem_shared>>
      %dma_start3A_378 = tpu.memref_slice %arg18[%add3A_63] : memref<10240xf32, #tpu.memory_space<vmem_shared>> -> memref<80xf32, #tpu.memory_space<vmem_shared>>
      tpu.enqueue_dma source(%arg15 : memref<80xf32, #tpu.memory_space<vmem>>) target(%dma_start3A_378 : memref<80xf32, #tpu.memory_space<vmem_shared>>) target_semaphore(%run_scoped3A : memref<!tpu.dma_semaphore, #tpu.memory_space<semaphore_mem>>)
      %dma_wait3A_379 = tpu.memref_slice %arg18[%add3A_63] : memref<10240xf32, #tpu.memory_space<vmem_shared>> -> memref<80xf32, #tpu.memory_space<vmem_shared>>
      %dma_wait3A_380 = tpu.memref_slice %arg18[%add3A_63] : memref<10240xf32, #tpu.memory_space<vmem_shared>> -> memref<80xf32, #tpu.memory_space<vmem_shared>>
      tpu.wait_dma2 semaphore(%run_scoped3A : memref<!tpu.dma_semaphore, #tpu.memory_space<semaphore_mem>>) src(%arg15 : memref<80xf32, #tpu.memory_space<vmem>>) dst(%dma_wait3A_380 : memref<80xf32, #tpu.memory_space<vmem_shared>>)
      tpu.yield
    }) : () -> ()
    %add3A_64 = arith.constant 560 : i32
    %add3A_65 = arith.addi %mul3A_2, %add3A_64 : i32
    "tpu.region"() ({
      %run_scoped3A = tpu.sem_alloc : memref<!tpu.dma_semaphore, #tpu.memory_space<semaphore_mem>>
      %dma_start3A_377 = arith.constant 0 : i32
      %dma_start3A_378 = tpu.memref_slice %arg17[%add3A_65, %dma_start3A_377] : memref<10240x128xf32, #tpu.memory_space<vmem_shared>> -> memref<80x128xf32, #tpu.memory_space<vmem_shared>>
      %dma_start3A_379 = arith.constant 0 : i32
      %dma_start3A_380 = tpu.memref_slice %arg17[%add3A_65, %dma_start3A_379] : memref<10240x128xf32, #tpu.memory_space<vmem_shared>> -> memref<80x128xf32, #tpu.memory_space<vmem_shared>>
      tpu.enqueue_dma source(%arg11 : memref<80x128xf32, #tpu.memory_space<vmem>>) target(%dma_start3A_380 : memref<80x128xf32, #tpu.memory_space<vmem_shared>>) target_semaphore(%run_scoped3A : memref<!tpu.dma_semaphore, #tpu.memory_space<semaphore_mem>>)
      %dma_wait3A_381 = arith.constant 0 : i32
      %dma_wait3A_382 = tpu.memref_slice %arg17[%add3A_65, %dma_wait3A_381] : memref<10240x128xf32, #tpu.memory_space<vmem_shared>> -> memref<80x128xf32, #tpu.memory_space<vmem_shared>>
      %dma_wait3A_383 = arith.constant 0 : i32
      %dma_wait3A_384 = tpu.memref_slice %arg17[%add3A_65, %dma_wait3A_383] : memref<10240x128xf32, #tpu.memory_space<vmem_shared>> -> memref<80x128xf32, #tpu.memory_space<vmem_shared>>
      tpu.wait_dma2 semaphore(%run_scoped3A : memref<!tpu.dma_semaphore, #tpu.memory_space<semaphore_mem>>) src(%arg11 : memref<80x128xf32, #tpu.memory_space<vmem>>) dst(%dma_wait3A_384 : memref<80x128xf32, #tpu.memory_space<vmem_shared>>)
      tpu.yield
    }) : () -> ()
    %add3A_66 = arith.constant 560 : i32
    %add3A_67 = arith.addi %mul3A_2, %add3A_66 : i32
    "tpu.region"() ({
      %run_scoped3A = tpu.sem_alloc : memref<!tpu.dma_semaphore, #tpu.memory_space<semaphore_mem>>
      %dma_start3A_377 = tpu.memref_slice %arg18[%add3A_67] : memref<10240xf32, #tpu.memory_space<vmem_shared>> -> memref<80xf32, #tpu.memory_space<vmem_shared>>
      %dma_start3A_378 = tpu.memref_slice %arg18[%add3A_67] : memref<10240xf32, #tpu.memory_space<vmem_shared>> -> memref<80xf32, #tpu.memory_space<vmem_shared>>
      tpu.enqueue_dma source(%arg15 : memref<80xf32, #tpu.memory_space<vmem>>) target(%dma_start3A_378 : memref<80xf32, #tpu.memory_space<vmem_shared>>) target_semaphore(%run_scoped3A : memref<!tpu.dma_semaphore, #tpu.memory_space<semaphore_mem>>)
      %dma_wait3A_379 = tpu.memref_slice %arg18[%add3A_67] : memref<10240xf32, #tpu.memory_space<vmem_shared>> -> memref<80xf32, #tpu.memory_space<vmem_shared>>
      %dma_wait3A_380 = tpu.memref_slice %arg18[%add3A_67] : memref<10240xf32, #tpu.memory_space<vmem_shared>> -> memref<80xf32, #tpu.memory_space<vmem_shared>>
      tpu.wait_dma2 semaphore(%run_scoped3A : memref<!tpu.dma_semaphore, #tpu.memory_space<semaphore_mem>>) src(%arg15 : memref<80xf32, #tpu.memory_space<vmem>>) dst(%dma_wait3A_380 : memref<80xf32, #tpu.memory_space<vmem_shared>>)
      tpu.yield
    }) : () -> ()
    %barrier3A = arith.constant 0 : index
    tpu.barrier barrier_id(%barrier3A)
    %mul3A_68 = arith.constant 10000 : i32
    %mul3A_69 = arith.muli %add3A, %mul3A_68 : i32
    %iota3A = tpu.iota {dimensions = array<i32: 0>} : vector<16xi32>
    %add3A_70 = arith.constant 8 : i32
    %add3A_71 = vector.broadcast %add3A_70 : i32 to vector<16xi32>
    %add3A_72 = arith.addi %iota3A, %add3A_71 : vector<16xi32>
    %and3A = arith.constant 15 : i32
    %and3A_73 = vector.broadcast %and3A : i32 to vector<16xi32>
    %and3A_74 = arith.andi %add3A_72, %and3A_73 : vector<16xi32>
    %add3A_75 = arith.constant 4 : i32
    %add3A_76 = vector.broadcast %add3A_75 : i32 to vector<16xi32>
    %add3A_77 = arith.addi %iota3A, %add3A_76 : vector<16xi32>
    %and3A_78 = arith.constant 15 : i32
    %and3A_79 = vector.broadcast %and3A_78 : i32 to vector<16xi32>
    %and3A_80 = arith.andi %add3A_77, %and3A_79 : vector<16xi32>
    %add3A_81 = arith.constant 2 : i32
    %add3A_82 = vector.broadcast %add3A_81 : i32 to vector<16xi32>
    %add3A_83 = arith.addi %iota3A, %add3A_82 : vector<16xi32>
    %and3A_84 = arith.constant 15 : i32
    %and3A_85 = vector.broadcast %and3A_84 : i32 to vector<16xi32>
    %and3A_86 = arith.andi %add3A_83, %and3A_85 : vector<16xi32>
    %add3A_87 = arith.constant 1 : i32
    %add3A_88 = vector.broadcast %add3A_87 : i32 to vector<16xi32>
    %add3A_89 = arith.addi %iota3A, %add3A_88 : vector<16xi32>
    %and3A_90 = arith.constant 15 : i32
    %and3A_91 = vector.broadcast %and3A_90 : i32 to vector<16xi32>
    %and3A_92 = arith.andi %add3A_89, %and3A_91 : vector<16xi32>
    %add3A_93 = arith.constant 0 : i32
    %add3A_94 = arith.addi %mul3A_69, %add3A_93 : i32
    "tpu.region"() ({
      %run_scoped3A = tpu.sem_alloc : memref<!tpu.dma_semaphore, #tpu.memory_space<semaphore_mem>>
      %dma_start3A_377 = tpu.memref_slice %arg4[%add3A_94] : memref<320000xi32, #tpu.memory_space<hbm>> -> memref<80xi32, #tpu.memory_space<hbm>>
      %dma_start3A_378 = tpu.memref_slice %arg4[%add3A_94] : memref<320000xi32, #tpu.memory_space<hbm>> -> memref<80xi32, #tpu.memory_space<hbm>>
      tpu.enqueue_dma source(%dma_start3A_378 : memref<80xi32, #tpu.memory_space<hbm>>) target(%arg7 : memref<80xi32, #tpu.memory_space<vmem>>) target_semaphore(%run_scoped3A : memref<!tpu.dma_semaphore, #tpu.memory_space<semaphore_mem>>)
      %dma_wait3A_379 = tpu.memref_slice %arg4[%add3A_94] : memref<320000xi32, #tpu.memory_space<hbm>> -> memref<80xi32, #tpu.memory_space<hbm>>
      %dma_wait3A_380 = tpu.memref_slice %arg4[%add3A_94] : memref<320000xi32, #tpu.memory_space<hbm>> -> memref<80xi32, #tpu.memory_space<hbm>>
      tpu.wait_dma2 semaphore(%run_scoped3A : memref<!tpu.dma_semaphore, #tpu.memory_space<semaphore_mem>>) src(%dma_wait3A_380 : memref<80xi32, #tpu.memory_space<hbm>>) dst(%arg7 : memref<80xi32, #tpu.memory_space<vmem>>)
      tpu.yield
    }) : () -> ()
    %dma_start3A = arith.constant 0 : i32
    %dma_start3A_95 = arith.constant 0 : i32
    %dma_start3A_96 = tpu.memref_slice %arg2[%dma_start3A, %dma_start3A_95] : memref<10000x128xf32, #tpu.memory_space<hbm>> -> memref<10000x128xf32, #tpu.memory_space<hbm>>
    tpu.enqueue_indirect_dma source(%dma_start3A_96 : memref<10000x128xf32, #tpu.memory_space<hbm>>) target(%arg13 : memref<80x128xf32, #tpu.memory_space<vmem>>) offsets(%arg7 : memref<80xi32, #tpu.memory_space<vmem>>) semaphore(%arg21 : memref<!tpu.dma_semaphore, #tpu.memory_space<semaphore_mem>>)
    %add3A_97 = arith.constant 0 : i32
    %add3A_98 = arith.addi %mul3A_69, %add3A_97 : i32
    %dma_start3A_99 = arith.constant 0 : i32
    %dma_start3A_100 = tpu.memref_slice %arg3[%add3A_98, %dma_start3A_99] : memref<320000x128xf32, #tpu.memory_space<hbm>> -> memref<80x128xf32, #tpu.memory_space<hbm>>
    %dma_start3A_101 = arith.constant 0 : i32
    %dma_start3A_102 = tpu.memref_slice %arg3[%add3A_98, %dma_start3A_101] : memref<320000x128xf32, #tpu.memory_space<hbm>> -> memref<80x128xf32, #tpu.memory_space<hbm>>
    tpu.enqueue_dma source(%dma_start3A_102 : memref<80x128xf32, #tpu.memory_space<hbm>>) target(%arg11 : memref<80x128xf32, #tpu.memory_space<vmem>>) target_semaphore(%arg23 : memref<!tpu.dma_semaphore, #tpu.memory_space<semaphore_mem>>)
    %add3A_103 = arith.constant 80 : i32
    %add3A_104 = arith.addi %mul3A_69, %add3A_103 : i32
    %dma_start3A_105 = tpu.memref_slice %arg4[%add3A_104] : memref<320000xi32, #tpu.memory_space<hbm>> -> memref<80xi32, #tpu.memory_space<hbm>>
    %dma_start3A_106 = tpu.memref_slice %arg4[%add3A_104] : memref<320000xi32, #tpu.memory_space<hbm>> -> memref<80xi32, #tpu.memory_space<hbm>>
    tpu.enqueue_dma source(%dma_start3A_106 : memref<80xi32, #tpu.memory_space<hbm>>) target(%arg8 : memref<80xi32, #tpu.memory_space<vmem>>) target_semaphore(%arg20 : memref<!tpu.dma_semaphore, #tpu.memory_space<semaphore_mem>>)
    %dma_wait3A = arith.constant 0 : i32
    %dma_wait3A_107 = arith.constant 0 : i32
    %dma_wait3A_108 = tpu.memref_slice %arg2[%dma_wait3A, %dma_wait3A_107] : memref<10000x128xf32, #tpu.memory_space<hbm>> -> memref<10000x128xf32, #tpu.memory_space<hbm>>
    tpu.wait_indirect_dma semaphore(%arg21 : memref<!tpu.dma_semaphore, #tpu.memory_space<semaphore_mem>>) src(%dma_wait3A_108 : memref<10000x128xf32, #tpu.memory_space<hbm>>) dst(%arg13 : memref<80x128xf32, #tpu.memory_space<vmem>>)
    %dma_wait3A_109 = arith.constant 0 : i32
    %dma_wait3A_110 = arith.constant 0 : i32
    %dma_wait3A_111 = tpu.memref_slice %arg3[%dma_wait3A_109, %dma_wait3A_110] : memref<320000x128xf32, #tpu.memory_space<hbm>> -> memref<80x128xf32, #tpu.memory_space<hbm>>
    %dma_wait3A_112 = arith.constant 0 : i32
    %dma_wait3A_113 = arith.constant 0 : i32
    %dma_wait3A_114 = tpu.memref_slice %arg3[%dma_wait3A_112, %dma_wait3A_113] : memref<320000x128xf32, #tpu.memory_space<hbm>> -> memref<80x128xf32, #tpu.memory_space<hbm>>
    tpu.wait_dma2 semaphore(%arg23 : memref<!tpu.dma_semaphore, #tpu.memory_space<semaphore_mem>>) src(%dma_wait3A_114 : memref<80x128xf32, #tpu.memory_space<hbm>>) dst(%arg11 : memref<80x128xf32, #tpu.memory_space<vmem>>)
    %dma_wait3A_115 = arith.constant 0 : i32
    %dma_wait3A_116 = tpu.memref_slice %arg4[%dma_wait3A_115] : memref<320000xi32, #tpu.memory_space<hbm>> -> memref<80xi32, #tpu.memory_space<hbm>>
    %dma_wait3A_117 = arith.constant 0 : i32
    %dma_wait3A_118 = tpu.memref_slice %arg4[%dma_wait3A_117] : memref<320000xi32, #tpu.memory_space<hbm>> -> memref<80xi32, #tpu.memory_space<hbm>>
    tpu.wait_dma2 semaphore(%arg20 : memref<!tpu.dma_semaphore, #tpu.memory_space<semaphore_mem>>) src(%dma_wait3A_118 : memref<80xi32, #tpu.memory_space<hbm>>) dst(%arg8 : memref<80xi32, #tpu.memory_space<vmem>>)
    %dma_start3A_119 = arith.constant 0 : i32
    %dma_start3A_120 = arith.constant 0 : i32
    %dma_start3A_121 = tpu.memref_slice %arg2[%dma_start3A_119, %dma_start3A_120] : memref<10000x128xf32, #tpu.memory_space<hbm>> -> memref<10000x128xf32, #tpu.memory_space<hbm>>
    tpu.enqueue_indirect_dma source(%dma_start3A_121 : memref<10000x128xf32, #tpu.memory_space<hbm>>) target(%arg14 : memref<80x128xf32, #tpu.memory_space<vmem>>) offsets(%arg8 : memref<80xi32, #tpu.memory_space<vmem>>) semaphore(%arg22 : memref<!tpu.dma_semaphore, #tpu.memory_space<semaphore_mem>>)
    %add3A_122 = arith.constant 80 : i32
    %add3A_123 = arith.addi %mul3A_69, %add3A_122 : i32
    %dma_start3A_124 = arith.constant 0 : i32
    %dma_start3A_125 = tpu.memref_slice %arg3[%add3A_123, %dma_start3A_124] : memref<320000x128xf32, #tpu.memory_space<hbm>> -> memref<80x128xf32, #tpu.memory_space<hbm>>
    %dma_start3A_126 = arith.constant 0 : i32
    %dma_start3A_127 = tpu.memref_slice %arg3[%add3A_123, %dma_start3A_126] : memref<320000x128xf32, #tpu.memory_space<hbm>> -> memref<80x128xf32, #tpu.memory_space<hbm>>
    tpu.enqueue_dma source(%dma_start3A_127 : memref<80x128xf32, #tpu.memory_space<hbm>>) target(%arg12 : memref<80x128xf32, #tpu.memory_space<vmem>>) target_semaphore(%arg24 : memref<!tpu.dma_semaphore, #tpu.memory_space<semaphore_mem>>)
    %scan3A_128 = arith.constant 0 : i32
    %scan3A_129 = arith.constant 0 : i32
    %scan3A_130 = arith.constant 5 : i32
    %scan3A_131 = arith.addi %scan3A_129, %scan3A_130 : i32
    %scan3A_132 = arith.constant 1 : i32
    scf.for %scan3A_377 = %scan3A_129 to %scan3A_131 step %scan3A_132  : i32 {
      %mul3A_378 = arith.constant 16 : i32
      %mul3A_379 = arith.muli %scan3A_377, %mul3A_378 : i32
      %broadcast_in_dim3A_380 = arith.constant 0.000000e+00 : f32
      %broadcast_in_dim3A_381 = vector.broadcast %broadcast_in_dim3A_380 : f32 to vector<16xf32>
      %scan3A_382 = arith.constant 0 : i32
      %scan3A_383 = arith.constant 16 : i32
      %scan3A_384 = arith.addi %scan3A_382, %scan3A_383 : i32
      %scan3A_385 = arith.constant 1 : i32
      %scan3A_386 = scf.for %scan3A_392 = %scan3A_382 to %scan3A_384 step %scan3A_385 iter_args(%scan3A_393 = %broadcast_in_dim3A_381) -> (vector<16xf32>)  : i32 {
        %add3A_394 = arith.addi %mul3A_379, %scan3A_392 : i32
        %get3A_395 = arith.index_cast %add3A_394 : i32 to index
        %get3A_396 = arith.constant 0 : index
        %get3A_397 = tpu.vector_load %arg11[%get3A_395, %get3A_396] {strides = array<i32>} : memref<80x128xf32, #tpu.memory_space<vmem>>, vector<1x16xf32>,
        %get3A_398 = vector.shape_cast %get3A_397 : vector<1x16xf32> to vector<16xf32>
        %get3A_399 = arith.index_cast %add3A_394 : i32 to index
        %get3A_400 = arith.constant 16 : index
        %get3A_401 = tpu.vector_load %arg11[%get3A_399, %get3A_400] {strides = array<i32>} : memref<80x128xf32, #tpu.memory_space<vmem>>, vector<1x16xf32>,
        %get3A_402 = vector.shape_cast %get3A_401 : vector<1x16xf32> to vector<16xf32>
        %get3A_403 = arith.index_cast %add3A_394 : i32 to index
        %get3A_404 = arith.constant 32 : index
        %get3A_405 = tpu.vector_load %arg11[%get3A_403, %get3A_404] {strides = array<i32>} : memref<80x128xf32, #tpu.memory_space<vmem>>, vector<1x16xf32>,
        %get3A_406 = vector.shape_cast %get3A_405 : vector<1x16xf32> to vector<16xf32>
        %get3A_407 = arith.index_cast %add3A_394 : i32 to index
        %get3A_408 = arith.constant 48 : index
        %get3A_409 = tpu.vector_load %arg11[%get3A_407, %get3A_408] {strides = array<i32>} : memref<80x128xf32, #tpu.memory_space<vmem>>, vector<1x16xf32>,
        %get3A_410 = vector.shape_cast %get3A_409 : vector<1x16xf32> to vector<16xf32>
        %get3A_411 = arith.index_cast %add3A_394 : i32 to index
        %get3A_412 = arith.constant 64 : index
        %get3A_413 = tpu.vector_load %arg11[%get3A_411, %get3A_412] {strides = array<i32>} : memref<80x128xf32, #tpu.memory_space<vmem>>, vector<1x16xf32>,
        %get3A_414 = vector.shape_cast %get3A_413 : vector<1x16xf32> to vector<16xf32>
        %get3A_415 = arith.index_cast %add3A_394 : i32 to index
        %get3A_416 = arith.constant 80 : index
        %get3A_417 = tpu.vector_load %arg11[%get3A_415, %get3A_416] {strides = array<i32>} : memref<80x128xf32, #tpu.memory_space<vmem>>, vector<1x16xf32>,
        %get3A_418 = vector.shape_cast %get3A_417 : vector<1x16xf32> to vector<16xf32>
        %get3A_419 = arith.index_cast %add3A_394 : i32 to index
        %get3A_420 = arith.constant 96 : index
        %get3A_421 = tpu.vector_load %arg11[%get3A_419, %get3A_420] {strides = array<i32>} : memref<80x128xf32, #tpu.memory_space<vmem>>, vector<1x16xf32>,
        %get3A_422 = vector.shape_cast %get3A_421 : vector<1x16xf32> to vector<16xf32>
        %get3A_423 = arith.index_cast %add3A_394 : i32 to index
        %get3A_424 = arith.constant 112 : index
        %get3A_425 = tpu.vector_load %arg11[%get3A_423, %get3A_424] {strides = array<i32>} : memref<80x128xf32, #tpu.memory_space<vmem>>, vector<1x16xf32>,
        %get3A_426 = vector.shape_cast %get3A_425 : vector<1x16xf32> to vector<16xf32>
        %get3A_427 = arith.index_cast %add3A_394 : i32 to index
        %get3A_428 = arith.constant 0 : index
        %get3A_429 = tpu.vector_load %arg13[%get3A_427, %get3A_428] {strides = array<i32>} : memref<80x128xf32, #tpu.memory_space<vmem>>, vector<1x16xf32>,
        %get3A_430 = vector.shape_cast %get3A_429 : vector<1x16xf32> to vector<16xf32>
        %mul3A_431 = arith.mulf %get3A_398, %get3A_430 : vector<16xf32>
        %get3A_432 = arith.index_cast %add3A_394 : i32 to index
        %get3A_433 = arith.constant 16 : index
        %get3A_434 = tpu.vector_load %arg13[%get3A_432, %get3A_433] {strides = array<i32>} : memref<80x128xf32, #tpu.memory_space<vmem>>, vector<1x16xf32>,
        %get3A_435 = vector.shape_cast %get3A_434 : vector<1x16xf32> to vector<16xf32>
        %mul3A_436 = arith.mulf %get3A_402, %get3A_435 : vector<16xf32>
        %add3A_437 = arith.addf %mul3A_431, %mul3A_436 : vector<16xf32>
        %get3A_438 = arith.index_cast %add3A_394 : i32 to index
        %get3A_439 = arith.constant 32 : index
        %get3A_440 = tpu.vector_load %arg13[%get3A_438, %get3A_439] {strides = array<i32>} : memref<80x128xf32, #tpu.memory_space<vmem>>, vector<1x16xf32>,
        %get3A_441 = vector.shape_cast %get3A_440 : vector<1x16xf32> to vector<16xf32>
        %mul3A_442 = arith.mulf %get3A_406, %get3A_441 : vector<16xf32>
        %add3A_443 = arith.addf %add3A_437, %mul3A_442 : vector<16xf32>
        %get3A_444 = arith.index_cast %add3A_394 : i32 to index
        %get3A_445 = arith.constant 48 : index
        %get3A_446 = tpu.vector_load %arg13[%get3A_444, %get3A_445] {strides = array<i32>} : memref<80x128xf32, #tpu.memory_space<vmem>>, vector<1x16xf32>,
        %get3A_447 = vector.shape_cast %get3A_446 : vector<1x16xf32> to vector<16xf32>
        %mul3A_448 = arith.mulf %get3A_410, %get3A_447 : vector<16xf32>
        %add3A_449 = arith.addf %add3A_443, %mul3A_448 : vector<16xf32>
        %get3A_450 = arith.index_cast %add3A_394 : i32 to index
        %get3A_451 = arith.constant 64 : index
        %get3A_452 = tpu.vector_load %arg13[%get3A_450, %get3A_451] {strides = array<i32>} : memref<80x128xf32, #tpu.memory_space<vmem>>, vector<1x16xf32>,
        %get3A_453 = vector.shape_cast %get3A_452 : vector<1x16xf32> to vector<16xf32>
        %mul3A_454 = arith.mulf %get3A_414, %get3A_453 : vector<16xf32>
        %add3A_455 = arith.addf %add3A_449, %mul3A_454 : vector<16xf32>
        %get3A_456 = arith.index_cast %add3A_394 : i32 to index
        %get3A_457 = arith.constant 80 : index
        %get3A_458 = tpu.vector_load %arg13[%get3A_456, %get3A_457] {strides = array<i32>} : memref<80x128xf32, #tpu.memory_space<vmem>>, vector<1x16xf32>,
        %get3A_459 = vector.shape_cast %get3A_458 : vector<1x16xf32> to vector<16xf32>
        %mul3A_460 = arith.mulf %get3A_418, %get3A_459 : vector<16xf32>
        %add3A_461 = arith.addf %add3A_455, %mul3A_460 : vector<16xf32>
        %get3A_462 = arith.index_cast %add3A_394 : i32 to index
        %get3A_463 = arith.constant 96 : index
        %get3A_464 = tpu.vector_load %arg13[%get3A_462, %get3A_463] {strides = array<i32>} : memref<80x128xf32, #tpu.memory_space<vmem>>, vector<1x16xf32>,
        %get3A_465 = vector.shape_cast %get3A_464 : vector<1x16xf32> to vector<16xf32>
        %mul3A_466 = arith.mulf %get3A_422, %get3A_465 : vector<16xf32>
        %add3A_467 = arith.addf %add3A_461, %mul3A_466 : vector<16xf32>
        %get3A_468 = arith.index_cast %add3A_394 : i32 to index
        %get3A_469 = arith.constant 112 : index
        %get3A_470 = tpu.vector_load %arg13[%get3A_468, %get3A_469] {strides = array<i32>} : memref<80x128xf32, #tpu.memory_space<vmem>>, vector<1x16xf32>,
        %get3A_471 = vector.shape_cast %get3A_470 : vector<1x16xf32> to vector<16xf32>
        %mul3A_472 = arith.mulf %get3A_426, %get3A_471 : vector<16xf32>
        %add3A_473 = arith.addf %add3A_467, %mul3A_472 : vector<16xf32>
        %broadcast_in_dim3A_474 = vector.shape_cast %and3A_74 : vector<16xi32> to vector<16x1xi32>
        %gather3A = vector.shape_cast %broadcast_in_dim3A_474 : vector<16x1xi32> to vector<16xi32>
        %gather3A_475 = tpu.dynamic_gather %add3A_473[%gather3A] in [0] : vector<16xf32>, vector<16xi32> -> vector<16xf32>
        %add3A_476 = arith.addf %add3A_473, %gather3A_475 : vector<16xf32>
        %broadcast_in_dim3A_477 = vector.shape_cast %and3A_80 : vector<16xi32> to vector<16x1xi32>
        %gather3A_478 = vector.shape_cast %broadcast_in_dim3A_477 : vector<16x1xi32> to vector<16xi32>
        %gather3A_479 = tpu.dynamic_gather %add3A_476[%gather3A_478] in [0] : vector<16xf32>, vector<16xi32> -> vector<16xf32>
        %add3A_480 = arith.addf %add3A_476, %gather3A_479 : vector<16xf32>
        %broadcast_in_dim3A_481 = vector.shape_cast %and3A_86 : vector<16xi32> to vector<16x1xi32>
        %gather3A_482 = vector.shape_cast %broadcast_in_dim3A_481 : vector<16x1xi32> to vector<16xi32>
        %gather3A_483 = tpu.dynamic_gather %add3A_480[%gather3A_482] in [0] : vector<16xf32>, vector<16xi32> -> vector<16xf32>
        %add3A_484 = arith.addf %add3A_480, %gather3A_483 : vector<16xf32>
        %broadcast_in_dim3A_485 = vector.shape_cast %and3A_92 : vector<16xi32> to vector<16x1xi32>
        %gather3A_486 = vector.shape_cast %broadcast_in_dim3A_485 : vector<16x1xi32> to vector<16xi32>
        %gather3A_487 = tpu.dynamic_gather %add3A_484[%gather3A_486] in [0] : vector<16xf32>, vector<16xi32> -> vector<16xf32>
        %add3A_488 = arith.addf %add3A_484, %gather3A_487 : vector<16xf32>
        %min3A_489 = arith.constant 8.000000e+01 : f32
        %min3A_490 = vector.broadcast %min3A_489 : f32 to vector<16xf32>
        %min3A_491 = arith.minimumf %add3A_488, %min3A_490 : vector<16xf32>
        %exp3A = math.exp %min3A_491 : vector<16xf32>
        %mul3A_492 = arith.mulf %get3A_398, %exp3A : vector<16xf32>
        %swap3A_493 = arith.index_cast %add3A_394 : i32 to index
        %swap3A_494 = arith.constant 0 : index
        %swap3A_495 = tpu.vector_load %arg11[%swap3A_493, %swap3A_494] {strides = array<i32>} : memref<80x128xf32, #tpu.memory_space<vmem>>, vector<1x16xf32>,
        %swap3A_496 = vector.shape_cast %swap3A_495 : vector<1x16xf32> to vector<16xf32>
        %swap3A_497 = vector.shape_cast %mul3A_492 : vector<16xf32> to vector<1x16xf32>
        tpu.vector_store %arg11[%swap3A_493, %swap3A_494], %swap3A_497 {strides = array<i32>} : memref<80x128xf32, #tpu.memory_space<vmem>>, vector<1x16xf32>,
        %mul3A_498 = arith.mulf %get3A_402, %exp3A : vector<16xf32>
        %swap3A_499 = arith.index_cast %add3A_394 : i32 to index
        %swap3A_500 = arith.constant 16 : index
        %swap3A_501 = tpu.vector_load %arg11[%swap3A_499, %swap3A_500] {strides = array<i32>} : memref<80x128xf32, #tpu.memory_space<vmem>>, vector<1x16xf32>,
        %swap3A_502 = vector.shape_cast %swap3A_501 : vector<1x16xf32> to vector<16xf32>
        %swap3A_503 = vector.shape_cast %mul3A_498 : vector<16xf32> to vector<1x16xf32>
        tpu.vector_store %arg11[%swap3A_499, %swap3A_500], %swap3A_503 {strides = array<i32>} : memref<80x128xf32, #tpu.memory_space<vmem>>, vector<1x16xf32>,
        %mul3A_504 = arith.mulf %get3A_406, %exp3A : vector<16xf32>
        %swap3A_505 = arith.index_cast %add3A_394 : i32 to index
        %swap3A_506 = arith.constant 32 : index
        %swap3A_507 = tpu.vector_load %arg11[%swap3A_505, %swap3A_506] {strides = array<i32>} : memref<80x128xf32, #tpu.memory_space<vmem>>, vector<1x16xf32>,
        %swap3A_508 = vector.shape_cast %swap3A_507 : vector<1x16xf32> to vector<16xf32>
        %swap3A_509 = vector.shape_cast %mul3A_504 : vector<16xf32> to vector<1x16xf32>
        tpu.vector_store %arg11[%swap3A_505, %swap3A_506], %swap3A_509 {strides = array<i32>} : memref<80x128xf32, #tpu.memory_space<vmem>>, vector<1x16xf32>,
        %mul3A_510 = arith.mulf %get3A_410, %exp3A : vector<16xf32>
        %swap3A_511 = arith.index_cast %add3A_394 : i32 to index
        %swap3A_512 = arith.constant 48 : index
        %swap3A_513 = tpu.vector_load %arg11[%swap3A_511, %swap3A_512] {strides = array<i32>} : memref<80x128xf32, #tpu.memory_space<vmem>>, vector<1x16xf32>,
        %swap3A_514 = vector.shape_cast %swap3A_513 : vector<1x16xf32> to vector<16xf32>
        %swap3A_515 = vector.shape_cast %mul3A_510 : vector<16xf32> to vector<1x16xf32>
        tpu.vector_store %arg11[%swap3A_511, %swap3A_512], %swap3A_515 {strides = array<i32>} : memref<80x128xf32, #tpu.memory_space<vmem>>, vector<1x16xf32>,
        %mul3A_516 = arith.mulf %get3A_414, %exp3A : vector<16xf32>
        %swap3A_517 = arith.index_cast %add3A_394 : i32 to index
        %swap3A_518 = arith.constant 64 : index
        %swap3A_519 = tpu.vector_load %arg11[%swap3A_517, %swap3A_518] {strides = array<i32>} : memref<80x128xf32, #tpu.memory_space<vmem>>, vector<1x16xf32>,
        %swap3A_520 = vector.shape_cast %swap3A_519 : vector<1x16xf32> to vector<16xf32>
        %swap3A_521 = vector.shape_cast %mul3A_516 : vector<16xf32> to vector<1x16xf32>
        tpu.vector_store %arg11[%swap3A_517, %swap3A_518], %swap3A_521 {strides = array<i32>} : memref<80x128xf32, #tpu.memory_space<vmem>>, vector<1x16xf32>,
        %mul3A_522 = arith.mulf %get3A_418, %exp3A : vector<16xf32>
        %swap3A_523 = arith.index_cast %add3A_394 : i32 to index
        %swap3A_524 = arith.constant 80 : index
        %swap3A_525 = tpu.vector_load %arg11[%swap3A_523, %swap3A_524] {strides = array<i32>} : memref<80x128xf32, #tpu.memory_space<vmem>>, vector<1x16xf32>,
        %swap3A_526 = vector.shape_cast %swap3A_525 : vector<1x16xf32> to vector<16xf32>
        %swap3A_527 = vector.shape_cast %mul3A_522 : vector<16xf32> to vector<1x16xf32>
        tpu.vector_store %arg11[%swap3A_523, %swap3A_524], %swap3A_527 {strides = array<i32>} : memref<80x128xf32, #tpu.memory_space<vmem>>, vector<1x16xf32>,
        %mul3A_528 = arith.mulf %get3A_422, %exp3A : vector<16xf32>
        %swap3A_529 = arith.index_cast %add3A_394 : i32 to index
        %swap3A_530 = arith.constant 96 : index
        %swap3A_531 = tpu.vector_load %arg11[%swap3A_529, %swap3A_530] {strides = array<i32>} : memref<80x128xf32, #tpu.memory_space<vmem>>, vector<1x16xf32>,
        %swap3A_532 = vector.shape_cast %swap3A_531 : vector<1x16xf32> to vector<16xf32>
        %swap3A_533 = vector.shape_cast %mul3A_528 : vector<16xf32> to vector<1x16xf32>
        tpu.vector_store %arg11[%swap3A_529, %swap3A_530], %swap3A_533 {strides = array<i32>} : memref<80x128xf32, #tpu.memory_space<vmem>>, vector<1x16xf32>,
        %mul3A_534 = arith.mulf %get3A_426, %exp3A : vector<16xf32>
        %swap3A_535 = arith.index_cast %add3A_394 : i32 to index
        %swap3A_536 = arith.constant 112 : index
        %swap3A_537 = tpu.vector_load %arg11[%swap3A_535, %swap3A_536] {strides = array<i32>} : memref<80x128xf32, #tpu.memory_space<vmem>>, vector<1x16xf32>,
        %swap3A_538 = vector.shape_cast %swap3A_537 : vector<1x16xf32> to vector<16xf32>
        %swap3A_539 = vector.shape_cast %mul3A_534 : vector<16xf32> to vector<1x16xf32>
        tpu.vector_store %arg11[%swap3A_535, %swap3A_536], %swap3A_539 {strides = array<i32>} : memref<80x128xf32, #tpu.memory_space<vmem>>, vector<1x16xf32>,
        %eq3A = vector.broadcast %scan3A_392 : i32 to vector<16xi32>
        %eq3A_540 = arith.cmpi eq, %iota3A, %eq3A : vector<16xi32>
        %select_n3A = arith.select %eq3A_540, %exp3A, %scan3A_393 : vector<16xi1>, vector<16xf32>
        scf.yield %select_n3A : vector<16xf32>
      }
      %scan3A_387 = arith.constant 16 : i32
      %swap3A_388 = arith.index_cast %mul3A_379 : i32 to index
      %swap3A_389 = tpu.vector_load %arg15[%swap3A_388] {strides = array<i32>} : memref<80xf32, #tpu.memory_space<vmem>>, vector<16xf32>,
      %swap3A_390 = vector.shape_cast %swap3A_389 : vector<16xf32> to vector<16xf32>
      %swap3A_391 = vector.shape_cast %scan3A_386 : vector<16xf32> to vector<16xf32>
      tpu.vector_store %arg15[%swap3A_388], %swap3A_391 {strides = array<i32>} : memref<80xf32, #tpu.memory_space<vmem>>, vector<16xf32>,
    }
    %scan3A_133 = arith.constant 5 : i32
    %get3A = arith.constant 0 : index
    %get3A_134 = tpu.vector_load %arg7[%get3A] {strides = array<i32>} : memref<80xi32, #tpu.memory_space<vmem>>, vector<16xi32>,
    %get3A_135 = vector.shape_cast %get3A_134 : vector<16xi32> to vector<16xi32>
    %swap3A_136 = arith.constant 0 : index
    %swap3A_137 = tpu.vector_load %arg9[%swap3A_136] {strides = array<i32>} : memref<80xi32, #tpu.memory_space<vmem>>, vector<16xi32>,
    %swap3A_138 = vector.shape_cast %swap3A_137 : vector<16xi32> to vector<16xi32>
    %swap3A_139 = vector.shape_cast %get3A_135 : vector<16xi32> to vector<16xi32>
    tpu.vector_store %arg9[%swap3A_136], %swap3A_139 {strides = array<i32>} : memref<80xi32, #tpu.memory_space<vmem>>, vector<16xi32>,
    %get3A_140 = arith.constant 16 : index
    %get3A_141 = tpu.vector_load %arg7[%get3A_140] {strides = array<i32>} : memref<80xi32, #tpu.memory_space<vmem>>, vector<16xi32>,
    %get3A_142 = vector.shape_cast %get3A_141 : vector<16xi32> to vector<16xi32>
    %swap3A_143 = arith.constant 16 : index
    %swap3A_144 = tpu.vector_load %arg9[%swap3A_143] {strides = array<i32>} : memref<80xi32, #tpu.memory_space<vmem>>, vector<16xi32>,
    %swap3A_145 = vector.shape_cast %swap3A_144 : vector<16xi32> to vector<16xi32>
    %swap3A_146 = vector.shape_cast %get3A_142 : vector<16xi32> to vector<16xi32>
    tpu.vector_store %arg9[%swap3A_143], %swap3A_146 {strides = array<i32>} : memref<80xi32, #tpu.memory_space<vmem>>, vector<16xi32>,
    %get3A_147 = arith.constant 32 : index
    %get3A_148 = tpu.vector_load %arg7[%get3A_147] {strides = array<i32>} : memref<80xi32, #tpu.memory_space<vmem>>, vector<16xi32>,
    %get3A_149 = vector.shape_cast %get3A_148 : vector<16xi32> to vector<16xi32>
    %swap3A_150 = arith.constant 32 : index
    %swap3A_151 = tpu.vector_load %arg9[%swap3A_150] {strides = array<i32>} : memref<80xi32, #tpu.memory_space<vmem>>, vector<16xi32>,
    %swap3A_152 = vector.shape_cast %swap3A_151 : vector<16xi32> to vector<16xi32>
    %swap3A_153 = vector.shape_cast %get3A_149 : vector<16xi32> to vector<16xi32>
    tpu.vector_store %arg9[%swap3A_150], %swap3A_153 {strides = array<i32>} : memref<80xi32, #tpu.memory_space<vmem>>, vector<16xi32>,
    %get3A_154 = arith.constant 48 : index
    %get3A_155 = tpu.vector_load %arg7[%get3A_154] {strides = array<i32>} : memref<80xi32, #tpu.memory_space<vmem>>, vector<16xi32>,
    %get3A_156 = vector.shape_cast %get3A_155 : vector<16xi32> to vector<16xi32>
    %swap3A_157 = arith.constant 48 : index
    %swap3A_158 = tpu.vector_load %arg9[%swap3A_157] {strides = array<i32>} : memref<80xi32, #tpu.memory_space<vmem>>, vector<16xi32>,
    %swap3A_159 = vector.shape_cast %swap3A_158 : vector<16xi32> to vector<16xi32>
    %swap3A_160 = vector.shape_cast %get3A_156 : vector<16xi32> to vector<16xi32>
    tpu.vector_store %arg9[%swap3A_157], %swap3A_160 {strides = array<i32>} : memref<80xi32, #tpu.memory_space<vmem>>, vector<16xi32>,
    %get3A_161 = arith.constant 64 : index
    %get3A_162 = tpu.vector_load %arg7[%get3A_161] {strides = array<i32>} : memref<80xi32, #tpu.memory_space<vmem>>, vector<16xi32>,
    %get3A_163 = vector.shape_cast %get3A_162 : vector<16xi32> to vector<16xi32>
    %swap3A_164 = arith.constant 64 : index
    %swap3A_165 = tpu.vector_load %arg9[%swap3A_164] {strides = array<i32>} : memref<80xi32, #tpu.memory_space<vmem>>, vector<16xi32>,
    %swap3A_166 = vector.shape_cast %swap3A_165 : vector<16xi32> to vector<16xi32>
    %swap3A_167 = vector.shape_cast %get3A_163 : vector<16xi32> to vector<16xi32>
    tpu.vector_store %arg9[%swap3A_164], %swap3A_167 {strides = array<i32>} : memref<80xi32, #tpu.memory_space<vmem>>, vector<16xi32>,
    %dma_start3A_168 = arith.constant 0 : i32
    %dma_start3A_169 = tpu.memref_slice %arg18[%dma_start3A_168] : memref<10240xf32, #tpu.memory_space<vmem_shared>> -> memref<10240xf32, #tpu.memory_space<vmem_shared>>
    tpu.enqueue_indirect_dma source(%arg15 : memref<80xf32, #tpu.memory_space<vmem>>) target(%dma_start3A_169 : memref<10240xf32, #tpu.memory_space<vmem_shared>>) offsets(%arg9 : memref<80xi32, #tpu.memory_space<vmem>>) semaphore(%arg25 : memref<!tpu.dma_semaphore, #tpu.memory_space<semaphore_mem>>) {add = true}
    %dma_start3A_170 = arith.constant 0 : i32
    %dma_start3A_171 = arith.constant 0 : i32
    %dma_start3A_172 = tpu.memref_slice %arg17[%dma_start3A_170, %dma_start3A_171] : memref<10240x128xf32, #tpu.memory_space<vmem_shared>> -> memref<10240x128xf32, #tpu.memory_space<vmem_shared>>
    tpu.enqueue_indirect_dma source(%arg11 : memref<80x128xf32, #tpu.memory_space<vmem>>) target(%dma_start3A_172 : memref<10240x128xf32, #tpu.memory_space<vmem_shared>>) offsets(%arg9 : memref<80xi32, #tpu.memory_space<vmem>>) semaphore(%arg27 : memref<!tpu.dma_semaphore, #tpu.memory_space<semaphore_mem>>) {add = true}
    %min3A = arith.constant 2 : i32
    %min3A_173 = arith.constant 124 : i32
    %min3A_174 = arith.minsi %min3A, %min3A_173 : i32
    %mul3A_175 = arith.constant 80 : i32
    %mul3A_176 = arith.muli %min3A_174, %mul3A_175 : i32
    %add3A_177 = arith.addi %mul3A_69, %mul3A_176 : i32
    %dma_start3A_178 = tpu.memref_slice %arg4[%add3A_177] : memref<320000xi32, #tpu.memory_space<hbm>> -> memref<80xi32, #tpu.memory_space<hbm>>
    %dma_start3A_179 = tpu.memref_slice %arg4[%add3A_177] : memref<320000xi32, #tpu.memory_space<hbm>> -> memref<80xi32, #tpu.memory_space<hbm>>
    tpu.enqueue_dma source(%dma_start3A_179 : memref<80xi32, #tpu.memory_space<hbm>>) target(%arg7 : memref<80xi32, #tpu.memory_space<vmem>>) target_semaphore(%arg19 : memref<!tpu.dma_semaphore, #tpu.memory_space<semaphore_mem>>)
    %dma_wait3A_180 = arith.constant 0 : i32
    %dma_wait3A_181 = tpu.memref_slice %arg18[%dma_wait3A_180] : memref<10240xf32, #tpu.memory_space<vmem_shared>> -> memref<10240xf32, #tpu.memory_space<vmem_shared>>
    tpu.wait_indirect_dma semaphore(%arg25 : memref<!tpu.dma_semaphore, #tpu.memory_space<semaphore_mem>>) src(%arg15 : memref<80xf32, #tpu.memory_space<vmem>>) dst(%dma_wait3A_181 : memref<10240xf32, #tpu.memory_space<vmem_shared>>)
    %dma_wait3A_182 = arith.constant 0 : i32
    %dma_wait3A_183 = arith.constant 0 : i32
    %dma_wait3A_184 = tpu.memref_slice %arg17[%dma_wait3A_182, %dma_wait3A_183] : memref<10240x128xf32, #tpu.memory_space<vmem_shared>> -> memref<10240x128xf32, #tpu.memory_space<vmem_shared>>
    tpu.wait_indirect_dma semaphore(%arg27 : memref<!tpu.dma_semaphore, #tpu.memory_space<semaphore_mem>>) src(%arg11 : memref<80x128xf32, #tpu.memory_space<vmem>>) dst(%dma_wait3A_184 : memref<10240x128xf32, #tpu.memory_space<vmem_shared>>)
    %dma_wait3A_185 = arith.constant 0 : i32
    %dma_wait3A_186 = arith.constant 0 : i32
    %dma_wait3A_187 = tpu.memref_slice %arg2[%dma_wait3A_185, %dma_wait3A_186] : memref<10000x128xf32, #tpu.memory_space<hbm>> -> memref<10000x128xf32, #tpu.memory_space<hbm>>
    tpu.wait_indirect_dma semaphore(%arg22 : memref<!tpu.dma_semaphore, #tpu.memory_space<semaphore_mem>>) src(%dma_wait3A_187 : memref<10000x128xf32, #tpu.memory_space<hbm>>) dst(%arg14 : memref<80x128xf32, #tpu.memory_space<vmem>>)
    %dma_wait3A_188 = arith.constant 0 : i32
    %dma_wait3A_189 = arith.constant 0 : i32
    %dma_wait3A_190 = tpu.memref_slice %arg3[%dma_wait3A_188, %dma_wait3A_189] : memref<320000x128xf32, #tpu.memory_space<hbm>> -> memref<80x128xf32, #tpu.memory_space<hbm>>
    %dma_wait3A_191 = arith.constant 0 : i32
    %dma_wait3A_192 = arith.constant 0 : i32
    %dma_wait3A_193 = tpu.memref_slice %arg3[%dma_wait3A_191, %dma_wait3A_192] : memref<320000x128xf32, #tpu.memory_space<hbm>> -> memref<80x128xf32, #tpu.memory_space<hbm>>
    tpu.wait_dma2 semaphore(%arg24 : memref<!tpu.dma_semaphore, #tpu.memory_space<semaphore_mem>>) src(%dma_wait3A_193 : memref<80x128xf32, #tpu.memory_space<hbm>>) dst(%arg12 : memref<80x128xf32, #tpu.memory_space<vmem>>)
    %dma_wait3A_194 = arith.constant 0 : i32
    %dma_wait3A_195 = tpu.memref_slice %arg4[%dma_wait3A_194] : memref<320000xi32, #tpu.memory_space<hbm>> -> memref<80xi32, #tpu.memory_space<hbm>>
    %dma_wait3A_196 = arith.constant 0 : i32
    %dma_wait3A_197 = tpu.memref_slice %arg4[%dma_wait3A_196] : memref<320000xi32, #tpu.memory_space<hbm>> -> memref<80xi32, #tpu.memory_space<hbm>>
    tpu.wait_dma2 semaphore(%arg19 : memref<!tpu.dma_semaphore, #tpu.memory_space<semaphore_mem>>) src(%dma_wait3A_197 : memref<80xi32, #tpu.memory_space<hbm>>) dst(%arg7 : memref<80xi32, #tpu.memory_space<vmem>>)
    %dma_start3A_198 = arith.constant 0 : i32
    %dma_start3A_199 = arith.constant 0 : i32
    %dma_start3A_200 = tpu.memref_slice %arg2[%dma_start3A_198, %dma_start3A_199] : memref<10000x128xf32, #tpu.memory_space<hbm>> -> memref<10000x128xf32, #tpu.memory_space<hbm>>
    tpu.enqueue_indirect_dma source(%dma_start3A_200 : memref<10000x128xf32, #tpu.memory_space<hbm>>) target(%arg13 : memref<80x128xf32, #tpu.memory_space<vmem>>) offsets(%arg7 : memref<80xi32, #tpu.memory_space<vmem>>) semaphore(%arg21 : memref<!tpu.dma_semaphore, #tpu.memory_space<semaphore_mem>>)
    %add3A_201 = arith.constant 160 : i32
    %add3A_202 = arith.addi %mul3A_69, %add3A_201 : i32
    %dma_start3A_203 = arith.constant 0 : i32
    %dma_start3A_204 = tpu.memref_slice %arg3[%add3A_202, %dma_start3A_203] : memref<320000x128xf32, #tpu.memory_space<hbm>> -> memref<80x128xf32, #tpu.memory_space<hbm>>
    %dma_start3A_205 = arith.constant 0 : i32
    %dma_start3A_206 = tpu.memref_slice %arg3[%add3A_202, %dma_start3A_205] : memref<320000x128xf32, #tpu.memory_space<hbm>> -> memref<80x128xf32, #tpu.memory_space<hbm>>
    tpu.enqueue_dma source(%dma_start3A_206 : memref<80x128xf32, #tpu.memory_space<hbm>>) target(%arg11 : memref<80x128xf32, #tpu.memory_space<vmem>>) target_semaphore(%arg23 : memref<!tpu.dma_semaphore, #tpu.memory_space<semaphore_mem>>)
    %scan3A_207 = arith.constant 0 : i32
    %scan3A_208 = arith.constant 0 : i32
    %scan3A_209 = arith.constant 5 : i32
    %scan3A_210 = arith.addi %scan3A_208, %scan3A_209 : i32
    %scan3A_211 = arith.constant 1 : i32
    scf.for %scan3A_377 = %scan3A_208 to %scan3A_210 step %scan3A_211  : i32 {
      %mul3A_378 = arith.constant 16 : i32
      %mul3A_379 = arith.muli %scan3A_377, %mul3A_378 : i32
      %broadcast_in_dim3A_380 = arith.constant 0.000000e+00 : f32
      %broadcast_in_dim3A_381 = vector.broadcast %broadcast_in_dim3A_380 : f32 to vector<16xf32>
      %scan3A_382 = arith.constant 0 : i32
      %scan3A_383 = arith.constant 16 : i32
      %scan3A_384 = arith.addi %scan3A_382, %scan3A_383 : i32
      %scan3A_385 = arith.constant 1 : i32
      %scan3A_386 = scf.for %scan3A_392 = %scan3A_382 to %scan3A_384 step %scan3A_385 iter_args(%scan3A_393 = %broadcast_in_dim3A_381) -> (vector<16xf32>)  : i32 {
        %add3A_394 = arith.addi %mul3A_379, %scan3A_392 : i32
        %get3A_395 = arith.index_cast %add3A_394 : i32 to index
        %get3A_396 = arith.constant 0 : index
        %get3A_397 = tpu.vector_load %arg12[%get3A_395, %get3A_396] {strides = array<i32>} : memref<80x128xf32, #tpu.memory_space<vmem>>, vector<1x16xf32>,
        %get3A_398 = vector.shape_cast %get3A_397 : vector<1x16xf32> to vector<16xf32>
        %get3A_399 = arith.index_cast %add3A_394 : i32 to index
        %get3A_400 = arith.constant 16 : index
        %get3A_401 = tpu.vector_load %arg12[%get3A_399, %get3A_400] {strides = array<i32>} : memref<80x128xf32, #tpu.memory_space<vmem>>, vector<1x16xf32>,
        %get3A_402 = vector.shape_cast %get3A_401 : vector<1x16xf32> to vector<16xf32>
        %get3A_403 = arith.index_cast %add3A_394 : i32 to index
        %get3A_404 = arith.constant 32 : index
        %get3A_405 = tpu.vector_load %arg12[%get3A_403, %get3A_404] {strides = array<i32>} : memref<80x128xf32, #tpu.memory_space<vmem>>, vector<1x16xf32>,
        %get3A_406 = vector.shape_cast %get3A_405 : vector<1x16xf32> to vector<16xf32>
        %get3A_407 = arith.index_cast %add3A_394 : i32 to index
        %get3A_408 = arith.constant 48 : index
        %get3A_409 = tpu.vector_load %arg12[%get3A_407, %get3A_408] {strides = array<i32>} : memref<80x128xf32, #tpu.memory_space<vmem>>, vector<1x16xf32>,
        %get3A_410 = vector.shape_cast %get3A_409 : vector<1x16xf32> to vector<16xf32>
        %get3A_411 = arith.index_cast %add3A_394 : i32 to index
        %get3A_412 = arith.constant 64 : index
        %get3A_413 = tpu.vector_load %arg12[%get3A_411, %get3A_412] {strides = array<i32>} : memref<80x128xf32, #tpu.memory_space<vmem>>, vector<1x16xf32>,
        %get3A_414 = vector.shape_cast %get3A_413 : vector<1x16xf32> to vector<16xf32>
        %get3A_415 = arith.index_cast %add3A_394 : i32 to index
        %get3A_416 = arith.constant 80 : index
        %get3A_417 = tpu.vector_load %arg12[%get3A_415, %get3A_416] {strides = array<i32>} : memref<80x128xf32, #tpu.memory_space<vmem>>, vector<1x16xf32>,
        %get3A_418 = vector.shape_cast %get3A_417 : vector<1x16xf32> to vector<16xf32>
        %get3A_419 = arith.index_cast %add3A_394 : i32 to index
        %get3A_420 = arith.constant 96 : index
        %get3A_421 = tpu.vector_load %arg12[%get3A_419, %get3A_420] {strides = array<i32>} : memref<80x128xf32, #tpu.memory_space<vmem>>, vector<1x16xf32>,
        %get3A_422 = vector.shape_cast %get3A_421 : vector<1x16xf32> to vector<16xf32>
        %get3A_423 = arith.index_cast %add3A_394 : i32 to index
        %get3A_424 = arith.constant 112 : index
        %get3A_425 = tpu.vector_load %arg12[%get3A_423, %get3A_424] {strides = array<i32>} : memref<80x128xf32, #tpu.memory_space<vmem>>, vector<1x16xf32>,
        %get3A_426 = vector.shape_cast %get3A_425 : vector<1x16xf32> to vector<16xf32>
        %get3A_427 = arith.index_cast %add3A_394 : i32 to index
        %get3A_428 = arith.constant 0 : index
        %get3A_429 = tpu.vector_load %arg14[%get3A_427, %get3A_428] {strides = array<i32>} : memref<80x128xf32, #tpu.memory_space<vmem>>, vector<1x16xf32>,
        %get3A_430 = vector.shape_cast %get3A_429 : vector<1x16xf32> to vector<16xf32>
        %mul3A_431 = arith.mulf %get3A_398, %get3A_430 : vector<16xf32>
        %get3A_432 = arith.index_cast %add3A_394 : i32 to index
        %get3A_433 = arith.constant 16 : index
        %get3A_434 = tpu.vector_load %arg14[%get3A_432, %get3A_433] {strides = array<i32>} : memref<80x128xf32, #tpu.memory_space<vmem>>, vector<1x16xf32>,
        %get3A_435 = vector.shape_cast %get3A_434 : vector<1x16xf32> to vector<16xf32>
        %mul3A_436 = arith.mulf %get3A_402, %get3A_435 : vector<16xf32>
        %add3A_437 = arith.addf %mul3A_431, %mul3A_436 : vector<16xf32>
        %get3A_438 = arith.index_cast %add3A_394 : i32 to index
        %get3A_439 = arith.constant 32 : index
        %get3A_440 = tpu.vector_load %arg14[%get3A_438, %get3A_439] {strides = array<i32>} : memref<80x128xf32, #tpu.memory_space<vmem>>, vector<1x16xf32>,
        %get3A_441 = vector.shape_cast %get3A_440 : vector<1x16xf32> to vector<16xf32>
        %mul3A_442 = arith.mulf %get3A_406, %get3A_441 : vector<16xf32>
        %add3A_443 = arith.addf %add3A_437, %mul3A_442 : vector<16xf32>
        %get3A_444 = arith.index_cast %add3A_394 : i32 to index
        %get3A_445 = arith.constant 48 : index
        %get3A_446 = tpu.vector_load %arg14[%get3A_444, %get3A_445] {strides = array<i32>} : memref<80x128xf32, #tpu.memory_space<vmem>>, vector<1x16xf32>,
        %get3A_447 = vector.shape_cast %get3A_446 : vector<1x16xf32> to vector<16xf32>
        %mul3A_448 = arith.mulf %get3A_410, %get3A_447 : vector<16xf32>
        %add3A_449 = arith.addf %add3A_443, %mul3A_448 : vector<16xf32>
        %get3A_450 = arith.index_cast %add3A_394 : i32 to index
        %get3A_451 = arith.constant 64 : index
        %get3A_452 = tpu.vector_load %arg14[%get3A_450, %get3A_451] {strides = array<i32>} : memref<80x128xf32, #tpu.memory_space<vmem>>, vector<1x16xf32>,
        %get3A_453 = vector.shape_cast %get3A_452 : vector<1x16xf32> to vector<16xf32>
        %mul3A_454 = arith.mulf %get3A_414, %get3A_453 : vector<16xf32>
        %add3A_455 = arith.addf %add3A_449, %mul3A_454 : vector<16xf32>
        %get3A_456 = arith.index_cast %add3A_394 : i32 to index
        %get3A_457 = arith.constant 80 : index
        %get3A_458 = tpu.vector_load %arg14[%get3A_456, %get3A_457] {strides = array<i32>} : memref<80x128xf32, #tpu.memory_space<vmem>>, vector<1x16xf32>,
        %get3A_459 = vector.shape_cast %get3A_458 : vector<1x16xf32> to vector<16xf32>
        %mul3A_460 = arith.mulf %get3A_418, %get3A_459 : vector<16xf32>
        %add3A_461 = arith.addf %add3A_455, %mul3A_460 : vector<16xf32>
        %get3A_462 = arith.index_cast %add3A_394 : i32 to index
        %get3A_463 = arith.constant 96 : index
        %get3A_464 = tpu.vector_load %arg14[%get3A_462, %get3A_463] {strides = array<i32>} : memref<80x128xf32, #tpu.memory_space<vmem>>, vector<1x16xf32>,
        %get3A_465 = vector.shape_cast %get3A_464 : vector<1x16xf32> to vector<16xf32>
        %mul3A_466 = arith.mulf %get3A_422, %get3A_465 : vector<16xf32>
        %add3A_467 = arith.addf %add3A_461, %mul3A_466 : vector<16xf32>
        %get3A_468 = arith.index_cast %add3A_394 : i32 to index
        %get3A_469 = arith.constant 112 : index
        %get3A_470 = tpu.vector_load %arg14[%get3A_468, %get3A_469] {strides = array<i32>} : memref<80x128xf32, #tpu.memory_space<vmem>>, vector<1x16xf32>,
        %get3A_471 = vector.shape_cast %get3A_470 : vector<1x16xf32> to vector<16xf32>
        %mul3A_472 = arith.mulf %get3A_426, %get3A_471 : vector<16xf32>
        %add3A_473 = arith.addf %add3A_467, %mul3A_472 : vector<16xf32>
        %broadcast_in_dim3A_474 = vector.shape_cast %and3A_74 : vector<16xi32> to vector<16x1xi32>
        %gather3A = vector.shape_cast %broadcast_in_dim3A_474 : vector<16x1xi32> to vector<16xi32>
        %gather3A_475 = tpu.dynamic_gather %add3A_473[%gather3A] in [0] : vector<16xf32>, vector<16xi32> -> vector<16xf32>
        %add3A_476 = arith.addf %add3A_473, %gather3A_475 : vector<16xf32>
        %broadcast_in_dim3A_477 = vector.shape_cast %and3A_80 : vector<16xi32> to vector<16x1xi32>
        %gather3A_478 = vector.shape_cast %broadcast_in_dim3A_477 : vector<16x1xi32> to vector<16xi32>
        %gather3A_479 = tpu.dynamic_gather %add3A_476[%gather3A_478] in [0] : vector<16xf32>, vector<16xi32> -> vector<16xf32>
        %add3A_480 = arith.addf %add3A_476, %gather3A_479 : vector<16xf32>
        %broadcast_in_dim3A_481 = vector.shape_cast %and3A_86 : vector<16xi32> to vector<16x1xi32>
        %gather3A_482 = vector.shape_cast %broadcast_in_dim3A_481 : vector<16x1xi32> to vector<16xi32>
        %gather3A_483 = tpu.dynamic_gather %add3A_480[%gather3A_482] in [0] : vector<16xf32>, vector<16xi32> -> vector<16xf32>
        %add3A_484 = arith.addf %add3A_480, %gather3A_483 : vector<16xf32>
        %broadcast_in_dim3A_485 = vector.shape_cast %and3A_92 : vector<16xi32> to vector<16x1xi32>
        %gather3A_486 = vector.shape_cast %broadcast_in_dim3A_485 : vector<16x1xi32> to vector<16xi32>
        %gather3A_487 = tpu.dynamic_gather %add3A_484[%gather3A_486] in [0] : vector<16xf32>, vector<16xi32> -> vector<16xf32>
        %add3A_488 = arith.addf %add3A_484, %gather3A_487 : vector<16xf32>
        %min3A_489 = arith.constant 8.000000e+01 : f32
        %min3A_490 = vector.broadcast %min3A_489 : f32 to vector<16xf32>
        %min3A_491 = arith.minimumf %add3A_488, %min3A_490 : vector<16xf32>
        %exp3A = math.exp %min3A_491 : vector<16xf32>
        %mul3A_492 = arith.mulf %get3A_398, %exp3A : vector<16xf32>
        %swap3A_493 = arith.index_cast %add3A_394 : i32 to index
        %swap3A_494 = arith.constant 0 : index
        %swap3A_495 = tpu.vector_load %arg12[%swap3A_493, %swap3A_494] {strides = array<i32>} : memref<80x128xf32, #tpu.memory_space<vmem>>, vector<1x16xf32>,
        %swap3A_496 = vector.shape_cast %swap3A_495 : vector<1x16xf32> to vector<16xf32>
        %swap3A_497 = vector.shape_cast %mul3A_492 : vector<16xf32> to vector<1x16xf32>
        tpu.vector_store %arg12[%swap3A_493, %swap3A_494], %swap3A_497 {strides = array<i32>} : memref<80x128xf32, #tpu.memory_space<vmem>>, vector<1x16xf32>,
        %mul3A_498 = arith.mulf %get3A_402, %exp3A : vector<16xf32>
        %swap3A_499 = arith.index_cast %add3A_394 : i32 to index
        %swap3A_500 = arith.constant 16 : index
        %swap3A_501 = tpu.vector_load %arg12[%swap3A_499, %swap3A_500] {strides = array<i32>} : memref<80x128xf32, #tpu.memory_space<vmem>>, vector<1x16xf32>,
        %swap3A_502 = vector.shape_cast %swap3A_501 : vector<1x16xf32> to vector<16xf32>
        %swap3A_503 = vector.shape_cast %mul3A_498 : vector<16xf32> to vector<1x16xf32>
        tpu.vector_store %arg12[%swap3A_499, %swap3A_500], %swap3A_503 {strides = array<i32>} : memref<80x128xf32, #tpu.memory_space<vmem>>, vector<1x16xf32>,
        %mul3A_504 = arith.mulf %get3A_406, %exp3A : vector<16xf32>
        %swap3A_505 = arith.index_cast %add3A_394 : i32 to index
        %swap3A_506 = arith.constant 32 : index
        %swap3A_507 = tpu.vector_load %arg12[%swap3A_505, %swap3A_506] {strides = array<i32>} : memref<80x128xf32, #tpu.memory_space<vmem>>, vector<1x16xf32>,
        %swap3A_508 = vector.shape_cast %swap3A_507 : vector<1x16xf32> to vector<16xf32>
        %swap3A_509 = vector.shape_cast %mul3A_504 : vector<16xf32> to vector<1x16xf32>
        tpu.vector_store %arg12[%swap3A_505, %swap3A_506], %swap3A_509 {strides = array<i32>} : memref<80x128xf32, #tpu.memory_space<vmem>>, vector<1x16xf32>,
        %mul3A_510 = arith.mulf %get3A_410, %exp3A : vector<16xf32>
        %swap3A_511 = arith.index_cast %add3A_394 : i32 to index
        %swap3A_512 = arith.constant 48 : index
        %swap3A_513 = tpu.vector_load %arg12[%swap3A_511, %swap3A_512] {strides = array<i32>} : memref<80x128xf32, #tpu.memory_space<vmem>>, vector<1x16xf32>,
        %swap3A_514 = vector.shape_cast %swap3A_513 : vector<1x16xf32> to vector<16xf32>
        %swap3A_515 = vector.shape_cast %mul3A_510 : vector<16xf32> to vector<1x16xf32>
        tpu.vector_store %arg12[%swap3A_511, %swap3A_512], %swap3A_515 {strides = array<i32>} : memref<80x128xf32, #tpu.memory_space<vmem>>, vector<1x16xf32>,
        %mul3A_516 = arith.mulf %get3A_414, %exp3A : vector<16xf32>
        %swap3A_517 = arith.index_cast %add3A_394 : i32 to index
        %swap3A_518 = arith.constant 64 : index
        %swap3A_519 = tpu.vector_load %arg12[%swap3A_517, %swap3A_518] {strides = array<i32>} : memref<80x128xf32, #tpu.memory_space<vmem>>, vector<1x16xf32>,
        %swap3A_520 = vector.shape_cast %swap3A_519 : vector<1x16xf32> to vector<16xf32>
        %swap3A_521 = vector.shape_cast %mul3A_516 : vector<16xf32> to vector<1x16xf32>
        tpu.vector_store %arg12[%swap3A_517, %swap3A_518], %swap3A_521 {strides = array<i32>} : memref<80x128xf32, #tpu.memory_space<vmem>>, vector<1x16xf32>,
        %mul3A_522 = arith.mulf %get3A_418, %exp3A : vector<16xf32>
        %swap3A_523 = arith.index_cast %add3A_394 : i32 to index
        %swap3A_524 = arith.constant 80 : index
        %swap3A_525 = tpu.vector_load %arg12[%swap3A_523, %swap3A_524] {strides = array<i32>} : memref<80x128xf32, #tpu.memory_space<vmem>>, vector<1x16xf32>,
        %swap3A_526 = vector.shape_cast %swap3A_525 : vector<1x16xf32> to vector<16xf32>
        %swap3A_527 = vector.shape_cast %mul3A_522 : vector<16xf32> to vector<1x16xf32>
        tpu.vector_store %arg12[%swap3A_523, %swap3A_524], %swap3A_527 {strides = array<i32>} : memref<80x128xf32, #tpu.memory_space<vmem>>, vector<1x16xf32>,
        %mul3A_528 = arith.mulf %get3A_422, %exp3A : vector<16xf32>
        %swap3A_529 = arith.index_cast %add3A_394 : i32 to index
        %swap3A_530 = arith.constant 96 : index
        %swap3A_531 = tpu.vector_load %arg12[%swap3A_529, %swap3A_530] {strides = array<i32>} : memref<80x128xf32, #tpu.memory_space<vmem>>, vector<1x16xf32>,
        %swap3A_532 = vector.shape_cast %swap3A_531 : vector<1x16xf32> to vector<16xf32>
        %swap3A_533 = vector.shape_cast %mul3A_528 : vector<16xf32> to vector<1x16xf32>
        tpu.vector_store %arg12[%swap3A_529, %swap3A_530], %swap3A_533 {strides = array<i32>} : memref<80x128xf32, #tpu.memory_space<vmem>>, vector<1x16xf32>,
        %mul3A_534 = arith.mulf %get3A_426, %exp3A : vector<16xf32>
        %swap3A_535 = arith.index_cast %add3A_394 : i32 to index
        %swap3A_536 = arith.constant 112 : index
        %swap3A_537 = tpu.vector_load %arg12[%swap3A_535, %swap3A_536] {strides = array<i32>} : memref<80x128xf32, #tpu.memory_space<vmem>>, vector<1x16xf32>,
        %swap3A_538 = vector.shape_cast %swap3A_537 : vector<1x16xf32> to vector<16xf32>
        %swap3A_539 = vector.shape_cast %mul3A_534 : vector<16xf32> to vector<1x16xf32>
        tpu.vector_store %arg12[%swap3A_535, %swap3A_536], %swap3A_539 {strides = array<i32>} : memref<80x128xf32, #tpu.memory_space<vmem>>, vector<1x16xf32>,
        %eq3A = vector.broadcast %scan3A_392 : i32 to vector<16xi32>
        %eq3A_540 = arith.cmpi eq, %iota3A, %eq3A : vector<16xi32>
        %select_n3A = arith.select %eq3A_540, %exp3A, %scan3A_393 : vector<16xi1>, vector<16xf32>
        scf.yield %select_n3A : vector<16xf32>
      }
      %scan3A_387 = arith.constant 16 : i32
      %swap3A_388 = arith.index_cast %mul3A_379 : i32 to index
      %swap3A_389 = tpu.vector_load %arg16[%swap3A_388] {strides = array<i32>} : memref<80xf32, #tpu.memory_space<vmem>>, vector<16xf32>,
      %swap3A_390 = vector.shape_cast %swap3A_389 : vector<16xf32> to vector<16xf32>
      %swap3A_391 = vector.shape_cast %scan3A_386 : vector<16xf32> to vector<16xf32>
      tpu.vector_store %arg16[%swap3A_388], %swap3A_391 {strides = array<i32>} : memref<80xf32, #tpu.memory_space<vmem>>, vector<16xf32>,
    }
    %scan3A_212 = arith.constant 5 : i32
    %get3A_213 = arith.constant 0 : index
    %get3A_214 = tpu.vector_load %arg8[%get3A_213] {strides = array<i32>} : memref<80xi32, #tpu.memory_space<vmem>>, vector<16xi32>,
    %get3A_215 = vector.shape_cast %get3A_214 : vector<16xi32> to vector<16xi32>
    %swap3A_216 = arith.constant 0 : index
    %swap3A_217 = tpu.vector_load %arg10[%swap3A_216] {strides = array<i32>} : memref<80xi32, #tpu.memory_space<vmem>>, vector<16xi32>,
    %swap3A_218 = vector.shape_cast %swap3A_217 : vector<16xi32> to vector<16xi32>
    %swap3A_219 = vector.shape_cast %get3A_215 : vector<16xi32> to vector<16xi32>
    tpu.vector_store %arg10[%swap3A_216], %swap3A_219 {strides = array<i32>} : memref<80xi32, #tpu.memory_space<vmem>>, vector<16xi32>,
    %get3A_220 = arith.constant 16 : index
    %get3A_221 = tpu.vector_load %arg8[%get3A_220] {strides = array<i32>} : memref<80xi32, #tpu.memory_space<vmem>>, vector<16xi32>,
    %get3A_222 = vector.shape_cast %get3A_221 : vector<16xi32> to vector<16xi32>
    %swap3A_223 = arith.constant 16 : index
    %swap3A_224 = tpu.vector_load %arg10[%swap3A_223] {strides = array<i32>} : memref<80xi32, #tpu.memory_space<vmem>>, vector<16xi32>,
    %swap3A_225 = vector.shape_cast %swap3A_224 : vector<16xi32> to vector<16xi32>
    %swap3A_226 = vector.shape_cast %get3A_222 : vector<16xi32> to vector<16xi32>
    tpu.vector_store %arg10[%swap3A_223], %swap3A_226 {strides = array<i32>} : memref<80xi32, #tpu.memory_space<vmem>>, vector<16xi32>,
    %get3A_227 = arith.constant 32 : index
    %get3A_228 = tpu.vector_load %arg8[%get3A_227] {strides = array<i32>} : memref<80xi32, #tpu.memory_space<vmem>>, vector<16xi32>,
    %get3A_229 = vector.shape_cast %get3A_228 : vector<16xi32> to vector<16xi32>
    %swap3A_230 = arith.constant 32 : index
    %swap3A_231 = tpu.vector_load %arg10[%swap3A_230] {strides = array<i32>} : memref<80xi32, #tpu.memory_space<vmem>>, vector<16xi32>,
    %swap3A_232 = vector.shape_cast %swap3A_231 : vector<16xi32> to vector<16xi32>
    %swap3A_233 = vector.shape_cast %get3A_229 : vector<16xi32> to vector<16xi32>
    tpu.vector_store %arg10[%swap3A_230], %swap3A_233 {strides = array<i32>} : memref<80xi32, #tpu.memory_space<vmem>>, vector<16xi32>,
    %get3A_234 = arith.constant 48 : index
    %get3A_235 = tpu.vector_load %arg8[%get3A_234] {strides = array<i32>} : memref<80xi32, #tpu.memory_space<vmem>>, vector<16xi32>,
    %get3A_236 = vector.shape_cast %get3A_235 : vector<16xi32> to vector<16xi32>
    %swap3A_237 = arith.constant 48 : index
    %swap3A_238 = tpu.vector_load %arg10[%swap3A_237] {strides = array<i32>} : memref<80xi32, #tpu.memory_space<vmem>>, vector<16xi32>,
    %swap3A_239 = vector.shape_cast %swap3A_238 : vector<16xi32> to vector<16xi32>
    %swap3A_240 = vector.shape_cast %get3A_236 : vector<16xi32> to vector<16xi32>
    tpu.vector_store %arg10[%swap3A_237], %swap3A_240 {strides = array<i32>} : memref<80xi32, #tpu.memory_space<vmem>>, vector<16xi32>,
    %get3A_241 = arith.constant 64 : index
    %get3A_242 = tpu.vector_load %arg8[%get3A_241] {strides = array<i32>} : memref<80xi32, #tpu.memory_space<vmem>>, vector<16xi32>,
    %get3A_243 = vector.shape_cast %get3A_242 : vector<16xi32> to vector<16xi32>
    %swap3A_244 = arith.constant 64 : index
    %swap3A_245 = tpu.vector_load %arg10[%swap3A_244] {strides = array<i32>} : memref<80xi32, #tpu.memory_space<vmem>>, vector<16xi32>,
    %swap3A_246 = vector.shape_cast %swap3A_245 : vector<16xi32> to vector<16xi32>
    %swap3A_247 = vector.shape_cast %get3A_243 : vector<16xi32> to vector<16xi32>
    tpu.vector_store %arg10[%swap3A_244], %swap3A_247 {strides = array<i32>} : memref<80xi32, #tpu.memory_space<vmem>>, vector<16xi32>,
    %dma_start3A_248 = arith.constant 0 : i32
    %dma_start3A_249 = tpu.memref_slice %arg18[%dma_start3A_248] : memref<10240xf32, #tpu.memory_space<vmem_shared>> -> memref<10240xf32, #tpu.memory_space<vmem_shared>>
    tpu.enqueue_indirect_dma source(%arg16 : memref<80xf32, #tpu.memory_space<vmem>>) target(%dma_start3A_249 : memref<10240xf32, #tpu.memory_space<vmem_shared>>) offsets(%arg10 : memref<80xi32, #tpu.memory_space<vmem>>) semaphore(%arg26 : memref<!tpu.dma_semaphore, #tpu.memory_space<semaphore_mem>>) {add = true}
    %dma_start3A_250 = arith.constant 0 : i32
    %dma_start3A_251 = arith.constant 0 : i32
    %dma_start3A_252 = tpu.memref_slice %arg17[%dma_start3A_250, %dma_start3A_251] : memref<10240x128xf32, #tpu.memory_space<vmem_shared>> -> memref<10240x128xf32, #tpu.memory_space<vmem_shared>>
    tpu.enqueue_indirect_dma source(%arg12 : memref<80x128xf32, #tpu.memory_space<vmem>>) target(%dma_start3A_252 : memref<10240x128xf32, #tpu.memory_space<vmem_shared>>) offsets(%arg10 : memref<80xi32, #tpu.memory_space<vmem>>) semaphore(%arg28 : memref<!tpu.dma_semaphore, #tpu.memory_space<semaphore_mem>>) {add = true}
    %min3A_253 = arith.constant 3 : i32
    %min3A_254 = arith.constant 124 : i32
    %min3A_255 = arith.minsi %min3A_253, %min3A_254 : i32
    %mul3A_256 = arith.constant 80 : i32
    %mul3A_257 = arith.muli %min3A_255, %mul3A_256 : i32
    %add3A_258 = arith.addi %mul3A_69, %mul3A_257 : i32
    %dma_start3A_259 = tpu.memref_slice %arg4[%add3A_258] : memref<320000xi32, #tpu.memory_space<hbm>> -> memref<80xi32, #tpu.memory_space<hbm>>
    %dma_start3A_260 = tpu.memref_slice %arg4[%add3A_258] : memref<320000xi32, #tpu.memory_space<hbm>> -> memref<80xi32, #tpu.memory_space<hbm>>
    tpu.enqueue_dma source(%dma_start3A_260 : memref<80xi32, #tpu.memory_space<hbm>>) target(%arg8 : memref<80xi32, #tpu.memory_space<vmem>>) target_semaphore(%arg20 : memref<!tpu.dma_semaphore, #tpu.memory_space<semaphore_mem>>)
    %scan3A_261 = arith.constant 0 : i32
    %scan3A_262 = arith.constant 1 : i32
    %scan3A_263 = arith.constant 61 : i32
    %scan3A_264 = arith.addi %scan3A_262, %scan3A_263 : i32
    %scan3A_265 = arith.constant 1 : i32
    scf.for %scan3A_377 = %scan3A_262 to %scan3A_264 step %scan3A_265  : i32 {
      %mul3A_378 = arith.constant 2 : i32
      %mul3A_379 = arith.muli %scan3A_377, %mul3A_378 : i32
      %add3A_380 = arith.constant 0 : i32
      %add3A_381 = arith.addi %mul3A_379, %add3A_380 : i32
      %dma_wait3A_382 = arith.constant 0 : i32
      %dma_wait3A_383 = tpu.memref_slice %arg18[%dma_wait3A_382] : memref<10240xf32, #tpu.memory_space<vmem_shared>> -> memref<10240xf32, #tpu.memory_space<vmem_shared>>
      tpu.wait_indirect_dma semaphore(%arg26 : memref<!tpu.dma_semaphore, #tpu.memory_space<semaphore_mem>>) src(%arg16 : memref<80xf32, #tpu.memory_space<vmem>>) dst(%dma_wait3A_383 : memref<10240xf32, #tpu.memory_space<vmem_shared>>)
      %dma_wait3A_384 = arith.constant 0 : i32
      %dma_wait3A_385 = arith.constant 0 : i32
      %dma_wait3A_386 = tpu.memref_slice %arg17[%dma_wait3A_384, %dma_wait3A_385] : memref<10240x128xf32, #tpu.memory_space<vmem_shared>> -> memref<10240x128xf32, #tpu.memory_space<vmem_shared>>
      tpu.wait_indirect_dma semaphore(%arg28 : memref<!tpu.dma_semaphore, #tpu.memory_space<semaphore_mem>>) src(%arg12 : memref<80x128xf32, #tpu.memory_space<vmem>>) dst(%dma_wait3A_386 : memref<10240x128xf32, #tpu.memory_space<vmem_shared>>)
      %dma_wait3A_387 = arith.constant 0 : i32
      %dma_wait3A_388 = arith.constant 0 : i32
      %dma_wait3A_389 = tpu.memref_slice %arg2[%dma_wait3A_387, %dma_wait3A_388] : memref<10000x128xf32, #tpu.memory_space<hbm>> -> memref<10000x128xf32, #tpu.memory_space<hbm>>
      tpu.wait_indirect_dma semaphore(%arg21 : memref<!tpu.dma_semaphore, #tpu.memory_space<semaphore_mem>>) src(%dma_wait3A_389 : memref<10000x128xf32, #tpu.memory_space<hbm>>) dst(%arg13 : memref<80x128xf32, #tpu.memory_space<vmem>>)
      %dma_wait3A_390 = arith.constant 0 : i32
      %dma_wait3A_391 = arith.constant 0 : i32
      %dma_wait3A_392 = tpu.memref_slice %arg3[%dma_wait3A_390, %dma_wait3A_391] : memref<320000x128xf32, #tpu.memory_space<hbm>> -> memref<80x128xf32, #tpu.memory_space<hbm>>
      %dma_wait3A_393 = arith.constant 0 : i32
      %dma_wait3A_394 = arith.constant 0 : i32
      %dma_wait3A_395 = tpu.memref_slice %arg3[%dma_wait3A_393, %dma_wait3A_394] : memref<320000x128xf32, #tpu.memory_space<hbm>> -> memref<80x128xf32, #tpu.memory_space<hbm>>
      tpu.wait_dma2 semaphore(%arg23 : memref<!tpu.dma_semaphore, #tpu.memory_space<semaphore_mem>>) src(%dma_wait3A_395 : memref<80x128xf32, #tpu.memory_space<hbm>>) dst(%arg11 : memref<80x128xf32, #tpu.memory_space<vmem>>)
      %dma_wait3A_396 = arith.constant 0 : i32
      %dma_wait3A_397 = tpu.memref_slice %arg4[%dma_wait3A_396] : memref<320000xi32, #tpu.memory_space<hbm>> -> memref<80xi32, #tpu.memory_space<hbm>>
      %dma_wait3A_398 = arith.constant 0 : i32
      %dma_wait3A_399 = tpu.memref_slice %arg4[%dma_wait3A_398] : memref<320000xi32, #tpu.memory_space<hbm>> -> memref<80xi32, #tpu.memory_space<hbm>>
      tpu.wait_dma2 semaphore(%arg20 : memref<!tpu.dma_semaphore, #tpu.memory_space<semaphore_mem>>) src(%dma_wait3A_399 : memref<80xi32, #tpu.memory_space<hbm>>) dst(%arg8 : memref<80xi32, #tpu.memory_space<vmem>>)
      %add3A_400 = arith.constant 1 : i32
      %add3A_401 = arith.addi %add3A_381, %add3A_400 : i32
      %dma_start3A_402 = arith.constant 0 : i32
      %dma_start3A_403 = arith.constant 0 : i32
      %dma_start3A_404 = tpu.memref_slice %arg2[%dma_start3A_402, %dma_start3A_403] : memref<10000x128xf32, #tpu.memory_space<hbm>> -> memref<10000x128xf32, #tpu.memory_space<hbm>>
      tpu.enqueue_indirect_dma source(%dma_start3A_404 : memref<10000x128xf32, #tpu.memory_space<hbm>>) target(%arg14 : memref<80x128xf32, #tpu.memory_space<vmem>>) offsets(%arg8 : memref<80xi32, #tpu.memory_space<vmem>>) semaphore(%arg22 : memref<!tpu.dma_semaphore, #tpu.memory_space<semaphore_mem>>)
      %mul3A_405 = arith.constant 80 : i32
      %mul3A_406 = arith.muli %add3A_401, %mul3A_405 : i32
      %add3A_407 = arith.addi %mul3A_69, %mul3A_406 : i32
      %dma_start3A_408 = arith.constant 0 : i32
      %dma_start3A_409 = tpu.memref_slice %arg3[%add3A_407, %dma_start3A_408] : memref<320000x128xf32, #tpu.memory_space<hbm>> -> memref<80x128xf32, #tpu.memory_space<hbm>>
      %dma_start3A_410 = arith.constant 0 : i32
      %dma_start3A_411 = tpu.memref_slice %arg3[%add3A_407, %dma_start3A_410] : memref<320000x128xf32, #tpu.memory_space<hbm>> -> memref<80x128xf32, #tpu.memory_space<hbm>>
      tpu.enqueue_dma source(%dma_start3A_411 : memref<80x128xf32, #tpu.memory_space<hbm>>) target(%arg12 : memref<80x128xf32, #tpu.memory_space<vmem>>) target_semaphore(%arg24 : memref<!tpu.dma_semaphore, #tpu.memory_space<semaphore_mem>>)
      %scan3A_412 = arith.constant 0 : i32
      %scan3A_413 = arith.constant 0 : i32
      %scan3A_414 = arith.constant 5 : i32
      %scan3A_415 = arith.addi %scan3A_413, %scan3A_414 : i32
      %scan3A_416 = arith.constant 1 : i32
      scf.for %scan3A_556 = %scan3A_413 to %scan3A_415 step %scan3A_416  : i32 {
        %mul3A_557 = arith.constant 16 : i32
        %mul3A_558 = arith.muli %scan3A_556, %mul3A_557 : i32
        %broadcast_in_dim3A_559 = arith.constant 0.000000e+00 : f32
        %broadcast_in_dim3A_560 = vector.broadcast %broadcast_in_dim3A_559 : f32 to vector<16xf32>
        %scan3A_561 = arith.constant 0 : i32
        %scan3A_562 = arith.constant 16 : i32
        %scan3A_563 = arith.addi %scan3A_561, %scan3A_562 : i32
        %scan3A_564 = arith.constant 1 : i32
        %scan3A_565 = scf.for %scan3A_571 = %scan3A_561 to %scan3A_563 step %scan3A_564 iter_args(%scan3A_572 = %broadcast_in_dim3A_560) -> (vector<16xf32>)  : i32 {
          %add3A_573 = arith.addi %mul3A_558, %scan3A_571 : i32
          %get3A_574 = arith.index_cast %add3A_573 : i32 to index
          %get3A_575 = arith.constant 0 : index
          %get3A_576 = tpu.vector_load %arg11[%get3A_574, %get3A_575] {strides = array<i32>} : memref<80x128xf32, #tpu.memory_space<vmem>>, vector<1x16xf32>,
          %get3A_577 = vector.shape_cast %get3A_576 : vector<1x16xf32> to vector<16xf32>
          %get3A_578 = arith.index_cast %add3A_573 : i32 to index
          %get3A_579 = arith.constant 16 : index
          %get3A_580 = tpu.vector_load %arg11[%get3A_578, %get3A_579] {strides = array<i32>} : memref<80x128xf32, #tpu.memory_space<vmem>>, vector<1x16xf32>,
          %get3A_581 = vector.shape_cast %get3A_580 : vector<1x16xf32> to vector<16xf32>
          %get3A_582 = arith.index_cast %add3A_573 : i32 to index
          %get3A_583 = arith.constant 32 : index
          %get3A_584 = tpu.vector_load %arg11[%get3A_582, %get3A_583] {strides = array<i32>} : memref<80x128xf32, #tpu.memory_space<vmem>>, vector<1x16xf32>,
          %get3A_585 = vector.shape_cast %get3A_584 : vector<1x16xf32> to vector<16xf32>
          %get3A_586 = arith.index_cast %add3A_573 : i32 to index
          %get3A_587 = arith.constant 48 : index
          %get3A_588 = tpu.vector_load %arg11[%get3A_586, %get3A_587] {strides = array<i32>} : memref<80x128xf32, #tpu.memory_space<vmem>>, vector<1x16xf32>,
          %get3A_589 = vector.shape_cast %get3A_588 : vector<1x16xf32> to vector<16xf32>
          %get3A_590 = arith.index_cast %add3A_573 : i32 to index
          %get3A_591 = arith.constant 64 : index
          %get3A_592 = tpu.vector_load %arg11[%get3A_590, %get3A_591] {strides = array<i32>} : memref<80x128xf32, #tpu.memory_space<vmem>>, vector<1x16xf32>,
          %get3A_593 = vector.shape_cast %get3A_592 : vector<1x16xf32> to vector<16xf32>
          %get3A_594 = arith.index_cast %add3A_573 : i32 to index
          %get3A_595 = arith.constant 80 : index
          %get3A_596 = tpu.vector_load %arg11[%get3A_594, %get3A_595] {strides = array<i32>} : memref<80x128xf32, #tpu.memory_space<vmem>>, vector<1x16xf32>,
          %get3A_597 = vector.shape_cast %get3A_596 : vector<1x16xf32> to vector<16xf32>
          %get3A_598 = arith.index_cast %add3A_573 : i32 to index
          %get3A_599 = arith.constant 96 : index
          %get3A_600 = tpu.vector_load %arg11[%get3A_598, %get3A_599] {strides = array<i32>} : memref<80x128xf32, #tpu.memory_space<vmem>>, vector<1x16xf32>,
          %get3A_601 = vector.shape_cast %get3A_600 : vector<1x16xf32> to vector<16xf32>
          %get3A_602 = arith.index_cast %add3A_573 : i32 to index
          %get3A_603 = arith.constant 112 : index
          %get3A_604 = tpu.vector_load %arg11[%get3A_602, %get3A_603] {strides = array<i32>} : memref<80x128xf32, #tpu.memory_space<vmem>>, vector<1x16xf32>,
          %get3A_605 = vector.shape_cast %get3A_604 : vector<1x16xf32> to vector<16xf32>
          %get3A_606 = arith.index_cast %add3A_573 : i32 to index
          %get3A_607 = arith.constant 0 : index
          %get3A_608 = tpu.vector_load %arg13[%get3A_606, %get3A_607] {strides = array<i32>} : memref<80x128xf32, #tpu.memory_space<vmem>>, vector<1x16xf32>,
          %get3A_609 = vector.shape_cast %get3A_608 : vector<1x16xf32> to vector<16xf32>
          %mul3A_610 = arith.mulf %get3A_577, %get3A_609 : vector<16xf32>
          %get3A_611 = arith.index_cast %add3A_573 : i32 to index
          %get3A_612 = arith.constant 16 : index
          %get3A_613 = tpu.vector_load %arg13[%get3A_611, %get3A_612] {strides = array<i32>} : memref<80x128xf32, #tpu.memory_space<vmem>>, vector<1x16xf32>,
          %get3A_614 = vector.shape_cast %get3A_613 : vector<1x16xf32> to vector<16xf32>
          %mul3A_615 = arith.mulf %get3A_581, %get3A_614 : vector<16xf32>
          %add3A_616 = arith.addf %mul3A_610, %mul3A_615 : vector<16xf32>
          %get3A_617 = arith.index_cast %add3A_573 : i32 to index
          %get3A_618 = arith.constant 32 : index
          %get3A_619 = tpu.vector_load %arg13[%get3A_617, %get3A_618] {strides = array<i32>} : memref<80x128xf32, #tpu.memory_space<vmem>>, vector<1x16xf32>,
          %get3A_620 = vector.shape_cast %get3A_619 : vector<1x16xf32> to vector<16xf32>
          %mul3A_621 = arith.mulf %get3A_585, %get3A_620 : vector<16xf32>
          %add3A_622 = arith.addf %add3A_616, %mul3A_621 : vector<16xf32>
          %get3A_623 = arith.index_cast %add3A_573 : i32 to index
          %get3A_624 = arith.constant 48 : index
          %get3A_625 = tpu.vector_load %arg13[%get3A_623, %get3A_624] {strides = array<i32>} : memref<80x128xf32, #tpu.memory_space<vmem>>, vector<1x16xf32>,
          %get3A_626 = vector.shape_cast %get3A_625 : vector<1x16xf32> to vector<16xf32>
          %mul3A_627 = arith.mulf %get3A_589, %get3A_626 : vector<16xf32>
          %add3A_628 = arith.addf %add3A_622, %mul3A_627 : vector<16xf32>
          %get3A_629 = arith.index_cast %add3A_573 : i32 to index
          %get3A_630 = arith.constant 64 : index
          %get3A_631 = tpu.vector_load %arg13[%get3A_629, %get3A_630] {strides = array<i32>} : memref<80x128xf32, #tpu.memory_space<vmem>>, vector<1x16xf32>,
          %get3A_632 = vector.shape_cast %get3A_631 : vector<1x16xf32> to vector<16xf32>
          %mul3A_633 = arith.mulf %get3A_593, %get3A_632 : vector<16xf32>
          %add3A_634 = arith.addf %add3A_628, %mul3A_633 : vector<16xf32>
          %get3A_635 = arith.index_cast %add3A_573 : i32 to index
          %get3A_636 = arith.constant 80 : index
          %get3A_637 = tpu.vector_load %arg13[%get3A_635, %get3A_636] {strides = array<i32>} : memref<80x128xf32, #tpu.memory_space<vmem>>, vector<1x16xf32>,
          %get3A_638 = vector.shape_cast %get3A_637 : vector<1x16xf32> to vector<16xf32>
          %mul3A_639 = arith.mulf %get3A_597, %get3A_638 : vector<16xf32>
          %add3A_640 = arith.addf %add3A_634, %mul3A_639 : vector<16xf32>
          %get3A_641 = arith.index_cast %add3A_573 : i32 to index
          %get3A_642 = arith.constant 96 : index
          %get3A_643 = tpu.vector_load %arg13[%get3A_641, %get3A_642] {strides = array<i32>} : memref<80x128xf32, #tpu.memory_space<vmem>>, vector<1x16xf32>,
          %get3A_644 = vector.shape_cast %get3A_643 : vector<1x16xf32> to vector<16xf32>
          %mul3A_645 = arith.mulf %get3A_601, %get3A_644 : vector<16xf32>
          %add3A_646 = arith.addf %add3A_640, %mul3A_645 : vector<16xf32>
          %get3A_647 = arith.index_cast %add3A_573 : i32 to index
          %get3A_648 = arith.constant 112 : index
          %get3A_649 = tpu.vector_load %arg13[%get3A_647, %get3A_648] {strides = array<i32>} : memref<80x128xf32, #tpu.memory_space<vmem>>, vector<1x16xf32>,
          %get3A_650 = vector.shape_cast %get3A_649 : vector<1x16xf32> to vector<16xf32>
          %mul3A_651 = arith.mulf %get3A_605, %get3A_650 : vector<16xf32>
          %add3A_652 = arith.addf %add3A_646, %mul3A_651 : vector<16xf32>
          %broadcast_in_dim3A_653 = vector.shape_cast %and3A_74 : vector<16xi32> to vector<16x1xi32>
          %gather3A = vector.shape_cast %broadcast_in_dim3A_653 : vector<16x1xi32> to vector<16xi32>
          %gather3A_654 = tpu.dynamic_gather %add3A_652[%gather3A] in [0] : vector<16xf32>, vector<16xi32> -> vector<16xf32>
          %add3A_655 = arith.addf %add3A_652, %gather3A_654 : vector<16xf32>
          %broadcast_in_dim3A_656 = vector.shape_cast %and3A_80 : vector<16xi32> to vector<16x1xi32>
          %gather3A_657 = vector.shape_cast %broadcast_in_dim3A_656 : vector<16x1xi32> to vector<16xi32>
          %gather3A_658 = tpu.dynamic_gather %add3A_655[%gather3A_657] in [0] : vector<16xf32>, vector<16xi32> -> vector<16xf32>
          %add3A_659 = arith.addf %add3A_655, %gather3A_658 : vector<16xf32>
          %broadcast_in_dim3A_660 = vector.shape_cast %and3A_86 : vector<16xi32> to vector<16x1xi32>
          %gather3A_661 = vector.shape_cast %broadcast_in_dim3A_660 : vector<16x1xi32> to vector<16xi32>
          %gather3A_662 = tpu.dynamic_gather %add3A_659[%gather3A_661] in [0] : vector<16xf32>, vector<16xi32> -> vector<16xf32>
          %add3A_663 = arith.addf %add3A_659, %gather3A_662 : vector<16xf32>
          %broadcast_in_dim3A_664 = vector.shape_cast %and3A_92 : vector<16xi32> to vector<16x1xi32>
          %gather3A_665 = vector.shape_cast %broadcast_in_dim3A_664 : vector<16x1xi32> to vector<16xi32>
          %gather3A_666 = tpu.dynamic_gather %add3A_663[%gather3A_665] in [0] : vector<16xf32>, vector<16xi32> -> vector<16xf32>
          %add3A_667 = arith.addf %add3A_663, %gather3A_666 : vector<16xf32>
          %min3A_668 = arith.constant 8.000000e+01 : f32
          %min3A_669 = vector.broadcast %min3A_668 : f32 to vector<16xf32>
          %min3A_670 = arith.minimumf %add3A_667, %min3A_669 : vector<16xf32>
          %exp3A = math.exp %min3A_670 : vector<16xf32>
          %mul3A_671 = arith.mulf %get3A_577, %exp3A : vector<16xf32>
          %swap3A_672 = arith.index_cast %add3A_573 : i32 to index
          %swap3A_673 = arith.constant 0 : index
          %swap3A_674 = tpu.vector_load %arg11[%swap3A_672, %swap3A_673] {strides = array<i32>} : memref<80x128xf32, #tpu.memory_space<vmem>>, vector<1x16xf32>,
          %swap3A_675 = vector.shape_cast %swap3A_674 : vector<1x16xf32> to vector<16xf32>
          %swap3A_676 = vector.shape_cast %mul3A_671 : vector<16xf32> to vector<1x16xf32>
          tpu.vector_store %arg11[%swap3A_672, %swap3A_673], %swap3A_676 {strides = array<i32>} : memref<80x128xf32, #tpu.memory_space<vmem>>, vector<1x16xf32>,
          %mul3A_677 = arith.mulf %get3A_581, %exp3A : vector<16xf32>
          %swap3A_678 = arith.index_cast %add3A_573 : i32 to index
          %swap3A_679 = arith.constant 16 : index
          %swap3A_680 = tpu.vector_load %arg11[%swap3A_678, %swap3A_679] {strides = array<i32>} : memref<80x128xf32, #tpu.memory_space<vmem>>, vector<1x16xf32>,
          %swap3A_681 = vector.shape_cast %swap3A_680 : vector<1x16xf32> to vector<16xf32>
          %swap3A_682 = vector.shape_cast %mul3A_677 : vector<16xf32> to vector<1x16xf32>
          tpu.vector_store %arg11[%swap3A_678, %swap3A_679], %swap3A_682 {strides = array<i32>} : memref<80x128xf32, #tpu.memory_space<vmem>>, vector<1x16xf32>,
          %mul3A_683 = arith.mulf %get3A_585, %exp3A : vector<16xf32>
          %swap3A_684 = arith.index_cast %add3A_573 : i32 to index
          %swap3A_685 = arith.constant 32 : index
          %swap3A_686 = tpu.vector_load %arg11[%swap3A_684, %swap3A_685] {strides = array<i32>} : memref<80x128xf32, #tpu.memory_space<vmem>>, vector<1x16xf32>,
          %swap3A_687 = vector.shape_cast %swap3A_686 : vector<1x16xf32> to vector<16xf32>
          %swap3A_688 = vector.shape_cast %mul3A_683 : vector<16xf32> to vector<1x16xf32>
          tpu.vector_store %arg11[%swap3A_684, %swap3A_685], %swap3A_688 {strides = array<i32>} : memref<80x128xf32, #tpu.memory_space<vmem>>, vector<1x16xf32>,
          %mul3A_689 = arith.mulf %get3A_589, %exp3A : vector<16xf32>
          %swap3A_690 = arith.index_cast %add3A_573 : i32 to index
          %swap3A_691 = arith.constant 48 : index
          %swap3A_692 = tpu.vector_load %arg11[%swap3A_690, %swap3A_691] {strides = array<i32>} : memref<80x128xf32, #tpu.memory_space<vmem>>, vector<1x16xf32>,
          %swap3A_693 = vector.shape_cast %swap3A_692 : vector<1x16xf32> to vector<16xf32>
          %swap3A_694 = vector.shape_cast %mul3A_689 : vector<16xf32> to vector<1x16xf32>
          tpu.vector_store %arg11[%swap3A_690, %swap3A_691], %swap3A_694 {strides = array<i32>} : memref<80x128xf32, #tpu.memory_space<vmem>>, vector<1x16xf32>,
          %mul3A_695 = arith.mulf %get3A_593, %exp3A : vector<16xf32>
          %swap3A_696 = arith.index_cast %add3A_573 : i32 to index
          %swap3A_697 = arith.constant 64 : index
          %swap3A_698 = tpu.vector_load %arg11[%swap3A_696, %swap3A_697] {strides = array<i32>} : memref<80x128xf32, #tpu.memory_space<vmem>>, vector<1x16xf32>,
          %swap3A_699 = vector.shape_cast %swap3A_698 : vector<1x16xf32> to vector<16xf32>
          %swap3A_700 = vector.shape_cast %mul3A_695 : vector<16xf32> to vector<1x16xf32>
          tpu.vector_store %arg11[%swap3A_696, %swap3A_697], %swap3A_700 {strides = array<i32>} : memref<80x128xf32, #tpu.memory_space<vmem>>, vector<1x16xf32>,
          %mul3A_701 = arith.mulf %get3A_597, %exp3A : vector<16xf32>
          %swap3A_702 = arith.index_cast %add3A_573 : i32 to index
          %swap3A_703 = arith.constant 80 : index
          %swap3A_704 = tpu.vector_load %arg11[%swap3A_702, %swap3A_703] {strides = array<i32>} : memref<80x128xf32, #tpu.memory_space<vmem>>, vector<1x16xf32>,
          %swap3A_705 = vector.shape_cast %swap3A_704 : vector<1x16xf32> to vector<16xf32>
          %swap3A_706 = vector.shape_cast %mul3A_701 : vector<16xf32> to vector<1x16xf32>
          tpu.vector_store %arg11[%swap3A_702, %swap3A_703], %swap3A_706 {strides = array<i32>} : memref<80x128xf32, #tpu.memory_space<vmem>>, vector<1x16xf32>,
          %mul3A_707 = arith.mulf %get3A_601, %exp3A : vector<16xf32>
          %swap3A_708 = arith.index_cast %add3A_573 : i32 to index
          %swap3A_709 = arith.constant 96 : index
          %swap3A_710 = tpu.vector_load %arg11[%swap3A_708, %swap3A_709] {strides = array<i32>} : memref<80x128xf32, #tpu.memory_space<vmem>>, vector<1x16xf32>,
          %swap3A_711 = vector.shape_cast %swap3A_710 : vector<1x16xf32> to vector<16xf32>
          %swap3A_712 = vector.shape_cast %mul3A_707 : vector<16xf32> to vector<1x16xf32>
          tpu.vector_store %arg11[%swap3A_708, %swap3A_709], %swap3A_712 {strides = array<i32>} : memref<80x128xf32, #tpu.memory_space<vmem>>, vector<1x16xf32>,
          %mul3A_713 = arith.mulf %get3A_605, %exp3A : vector<16xf32>
          %swap3A_714 = arith.index_cast %add3A_573 : i32 to index
          %swap3A_715 = arith.constant 112 : index
          %swap3A_716 = tpu.vector_load %arg11[%swap3A_714, %swap3A_715] {strides = array<i32>} : memref<80x128xf32, #tpu.memory_space<vmem>>, vector<1x16xf32>,
          %swap3A_717 = vector.shape_cast %swap3A_716 : vector<1x16xf32> to vector<16xf32>
          %swap3A_718 = vector.shape_cast %mul3A_713 : vector<16xf32> to vector<1x16xf32>
          tpu.vector_store %arg11[%swap3A_714, %swap3A_715], %swap3A_718 {strides = array<i32>} : memref<80x128xf32, #tpu.memory_space<vmem>>, vector<1x16xf32>,
          %eq3A = vector.broadcast %scan3A_571 : i32 to vector<16xi32>
          %eq3A_719 = arith.cmpi eq, %iota3A, %eq3A : vector<16xi32>
          %select_n3A = arith.select %eq3A_719, %exp3A, %scan3A_572 : vector<16xi1>, vector<16xf32>
          scf.yield %select_n3A : vector<16xf32>
        }
        %scan3A_566 = arith.constant 16 : i32
        %swap3A_567 = arith.index_cast %mul3A_558 : i32 to index
        %swap3A_568 = tpu.vector_load %arg15[%swap3A_567] {strides = array<i32>} : memref<80xf32, #tpu.memory_space<vmem>>, vector<16xf32>,
        %swap3A_569 = vector.shape_cast %swap3A_568 : vector<16xf32> to vector<16xf32>
        %swap3A_570 = vector.shape_cast %scan3A_565 : vector<16xf32> to vector<16xf32>
        tpu.vector_store %arg15[%swap3A_567], %swap3A_570 {strides = array<i32>} : memref<80xf32, #tpu.memory_space<vmem>>, vector<16xf32>,
      }
      %scan3A_417 = arith.constant 5 : i32
      %get3A_418 = arith.constant 0 : index
      %get3A_419 = tpu.vector_load %arg7[%get3A_418] {strides = array<i32>} : memref<80xi32, #tpu.memory_space<vmem>>, vector<16xi32>,
      %get3A_420 = vector.shape_cast %get3A_419 : vector<16xi32> to vector<16xi32>
      %swap3A_421 = arith.constant 0 : index
      %swap3A_422 = tpu.vector_load %arg9[%swap3A_421] {strides = array<i32>} : memref<80xi32, #tpu.memory_space<vmem>>, vector<16xi32>,
      %swap3A_423 = vector.shape_cast %swap3A_422 : vector<16xi32> to vector<16xi32>
      %swap3A_424 = vector.shape_cast %get3A_420 : vector<16xi32> to vector<16xi32>
      tpu.vector_store %arg9[%swap3A_421], %swap3A_424 {strides = array<i32>} : memref<80xi32, #tpu.memory_space<vmem>>, vector<16xi32>,
      %get3A_425 = arith.constant 16 : index
      %get3A_426 = tpu.vector_load %arg7[%get3A_425] {strides = array<i32>} : memref<80xi32, #tpu.memory_space<vmem>>, vector<16xi32>,
      %get3A_427 = vector.shape_cast %get3A_426 : vector<16xi32> to vector<16xi32>
      %swap3A_428 = arith.constant 16 : index
      %swap3A_429 = tpu.vector_load %arg9[%swap3A_428] {strides = array<i32>} : memref<80xi32, #tpu.memory_space<vmem>>, vector<16xi32>,
      %swap3A_430 = vector.shape_cast %swap3A_429 : vector<16xi32> to vector<16xi32>
      %swap3A_431 = vector.shape_cast %get3A_427 : vector<16xi32> to vector<16xi32>
      tpu.vector_store %arg9[%swap3A_428], %swap3A_431 {strides = array<i32>} : memref<80xi32, #tpu.memory_space<vmem>>, vector<16xi32>,
      %get3A_432 = arith.constant 32 : index
      %get3A_433 = tpu.vector_load %arg7[%get3A_432] {strides = array<i32>} : memref<80xi32, #tpu.memory_space<vmem>>, vector<16xi32>,
      %get3A_434 = vector.shape_cast %get3A_433 : vector<16xi32> to vector<16xi32>
      %swap3A_435 = arith.constant 32 : index
      %swap3A_436 = tpu.vector_load %arg9[%swap3A_435] {strides = array<i32>} : memref<80xi32, #tpu.memory_space<vmem>>, vector<16xi32>,
      %swap3A_437 = vector.shape_cast %swap3A_436 : vector<16xi32> to vector<16xi32>
      %swap3A_438 = vector.shape_cast %get3A_434 : vector<16xi32> to vector<16xi32>
      tpu.vector_store %arg9[%swap3A_435], %swap3A_438 {strides = array<i32>} : memref<80xi32, #tpu.memory_space<vmem>>, vector<16xi32>,
      %get3A_439 = arith.constant 48 : index
      %get3A_440 = tpu.vector_load %arg7[%get3A_439] {strides = array<i32>} : memref<80xi32, #tpu.memory_space<vmem>>, vector<16xi32>,
      %get3A_441 = vector.shape_cast %get3A_440 : vector<16xi32> to vector<16xi32>
      %swap3A_442 = arith.constant 48 : index
      %swap3A_443 = tpu.vector_load %arg9[%swap3A_442] {strides = array<i32>} : memref<80xi32, #tpu.memory_space<vmem>>, vector<16xi32>,
      %swap3A_444 = vector.shape_cast %swap3A_443 : vector<16xi32> to vector<16xi32>
      %swap3A_445 = vector.shape_cast %get3A_441 : vector<16xi32> to vector<16xi32>
      tpu.vector_store %arg9[%swap3A_442], %swap3A_445 {strides = array<i32>} : memref<80xi32, #tpu.memory_space<vmem>>, vector<16xi32>,
      %get3A_446 = arith.constant 64 : index
      %get3A_447 = tpu.vector_load %arg7[%get3A_446] {strides = array<i32>} : memref<80xi32, #tpu.memory_space<vmem>>, vector<16xi32>,
      %get3A_448 = vector.shape_cast %get3A_447 : vector<16xi32> to vector<16xi32>
      %swap3A_449 = arith.constant 64 : index
      %swap3A_450 = tpu.vector_load %arg9[%swap3A_449] {strides = array<i32>} : memref<80xi32, #tpu.memory_space<vmem>>, vector<16xi32>,
      %swap3A_451 = vector.shape_cast %swap3A_450 : vector<16xi32> to vector<16xi32>
      %swap3A_452 = vector.shape_cast %get3A_448 : vector<16xi32> to vector<16xi32>
      tpu.vector_store %arg9[%swap3A_449], %swap3A_452 {strides = array<i32>} : memref<80xi32, #tpu.memory_space<vmem>>, vector<16xi32>,
      %dma_start3A_453 = arith.constant 0 : i32
      %dma_start3A_454 = tpu.memref_slice %arg18[%dma_start3A_453] : memref<10240xf32, #tpu.memory_space<vmem_shared>> -> memref<10240xf32, #tpu.memory_space<vmem_shared>>
      tpu.enqueue_indirect_dma source(%arg15 : memref<80xf32, #tpu.memory_space<vmem>>) target(%dma_start3A_454 : memref<10240xf32, #tpu.memory_space<vmem_shared>>) offsets(%arg9 : memref<80xi32, #tpu.memory_space<vmem>>) semaphore(%arg25 : memref<!tpu.dma_semaphore, #tpu.memory_space<semaphore_mem>>) {add = true}
      %dma_start3A_455 = arith.constant 0 : i32
      %dma_start3A_456 = arith.constant 0 : i32
      %dma_start3A_457 = tpu.memref_slice %arg17[%dma_start3A_455, %dma_start3A_456] : memref<10240x128xf32, #tpu.memory_space<vmem_shared>> -> memref<10240x128xf32, #tpu.memory_space<vmem_shared>>
      tpu.enqueue_indirect_dma source(%arg11 : memref<80x128xf32, #tpu.memory_space<vmem>>) target(%dma_start3A_457 : memref<10240x128xf32, #tpu.memory_space<vmem_shared>>) offsets(%arg9 : memref<80xi32, #tpu.memory_space<vmem>>) semaphore(%arg27 : memref<!tpu.dma_semaphore, #tpu.memory_space<semaphore_mem>>) {add = true}
      %add3A_458 = arith.constant 2 : i32
      %add3A_459 = arith.addi %add3A_381, %add3A_458 : i32
      %min3A_460 = arith.constant 124 : i32
      %min3A_461 = arith.minsi %add3A_459, %min3A_460 : i32
      %mul3A_462 = arith.constant 80 : i32
      %mul3A_463 = arith.muli %min3A_461, %mul3A_462 : i32
      %add3A_464 = arith.addi %mul3A_69, %mul3A_463 : i32
      %dma_start3A_465 = tpu.memref_slice %arg4[%add3A_464] : memref<320000xi32, #tpu.memory_space<hbm>> -> memref<80xi32, #tpu.memory_space<hbm>>
      %dma_start3A_466 = tpu.memref_slice %arg4[%add3A_464] : memref<320000xi32, #tpu.memory_space<hbm>> -> memref<80xi32, #tpu.memory_space<hbm>>
      tpu.enqueue_dma source(%dma_start3A_466 : memref<80xi32, #tpu.memory_space<hbm>>) target(%arg7 : memref<80xi32, #tpu.memory_space<vmem>>) target_semaphore(%arg19 : memref<!tpu.dma_semaphore, #tpu.memory_space<semaphore_mem>>)
      %mul3A_467 = arith.constant 2 : i32
      %mul3A_468 = arith.muli %scan3A_377, %mul3A_467 : i32
      %add3A_469 = arith.constant 1 : i32
      %add3A_470 = arith.addi %mul3A_468, %add3A_469 : i32
      %dma_wait3A_471 = arith.constant 0 : i32
      %dma_wait3A_472 = tpu.memref_slice %arg18[%dma_wait3A_471] : memref<10240xf32, #tpu.memory_space<vmem_shared>> -> memref<10240xf32, #tpu.memory_space<vmem_shared>>
      tpu.wait_indirect_dma semaphore(%arg25 : memref<!tpu.dma_semaphore, #tpu.memory_space<semaphore_mem>>) src(%arg15 : memref<80xf32, #tpu.memory_space<vmem>>) dst(%dma_wait3A_472 : memref<10240xf32, #tpu.memory_space<vmem_shared>>)
      %dma_wait3A_473 = arith.constant 0 : i32
      %dma_wait3A_474 = arith.constant 0 : i32
      %dma_wait3A_475 = tpu.memref_slice %arg17[%dma_wait3A_473, %dma_wait3A_474] : memref<10240x128xf32, #tpu.memory_space<vmem_shared>> -> memref<10240x128xf32, #tpu.memory_space<vmem_shared>>
      tpu.wait_indirect_dma semaphore(%arg27 : memref<!tpu.dma_semaphore, #tpu.memory_space<semaphore_mem>>) src(%arg11 : memref<80x128xf32, #tpu.memory_space<vmem>>) dst(%dma_wait3A_475 : memref<10240x128xf32, #tpu.memory_space<vmem_shared>>)
      %dma_wait3A_476 = arith.constant 0 : i32
      %dma_wait3A_477 = arith.constant 0 : i32
      %dma_wait3A_478 = tpu.memref_slice %arg2[%dma_wait3A_476, %dma_wait3A_477] : memref<10000x128xf32, #tpu.memory_space<hbm>> -> memref<10000x128xf32, #tpu.memory_space<hbm>>
      tpu.wait_indirect_dma semaphore(%arg22 : memref<!tpu.dma_semaphore, #tpu.memory_space<semaphore_mem>>) src(%dma_wait3A_478 : memref<10000x128xf32, #tpu.memory_space<hbm>>) dst(%arg14 : memref<80x128xf32, #tpu.memory_space<vmem>>)
      %dma_wait3A_479 = arith.constant 0 : i32
      %dma_wait3A_480 = arith.constant 0 : i32
      %dma_wait3A_481 = tpu.memref_slice %arg3[%dma_wait3A_479, %dma_wait3A_480] : memref<320000x128xf32, #tpu.memory_space<hbm>> -> memref<80x128xf32, #tpu.memory_space<hbm>>
      %dma_wait3A_482 = arith.constant 0 : i32
      %dma_wait3A_483 = arith.constant 0 : i32
      %dma_wait3A_484 = tpu.memref_slice %arg3[%dma_wait3A_482, %dma_wait3A_483] : memref<320000x128xf32, #tpu.memory_space<hbm>> -> memref<80x128xf32, #tpu.memory_space<hbm>>
      tpu.wait_dma2 semaphore(%arg24 : memref<!tpu.dma_semaphore, #tpu.memory_space<semaphore_mem>>) src(%dma_wait3A_484 : memref<80x128xf32, #tpu.memory_space<hbm>>) dst(%arg12 : memref<80x128xf32, #tpu.memory_space<vmem>>)
      %dma_wait3A_485 = arith.constant 0 : i32
      %dma_wait3A_486 = tpu.memref_slice %arg4[%dma_wait3A_485] : memref<320000xi32, #tpu.memory_space<hbm>> -> memref<80xi32, #tpu.memory_space<hbm>>
      %dma_wait3A_487 = arith.constant 0 : i32
      %dma_wait3A_488 = tpu.memref_slice %arg4[%dma_wait3A_487] : memref<320000xi32, #tpu.memory_space<hbm>> -> memref<80xi32, #tpu.memory_space<hbm>>
      tpu.wait_dma2 semaphore(%arg19 : memref<!tpu.dma_semaphore, #tpu.memory_space<semaphore_mem>>) src(%dma_wait3A_488 : memref<80xi32, #tpu.memory_space<hbm>>) dst(%arg7 : memref<80xi32, #tpu.memory_space<vmem>>)
      %add3A_489 = arith.constant 1 : i32
      %add3A_490 = arith.addi %add3A_470, %add3A_489 : i32
      %dma_start3A_491 = arith.constant 0 : i32
      %dma_start3A_492 = arith.constant 0 : i32
      %dma_start3A_493 = tpu.memref_slice %arg2[%dma_start3A_491, %dma_start3A_492] : memref<10000x128xf32, #tpu.memory_space<hbm>> -> memref<10000x128xf32, #tpu.memory_space<hbm>>
      tpu.enqueue_indirect_dma source(%dma_start3A_493 : memref<10000x128xf32, #tpu.memory_space<hbm>>) target(%arg13 : memref<80x128xf32, #tpu.memory_space<vmem>>) offsets(%arg7 : memref<80xi32, #tpu.memory_space<vmem>>) semaphore(%arg21 : memref<!tpu.dma_semaphore, #tpu.memory_space<semaphore_mem>>)
      %mul3A_494 = arith.constant 80 : i32
      %mul3A_495 = arith.muli %add3A_490, %mul3A_494 : i32
      %add3A_496 = arith.addi %mul3A_69, %mul3A_495 : i32
      %dma_start3A_497 = arith.constant 0 : i32
      %dma_start3A_498 = tpu.memref_slice %arg3[%add3A_496, %dma_start3A_497] : memref<320000x128xf32, #tpu.memory_space<hbm>> -> memref<80x128xf32, #tpu.memory_space<hbm>>
      %dma_start3A_499 = arith.constant 0 : i32
      %dma_start3A_500 = tpu.memref_slice %arg3[%add3A_496, %dma_start3A_499] : memref<320000x128xf32, #tpu.memory_space<hbm>> -> memref<80x128xf32, #tpu.memory_space<hbm>>
      tpu.enqueue_dma source(%dma_start3A_500 : memref<80x128xf32, #tpu.memory_space<hbm>>) target(%arg11 : memref<80x128xf32, #tpu.memory_space<vmem>>) target_semaphore(%arg23 : memref<!tpu.dma_semaphore, #tpu.memory_space<semaphore_mem>>)
      %scan3A_501 = arith.constant 0 : i32
      %scan3A_502 = arith.constant 0 : i32
      %scan3A_503 = arith.constant 5 : i32
      %scan3A_504 = arith.addi %scan3A_502, %scan3A_503 : i32
      %scan3A_505 = arith.constant 1 : i32
      scf.for %scan3A_556 = %scan3A_502 to %scan3A_504 step %scan3A_505  : i32 {
        %mul3A_557 = arith.constant 16 : i32
        %mul3A_558 = arith.muli %scan3A_556, %mul3A_557 : i32
        %broadcast_in_dim3A_559 = arith.constant 0.000000e+00 : f32
        %broadcast_in_dim3A_560 = vector.broadcast %broadcast_in_dim3A_559 : f32 to vector<16xf32>
        %scan3A_561 = arith.constant 0 : i32
        %scan3A_562 = arith.constant 16 : i32
        %scan3A_563 = arith.addi %scan3A_561, %scan3A_562 : i32
        %scan3A_564 = arith.constant 1 : i32
        %scan3A_565 = scf.for %scan3A_571 = %scan3A_561 to %scan3A_563 step %scan3A_564 iter_args(%scan3A_572 = %broadcast_in_dim3A_560) -> (vector<16xf32>)  : i32 {
          %add3A_573 = arith.addi %mul3A_558, %scan3A_571 : i32
          %get3A_574 = arith.index_cast %add3A_573 : i32 to index
          %get3A_575 = arith.constant 0 : index
          %get3A_576 = tpu.vector_load %arg12[%get3A_574, %get3A_575] {strides = array<i32>} : memref<80x128xf32, #tpu.memory_space<vmem>>, vector<1x16xf32>,
          %get3A_577 = vector.shape_cast %get3A_576 : vector<1x16xf32> to vector<16xf32>
          %get3A_578 = arith.index_cast %add3A_573 : i32 to index
          %get3A_579 = arith.constant 16 : index
          %get3A_580 = tpu.vector_load %arg12[%get3A_578, %get3A_579] {strides = array<i32>} : memref<80x128xf32, #tpu.memory_space<vmem>>, vector<1x16xf32>,
          %get3A_581 = vector.shape_cast %get3A_580 : vector<1x16xf32> to vector<16xf32>
          %get3A_582 = arith.index_cast %add3A_573 : i32 to index
          %get3A_583 = arith.constant 32 : index
          %get3A_584 = tpu.vector_load %arg12[%get3A_582, %get3A_583] {strides = array<i32>} : memref<80x128xf32, #tpu.memory_space<vmem>>, vector<1x16xf32>,
          %get3A_585 = vector.shape_cast %get3A_584 : vector<1x16xf32> to vector<16xf32>
          %get3A_586 = arith.index_cast %add3A_573 : i32 to index
          %get3A_587 = arith.constant 48 : index
          %get3A_588 = tpu.vector_load %arg12[%get3A_586, %get3A_587] {strides = array<i32>} : memref<80x128xf32, #tpu.memory_space<vmem>>, vector<1x16xf32>,
          %get3A_589 = vector.shape_cast %get3A_588 : vector<1x16xf32> to vector<16xf32>
          %get3A_590 = arith.index_cast %add3A_573 : i32 to index
          %get3A_591 = arith.constant 64 : index
          %get3A_592 = tpu.vector_load %arg12[%get3A_590, %get3A_591] {strides = array<i32>} : memref<80x128xf32, #tpu.memory_space<vmem>>, vector<1x16xf32>,
          %get3A_593 = vector.shape_cast %get3A_592 : vector<1x16xf32> to vector<16xf32>
          %get3A_594 = arith.index_cast %add3A_573 : i32 to index
          %get3A_595 = arith.constant 80 : index
          %get3A_596 = tpu.vector_load %arg12[%get3A_594, %get3A_595] {strides = array<i32>} : memref<80x128xf32, #tpu.memory_space<vmem>>, vector<1x16xf32>,
          %get3A_597 = vector.shape_cast %get3A_596 : vector<1x16xf32> to vector<16xf32>
          %get3A_598 = arith.index_cast %add3A_573 : i32 to index
          %get3A_599 = arith.constant 96 : index
          %get3A_600 = tpu.vector_load %arg12[%get3A_598, %get3A_599] {strides = array<i32>} : memref<80x128xf32, #tpu.memory_space<vmem>>, vector<1x16xf32>,
          %get3A_601 = vector.shape_cast %get3A_600 : vector<1x16xf32> to vector<16xf32>
          %get3A_602 = arith.index_cast %add3A_573 : i32 to index
          %get3A_603 = arith.constant 112 : index
          %get3A_604 = tpu.vector_load %arg12[%get3A_602, %get3A_603] {strides = array<i32>} : memref<80x128xf32, #tpu.memory_space<vmem>>, vector<1x16xf32>,
          %get3A_605 = vector.shape_cast %get3A_604 : vector<1x16xf32> to vector<16xf32>
          %get3A_606 = arith.index_cast %add3A_573 : i32 to index
          %get3A_607 = arith.constant 0 : index
          %get3A_608 = tpu.vector_load %arg14[%get3A_606, %get3A_607] {strides = array<i32>} : memref<80x128xf32, #tpu.memory_space<vmem>>, vector<1x16xf32>,
          %get3A_609 = vector.shape_cast %get3A_608 : vector<1x16xf32> to vector<16xf32>
          %mul3A_610 = arith.mulf %get3A_577, %get3A_609 : vector<16xf32>
          %get3A_611 = arith.index_cast %add3A_573 : i32 to index
          %get3A_612 = arith.constant 16 : index
          %get3A_613 = tpu.vector_load %arg14[%get3A_611, %get3A_612] {strides = array<i32>} : memref<80x128xf32, #tpu.memory_space<vmem>>, vector<1x16xf32>,
          %get3A_614 = vector.shape_cast %get3A_613 : vector<1x16xf32> to vector<16xf32>
          %mul3A_615 = arith.mulf %get3A_581, %get3A_614 : vector<16xf32>
          %add3A_616 = arith.addf %mul3A_610, %mul3A_615 : vector<16xf32>
          %get3A_617 = arith.index_cast %add3A_573 : i32 to index
          %get3A_618 = arith.constant 32 : index
          %get3A_619 = tpu.vector_load %arg14[%get3A_617, %get3A_618] {strides = array<i32>} : memref<80x128xf32, #tpu.memory_space<vmem>>, vector<1x16xf32>,
          %get3A_620 = vector.shape_cast %get3A_619 : vector<1x16xf32> to vector<16xf32>
          %mul3A_621 = arith.mulf %get3A_585, %get3A_620 : vector<16xf32>
          %add3A_622 = arith.addf %add3A_616, %mul3A_621 : vector<16xf32>
          %get3A_623 = arith.index_cast %add3A_573 : i32 to index
          %get3A_624 = arith.constant 48 : index
          %get3A_625 = tpu.vector_load %arg14[%get3A_623, %get3A_624] {strides = array<i32>} : memref<80x128xf32, #tpu.memory_space<vmem>>, vector<1x16xf32>,
          %get3A_626 = vector.shape_cast %get3A_625 : vector<1x16xf32> to vector<16xf32>
          %mul3A_627 = arith.mulf %get3A_589, %get3A_626 : vector<16xf32>
          %add3A_628 = arith.addf %add3A_622, %mul3A_627 : vector<16xf32>
          %get3A_629 = arith.index_cast %add3A_573 : i32 to index
          %get3A_630 = arith.constant 64 : index
          %get3A_631 = tpu.vector_load %arg14[%get3A_629, %get3A_630] {strides = array<i32>} : memref<80x128xf32, #tpu.memory_space<vmem>>, vector<1x16xf32>,
          %get3A_632 = vector.shape_cast %get3A_631 : vector<1x16xf32> to vector<16xf32>
          %mul3A_633 = arith.mulf %get3A_593, %get3A_632 : vector<16xf32>
          %add3A_634 = arith.addf %add3A_628, %mul3A_633 : vector<16xf32>
          %get3A_635 = arith.index_cast %add3A_573 : i32 to index
          %get3A_636 = arith.constant 80 : index
          %get3A_637 = tpu.vector_load %arg14[%get3A_635, %get3A_636] {strides = array<i32>} : memref<80x128xf32, #tpu.memory_space<vmem>>, vector<1x16xf32>,
          %get3A_638 = vector.shape_cast %get3A_637 : vector<1x16xf32> to vector<16xf32>
          %mul3A_639 = arith.mulf %get3A_597, %get3A_638 : vector<16xf32>
          %add3A_640 = arith.addf %add3A_634, %mul3A_639 : vector<16xf32>
          %get3A_641 = arith.index_cast %add3A_573 : i32 to index
          %get3A_642 = arith.constant 96 : index
          %get3A_643 = tpu.vector_load %arg14[%get3A_641, %get3A_642] {strides = array<i32>} : memref<80x128xf32, #tpu.memory_space<vmem>>, vector<1x16xf32>,
          %get3A_644 = vector.shape_cast %get3A_643 : vector<1x16xf32> to vector<16xf32>
          %mul3A_645 = arith.mulf %get3A_601, %get3A_644 : vector<16xf32>
          %add3A_646 = arith.addf %add3A_640, %mul3A_645 : vector<16xf32>
          %get3A_647 = arith.index_cast %add3A_573 : i32 to index
          %get3A_648 = arith.constant 112 : index
          %get3A_649 = tpu.vector_load %arg14[%get3A_647, %get3A_648] {strides = array<i32>} : memref<80x128xf32, #tpu.memory_space<vmem>>, vector<1x16xf32>,
          %get3A_650 = vector.shape_cast %get3A_649 : vector<1x16xf32> to vector<16xf32>
          %mul3A_651 = arith.mulf %get3A_605, %get3A_650 : vector<16xf32>
          %add3A_652 = arith.addf %add3A_646, %mul3A_651 : vector<16xf32>
          %broadcast_in_dim3A_653 = vector.shape_cast %and3A_74 : vector<16xi32> to vector<16x1xi32>
          %gather3A = vector.shape_cast %broadcast_in_dim3A_653 : vector<16x1xi32> to vector<16xi32>
          %gather3A_654 = tpu.dynamic_gather %add3A_652[%gather3A] in [0] : vector<16xf32>, vector<16xi32> -> vector<16xf32>
          %add3A_655 = arith.addf %add3A_652, %gather3A_654 : vector<16xf32>
          %broadcast_in_dim3A_656 = vector.shape_cast %and3A_80 : vector<16xi32> to vector<16x1xi32>
          %gather3A_657 = vector.shape_cast %broadcast_in_dim3A_656 : vector<16x1xi32> to vector<16xi32>
          %gather3A_658 = tpu.dynamic_gather %add3A_655[%gather3A_657] in [0] : vector<16xf32>, vector<16xi32> -> vector<16xf32>
          %add3A_659 = arith.addf %add3A_655, %gather3A_658 : vector<16xf32>
          %broadcast_in_dim3A_660 = vector.shape_cast %and3A_86 : vector<16xi32> to vector<16x1xi32>
          %gather3A_661 = vector.shape_cast %broadcast_in_dim3A_660 : vector<16x1xi32> to vector<16xi32>
          %gather3A_662 = tpu.dynamic_gather %add3A_659[%gather3A_661] in [0] : vector<16xf32>, vector<16xi32> -> vector<16xf32>
          %add3A_663 = arith.addf %add3A_659, %gather3A_662 : vector<16xf32>
          %broadcast_in_dim3A_664 = vector.shape_cast %and3A_92 : vector<16xi32> to vector<16x1xi32>
          %gather3A_665 = vector.shape_cast %broadcast_in_dim3A_664 : vector<16x1xi32> to vector<16xi32>
          %gather3A_666 = tpu.dynamic_gather %add3A_663[%gather3A_665] in [0] : vector<16xf32>, vector<16xi32> -> vector<16xf32>
          %add3A_667 = arith.addf %add3A_663, %gather3A_666 : vector<16xf32>
          %min3A_668 = arith.constant 8.000000e+01 : f32
          %min3A_669 = vector.broadcast %min3A_668 : f32 to vector<16xf32>
          %min3A_670 = arith.minimumf %add3A_667, %min3A_669 : vector<16xf32>
          %exp3A = math.exp %min3A_670 : vector<16xf32>
          %mul3A_671 = arith.mulf %get3A_577, %exp3A : vector<16xf32>
          %swap3A_672 = arith.index_cast %add3A_573 : i32 to index
          %swap3A_673 = arith.constant 0 : index
          %swap3A_674 = tpu.vector_load %arg12[%swap3A_672, %swap3A_673] {strides = array<i32>} : memref<80x128xf32, #tpu.memory_space<vmem>>, vector<1x16xf32>,
          %swap3A_675 = vector.shape_cast %swap3A_674 : vector<1x16xf32> to vector<16xf32>
          %swap3A_676 = vector.shape_cast %mul3A_671 : vector<16xf32> to vector<1x16xf32>
          tpu.vector_store %arg12[%swap3A_672, %swap3A_673], %swap3A_676 {strides = array<i32>} : memref<80x128xf32, #tpu.memory_space<vmem>>, vector<1x16xf32>,
          %mul3A_677 = arith.mulf %get3A_581, %exp3A : vector<16xf32>
          %swap3A_678 = arith.index_cast %add3A_573 : i32 to index
          %swap3A_679 = arith.constant 16 : index
          %swap3A_680 = tpu.vector_load %arg12[%swap3A_678, %swap3A_679] {strides = array<i32>} : memref<80x128xf32, #tpu.memory_space<vmem>>, vector<1x16xf32>,
          %swap3A_681 = vector.shape_cast %swap3A_680 : vector<1x16xf32> to vector<16xf32>
          %swap3A_682 = vector.shape_cast %mul3A_677 : vector<16xf32> to vector<1x16xf32>
          tpu.vector_store %arg12[%swap3A_678, %swap3A_679], %swap3A_682 {strides = array<i32>} : memref<80x128xf32, #tpu.memory_space<vmem>>, vector<1x16xf32>,
          %mul3A_683 = arith.mulf %get3A_585, %exp3A : vector<16xf32>
          %swap3A_684 = arith.index_cast %add3A_573 : i32 to index
          %swap3A_685 = arith.constant 32 : index
          %swap3A_686 = tpu.vector_load %arg12[%swap3A_684, %swap3A_685] {strides = array<i32>} : memref<80x128xf32, #tpu.memory_space<vmem>>, vector<1x16xf32>,
          %swap3A_687 = vector.shape_cast %swap3A_686 : vector<1x16xf32> to vector<16xf32>
          %swap3A_688 = vector.shape_cast %mul3A_683 : vector<16xf32> to vector<1x16xf32>
          tpu.vector_store %arg12[%swap3A_684, %swap3A_685], %swap3A_688 {strides = array<i32>} : memref<80x128xf32, #tpu.memory_space<vmem>>, vector<1x16xf32>,
          %mul3A_689 = arith.mulf %get3A_589, %exp3A : vector<16xf32>
          %swap3A_690 = arith.index_cast %add3A_573 : i32 to index
          %swap3A_691 = arith.constant 48 : index
          %swap3A_692 = tpu.vector_load %arg12[%swap3A_690, %swap3A_691] {strides = array<i32>} : memref<80x128xf32, #tpu.memory_space<vmem>>, vector<1x16xf32>,
          %swap3A_693 = vector.shape_cast %swap3A_692 : vector<1x16xf32> to vector<16xf32>
          %swap3A_694 = vector.shape_cast %mul3A_689 : vector<16xf32> to vector<1x16xf32>
          tpu.vector_store %arg12[%swap3A_690, %swap3A_691], %swap3A_694 {strides = array<i32>} : memref<80x128xf32, #tpu.memory_space<vmem>>, vector<1x16xf32>,
          %mul3A_695 = arith.mulf %get3A_593, %exp3A : vector<16xf32>
          %swap3A_696 = arith.index_cast %add3A_573 : i32 to index
          %swap3A_697 = arith.constant 64 : index
          %swap3A_698 = tpu.vector_load %arg12[%swap3A_696, %swap3A_697] {strides = array<i32>} : memref<80x128xf32, #tpu.memory_space<vmem>>, vector<1x16xf32>,
          %swap3A_699 = vector.shape_cast %swap3A_698 : vector<1x16xf32> to vector<16xf32>
          %swap3A_700 = vector.shape_cast %mul3A_695 : vector<16xf32> to vector<1x16xf32>
          tpu.vector_store %arg12[%swap3A_696, %swap3A_697], %swap3A_700 {strides = array<i32>} : memref<80x128xf32, #tpu.memory_space<vmem>>, vector<1x16xf32>,
          %mul3A_701 = arith.mulf %get3A_597, %exp3A : vector<16xf32>
          %swap3A_702 = arith.index_cast %add3A_573 : i32 to index
          %swap3A_703 = arith.constant 80 : index
          %swap3A_704 = tpu.vector_load %arg12[%swap3A_702, %swap3A_703] {strides = array<i32>} : memref<80x128xf32, #tpu.memory_space<vmem>>, vector<1x16xf32>,
          %swap3A_705 = vector.shape_cast %swap3A_704 : vector<1x16xf32> to vector<16xf32>
          %swap3A_706 = vector.shape_cast %mul3A_701 : vector<16xf32> to vector<1x16xf32>
          tpu.vector_store %arg12[%swap3A_702, %swap3A_703], %swap3A_706 {strides = array<i32>} : memref<80x128xf32, #tpu.memory_space<vmem>>, vector<1x16xf32>,
          %mul3A_707 = arith.mulf %get3A_601, %exp3A : vector<16xf32>
          %swap3A_708 = arith.index_cast %add3A_573 : i32 to index
          %swap3A_709 = arith.constant 96 : index
          %swap3A_710 = tpu.vector_load %arg12[%swap3A_708, %swap3A_709] {strides = array<i32>} : memref<80x128xf32, #tpu.memory_space<vmem>>, vector<1x16xf32>,
          %swap3A_711 = vector.shape_cast %swap3A_710 : vector<1x16xf32> to vector<16xf32>
          %swap3A_712 = vector.shape_cast %mul3A_707 : vector<16xf32> to vector<1x16xf32>
          tpu.vector_store %arg12[%swap3A_708, %swap3A_709], %swap3A_712 {strides = array<i32>} : memref<80x128xf32, #tpu.memory_space<vmem>>, vector<1x16xf32>,
          %mul3A_713 = arith.mulf %get3A_605, %exp3A : vector<16xf32>
          %swap3A_714 = arith.index_cast %add3A_573 : i32 to index
          %swap3A_715 = arith.constant 112 : index
          %swap3A_716 = tpu.vector_load %arg12[%swap3A_714, %swap3A_715] {strides = array<i32>} : memref<80x128xf32, #tpu.memory_space<vmem>>, vector<1x16xf32>,
          %swap3A_717 = vector.shape_cast %swap3A_716 : vector<1x16xf32> to vector<16xf32>
          %swap3A_718 = vector.shape_cast %mul3A_713 : vector<16xf32> to vector<1x16xf32>
          tpu.vector_store %arg12[%swap3A_714, %swap3A_715], %swap3A_718 {strides = array<i32>} : memref<80x128xf32, #tpu.memory_space<vmem>>, vector<1x16xf32>,
          %eq3A = vector.broadcast %scan3A_571 : i32 to vector<16xi32>
          %eq3A_719 = arith.cmpi eq, %iota3A, %eq3A : vector<16xi32>
          %select_n3A = arith.select %eq3A_719, %exp3A, %scan3A_572 : vector<16xi1>, vector<16xf32>
          scf.yield %select_n3A : vector<16xf32>
        }
        %scan3A_566 = arith.constant 16 : i32
        %swap3A_567 = arith.index_cast %mul3A_558 : i32 to index
        %swap3A_568 = tpu.vector_load %arg16[%swap3A_567] {strides = array<i32>} : memref<80xf32, #tpu.memory_space<vmem>>, vector<16xf32>,
        %swap3A_569 = vector.shape_cast %swap3A_568 : vector<16xf32> to vector<16xf32>
        %swap3A_570 = vector.shape_cast %scan3A_565 : vector<16xf32> to vector<16xf32>
        tpu.vector_store %arg16[%swap3A_567], %swap3A_570 {strides = array<i32>} : memref<80xf32, #tpu.memory_space<vmem>>, vector<16xf32>,
      }
      %scan3A_506 = arith.constant 5 : i32
      %get3A_507 = arith.constant 0 : index
      %get3A_508 = tpu.vector_load %arg8[%get3A_507] {strides = array<i32>} : memref<80xi32, #tpu.memory_space<vmem>>, vector<16xi32>,
      %get3A_509 = vector.shape_cast %get3A_508 : vector<16xi32> to vector<16xi32>
      %swap3A_510 = arith.constant 0 : index
      %swap3A_511 = tpu.vector_load %arg10[%swap3A_510] {strides = array<i32>} : memref<80xi32, #tpu.memory_space<vmem>>, vector<16xi32>,
      %swap3A_512 = vector.shape_cast %swap3A_511 : vector<16xi32> to vector<16xi32>
      %swap3A_513 = vector.shape_cast %get3A_509 : vector<16xi32> to vector<16xi32>
      tpu.vector_store %arg10[%swap3A_510], %swap3A_513 {strides = array<i32>} : memref<80xi32, #tpu.memory_space<vmem>>, vector<16xi32>,
      %get3A_514 = arith.constant 16 : index
      %get3A_515 = tpu.vector_load %arg8[%get3A_514] {strides = array<i32>} : memref<80xi32, #tpu.memory_space<vmem>>, vector<16xi32>,
      %get3A_516 = vector.shape_cast %get3A_515 : vector<16xi32> to vector<16xi32>
      %swap3A_517 = arith.constant 16 : index
      %swap3A_518 = tpu.vector_load %arg10[%swap3A_517] {strides = array<i32>} : memref<80xi32, #tpu.memory_space<vmem>>, vector<16xi32>,
      %swap3A_519 = vector.shape_cast %swap3A_518 : vector<16xi32> to vector<16xi32>
      %swap3A_520 = vector.shape_cast %get3A_516 : vector<16xi32> to vector<16xi32>
      tpu.vector_store %arg10[%swap3A_517], %swap3A_520 {strides = array<i32>} : memref<80xi32, #tpu.memory_space<vmem>>, vector<16xi32>,
      %get3A_521 = arith.constant 32 : index
      %get3A_522 = tpu.vector_load %arg8[%get3A_521] {strides = array<i32>} : memref<80xi32, #tpu.memory_space<vmem>>, vector<16xi32>,
      %get3A_523 = vector.shape_cast %get3A_522 : vector<16xi32> to vector<16xi32>
      %swap3A_524 = arith.constant 32 : index
      %swap3A_525 = tpu.vector_load %arg10[%swap3A_524] {strides = array<i32>} : memref<80xi32, #tpu.memory_space<vmem>>, vector<16xi32>,
      %swap3A_526 = vector.shape_cast %swap3A_525 : vector<16xi32> to vector<16xi32>
      %swap3A_527 = vector.shape_cast %get3A_523 : vector<16xi32> to vector<16xi32>
      tpu.vector_store %arg10[%swap3A_524], %swap3A_527 {strides = array<i32>} : memref<80xi32, #tpu.memory_space<vmem>>, vector<16xi32>,
      %get3A_528 = arith.constant 48 : index
      %get3A_529 = tpu.vector_load %arg8[%get3A_528] {strides = array<i32>} : memref<80xi32, #tpu.memory_space<vmem>>, vector<16xi32>,
      %get3A_530 = vector.shape_cast %get3A_529 : vector<16xi32> to vector<16xi32>
      %swap3A_531 = arith.constant 48 : index
      %swap3A_532 = tpu.vector_load %arg10[%swap3A_531] {strides = array<i32>} : memref<80xi32, #tpu.memory_space<vmem>>, vector<16xi32>,
      %swap3A_533 = vector.shape_cast %swap3A_532 : vector<16xi32> to vector<16xi32>
      %swap3A_534 = vector.shape_cast %get3A_530 : vector<16xi32> to vector<16xi32>
      tpu.vector_store %arg10[%swap3A_531], %swap3A_534 {strides = array<i32>} : memref<80xi32, #tpu.memory_space<vmem>>, vector<16xi32>,
      %get3A_535 = arith.constant 64 : index
      %get3A_536 = tpu.vector_load %arg8[%get3A_535] {strides = array<i32>} : memref<80xi32, #tpu.memory_space<vmem>>, vector<16xi32>,
      %get3A_537 = vector.shape_cast %get3A_536 : vector<16xi32> to vector<16xi32>
      %swap3A_538 = arith.constant 64 : index
      %swap3A_539 = tpu.vector_load %arg10[%swap3A_538] {strides = array<i32>} : memref<80xi32, #tpu.memory_space<vmem>>, vector<16xi32>,
      %swap3A_540 = vector.shape_cast %swap3A_539 : vector<16xi32> to vector<16xi32>
      %swap3A_541 = vector.shape_cast %get3A_537 : vector<16xi32> to vector<16xi32>
      tpu.vector_store %arg10[%swap3A_538], %swap3A_541 {strides = array<i32>} : memref<80xi32, #tpu.memory_space<vmem>>, vector<16xi32>,
      %dma_start3A_542 = arith.constant 0 : i32
      %dma_start3A_543 = tpu.memref_slice %arg18[%dma_start3A_542] : memref<10240xf32, #tpu.memory_space<vmem_shared>> -> memref<10240xf32, #tpu.memory_space<vmem_shared>>
      tpu.enqueue_indirect_dma source(%arg16 : memref<80xf32, #tpu.memory_space<vmem>>) target(%dma_start3A_543 : memref<10240xf32, #tpu.memory_space<vmem_shared>>) offsets(%arg10 : memref<80xi32, #tpu.memory_space<vmem>>) semaphore(%arg26 : memref<!tpu.dma_semaphore, #tpu.memory_space<semaphore_mem>>) {add = true}
      %dma_start3A_544 = arith.constant 0 : i32
      %dma_start3A_545 = arith.constant 0 : i32
      %dma_start3A_546 = tpu.memref_slice %arg17[%dma_start3A_544, %dma_start3A_545] : memref<10240x128xf32, #tpu.memory_space<vmem_shared>> -> memref<10240x128xf32, #tpu.memory_space<vmem_shared>>
      tpu.enqueue_indirect_dma source(%arg12 : memref<80x128xf32, #tpu.memory_space<vmem>>) target(%dma_start3A_546 : memref<10240x128xf32, #tpu.memory_space<vmem_shared>>) offsets(%arg10 : memref<80xi32, #tpu.memory_space<vmem>>) semaphore(%arg28 : memref<!tpu.dma_semaphore, #tpu.memory_space<semaphore_mem>>) {add = true}
      %add3A_547 = arith.constant 2 : i32
      %add3A_548 = arith.addi %add3A_470, %add3A_547 : i32
      %min3A_549 = arith.constant 124 : i32
      %min3A_550 = arith.minsi %add3A_548, %min3A_549 : i32
      %mul3A_551 = arith.constant 80 : i32
      %mul3A_552 = arith.muli %min3A_550, %mul3A_551 : i32
      %add3A_553 = arith.addi %mul3A_69, %mul3A_552 : i32
      %dma_start3A_554 = tpu.memref_slice %arg4[%add3A_553] : memref<320000xi32, #tpu.memory_space<hbm>> -> memref<80xi32, #tpu.memory_space<hbm>>
      %dma_start3A_555 = tpu.memref_slice %arg4[%add3A_553] : memref<320000xi32, #tpu.memory_space<hbm>> -> memref<80xi32, #tpu.memory_space<hbm>>
      tpu.enqueue_dma source(%dma_start3A_555 : memref<80xi32, #tpu.memory_space<hbm>>) target(%arg8 : memref<80xi32, #tpu.memory_space<vmem>>) target_semaphore(%arg20 : memref<!tpu.dma_semaphore, #tpu.memory_space<semaphore_mem>>)
    }
    %scan3A_266 = arith.constant 61 : i32
    %dma_wait3A_267 = arith.constant 0 : i32
    %dma_wait3A_268 = tpu.memref_slice %arg18[%dma_wait3A_267] : memref<10240xf32, #tpu.memory_space<vmem_shared>> -> memref<10240xf32, #tpu.memory_space<vmem_shared>>
    tpu.wait_indirect_dma semaphore(%arg26 : memref<!tpu.dma_semaphore, #tpu.memory_space<semaphore_mem>>) src(%arg16 : memref<80xf32, #tpu.memory_space<vmem>>) dst(%dma_wait3A_268 : memref<10240xf32, #tpu.memory_space<vmem_shared>>)
    %dma_wait3A_269 = arith.constant 0 : i32
    %dma_wait3A_270 = arith.constant 0 : i32
    %dma_wait3A_271 = tpu.memref_slice %arg17[%dma_wait3A_269, %dma_wait3A_270] : memref<10240x128xf32, #tpu.memory_space<vmem_shared>> -> memref<10240x128xf32, #tpu.memory_space<vmem_shared>>
    tpu.wait_indirect_dma semaphore(%arg28 : memref<!tpu.dma_semaphore, #tpu.memory_space<semaphore_mem>>) src(%arg12 : memref<80x128xf32, #tpu.memory_space<vmem>>) dst(%dma_wait3A_271 : memref<10240x128xf32, #tpu.memory_space<vmem_shared>>)
    %dma_wait3A_272 = arith.constant 0 : i32
    %dma_wait3A_273 = tpu.memref_slice %arg4[%dma_wait3A_272] : memref<320000xi32, #tpu.memory_space<hbm>> -> memref<80xi32, #tpu.memory_space<hbm>>
    %dma_wait3A_274 = arith.constant 0 : i32
    %dma_wait3A_275 = tpu.memref_slice %arg4[%dma_wait3A_274] : memref<320000xi32, #tpu.memory_space<hbm>> -> memref<80xi32, #tpu.memory_space<hbm>>
    tpu.wait_dma2 semaphore(%arg20 : memref<!tpu.dma_semaphore, #tpu.memory_space<semaphore_mem>>) src(%dma_wait3A_275 : memref<80xi32, #tpu.memory_space<hbm>>) dst(%arg8 : memref<80xi32, #tpu.memory_space<vmem>>)
    %dma_wait3A_276 = arith.constant 0 : i32
    %dma_wait3A_277 = arith.constant 0 : i32
    %dma_wait3A_278 = tpu.memref_slice %arg2[%dma_wait3A_276, %dma_wait3A_277] : memref<10000x128xf32, #tpu.memory_space<hbm>> -> memref<10000x128xf32, #tpu.memory_space<hbm>>
    tpu.wait_indirect_dma semaphore(%arg21 : memref<!tpu.dma_semaphore, #tpu.memory_space<semaphore_mem>>) src(%dma_wait3A_278 : memref<10000x128xf32, #tpu.memory_space<hbm>>) dst(%arg13 : memref<80x128xf32, #tpu.memory_space<vmem>>)
    %dma_wait3A_279 = arith.constant 0 : i32
    %dma_wait3A_280 = arith.constant 0 : i32
    %dma_wait3A_281 = tpu.memref_slice %arg3[%dma_wait3A_279, %dma_wait3A_280] : memref<320000x128xf32, #tpu.memory_space<hbm>> -> memref<80x128xf32, #tpu.memory_space<hbm>>
    %dma_wait3A_282 = arith.constant 0 : i32
    %dma_wait3A_283 = arith.constant 0 : i32
    %dma_wait3A_284 = tpu.memref_slice %arg3[%dma_wait3A_282, %dma_wait3A_283] : memref<320000x128xf32, #tpu.memory_space<hbm>> -> memref<80x128xf32, #tpu.memory_space<hbm>>
    tpu.wait_dma2 semaphore(%arg23 : memref<!tpu.dma_semaphore, #tpu.memory_space<semaphore_mem>>) src(%dma_wait3A_284 : memref<80x128xf32, #tpu.memory_space<hbm>>) dst(%arg11 : memref<80x128xf32, #tpu.memory_space<vmem>>)
    %scan3A_285 = arith.constant 0 : i32
    %scan3A_286 = arith.constant 0 : i32
    %scan3A_287 = arith.constant 5 : i32
    %scan3A_288 = arith.addi %scan3A_286, %scan3A_287 : i32
    %scan3A_289 = arith.constant 1 : i32
    scf.for %scan3A_377 = %scan3A_286 to %scan3A_288 step %scan3A_289  : i32 {
      %mul3A_378 = arith.constant 16 : i32
      %mul3A_379 = arith.muli %scan3A_377, %mul3A_378 : i32
      %broadcast_in_dim3A_380 = arith.constant 0.000000e+00 : f32
      %broadcast_in_dim3A_381 = vector.broadcast %broadcast_in_dim3A_380 : f32 to vector<16xf32>
      %scan3A_382 = arith.constant 0 : i32
      %scan3A_383 = arith.constant 16 : i32
      %scan3A_384 = arith.addi %scan3A_382, %scan3A_383 : i32
      %scan3A_385 = arith.constant 1 : i32
      %scan3A_386 = scf.for %scan3A_392 = %scan3A_382 to %scan3A_384 step %scan3A_385 iter_args(%scan3A_393 = %broadcast_in_dim3A_381) -> (vector<16xf32>)  : i32 {
        %add3A_394 = arith.addi %mul3A_379, %scan3A_392 : i32
        %get3A_395 = arith.index_cast %add3A_394 : i32 to index
        %get3A_396 = arith.constant 0 : index
        %get3A_397 = tpu.vector_load %arg11[%get3A_395, %get3A_396] {strides = array<i32>} : memref<80x128xf32, #tpu.memory_space<vmem>>, vector<1x16xf32>,
        %get3A_398 = vector.shape_cast %get3A_397 : vector<1x16xf32> to vector<16xf32>
        %get3A_399 = arith.index_cast %add3A_394 : i32 to index
        %get3A_400 = arith.constant 16 : index
        %get3A_401 = tpu.vector_load %arg11[%get3A_399, %get3A_400] {strides = array<i32>} : memref<80x128xf32, #tpu.memory_space<vmem>>, vector<1x16xf32>,
        %get3A_402 = vector.shape_cast %get3A_401 : vector<1x16xf32> to vector<16xf32>
        %get3A_403 = arith.index_cast %add3A_394 : i32 to index
        %get3A_404 = arith.constant 32 : index
        %get3A_405 = tpu.vector_load %arg11[%get3A_403, %get3A_404] {strides = array<i32>} : memref<80x128xf32, #tpu.memory_space<vmem>>, vector<1x16xf32>,
        %get3A_406 = vector.shape_cast %get3A_405 : vector<1x16xf32> to vector<16xf32>
        %get3A_407 = arith.index_cast %add3A_394 : i32 to index
        %get3A_408 = arith.constant 48 : index
        %get3A_409 = tpu.vector_load %arg11[%get3A_407, %get3A_408] {strides = array<i32>} : memref<80x128xf32, #tpu.memory_space<vmem>>, vector<1x16xf32>,
        %get3A_410 = vector.shape_cast %get3A_409 : vector<1x16xf32> to vector<16xf32>
        %get3A_411 = arith.index_cast %add3A_394 : i32 to index
        %get3A_412 = arith.constant 64 : index
        %get3A_413 = tpu.vector_load %arg11[%get3A_411, %get3A_412] {strides = array<i32>} : memref<80x128xf32, #tpu.memory_space<vmem>>, vector<1x16xf32>,
        %get3A_414 = vector.shape_cast %get3A_413 : vector<1x16xf32> to vector<16xf32>
        %get3A_415 = arith.index_cast %add3A_394 : i32 to index
        %get3A_416 = arith.constant 80 : index
        %get3A_417 = tpu.vector_load %arg11[%get3A_415, %get3A_416] {strides = array<i32>} : memref<80x128xf32, #tpu.memory_space<vmem>>, vector<1x16xf32>,
        %get3A_418 = vector.shape_cast %get3A_417 : vector<1x16xf32> to vector<16xf32>
        %get3A_419 = arith.index_cast %add3A_394 : i32 to index
        %get3A_420 = arith.constant 96 : index
        %get3A_421 = tpu.vector_load %arg11[%get3A_419, %get3A_420] {strides = array<i32>} : memref<80x128xf32, #tpu.memory_space<vmem>>, vector<1x16xf32>,
        %get3A_422 = vector.shape_cast %get3A_421 : vector<1x16xf32> to vector<16xf32>
        %get3A_423 = arith.index_cast %add3A_394 : i32 to index
        %get3A_424 = arith.constant 112 : index
        %get3A_425 = tpu.vector_load %arg11[%get3A_423, %get3A_424] {strides = array<i32>} : memref<80x128xf32, #tpu.memory_space<vmem>>, vector<1x16xf32>,
        %get3A_426 = vector.shape_cast %get3A_425 : vector<1x16xf32> to vector<16xf32>
        %get3A_427 = arith.index_cast %add3A_394 : i32 to index
        %get3A_428 = arith.constant 0 : index
        %get3A_429 = tpu.vector_load %arg13[%get3A_427, %get3A_428] {strides = array<i32>} : memref<80x128xf32, #tpu.memory_space<vmem>>, vector<1x16xf32>,
        %get3A_430 = vector.shape_cast %get3A_429 : vector<1x16xf32> to vector<16xf32>
        %mul3A_431 = arith.mulf %get3A_398, %get3A_430 : vector<16xf32>
        %get3A_432 = arith.index_cast %add3A_394 : i32 to index
        %get3A_433 = arith.constant 16 : index
        %get3A_434 = tpu.vector_load %arg13[%get3A_432, %get3A_433] {strides = array<i32>} : memref<80x128xf32, #tpu.memory_space<vmem>>, vector<1x16xf32>,
        %get3A_435 = vector.shape_cast %get3A_434 : vector<1x16xf32> to vector<16xf32>
        %mul3A_436 = arith.mulf %get3A_402, %get3A_435 : vector<16xf32>
        %add3A_437 = arith.addf %mul3A_431, %mul3A_436 : vector<16xf32>
        %get3A_438 = arith.index_cast %add3A_394 : i32 to index
        %get3A_439 = arith.constant 32 : index
        %get3A_440 = tpu.vector_load %arg13[%get3A_438, %get3A_439] {strides = array<i32>} : memref<80x128xf32, #tpu.memory_space<vmem>>, vector<1x16xf32>,
        %get3A_441 = vector.shape_cast %get3A_440 : vector<1x16xf32> to vector<16xf32>
        %mul3A_442 = arith.mulf %get3A_406, %get3A_441 : vector<16xf32>
        %add3A_443 = arith.addf %add3A_437, %mul3A_442 : vector<16xf32>
        %get3A_444 = arith.index_cast %add3A_394 : i32 to index
        %get3A_445 = arith.constant 48 : index
        %get3A_446 = tpu.vector_load %arg13[%get3A_444, %get3A_445] {strides = array<i32>} : memref<80x128xf32, #tpu.memory_space<vmem>>, vector<1x16xf32>,
        %get3A_447 = vector.shape_cast %get3A_446 : vector<1x16xf32> to vector<16xf32>
        %mul3A_448 = arith.mulf %get3A_410, %get3A_447 : vector<16xf32>
        %add3A_449 = arith.addf %add3A_443, %mul3A_448 : vector<16xf32>
        %get3A_450 = arith.index_cast %add3A_394 : i32 to index
        %get3A_451 = arith.constant 64 : index
        %get3A_452 = tpu.vector_load %arg13[%get3A_450, %get3A_451] {strides = array<i32>} : memref<80x128xf32, #tpu.memory_space<vmem>>, vector<1x16xf32>,
        %get3A_453 = vector.shape_cast %get3A_452 : vector<1x16xf32> to vector<16xf32>
        %mul3A_454 = arith.mulf %get3A_414, %get3A_453 : vector<16xf32>
        %add3A_455 = arith.addf %add3A_449, %mul3A_454 : vector<16xf32>
        %get3A_456 = arith.index_cast %add3A_394 : i32 to index
        %get3A_457 = arith.constant 80 : index
        %get3A_458 = tpu.vector_load %arg13[%get3A_456, %get3A_457] {strides = array<i32>} : memref<80x128xf32, #tpu.memory_space<vmem>>, vector<1x16xf32>,
        %get3A_459 = vector.shape_cast %get3A_458 : vector<1x16xf32> to vector<16xf32>
        %mul3A_460 = arith.mulf %get3A_418, %get3A_459 : vector<16xf32>
        %add3A_461 = arith.addf %add3A_455, %mul3A_460 : vector<16xf32>
        %get3A_462 = arith.index_cast %add3A_394 : i32 to index
        %get3A_463 = arith.constant 96 : index
        %get3A_464 = tpu.vector_load %arg13[%get3A_462, %get3A_463] {strides = array<i32>} : memref<80x128xf32, #tpu.memory_space<vmem>>, vector<1x16xf32>,
        %get3A_465 = vector.shape_cast %get3A_464 : vector<1x16xf32> to vector<16xf32>
        %mul3A_466 = arith.mulf %get3A_422, %get3A_465 : vector<16xf32>
        %add3A_467 = arith.addf %add3A_461, %mul3A_466 : vector<16xf32>
        %get3A_468 = arith.index_cast %add3A_394 : i32 to index
        %get3A_469 = arith.constant 112 : index
        %get3A_470 = tpu.vector_load %arg13[%get3A_468, %get3A_469] {strides = array<i32>} : memref<80x128xf32, #tpu.memory_space<vmem>>, vector<1x16xf32>,
        %get3A_471 = vector.shape_cast %get3A_470 : vector<1x16xf32> to vector<16xf32>
        %mul3A_472 = arith.mulf %get3A_426, %get3A_471 : vector<16xf32>
        %add3A_473 = arith.addf %add3A_467, %mul3A_472 : vector<16xf32>
        %broadcast_in_dim3A_474 = vector.shape_cast %and3A_74 : vector<16xi32> to vector<16x1xi32>
        %gather3A = vector.shape_cast %broadcast_in_dim3A_474 : vector<16x1xi32> to vector<16xi32>
        %gather3A_475 = tpu.dynamic_gather %add3A_473[%gather3A] in [0] : vector<16xf32>, vector<16xi32> -> vector<16xf32>
        %add3A_476 = arith.addf %add3A_473, %gather3A_475 : vector<16xf32>
        %broadcast_in_dim3A_477 = vector.shape_cast %and3A_80 : vector<16xi32> to vector<16x1xi32>
        %gather3A_478 = vector.shape_cast %broadcast_in_dim3A_477 : vector<16x1xi32> to vector<16xi32>
        %gather3A_479 = tpu.dynamic_gather %add3A_476[%gather3A_478] in [0] : vector<16xf32>, vector<16xi32> -> vector<16xf32>
        %add3A_480 = arith.addf %add3A_476, %gather3A_479 : vector<16xf32>
        %broadcast_in_dim3A_481 = vector.shape_cast %and3A_86 : vector<16xi32> to vector<16x1xi32>
        %gather3A_482 = vector.shape_cast %broadcast_in_dim3A_481 : vector<16x1xi32> to vector<16xi32>
        %gather3A_483 = tpu.dynamic_gather %add3A_480[%gather3A_482] in [0] : vector<16xf32>, vector<16xi32> -> vector<16xf32>
        %add3A_484 = arith.addf %add3A_480, %gather3A_483 : vector<16xf32>
        %broadcast_in_dim3A_485 = vector.shape_cast %and3A_92 : vector<16xi32> to vector<16x1xi32>
        %gather3A_486 = vector.shape_cast %broadcast_in_dim3A_485 : vector<16x1xi32> to vector<16xi32>
        %gather3A_487 = tpu.dynamic_gather %add3A_484[%gather3A_486] in [0] : vector<16xf32>, vector<16xi32> -> vector<16xf32>
        %add3A_488 = arith.addf %add3A_484, %gather3A_487 : vector<16xf32>
        %min3A_489 = arith.constant 8.000000e+01 : f32
        %min3A_490 = vector.broadcast %min3A_489 : f32 to vector<16xf32>
        %min3A_491 = arith.minimumf %add3A_488, %min3A_490 : vector<16xf32>
        %exp3A = math.exp %min3A_491 : vector<16xf32>
        %mul3A_492 = arith.mulf %get3A_398, %exp3A : vector<16xf32>
        %swap3A_493 = arith.index_cast %add3A_394 : i32 to index
        %swap3A_494 = arith.constant 0 : index
        %swap3A_495 = tpu.vector_load %arg11[%swap3A_493, %swap3A_494] {strides = array<i32>} : memref<80x128xf32, #tpu.memory_space<vmem>>, vector<1x16xf32>,
        %swap3A_496 = vector.shape_cast %swap3A_495 : vector<1x16xf32> to vector<16xf32>
        %swap3A_497 = vector.shape_cast %mul3A_492 : vector<16xf32> to vector<1x16xf32>
        tpu.vector_store %arg11[%swap3A_493, %swap3A_494], %swap3A_497 {strides = array<i32>} : memref<80x128xf32, #tpu.memory_space<vmem>>, vector<1x16xf32>,
        %mul3A_498 = arith.mulf %get3A_402, %exp3A : vector<16xf32>
        %swap3A_499 = arith.index_cast %add3A_394 : i32 to index
        %swap3A_500 = arith.constant 16 : index
        %swap3A_501 = tpu.vector_load %arg11[%swap3A_499, %swap3A_500] {strides = array<i32>} : memref<80x128xf32, #tpu.memory_space<vmem>>, vector<1x16xf32>,
        %swap3A_502 = vector.shape_cast %swap3A_501 : vector<1x16xf32> to vector<16xf32>
        %swap3A_503 = vector.shape_cast %mul3A_498 : vector<16xf32> to vector<1x16xf32>
        tpu.vector_store %arg11[%swap3A_499, %swap3A_500], %swap3A_503 {strides = array<i32>} : memref<80x128xf32, #tpu.memory_space<vmem>>, vector<1x16xf32>,
        %mul3A_504 = arith.mulf %get3A_406, %exp3A : vector<16xf32>
        %swap3A_505 = arith.index_cast %add3A_394 : i32 to index
        %swap3A_506 = arith.constant 32 : index
        %swap3A_507 = tpu.vector_load %arg11[%swap3A_505, %swap3A_506] {strides = array<i32>} : memref<80x128xf32, #tpu.memory_space<vmem>>, vector<1x16xf32>,
        %swap3A_508 = vector.shape_cast %swap3A_507 : vector<1x16xf32> to vector<16xf32>
        %swap3A_509 = vector.shape_cast %mul3A_504 : vector<16xf32> to vector<1x16xf32>
        tpu.vector_store %arg11[%swap3A_505, %swap3A_506], %swap3A_509 {strides = array<i32>} : memref<80x128xf32, #tpu.memory_space<vmem>>, vector<1x16xf32>,
        %mul3A_510 = arith.mulf %get3A_410, %exp3A : vector<16xf32>
        %swap3A_511 = arith.index_cast %add3A_394 : i32 to index
        %swap3A_512 = arith.constant 48 : index
        %swap3A_513 = tpu.vector_load %arg11[%swap3A_511, %swap3A_512] {strides = array<i32>} : memref<80x128xf32, #tpu.memory_space<vmem>>, vector<1x16xf32>,
        %swap3A_514 = vector.shape_cast %swap3A_513 : vector<1x16xf32> to vector<16xf32>
        %swap3A_515 = vector.shape_cast %mul3A_510 : vector<16xf32> to vector<1x16xf32>
        tpu.vector_store %arg11[%swap3A_511, %swap3A_512], %swap3A_515 {strides = array<i32>} : memref<80x128xf32, #tpu.memory_space<vmem>>, vector<1x16xf32>,
        %mul3A_516 = arith.mulf %get3A_414, %exp3A : vector<16xf32>
        %swap3A_517 = arith.index_cast %add3A_394 : i32 to index
        %swap3A_518 = arith.constant 64 : index
        %swap3A_519 = tpu.vector_load %arg11[%swap3A_517, %swap3A_518] {strides = array<i32>} : memref<80x128xf32, #tpu.memory_space<vmem>>, vector<1x16xf32>,
        %swap3A_520 = vector.shape_cast %swap3A_519 : vector<1x16xf32> to vector<16xf32>
        %swap3A_521 = vector.shape_cast %mul3A_516 : vector<16xf32> to vector<1x16xf32>
        tpu.vector_store %arg11[%swap3A_517, %swap3A_518], %swap3A_521 {strides = array<i32>} : memref<80x128xf32, #tpu.memory_space<vmem>>, vector<1x16xf32>,
        %mul3A_522 = arith.mulf %get3A_418, %exp3A : vector<16xf32>
        %swap3A_523 = arith.index_cast %add3A_394 : i32 to index
        %swap3A_524 = arith.constant 80 : index
        %swap3A_525 = tpu.vector_load %arg11[%swap3A_523, %swap3A_524] {strides = array<i32>} : memref<80x128xf32, #tpu.memory_space<vmem>>, vector<1x16xf32>,
        %swap3A_526 = vector.shape_cast %swap3A_525 : vector<1x16xf32> to vector<16xf32>
        %swap3A_527 = vector.shape_cast %mul3A_522 : vector<16xf32> to vector<1x16xf32>
        tpu.vector_store %arg11[%swap3A_523, %swap3A_524], %swap3A_527 {strides = array<i32>} : memref<80x128xf32, #tpu.memory_space<vmem>>, vector<1x16xf32>,
        %mul3A_528 = arith.mulf %get3A_422, %exp3A : vector<16xf32>
        %swap3A_529 = arith.index_cast %add3A_394 : i32 to index
        %swap3A_530 = arith.constant 96 : index
        %swap3A_531 = tpu.vector_load %arg11[%swap3A_529, %swap3A_530] {strides = array<i32>} : memref<80x128xf32, #tpu.memory_space<vmem>>, vector<1x16xf32>,
        %swap3A_532 = vector.shape_cast %swap3A_531 : vector<1x16xf32> to vector<16xf32>
        %swap3A_533 = vector.shape_cast %mul3A_528 : vector<16xf32> to vector<1x16xf32>
        tpu.vector_store %arg11[%swap3A_529, %swap3A_530], %swap3A_533 {strides = array<i32>} : memref<80x128xf32, #tpu.memory_space<vmem>>, vector<1x16xf32>,
        %mul3A_534 = arith.mulf %get3A_426, %exp3A : vector<16xf32>
        %swap3A_535 = arith.index_cast %add3A_394 : i32 to index
        %swap3A_536 = arith.constant 112 : index
        %swap3A_537 = tpu.vector_load %arg11[%swap3A_535, %swap3A_536] {strides = array<i32>} : memref<80x128xf32, #tpu.memory_space<vmem>>, vector<1x16xf32>,
        %swap3A_538 = vector.shape_cast %swap3A_537 : vector<1x16xf32> to vector<16xf32>
        %swap3A_539 = vector.shape_cast %mul3A_534 : vector<16xf32> to vector<1x16xf32>
        tpu.vector_store %arg11[%swap3A_535, %swap3A_536], %swap3A_539 {strides = array<i32>} : memref<80x128xf32, #tpu.memory_space<vmem>>, vector<1x16xf32>,
        %eq3A = vector.broadcast %scan3A_392 : i32 to vector<16xi32>
        %eq3A_540 = arith.cmpi eq, %iota3A, %eq3A : vector<16xi32>
        %select_n3A = arith.select %eq3A_540, %exp3A, %scan3A_393 : vector<16xi1>, vector<16xf32>
        scf.yield %select_n3A : vector<16xf32>
      }
      %scan3A_387 = arith.constant 16 : i32
      %swap3A_388 = arith.index_cast %mul3A_379 : i32 to index
      %swap3A_389 = tpu.vector_load %arg15[%swap3A_388] {strides = array<i32>} : memref<80xf32, #tpu.memory_space<vmem>>, vector<16xf32>,
      %swap3A_390 = vector.shape_cast %swap3A_389 : vector<16xf32> to vector<16xf32>
      %swap3A_391 = vector.shape_cast %scan3A_386 : vector<16xf32> to vector<16xf32>
      tpu.vector_store %arg15[%swap3A_388], %swap3A_391 {strides = array<i32>} : memref<80xf32, #tpu.memory_space<vmem>>, vector<16xf32>,
    }
    %scan3A_290 = arith.constant 5 : i32
    %get3A_291 = arith.constant 0 : index
    %get3A_292 = tpu.vector_load %arg7[%get3A_291] {strides = array<i32>} : memref<80xi32, #tpu.memory_space<vmem>>, vector<16xi32>,
    %get3A_293 = vector.shape_cast %get3A_292 : vector<16xi32> to vector<16xi32>
    %swap3A_294 = arith.constant 0 : index
    %swap3A_295 = tpu.vector_load %arg9[%swap3A_294] {strides = array<i32>} : memref<80xi32, #tpu.memory_space<vmem>>, vector<16xi32>,
    %swap3A_296 = vector.shape_cast %swap3A_295 : vector<16xi32> to vector<16xi32>
    %swap3A_297 = vector.shape_cast %get3A_293 : vector<16xi32> to vector<16xi32>
    tpu.vector_store %arg9[%swap3A_294], %swap3A_297 {strides = array<i32>} : memref<80xi32, #tpu.memory_space<vmem>>, vector<16xi32>,
    %get3A_298 = arith.constant 16 : index
    %get3A_299 = tpu.vector_load %arg7[%get3A_298] {strides = array<i32>} : memref<80xi32, #tpu.memory_space<vmem>>, vector<16xi32>,
    %get3A_300 = vector.shape_cast %get3A_299 : vector<16xi32> to vector<16xi32>
    %swap3A_301 = arith.constant 16 : index
    %swap3A_302 = tpu.vector_load %arg9[%swap3A_301] {strides = array<i32>} : memref<80xi32, #tpu.memory_space<vmem>>, vector<16xi32>,
    %swap3A_303 = vector.shape_cast %swap3A_302 : vector<16xi32> to vector<16xi32>
    %swap3A_304 = vector.shape_cast %get3A_300 : vector<16xi32> to vector<16xi32>
    tpu.vector_store %arg9[%swap3A_301], %swap3A_304 {strides = array<i32>} : memref<80xi32, #tpu.memory_space<vmem>>, vector<16xi32>,
    %get3A_305 = arith.constant 32 : index
    %get3A_306 = tpu.vector_load %arg7[%get3A_305] {strides = array<i32>} : memref<80xi32, #tpu.memory_space<vmem>>, vector<16xi32>,
    %get3A_307 = vector.shape_cast %get3A_306 : vector<16xi32> to vector<16xi32>
    %swap3A_308 = arith.constant 32 : index
    %swap3A_309 = tpu.vector_load %arg9[%swap3A_308] {strides = array<i32>} : memref<80xi32, #tpu.memory_space<vmem>>, vector<16xi32>,
    %swap3A_310 = vector.shape_cast %swap3A_309 : vector<16xi32> to vector<16xi32>
    %swap3A_311 = vector.shape_cast %get3A_307 : vector<16xi32> to vector<16xi32>
    tpu.vector_store %arg9[%swap3A_308], %swap3A_311 {strides = array<i32>} : memref<80xi32, #tpu.memory_space<vmem>>, vector<16xi32>,
    %get3A_312 = arith.constant 48 : index
    %get3A_313 = tpu.vector_load %arg7[%get3A_312] {strides = array<i32>} : memref<80xi32, #tpu.memory_space<vmem>>, vector<16xi32>,
    %get3A_314 = vector.shape_cast %get3A_313 : vector<16xi32> to vector<16xi32>
    %swap3A_315 = arith.constant 48 : index
    %swap3A_316 = tpu.vector_load %arg9[%swap3A_315] {strides = array<i32>} : memref<80xi32, #tpu.memory_space<vmem>>, vector<16xi32>,
    %swap3A_317 = vector.shape_cast %swap3A_316 : vector<16xi32> to vector<16xi32>
    %swap3A_318 = vector.shape_cast %get3A_314 : vector<16xi32> to vector<16xi32>
    tpu.vector_store %arg9[%swap3A_315], %swap3A_318 {strides = array<i32>} : memref<80xi32, #tpu.memory_space<vmem>>, vector<16xi32>,
    %get3A_319 = arith.constant 64 : index
    %get3A_320 = tpu.vector_load %arg7[%get3A_319] {strides = array<i32>} : memref<80xi32, #tpu.memory_space<vmem>>, vector<16xi32>,
    %get3A_321 = vector.shape_cast %get3A_320 : vector<16xi32> to vector<16xi32>
    %swap3A_322 = arith.constant 64 : index
    %swap3A_323 = tpu.vector_load %arg9[%swap3A_322] {strides = array<i32>} : memref<80xi32, #tpu.memory_space<vmem>>, vector<16xi32>,
    %swap3A_324 = vector.shape_cast %swap3A_323 : vector<16xi32> to vector<16xi32>
    %swap3A_325 = vector.shape_cast %get3A_321 : vector<16xi32> to vector<16xi32>
    tpu.vector_store %arg9[%swap3A_322], %swap3A_325 {strides = array<i32>} : memref<80xi32, #tpu.memory_space<vmem>>, vector<16xi32>,
    %dma_start3A_326 = arith.constant 0 : i32
    %dma_start3A_327 = tpu.memref_slice %arg18[%dma_start3A_326] : memref<10240xf32, #tpu.memory_space<vmem_shared>> -> memref<10240xf32, #tpu.memory_space<vmem_shared>>
    tpu.enqueue_indirect_dma source(%arg15 : memref<80xf32, #tpu.memory_space<vmem>>) target(%dma_start3A_327 : memref<10240xf32, #tpu.memory_space<vmem_shared>>) offsets(%arg9 : memref<80xi32, #tpu.memory_space<vmem>>) semaphore(%arg25 : memref<!tpu.dma_semaphore, #tpu.memory_space<semaphore_mem>>) {add = true}
    %dma_start3A_328 = arith.constant 0 : i32
    %dma_start3A_329 = arith.constant 0 : i32
    %dma_start3A_330 = tpu.memref_slice %arg17[%dma_start3A_328, %dma_start3A_329] : memref<10240x128xf32, #tpu.memory_space<vmem_shared>> -> memref<10240x128xf32, #tpu.memory_space<vmem_shared>>
    tpu.enqueue_indirect_dma source(%arg11 : memref<80x128xf32, #tpu.memory_space<vmem>>) target(%dma_start3A_330 : memref<10240x128xf32, #tpu.memory_space<vmem_shared>>) offsets(%arg9 : memref<80xi32, #tpu.memory_space<vmem>>) semaphore(%arg27 : memref<!tpu.dma_semaphore, #tpu.memory_space<semaphore_mem>>) {add = true}
    %dma_wait3A_331 = arith.constant 0 : i32
    %dma_wait3A_332 = tpu.memref_slice %arg18[%dma_wait3A_331] : memref<10240xf32, #tpu.memory_space<vmem_shared>> -> memref<10240xf32, #tpu.memory_space<vmem_shared>>
    tpu.wait_indirect_dma semaphore(%arg25 : memref<!tpu.dma_semaphore, #tpu.memory_space<semaphore_mem>>) src(%arg15 : memref<80xf32, #tpu.memory_space<vmem>>) dst(%dma_wait3A_332 : memref<10240xf32, #tpu.memory_space<vmem_shared>>)
    %dma_wait3A_333 = arith.constant 0 : i32
    %dma_wait3A_334 = arith.constant 0 : i32
    %dma_wait3A_335 = tpu.memref_slice %arg17[%dma_wait3A_333, %dma_wait3A_334] : memref<10240x128xf32, #tpu.memory_space<vmem_shared>> -> memref<10240x128xf32, #tpu.memory_space<vmem_shared>>
    tpu.wait_indirect_dma semaphore(%arg27 : memref<!tpu.dma_semaphore, #tpu.memory_space<semaphore_mem>>) src(%arg11 : memref<80x128xf32, #tpu.memory_space<vmem>>) dst(%dma_wait3A_335 : memref<10240x128xf32, #tpu.memory_space<vmem_shared>>)
    %barrier3A_336 = arith.constant 0 : index
    tpu.barrier barrier_id(%barrier3A_336)
    %add3A_337 = arith.constant 0 : i32
    %add3A_338 = arith.addi %mul3A_2, %add3A_337 : i32
    "tpu.region"() ({
      %run_scoped3A = tpu.sem_alloc : memref<!tpu.dma_semaphore, #tpu.memory_space<semaphore_mem>>
      %dma_start3A_377 = arith.constant 0 : i32
      %dma_start3A_378 = tpu.memref_slice %arg17[%add3A_338, %dma_start3A_377] : memref<10240x128xf32, #tpu.memory_space<vmem_shared>> -> memref<80x128xf32, #tpu.memory_space<vmem_shared>>
      %dma_start3A_379 = arith.constant 0 : i32
      %dma_start3A_380 = tpu.memref_slice %arg17[%add3A_338, %dma_start3A_379] : memref<10240x128xf32, #tpu.memory_space<vmem_shared>> -> memref<80x128xf32, #tpu.memory_space<vmem_shared>>
      tpu.enqueue_dma source(%dma_start3A_380 : memref<80x128xf32, #tpu.memory_space<vmem_shared>>) target(%arg11 : memref<80x128xf32, #tpu.memory_space<vmem>>) target_semaphore(%run_scoped3A : memref<!tpu.dma_semaphore, #tpu.memory_space<semaphore_mem>>)
      %dma_wait3A_381 = arith.constant 0 : i32
      %dma_wait3A_382 = tpu.memref_slice %arg17[%add3A_338, %dma_wait3A_381] : memref<10240x128xf32, #tpu.memory_space<vmem_shared>> -> memref<80x128xf32, #tpu.memory_space<vmem_shared>>
      %dma_wait3A_383 = arith.constant 0 : i32
      %dma_wait3A_384 = tpu.memref_slice %arg17[%add3A_338, %dma_wait3A_383] : memref<10240x128xf32, #tpu.memory_space<vmem_shared>> -> memref<80x128xf32, #tpu.memory_space<vmem_shared>>
      tpu.wait_dma2 semaphore(%run_scoped3A : memref<!tpu.dma_semaphore, #tpu.memory_space<semaphore_mem>>) src(%dma_wait3A_384 : memref<80x128xf32, #tpu.memory_space<vmem_shared>>) dst(%arg11 : memref<80x128xf32, #tpu.memory_space<vmem>>)
      tpu.yield
    }) : () -> ()
    "tpu.region"() ({
      %run_scoped3A = tpu.sem_alloc : memref<!tpu.dma_semaphore, #tpu.memory_space<semaphore_mem>>
      %dma_start3A_377 = arith.constant 0 : i32
      %dma_start3A_378 = tpu.memref_slice %arg5[%arg0, %add3A_338, %dma_start3A_377] : memref<2x10240x128xf32, #tpu.memory_space<hbm>> -> memref<1x80x128xf32, #tpu.memory_space<hbm>>
      %dma_start3A_379 = tpu.memref_squeeze %dma_start3A_378 : memref<1x80x128xf32, #tpu.memory_space<hbm>> -> memref<80x128xf32, #tpu.memory_space<hbm>>
      %dma_start3A_380 = arith.constant 0 : i32
      %dma_start3A_381 = tpu.memref_slice %arg5[%arg0, %add3A_338, %dma_start3A_380] : memref<2x10240x128xf32, #tpu.memory_space<hbm>> -> memref<1x80x128xf32, #tpu.memory_space<hbm>>
      %dma_start3A_382 = tpu.memref_squeeze %dma_start3A_381 : memref<1x80x128xf32, #tpu.memory_space<hbm>> -> memref<80x128xf32, #tpu.memory_space<hbm>>
      tpu.enqueue_dma source(%arg11 : memref<80x128xf32, #tpu.memory_space<vmem>>) target(%dma_start3A_382 : memref<80x128xf32, #tpu.memory_space<hbm>>) target_semaphore(%run_scoped3A : memref<!tpu.dma_semaphore, #tpu.memory_space<semaphore_mem>>)
      %dma_wait3A_383 = arith.constant 0 : i32
      %dma_wait3A_384 = tpu.memref_slice %arg5[%arg0, %add3A_338, %dma_wait3A_383] : memref<2x10240x128xf32, #tpu.memory_space<hbm>> -> memref<1x80x128xf32, #tpu.memory_space<hbm>>
      %dma_wait3A_385 = tpu.memref_squeeze %dma_wait3A_384 : memref<1x80x128xf32, #tpu.memory_space<hbm>> -> memref<80x128xf32, #tpu.memory_space<hbm>>
      %dma_wait3A_386 = arith.constant 0 : i32
      %dma_wait3A_387 = tpu.memref_slice %arg5[%arg0, %add3A_338, %dma_wait3A_386] : memref<2x10240x128xf32, #tpu.memory_space<hbm>> -> memref<1x80x128xf32, #tpu.memory_space<hbm>>
      %dma_wait3A_388 = tpu.memref_squeeze %dma_wait3A_387 : memref<1x80x128xf32, #tpu.memory_space<hbm>> -> memref<80x128xf32, #tpu.memory_space<hbm>>
      tpu.wait_dma2 semaphore(%run_scoped3A : memref<!tpu.dma_semaphore, #tpu.memory_space<semaphore_mem>>) src(%arg11 : memref<80x128xf32, #tpu.memory_space<vmem>>) dst(%dma_wait3A_388 : memref<80x128xf32, #tpu.memory_space<hbm>>)
      tpu.yield
    }) : () -> ()
    "tpu.region"() ({
      %run_scoped3A = tpu.sem_alloc : memref<!tpu.dma_semaphore, #tpu.memory_space<semaphore_mem>>
      %dma_start3A_377 = tpu.memref_slice %arg18[%add3A_338] : memref<10240xf32, #tpu.memory_space<vmem_shared>> -> memref<80xf32, #tpu.memory_space<vmem_shared>>
      %dma_start3A_378 = tpu.memref_slice %arg18[%add3A_338] : memref<10240xf32, #tpu.memory_space<vmem_shared>> -> memref<80xf32, #tpu.memory_space<vmem_shared>>
      tpu.enqueue_dma source(%dma_start3A_378 : memref<80xf32, #tpu.memory_space<vmem_shared>>) target(%arg15 : memref<80xf32, #tpu.memory_space<vmem>>) target_semaphore(%run_scoped3A : memref<!tpu.dma_semaphore, #tpu.memory_space<semaphore_mem>>)
      %dma_wait3A_379 = tpu.memref_slice %arg18[%add3A_338] : memref<10240xf32, #tpu.memory_space<vmem_shared>> -> memref<80xf32, #tpu.memory_space<vmem_shared>>
      %dma_wait3A_380 = tpu.memref_slice %arg18[%add3A_338] : memref<10240xf32, #tpu.memory_space<vmem_shared>> -> memref<80xf32, #tpu.memory_space<vmem_shared>>
      tpu.wait_dma2 semaphore(%run_scoped3A : memref<!tpu.dma_semaphore, #tpu.memory_space<semaphore_mem>>) src(%dma_wait3A_380 : memref<80xf32, #tpu.memory_space<vmem_shared>>) dst(%arg15 : memref<80xf32, #tpu.memory_space<vmem>>)
      tpu.yield
    }) : () -> ()
    %mul3A_339 = arith.constant 10240 : i32
    %mul3A_340 = arith.muli %arg0, %mul3A_339 : i32
    %add3A_341 = arith.addi %mul3A_340, %add3A_338 : i32
    "tpu.region"() ({
      %run_scoped3A = tpu.sem_alloc : memref<!tpu.dma_semaphore, #tpu.memory_space<semaphore_mem>>
      %dma_start3A_377 = tpu.memref_slice %arg6[%add3A_341] : memref<20480xf32, #tpu.memory_space<hbm>> -> memref<80xf32, #tpu.memory_space<hbm>>
      %dma_start3A_378 = tpu.memref_slice %arg6[%add3A_341] : memref<20480xf32, #tpu.memory_space<hbm>> -> memref<80xf32, #tpu.memory_space<hbm>>
      tpu.enqueue_dma source(%arg15 : memref<80xf32, #tpu.memory_space<vmem>>) target(%dma_start3A_378 : memref<80xf32, #tpu.memory_space<hbm>>) target_semaphore(%run_scoped3A : memref<!tpu.dma_semaphore, #tpu.memory_space<semaphore_mem>>)
      %dma_wait3A_379 = tpu.memref_slice %arg6[%add3A_341] : memref<20480xf32, #tpu.memory_space<hbm>> -> memref<80xf32, #tpu.memory_space<hbm>>
      %dma_wait3A_380 = tpu.memref_slice %arg6[%add3A_341] : memref<20480xf32, #tpu.memory_space<hbm>> -> memref<80xf32, #tpu.memory_space<hbm>>
      tpu.wait_dma2 semaphore(%run_scoped3A : memref<!tpu.dma_semaphore, #tpu.memory_space<semaphore_mem>>) src(%arg15 : memref<80xf32, #tpu.memory_space<vmem>>) dst(%dma_wait3A_380 : memref<80xf32, #tpu.memory_space<hbm>>)
      tpu.yield
    }) : () -> ()
    %add3A_342 = arith.constant 80 : i32
    %add3A_343 = arith.addi %mul3A_2, %add3A_342 : i32
    "tpu.region"() ({
      %run_scoped3A = tpu.sem_alloc : memref<!tpu.dma_semaphore, #tpu.memory_space<semaphore_mem>>
      %dma_start3A_377 = arith.constant 0 : i32
      %dma_start3A_378 = tpu.memref_slice %arg17[%add3A_343, %dma_start3A_377] : memref<10240x128xf32, #tpu.memory_space<vmem_shared>> -> memref<80x128xf32, #tpu.memory_space<vmem_shared>>
      %dma_start3A_379 = arith.constant 0 : i32
      %dma_start3A_380 = tpu.memref_slice %arg17[%add3A_343, %dma_start3A_379] : memref<10240x128xf32, #tpu.memory_space<vmem_shared>> -> memref<80x128xf32, #tpu.memory_space<vmem_shared>>
      tpu.enqueue_dma source(%dma_start3A_380 : memref<80x128xf32, #tpu.memory_space<vmem_shared>>) target(%arg11 : memref<80x128xf32, #tpu.memory_space<vmem>>) target_semaphore(%run_scoped3A : memref<!tpu.dma_semaphore, #tpu.memory_space<semaphore_mem>>)
      %dma_wait3A_381 = arith.constant 0 : i32
      %dma_wait3A_382 = tpu.memref_slice %arg17[%add3A_343, %dma_wait3A_381] : memref<10240x128xf32, #tpu.memory_space<vmem_shared>> -> memref<80x128xf32, #tpu.memory_space<vmem_shared>>
      %dma_wait3A_383 = arith.constant 0 : i32
      %dma_wait3A_384 = tpu.memref_slice %arg17[%add3A_343, %dma_wait3A_383] : memref<10240x128xf32, #tpu.memory_space<vmem_shared>> -> memref<80x128xf32, #tpu.memory_space<vmem_shared>>
      tpu.wait_dma2 semaphore(%run_scoped3A : memref<!tpu.dma_semaphore, #tpu.memory_space<semaphore_mem>>) src(%dma_wait3A_384 : memref<80x128xf32, #tpu.memory_space<vmem_shared>>) dst(%arg11 : memref<80x128xf32, #tpu.memory_space<vmem>>)
      tpu.yield
    }) : () -> ()
    "tpu.region"() ({
      %run_scoped3A = tpu.sem_alloc : memref<!tpu.dma_semaphore, #tpu.memory_space<semaphore_mem>>
      %dma_start3A_377 = arith.constant 0 : i32
      %dma_start3A_378 = tpu.memref_slice %arg5[%arg0, %add3A_343, %dma_start3A_377] : memref<2x10240x128xf32, #tpu.memory_space<hbm>> -> memref<1x80x128xf32, #tpu.memory_space<hbm>>
      %dma_start3A_379 = tpu.memref_squeeze %dma_start3A_378 : memref<1x80x128xf32, #tpu.memory_space<hbm>> -> memref<80x128xf32, #tpu.memory_space<hbm>>
      %dma_start3A_380 = arith.constant 0 : i32
      %dma_start3A_381 = tpu.memref_slice %arg5[%arg0, %add3A_343, %dma_start3A_380] : memref<2x10240x128xf32, #tpu.memory_space<hbm>> -> memref<1x80x128xf32, #tpu.memory_space<hbm>>
      %dma_start3A_382 = tpu.memref_squeeze %dma_start3A_381 : memref<1x80x128xf32, #tpu.memory_space<hbm>> -> memref<80x128xf32, #tpu.memory_space<hbm>>
      tpu.enqueue_dma source(%arg11 : memref<80x128xf32, #tpu.memory_space<vmem>>) target(%dma_start3A_382 : memref<80x128xf32, #tpu.memory_space<hbm>>) target_semaphore(%run_scoped3A : memref<!tpu.dma_semaphore, #tpu.memory_space<semaphore_mem>>)
      %dma_wait3A_383 = arith.constant 0 : i32
      %dma_wait3A_384 = tpu.memref_slice %arg5[%arg0, %add3A_343, %dma_wait3A_383] : memref<2x10240x128xf32, #tpu.memory_space<hbm>> -> memref<1x80x128xf32, #tpu.memory_space<hbm>>
      %dma_wait3A_385 = tpu.memref_squeeze %dma_wait3A_384 : memref<1x80x128xf32, #tpu.memory_space<hbm>> -> memref<80x128xf32, #tpu.memory_space<hbm>>
      %dma_wait3A_386 = arith.constant 0 : i32
      %dma_wait3A_387 = tpu.memref_slice %arg5[%arg0, %add3A_343, %dma_wait3A_386] : memref<2x10240x128xf32, #tpu.memory_space<hbm>> -> memref<1x80x128xf32, #tpu.memory_space<hbm>>
      %dma_wait3A_388 = tpu.memref_squeeze %dma_wait3A_387 : memref<1x80x128xf32, #tpu.memory_space<hbm>> -> memref<80x128xf32, #tpu.memory_space<hbm>>
      tpu.wait_dma2 semaphore(%run_scoped3A : memref<!tpu.dma_semaphore, #tpu.memory_space<semaphore_mem>>) src(%arg11 : memref<80x128xf32, #tpu.memory_space<vmem>>) dst(%dma_wait3A_388 : memref<80x128xf32, #tpu.memory_space<hbm>>)
      tpu.yield
    }) : () -> ()
    "tpu.region"() ({
      %run_scoped3A = tpu.sem_alloc : memref<!tpu.dma_semaphore, #tpu.memory_space<semaphore_mem>>
      %dma_start3A_377 = tpu.memref_slice %arg18[%add3A_343] : memref<10240xf32, #tpu.memory_space<vmem_shared>> -> memref<80xf32, #tpu.memory_space<vmem_shared>>
      %dma_start3A_378 = tpu.memref_slice %arg18[%add3A_343] : memref<10240xf32, #tpu.memory_space<vmem_shared>> -> memref<80xf32, #tpu.memory_space<vmem_shared>>
      tpu.enqueue_dma source(%dma_start3A_378 : memref<80xf32, #tpu.memory_space<vmem_shared>>) target(%arg15 : memref<80xf32, #tpu.memory_space<vmem>>) target_semaphore(%run_scoped3A : memref<!tpu.dma_semaphore, #tpu.memory_space<semaphore_mem>>)
      %dma_wait3A_379 = tpu.memref_slice %arg18[%add3A_343] : memref<10240xf32, #tpu.memory_space<vmem_shared>> -> memref<80xf32, #tpu.memory_space<vmem_shared>>
      %dma_wait3A_380 = tpu.memref_slice %arg18[%add3A_343] : memref<10240xf32, #tpu.memory_space<vmem_shared>> -> memref<80xf32, #tpu.memory_space<vmem_shared>>
      tpu.wait_dma2 semaphore(%run_scoped3A : memref<!tpu.dma_semaphore, #tpu.memory_space<semaphore_mem>>) src(%dma_wait3A_380 : memref<80xf32, #tpu.memory_space<vmem_shared>>) dst(%arg15 : memref<80xf32, #tpu.memory_space<vmem>>)
      tpu.yield
    }) : () -> ()
    %mul3A_344 = arith.constant 10240 : i32
    %mul3A_345 = arith.muli %arg0, %mul3A_344 : i32
    %add3A_346 = arith.addi %mul3A_345, %add3A_343 : i32
    "tpu.region"() ({
      %run_scoped3A = tpu.sem_alloc : memref<!tpu.dma_semaphore, #tpu.memory_space<semaphore_mem>>
      %dma_start3A_377 = tpu.memref_slice %arg6[%add3A_346] : memref<20480xf32, #tpu.memory_space<hbm>> -> memref<80xf32, #tpu.memory_space<hbm>>
      %dma_start3A_378 = tpu.memref_slice %arg6[%add3A_346] : memref<20480xf32, #tpu.memory_space<hbm>> -> memref<80xf32, #tpu.memory_space<hbm>>
      tpu.enqueue_dma source(%arg15 : memref<80xf32, #tpu.memory_space<vmem>>) target(%dma_start3A_378 : memref<80xf32, #tpu.memory_space<hbm>>) target_semaphore(%run_scoped3A : memref<!tpu.dma_semaphore, #tpu.memory_space<semaphore_mem>>)
      %dma_wait3A_379 = tpu.memref_slice %arg6[%add3A_346] : memref<20480xf32, #tpu.memory_space<hbm>> -> memref<80xf32, #tpu.memory_space<hbm>>
      %dma_wait3A_380 = tpu.memref_slice %arg6[%add3A_346] : memref<20480xf32, #tpu.memory_space<hbm>> -> memref<80xf32, #tpu.memory_space<hbm>>
      tpu.wait_dma2 semaphore(%run_scoped3A : memref<!tpu.dma_semaphore, #tpu.memory_space<semaphore_mem>>) src(%arg15 : memref<80xf32, #tpu.memory_space<vmem>>) dst(%dma_wait3A_380 : memref<80xf32, #tpu.memory_space<hbm>>)
      tpu.yield
    }) : () -> ()
    %add3A_347 = arith.constant 160 : i32
    %add3A_348 = arith.addi %mul3A_2, %add3A_347 : i32
    "tpu.region"() ({
      %run_scoped3A = tpu.sem_alloc : memref<!tpu.dma_semaphore, #tpu.memory_space<semaphore_mem>>
      %dma_start3A_377 = arith.constant 0 : i32
      %dma_start3A_378 = tpu.memref_slice %arg17[%add3A_348, %dma_start3A_377] : memref<10240x128xf32, #tpu.memory_space<vmem_shared>> -> memref<80x128xf32, #tpu.memory_space<vmem_shared>>
      %dma_start3A_379 = arith.constant 0 : i32
      %dma_start3A_380 = tpu.memref_slice %arg17[%add3A_348, %dma_start3A_379] : memref<10240x128xf32, #tpu.memory_space<vmem_shared>> -> memref<80x128xf32, #tpu.memory_space<vmem_shared>>
      tpu.enqueue_dma source(%dma_start3A_380 : memref<80x128xf32, #tpu.memory_space<vmem_shared>>) target(%arg11 : memref<80x128xf32, #tpu.memory_space<vmem>>) target_semaphore(%run_scoped3A : memref<!tpu.dma_semaphore, #tpu.memory_space<semaphore_mem>>)
      %dma_wait3A_381 = arith.constant 0 : i32
      %dma_wait3A_382 = tpu.memref_slice %arg17[%add3A_348, %dma_wait3A_381] : memref<10240x128xf32, #tpu.memory_space<vmem_shared>> -> memref<80x128xf32, #tpu.memory_space<vmem_shared>>
      %dma_wait3A_383 = arith.constant 0 : i32
      %dma_wait3A_384 = tpu.memref_slice %arg17[%add3A_348, %dma_wait3A_383] : memref<10240x128xf32, #tpu.memory_space<vmem_shared>> -> memref<80x128xf32, #tpu.memory_space<vmem_shared>>
      tpu.wait_dma2 semaphore(%run_scoped3A : memref<!tpu.dma_semaphore, #tpu.memory_space<semaphore_mem>>) src(%dma_wait3A_384 : memref<80x128xf32, #tpu.memory_space<vmem_shared>>) dst(%arg11 : memref<80x128xf32, #tpu.memory_space<vmem>>)
      tpu.yield
    }) : () -> ()
    "tpu.region"() ({
      %run_scoped3A = tpu.sem_alloc : memref<!tpu.dma_semaphore, #tpu.memory_space<semaphore_mem>>
      %dma_start3A_377 = arith.constant 0 : i32
      %dma_start3A_378 = tpu.memref_slice %arg5[%arg0, %add3A_348, %dma_start3A_377] : memref<2x10240x128xf32, #tpu.memory_space<hbm>> -> memref<1x80x128xf32, #tpu.memory_space<hbm>>
      %dma_start3A_379 = tpu.memref_squeeze %dma_start3A_378 : memref<1x80x128xf32, #tpu.memory_space<hbm>> -> memref<80x128xf32, #tpu.memory_space<hbm>>
      %dma_start3A_380 = arith.constant 0 : i32
      %dma_start3A_381 = tpu.memref_slice %arg5[%arg0, %add3A_348, %dma_start3A_380] : memref<2x10240x128xf32, #tpu.memory_space<hbm>> -> memref<1x80x128xf32, #tpu.memory_space<hbm>>
      %dma_start3A_382 = tpu.memref_squeeze %dma_start3A_381 : memref<1x80x128xf32, #tpu.memory_space<hbm>> -> memref<80x128xf32, #tpu.memory_space<hbm>>
      tpu.enqueue_dma source(%arg11 : memref<80x128xf32, #tpu.memory_space<vmem>>) target(%dma_start3A_382 : memref<80x128xf32, #tpu.memory_space<hbm>>) target_semaphore(%run_scoped3A : memref<!tpu.dma_semaphore, #tpu.memory_space<semaphore_mem>>)
      %dma_wait3A_383 = arith.constant 0 : i32
      %dma_wait3A_384 = tpu.memref_slice %arg5[%arg0, %add3A_348, %dma_wait3A_383] : memref<2x10240x128xf32, #tpu.memory_space<hbm>> -> memref<1x80x128xf32, #tpu.memory_space<hbm>>
      %dma_wait3A_385 = tpu.memref_squeeze %dma_wait3A_384 : memref<1x80x128xf32, #tpu.memory_space<hbm>> -> memref<80x128xf32, #tpu.memory_space<hbm>>
      %dma_wait3A_386 = arith.constant 0 : i32
      %dma_wait3A_387 = tpu.memref_slice %arg5[%arg0, %add3A_348, %dma_wait3A_386] : memref<2x10240x128xf32, #tpu.memory_space<hbm>> -> memref<1x80x128xf32, #tpu.memory_space<hbm>>
      %dma_wait3A_388 = tpu.memref_squeeze %dma_wait3A_387 : memref<1x80x128xf32, #tpu.memory_space<hbm>> -> memref<80x128xf32, #tpu.memory_space<hbm>>
      tpu.wait_dma2 semaphore(%run_scoped3A : memref<!tpu.dma_semaphore, #tpu.memory_space<semaphore_mem>>) src(%arg11 : memref<80x128xf32, #tpu.memory_space<vmem>>) dst(%dma_wait3A_388 : memref<80x128xf32, #tpu.memory_space<hbm>>)
      tpu.yield
    }) : () -> ()
    "tpu.region"() ({
      %run_scoped3A = tpu.sem_alloc : memref<!tpu.dma_semaphore, #tpu.memory_space<semaphore_mem>>
      %dma_start3A_377 = tpu.memref_slice %arg18[%add3A_348] : memref<10240xf32, #tpu.memory_space<vmem_shared>> -> memref<80xf32, #tpu.memory_space<vmem_shared>>
      %dma_start3A_378 = tpu.memref_slice %arg18[%add3A_348] : memref<10240xf32, #tpu.memory_space<vmem_shared>> -> memref<80xf32, #tpu.memory_space<vmem_shared>>
      tpu.enqueue_dma source(%dma_start3A_378 : memref<80xf32, #tpu.memory_space<vmem_shared>>) target(%arg15 : memref<80xf32, #tpu.memory_space<vmem>>) target_semaphore(%run_scoped3A : memref<!tpu.dma_semaphore, #tpu.memory_space<semaphore_mem>>)
      %dma_wait3A_379 = tpu.memref_slice %arg18[%add3A_348] : memref<10240xf32, #tpu.memory_space<vmem_shared>> -> memref<80xf32, #tpu.memory_space<vmem_shared>>
      %dma_wait3A_380 = tpu.memref_slice %arg18[%add3A_348] : memref<10240xf32, #tpu.memory_space<vmem_shared>> -> memref<80xf32, #tpu.memory_space<vmem_shared>>
      tpu.wait_dma2 semaphore(%run_scoped3A : memref<!tpu.dma_semaphore, #tpu.memory_space<semaphore_mem>>) src(%dma_wait3A_380 : memref<80xf32, #tpu.memory_space<vmem_shared>>) dst(%arg15 : memref<80xf32, #tpu.memory_space<vmem>>)
      tpu.yield
    }) : () -> ()
    %mul3A_349 = arith.constant 10240 : i32
    %mul3A_350 = arith.muli %arg0, %mul3A_349 : i32
    %add3A_351 = arith.addi %mul3A_350, %add3A_348 : i32
    "tpu.region"() ({
      %run_scoped3A = tpu.sem_alloc : memref<!tpu.dma_semaphore, #tpu.memory_space<semaphore_mem>>
      %dma_start3A_377 = tpu.memref_slice %arg6[%add3A_351] : memref<20480xf32, #tpu.memory_space<hbm>> -> memref<80xf32, #tpu.memory_space<hbm>>
      %dma_start3A_378 = tpu.memref_slice %arg6[%add3A_351] : memref<20480xf32, #tpu.memory_space<hbm>> -> memref<80xf32, #tpu.memory_space<hbm>>
      tpu.enqueue_dma source(%arg15 : memref<80xf32, #tpu.memory_space<vmem>>) target(%dma_start3A_378 : memref<80xf32, #tpu.memory_space<hbm>>) target_semaphore(%run_scoped3A : memref<!tpu.dma_semaphore, #tpu.memory_space<semaphore_mem>>)
      %dma_wait3A_379 = tpu.memref_slice %arg6[%add3A_351] : memref<20480xf32, #tpu.memory_space<hbm>> -> memref<80xf32, #tpu.memory_space<hbm>>
      %dma_wait3A_380 = tpu.memref_slice %arg6[%add3A_351] : memref<20480xf32, #tpu.memory_space<hbm>> -> memref<80xf32, #tpu.memory_space<hbm>>
      tpu.wait_dma2 semaphore(%run_scoped3A : memref<!tpu.dma_semaphore, #tpu.memory_space<semaphore_mem>>) src(%arg15 : memref<80xf32, #tpu.memory_space<vmem>>) dst(%dma_wait3A_380 : memref<80xf32, #tpu.memory_space<hbm>>)
      tpu.yield
    }) : () -> ()
    %add3A_352 = arith.constant 240 : i32
    %add3A_353 = arith.addi %mul3A_2, %add3A_352 : i32
    "tpu.region"() ({
      %run_scoped3A = tpu.sem_alloc : memref<!tpu.dma_semaphore, #tpu.memory_space<semaphore_mem>>
      %dma_start3A_377 = arith.constant 0 : i32
      %dma_start3A_378 = tpu.memref_slice %arg17[%add3A_353, %dma_start3A_377] : memref<10240x128xf32, #tpu.memory_space<vmem_shared>> -> memref<80x128xf32, #tpu.memory_space<vmem_shared>>
      %dma_start3A_379 = arith.constant 0 : i32
      %dma_start3A_380 = tpu.memref_slice %arg17[%add3A_353, %dma_start3A_379] : memref<10240x128xf32, #tpu.memory_space<vmem_shared>> -> memref<80x128xf32, #tpu.memory_space<vmem_shared>>
      tpu.enqueue_dma source(%dma_start3A_380 : memref<80x128xf32, #tpu.memory_space<vmem_shared>>) target(%arg11 : memref<80x128xf32, #tpu.memory_space<vmem>>) target_semaphore(%run_scoped3A : memref<!tpu.dma_semaphore, #tpu.memory_space<semaphore_mem>>)
      %dma_wait3A_381 = arith.constant 0 : i32
      %dma_wait3A_382 = tpu.memref_slice %arg17[%add3A_353, %dma_wait3A_381] : memref<10240x128xf32, #tpu.memory_space<vmem_shared>> -> memref<80x128xf32, #tpu.memory_space<vmem_shared>>
      %dma_wait3A_383 = arith.constant 0 : i32
      %dma_wait3A_384 = tpu.memref_slice %arg17[%add3A_353, %dma_wait3A_383] : memref<10240x128xf32, #tpu.memory_space<vmem_shared>> -> memref<80x128xf32, #tpu.memory_space<vmem_shared>>
      tpu.wait_dma2 semaphore(%run_scoped3A : memref<!tpu.dma_semaphore, #tpu.memory_space<semaphore_mem>>) src(%dma_wait3A_384 : memref<80x128xf32, #tpu.memory_space<vmem_shared>>) dst(%arg11 : memref<80x128xf32, #tpu.memory_space<vmem>>)
      tpu.yield
    }) : () -> ()
    "tpu.region"() ({
      %run_scoped3A = tpu.sem_alloc : memref<!tpu.dma_semaphore, #tpu.memory_space<semaphore_mem>>
      %dma_start3A_377 = arith.constant 0 : i32
      %dma_start3A_378 = tpu.memref_slice %arg5[%arg0, %add3A_353, %dma_start3A_377] : memref<2x10240x128xf32, #tpu.memory_space<hbm>> -> memref<1x80x128xf32, #tpu.memory_space<hbm>>
      %dma_start3A_379 = tpu.memref_squeeze %dma_start3A_378 : memref<1x80x128xf32, #tpu.memory_space<hbm>> -> memref<80x128xf32, #tpu.memory_space<hbm>>
      %dma_start3A_380 = arith.constant 0 : i32
      %dma_start3A_381 = tpu.memref_slice %arg5[%arg0, %add3A_353, %dma_start3A_380] : memref<2x10240x128xf32, #tpu.memory_space<hbm>> -> memref<1x80x128xf32, #tpu.memory_space<hbm>>
      %dma_start3A_382 = tpu.memref_squeeze %dma_start3A_381 : memref<1x80x128xf32, #tpu.memory_space<hbm>> -> memref<80x128xf32, #tpu.memory_space<hbm>>
      tpu.enqueue_dma source(%arg11 : memref<80x128xf32, #tpu.memory_space<vmem>>) target(%dma_start3A_382 : memref<80x128xf32, #tpu.memory_space<hbm>>) target_semaphore(%run_scoped3A : memref<!tpu.dma_semaphore, #tpu.memory_space<semaphore_mem>>)
      %dma_wait3A_383 = arith.constant 0 : i32
      %dma_wait3A_384 = tpu.memref_slice %arg5[%arg0, %add3A_353, %dma_wait3A_383] : memref<2x10240x128xf32, #tpu.memory_space<hbm>> -> memref<1x80x128xf32, #tpu.memory_space<hbm>>
      %dma_wait3A_385 = tpu.memref_squeeze %dma_wait3A_384 : memref<1x80x128xf32, #tpu.memory_space<hbm>> -> memref<80x128xf32, #tpu.memory_space<hbm>>
      %dma_wait3A_386 = arith.constant 0 : i32
      %dma_wait3A_387 = tpu.memref_slice %arg5[%arg0, %add3A_353, %dma_wait3A_386] : memref<2x10240x128xf32, #tpu.memory_space<hbm>> -> memref<1x80x128xf32, #tpu.memory_space<hbm>>
      %dma_wait3A_388 = tpu.memref_squeeze %dma_wait3A_387 : memref<1x80x128xf32, #tpu.memory_space<hbm>> -> memref<80x128xf32, #tpu.memory_space<hbm>>
      tpu.wait_dma2 semaphore(%run_scoped3A : memref<!tpu.dma_semaphore, #tpu.memory_space<semaphore_mem>>) src(%arg11 : memref<80x128xf32, #tpu.memory_space<vmem>>) dst(%dma_wait3A_388 : memref<80x128xf32, #tpu.memory_space<hbm>>)
      tpu.yield
    }) : () -> ()
    "tpu.region"() ({
      %run_scoped3A = tpu.sem_alloc : memref<!tpu.dma_semaphore, #tpu.memory_space<semaphore_mem>>
      %dma_start3A_377 = tpu.memref_slice %arg18[%add3A_353] : memref<10240xf32, #tpu.memory_space<vmem_shared>> -> memref<80xf32, #tpu.memory_space<vmem_shared>>
      %dma_start3A_378 = tpu.memref_slice %arg18[%add3A_353] : memref<10240xf32, #tpu.memory_space<vmem_shared>> -> memref<80xf32, #tpu.memory_space<vmem_shared>>
      tpu.enqueue_dma source(%dma_start3A_378 : memref<80xf32, #tpu.memory_space<vmem_shared>>) target(%arg15 : memref<80xf32, #tpu.memory_space<vmem>>) target_semaphore(%run_scoped3A : memref<!tpu.dma_semaphore, #tpu.memory_space<semaphore_mem>>)
      %dma_wait3A_379 = tpu.memref_slice %arg18[%add3A_353] : memref<10240xf32, #tpu.memory_space<vmem_shared>> -> memref<80xf32, #tpu.memory_space<vmem_shared>>
      %dma_wait3A_380 = tpu.memref_slice %arg18[%add3A_353] : memref<10240xf32, #tpu.memory_space<vmem_shared>> -> memref<80xf32, #tpu.memory_space<vmem_shared>>
      tpu.wait_dma2 semaphore(%run_scoped3A : memref<!tpu.dma_semaphore, #tpu.memory_space<semaphore_mem>>) src(%dma_wait3A_380 : memref<80xf32, #tpu.memory_space<vmem_shared>>) dst(%arg15 : memref<80xf32, #tpu.memory_space<vmem>>)
      tpu.yield
    }) : () -> ()
    %mul3A_354 = arith.constant 10240 : i32
    %mul3A_355 = arith.muli %arg0, %mul3A_354 : i32
    %add3A_356 = arith.addi %mul3A_355, %add3A_353 : i32
    "tpu.region"() ({
      %run_scoped3A = tpu.sem_alloc : memref<!tpu.dma_semaphore, #tpu.memory_space<semaphore_mem>>
      %dma_start3A_377 = tpu.memref_slice %arg6[%add3A_356] : memref<20480xf32, #tpu.memory_space<hbm>> -> memref<80xf32, #tpu.memory_space<hbm>>
      %dma_start3A_378 = tpu.memref_slice %arg6[%add3A_356] : memref<20480xf32, #tpu.memory_space<hbm>> -> memref<80xf32, #tpu.memory_space<hbm>>
      tpu.enqueue_dma source(%arg15 : memref<80xf32, #tpu.memory_space<vmem>>) target(%dma_start3A_378 : memref<80xf32, #tpu.memory_space<hbm>>) target_semaphore(%run_scoped3A : memref<!tpu.dma_semaphore, #tpu.memory_space<semaphore_mem>>)
      %dma_wait3A_379 = tpu.memref_slice %arg6[%add3A_356] : memref<20480xf32, #tpu.memory_space<hbm>> -> memref<80xf32, #tpu.memory_space<hbm>>
      %dma_wait3A_380 = tpu.memref_slice %arg6[%add3A_356] : memref<20480xf32, #tpu.memory_space<hbm>> -> memref<80xf32, #tpu.memory_space<hbm>>
      tpu.wait_dma2 semaphore(%run_scoped3A : memref<!tpu.dma_semaphore, #tpu.memory_space<semaphore_mem>>) src(%arg15 : memref<80xf32, #tpu.memory_space<vmem>>) dst(%dma_wait3A_380 : memref<80xf32, #tpu.memory_space<hbm>>)
      tpu.yield
    }) : () -> ()
    %add3A_357 = arith.constant 320 : i32
    %add3A_358 = arith.addi %mul3A_2, %add3A_357 : i32
    "tpu.region"() ({
      %run_scoped3A = tpu.sem_alloc : memref<!tpu.dma_semaphore, #tpu.memory_space<semaphore_mem>>
      %dma_start3A_377 = arith.constant 0 : i32
      %dma_start3A_378 = tpu.memref_slice %arg17[%add3A_358, %dma_start3A_377] : memref<10240x128xf32, #tpu.memory_space<vmem_shared>> -> memref<80x128xf32, #tpu.memory_space<vmem_shared>>
      %dma_start3A_379 = arith.constant 0 : i32
      %dma_start3A_380 = tpu.memref_slice %arg17[%add3A_358, %dma_start3A_379] : memref<10240x128xf32, #tpu.memory_space<vmem_shared>> -> memref<80x128xf32, #tpu.memory_space<vmem_shared>>
      tpu.enqueue_dma source(%dma_start3A_380 : memref<80x128xf32, #tpu.memory_space<vmem_shared>>) target(%arg11 : memref<80x128xf32, #tpu.memory_space<vmem>>) target_semaphore(%run_scoped3A : memref<!tpu.dma_semaphore, #tpu.memory_space<semaphore_mem>>)
      %dma_wait3A_381 = arith.constant 0 : i32
      %dma_wait3A_382 = tpu.memref_slice %arg17[%add3A_358, %dma_wait3A_381] : memref<10240x128xf32, #tpu.memory_space<vmem_shared>> -> memref<80x128xf32, #tpu.memory_space<vmem_shared>>
      %dma_wait3A_383 = arith.constant 0 : i32
      %dma_wait3A_384 = tpu.memref_slice %arg17[%add3A_358, %dma_wait3A_383] : memref<10240x128xf32, #tpu.memory_space<vmem_shared>> -> memref<80x128xf32, #tpu.memory_space<vmem_shared>>
      tpu.wait_dma2 semaphore(%run_scoped3A : memref<!tpu.dma_semaphore, #tpu.memory_space<semaphore_mem>>) src(%dma_wait3A_384 : memref<80x128xf32, #tpu.memory_space<vmem_shared>>) dst(%arg11 : memref<80x128xf32, #tpu.memory_space<vmem>>)
      tpu.yield
    }) : () -> ()
    "tpu.region"() ({
      %run_scoped3A = tpu.sem_alloc : memref<!tpu.dma_semaphore, #tpu.memory_space<semaphore_mem>>
      %dma_start3A_377 = arith.constant 0 : i32
      %dma_start3A_378 = tpu.memref_slice %arg5[%arg0, %add3A_358, %dma_start3A_377] : memref<2x10240x128xf32, #tpu.memory_space<hbm>> -> memref<1x80x128xf32, #tpu.memory_space<hbm>>
      %dma_start3A_379 = tpu.memref_squeeze %dma_start3A_378 : memref<1x80x128xf32, #tpu.memory_space<hbm>> -> memref<80x128xf32, #tpu.memory_space<hbm>>
      %dma_start3A_380 = arith.constant 0 : i32
      %dma_start3A_381 = tpu.memref_slice %arg5[%arg0, %add3A_358, %dma_start3A_380] : memref<2x10240x128xf32, #tpu.memory_space<hbm>> -> memref<1x80x128xf32, #tpu.memory_space<hbm>>
      %dma_start3A_382 = tpu.memref_squeeze %dma_start3A_381 : memref<1x80x128xf32, #tpu.memory_space<hbm>> -> memref<80x128xf32, #tpu.memory_space<hbm>>
      tpu.enqueue_dma source(%arg11 : memref<80x128xf32, #tpu.memory_space<vmem>>) target(%dma_start3A_382 : memref<80x128xf32, #tpu.memory_space<hbm>>) target_semaphore(%run_scoped3A : memref<!tpu.dma_semaphore, #tpu.memory_space<semaphore_mem>>)
      %dma_wait3A_383 = arith.constant 0 : i32
      %dma_wait3A_384 = tpu.memref_slice %arg5[%arg0, %add3A_358, %dma_wait3A_383] : memref<2x10240x128xf32, #tpu.memory_space<hbm>> -> memref<1x80x128xf32, #tpu.memory_space<hbm>>
      %dma_wait3A_385 = tpu.memref_squeeze %dma_wait3A_384 : memref<1x80x128xf32, #tpu.memory_space<hbm>> -> memref<80x128xf32, #tpu.memory_space<hbm>>
      %dma_wait3A_386 = arith.constant 0 : i32
      %dma_wait3A_387 = tpu.memref_slice %arg5[%arg0, %add3A_358, %dma_wait3A_386] : memref<2x10240x128xf32, #tpu.memory_space<hbm>> -> memref<1x80x128xf32, #tpu.memory_space<hbm>>
      %dma_wait3A_388 = tpu.memref_squeeze %dma_wait3A_387 : memref<1x80x128xf32, #tpu.memory_space<hbm>> -> memref<80x128xf32, #tpu.memory_space<hbm>>
      tpu.wait_dma2 semaphore(%run_scoped3A : memref<!tpu.dma_semaphore, #tpu.memory_space<semaphore_mem>>) src(%arg11 : memref<80x128xf32, #tpu.memory_space<vmem>>) dst(%dma_wait3A_388 : memref<80x128xf32, #tpu.memory_space<hbm>>)
      tpu.yield
    }) : () -> ()
    "tpu.region"() ({
      %run_scoped3A = tpu.sem_alloc : memref<!tpu.dma_semaphore, #tpu.memory_space<semaphore_mem>>
      %dma_start3A_377 = tpu.memref_slice %arg18[%add3A_358] : memref<10240xf32, #tpu.memory_space<vmem_shared>> -> memref<80xf32, #tpu.memory_space<vmem_shared>>
      %dma_start3A_378 = tpu.memref_slice %arg18[%add3A_358] : memref<10240xf32, #tpu.memory_space<vmem_shared>> -> memref<80xf32, #tpu.memory_space<vmem_shared>>
      tpu.enqueue_dma source(%dma_start3A_378 : memref<80xf32, #tpu.memory_space<vmem_shared>>) target(%arg15 : memref<80xf32, #tpu.memory_space<vmem>>) target_semaphore(%run_scoped3A : memref<!tpu.dma_semaphore, #tpu.memory_space<semaphore_mem>>)
      %dma_wait3A_379 = tpu.memref_slice %arg18[%add3A_358] : memref<10240xf32, #tpu.memory_space<vmem_shared>> -> memref<80xf32, #tpu.memory_space<vmem_shared>>
      %dma_wait3A_380 = tpu.memref_slice %arg18[%add3A_358] : memref<10240xf32, #tpu.memory_space<vmem_shared>> -> memref<80xf32, #tpu.memory_space<vmem_shared>>
      tpu.wait_dma2 semaphore(%run_scoped3A : memref<!tpu.dma_semaphore, #tpu.memory_space<semaphore_mem>>) src(%dma_wait3A_380 : memref<80xf32, #tpu.memory_space<vmem_shared>>) dst(%arg15 : memref<80xf32, #tpu.memory_space<vmem>>)
      tpu.yield
    }) : () -> ()
    %mul3A_359 = arith.constant 10240 : i32
    %mul3A_360 = arith.muli %arg0, %mul3A_359 : i32
    %add3A_361 = arith.addi %mul3A_360, %add3A_358 : i32
    "tpu.region"() ({
      %run_scoped3A = tpu.sem_alloc : memref<!tpu.dma_semaphore, #tpu.memory_space<semaphore_mem>>
      %dma_start3A_377 = tpu.memref_slice %arg6[%add3A_361] : memref<20480xf32, #tpu.memory_space<hbm>> -> memref<80xf32, #tpu.memory_space<hbm>>
      %dma_start3A_378 = tpu.memref_slice %arg6[%add3A_361] : memref<20480xf32, #tpu.memory_space<hbm>> -> memref<80xf32, #tpu.memory_space<hbm>>
      tpu.enqueue_dma source(%arg15 : memref<80xf32, #tpu.memory_space<vmem>>) target(%dma_start3A_378 : memref<80xf32, #tpu.memory_space<hbm>>) target_semaphore(%run_scoped3A : memref<!tpu.dma_semaphore, #tpu.memory_space<semaphore_mem>>)
      %dma_wait3A_379 = tpu.memref_slice %arg6[%add3A_361] : memref<20480xf32, #tpu.memory_space<hbm>> -> memref<80xf32, #tpu.memory_space<hbm>>
      %dma_wait3A_380 = tpu.memref_slice %arg6[%add3A_361] : memref<20480xf32, #tpu.memory_space<hbm>> -> memref<80xf32, #tpu.memory_space<hbm>>
      tpu.wait_dma2 semaphore(%run_scoped3A : memref<!tpu.dma_semaphore, #tpu.memory_space<semaphore_mem>>) src(%arg15 : memref<80xf32, #tpu.memory_space<vmem>>) dst(%dma_wait3A_380 : memref<80xf32, #tpu.memory_space<hbm>>)
      tpu.yield
    }) : () -> ()
    %add3A_362 = arith.constant 400 : i32
    %add3A_363 = arith.addi %mul3A_2, %add3A_362 : i32
    "tpu.region"() ({
      %run_scoped3A = tpu.sem_alloc : memref<!tpu.dma_semaphore, #tpu.memory_space<semaphore_mem>>
      %dma_start3A_377 = arith.constant 0 : i32
      %dma_start3A_378 = tpu.memref_slice %arg17[%add3A_363, %dma_start3A_377] : memref<10240x128xf32, #tpu.memory_space<vmem_shared>> -> memref<80x128xf32, #tpu.memory_space<vmem_shared>>
      %dma_start3A_379 = arith.constant 0 : i32
      %dma_start3A_380 = tpu.memref_slice %arg17[%add3A_363, %dma_start3A_379] : memref<10240x128xf32, #tpu.memory_space<vmem_shared>> -> memref<80x128xf32, #tpu.memory_space<vmem_shared>>
      tpu.enqueue_dma source(%dma_start3A_380 : memref<80x128xf32, #tpu.memory_space<vmem_shared>>) target(%arg11 : memref<80x128xf32, #tpu.memory_space<vmem>>) target_semaphore(%run_scoped3A : memref<!tpu.dma_semaphore, #tpu.memory_space<semaphore_mem>>)
      %dma_wait3A_381 = arith.constant 0 : i32
      %dma_wait3A_382 = tpu.memref_slice %arg17[%add3A_363, %dma_wait3A_381] : memref<10240x128xf32, #tpu.memory_space<vmem_shared>> -> memref<80x128xf32, #tpu.memory_space<vmem_shared>>
      %dma_wait3A_383 = arith.constant 0 : i32
      %dma_wait3A_384 = tpu.memref_slice %arg17[%add3A_363, %dma_wait3A_383] : memref<10240x128xf32, #tpu.memory_space<vmem_shared>> -> memref<80x128xf32, #tpu.memory_space<vmem_shared>>
      tpu.wait_dma2 semaphore(%run_scoped3A : memref<!tpu.dma_semaphore, #tpu.memory_space<semaphore_mem>>) src(%dma_wait3A_384 : memref<80x128xf32, #tpu.memory_space<vmem_shared>>) dst(%arg11 : memref<80x128xf32, #tpu.memory_space<vmem>>)
      tpu.yield
    }) : () -> ()
    "tpu.region"() ({
      %run_scoped3A = tpu.sem_alloc : memref<!tpu.dma_semaphore, #tpu.memory_space<semaphore_mem>>
      %dma_start3A_377 = arith.constant 0 : i32
      %dma_start3A_378 = tpu.memref_slice %arg5[%arg0, %add3A_363, %dma_start3A_377] : memref<2x10240x128xf32, #tpu.memory_space<hbm>> -> memref<1x80x128xf32, #tpu.memory_space<hbm>>
      %dma_start3A_379 = tpu.memref_squeeze %dma_start3A_378 : memref<1x80x128xf32, #tpu.memory_space<hbm>> -> memref<80x128xf32, #tpu.memory_space<hbm>>
      %dma_start3A_380 = arith.constant 0 : i32
      %dma_start3A_381 = tpu.memref_slice %arg5[%arg0, %add3A_363, %dma_start3A_380] : memref<2x10240x128xf32, #tpu.memory_space<hbm>> -> memref<1x80x128xf32, #tpu.memory_space<hbm>>
      %dma_start3A_382 = tpu.memref_squeeze %dma_start3A_381 : memref<1x80x128xf32, #tpu.memory_space<hbm>> -> memref<80x128xf32, #tpu.memory_space<hbm>>
      tpu.enqueue_dma source(%arg11 : memref<80x128xf32, #tpu.memory_space<vmem>>) target(%dma_start3A_382 : memref<80x128xf32, #tpu.memory_space<hbm>>) target_semaphore(%run_scoped3A : memref<!tpu.dma_semaphore, #tpu.memory_space<semaphore_mem>>)
      %dma_wait3A_383 = arith.constant 0 : i32
      %dma_wait3A_384 = tpu.memref_slice %arg5[%arg0, %add3A_363, %dma_wait3A_383] : memref<2x10240x128xf32, #tpu.memory_space<hbm>> -> memref<1x80x128xf32, #tpu.memory_space<hbm>>
      %dma_wait3A_385 = tpu.memref_squeeze %dma_wait3A_384 : memref<1x80x128xf32, #tpu.memory_space<hbm>> -> memref<80x128xf32, #tpu.memory_space<hbm>>
      %dma_wait3A_386 = arith.constant 0 : i32
      %dma_wait3A_387 = tpu.memref_slice %arg5[%arg0, %add3A_363, %dma_wait3A_386] : memref<2x10240x128xf32, #tpu.memory_space<hbm>> -> memref<1x80x128xf32, #tpu.memory_space<hbm>>
      %dma_wait3A_388 = tpu.memref_squeeze %dma_wait3A_387 : memref<1x80x128xf32, #tpu.memory_space<hbm>> -> memref<80x128xf32, #tpu.memory_space<hbm>>
      tpu.wait_dma2 semaphore(%run_scoped3A : memref<!tpu.dma_semaphore, #tpu.memory_space<semaphore_mem>>) src(%arg11 : memref<80x128xf32, #tpu.memory_space<vmem>>) dst(%dma_wait3A_388 : memref<80x128xf32, #tpu.memory_space<hbm>>)
      tpu.yield
    }) : () -> ()
    "tpu.region"() ({
      %run_scoped3A = tpu.sem_alloc : memref<!tpu.dma_semaphore, #tpu.memory_space<semaphore_mem>>
      %dma_start3A_377 = tpu.memref_slice %arg18[%add3A_363] : memref<10240xf32, #tpu.memory_space<vmem_shared>> -> memref<80xf32, #tpu.memory_space<vmem_shared>>
      %dma_start3A_378 = tpu.memref_slice %arg18[%add3A_363] : memref<10240xf32, #tpu.memory_space<vmem_shared>> -> memref<80xf32, #tpu.memory_space<vmem_shared>>
      tpu.enqueue_dma source(%dma_start3A_378 : memref<80xf32, #tpu.memory_space<vmem_shared>>) target(%arg15 : memref<80xf32, #tpu.memory_space<vmem>>) target_semaphore(%run_scoped3A : memref<!tpu.dma_semaphore, #tpu.memory_space<semaphore_mem>>)
      %dma_wait3A_379 = tpu.memref_slice %arg18[%add3A_363] : memref<10240xf32, #tpu.memory_space<vmem_shared>> -> memref<80xf32, #tpu.memory_space<vmem_shared>>
      %dma_wait3A_380 = tpu.memref_slice %arg18[%add3A_363] : memref<10240xf32, #tpu.memory_space<vmem_shared>> -> memref<80xf32, #tpu.memory_space<vmem_shared>>
      tpu.wait_dma2 semaphore(%run_scoped3A : memref<!tpu.dma_semaphore, #tpu.memory_space<semaphore_mem>>) src(%dma_wait3A_380 : memref<80xf32, #tpu.memory_space<vmem_shared>>) dst(%arg15 : memref<80xf32, #tpu.memory_space<vmem>>)
      tpu.yield
    }) : () -> ()
    %mul3A_364 = arith.constant 10240 : i32
    %mul3A_365 = arith.muli %arg0, %mul3A_364 : i32
    %add3A_366 = arith.addi %mul3A_365, %add3A_363 : i32
    "tpu.region"() ({
      %run_scoped3A = tpu.sem_alloc : memref<!tpu.dma_semaphore, #tpu.memory_space<semaphore_mem>>
      %dma_start3A_377 = tpu.memref_slice %arg6[%add3A_366] : memref<20480xf32, #tpu.memory_space<hbm>> -> memref<80xf32, #tpu.memory_space<hbm>>
      %dma_start3A_378 = tpu.memref_slice %arg6[%add3A_366] : memref<20480xf32, #tpu.memory_space<hbm>> -> memref<80xf32, #tpu.memory_space<hbm>>
      tpu.enqueue_dma source(%arg15 : memref<80xf32, #tpu.memory_space<vmem>>) target(%dma_start3A_378 : memref<80xf32, #tpu.memory_space<hbm>>) target_semaphore(%run_scoped3A : memref<!tpu.dma_semaphore, #tpu.memory_space<semaphore_mem>>)
      %dma_wait3A_379 = tpu.memref_slice %arg6[%add3A_366] : memref<20480xf32, #tpu.memory_space<hbm>> -> memref<80xf32, #tpu.memory_space<hbm>>
      %dma_wait3A_380 = tpu.memref_slice %arg6[%add3A_366] : memref<20480xf32, #tpu.memory_space<hbm>> -> memref<80xf32, #tpu.memory_space<hbm>>
      tpu.wait_dma2 semaphore(%run_scoped3A : memref<!tpu.dma_semaphore, #tpu.memory_space<semaphore_mem>>) src(%arg15 : memref<80xf32, #tpu.memory_space<vmem>>) dst(%dma_wait3A_380 : memref<80xf32, #tpu.memory_space<hbm>>)
      tpu.yield
    }) : () -> ()
    %add3A_367 = arith.constant 480 : i32
    %add3A_368 = arith.addi %mul3A_2, %add3A_367 : i32
    "tpu.region"() ({
      %run_scoped3A = tpu.sem_alloc : memref<!tpu.dma_semaphore, #tpu.memory_space<semaphore_mem>>
      %dma_start3A_377 = arith.constant 0 : i32
      %dma_start3A_378 = tpu.memref_slice %arg17[%add3A_368, %dma_start3A_377] : memref<10240x128xf32, #tpu.memory_space<vmem_shared>> -> memref<80x128xf32, #tpu.memory_space<vmem_shared>>
      %dma_start3A_379 = arith.constant 0 : i32
      %dma_start3A_380 = tpu.memref_slice %arg17[%add3A_368, %dma_start3A_379] : memref<10240x128xf32, #tpu.memory_space<vmem_shared>> -> memref<80x128xf32, #tpu.memory_space<vmem_shared>>
      tpu.enqueue_dma source(%dma_start3A_380 : memref<80x128xf32, #tpu.memory_space<vmem_shared>>) target(%arg11 : memref<80x128xf32, #tpu.memory_space<vmem>>) target_semaphore(%run_scoped3A : memref<!tpu.dma_semaphore, #tpu.memory_space<semaphore_mem>>)
      %dma_wait3A_381 = arith.constant 0 : i32
      %dma_wait3A_382 = tpu.memref_slice %arg17[%add3A_368, %dma_wait3A_381] : memref<10240x128xf32, #tpu.memory_space<vmem_shared>> -> memref<80x128xf32, #tpu.memory_space<vmem_shared>>
      %dma_wait3A_383 = arith.constant 0 : i32
      %dma_wait3A_384 = tpu.memref_slice %arg17[%add3A_368, %dma_wait3A_383] : memref<10240x128xf32, #tpu.memory_space<vmem_shared>> -> memref<80x128xf32, #tpu.memory_space<vmem_shared>>
      tpu.wait_dma2 semaphore(%run_scoped3A : memref<!tpu.dma_semaphore, #tpu.memory_space<semaphore_mem>>) src(%dma_wait3A_384 : memref<80x128xf32, #tpu.memory_space<vmem_shared>>) dst(%arg11 : memref<80x128xf32, #tpu.memory_space<vmem>>)
      tpu.yield
    }) : () -> ()
    "tpu.region"() ({
      %run_scoped3A = tpu.sem_alloc : memref<!tpu.dma_semaphore, #tpu.memory_space<semaphore_mem>>
      %dma_start3A_377 = arith.constant 0 : i32
      %dma_start3A_378 = tpu.memref_slice %arg5[%arg0, %add3A_368, %dma_start3A_377] : memref<2x10240x128xf32, #tpu.memory_space<hbm>> -> memref<1x80x128xf32, #tpu.memory_space<hbm>>
      %dma_start3A_379 = tpu.memref_squeeze %dma_start3A_378 : memref<1x80x128xf32, #tpu.memory_space<hbm>> -> memref<80x128xf32, #tpu.memory_space<hbm>>
      %dma_start3A_380 = arith.constant 0 : i32
      %dma_start3A_381 = tpu.memref_slice %arg5[%arg0, %add3A_368, %dma_start3A_380] : memref<2x10240x128xf32, #tpu.memory_space<hbm>> -> memref<1x80x128xf32, #tpu.memory_space<hbm>>
      %dma_start3A_382 = tpu.memref_squeeze %dma_start3A_381 : memref<1x80x128xf32, #tpu.memory_space<hbm>> -> memref<80x128xf32, #tpu.memory_space<hbm>>
      tpu.enqueue_dma source(%arg11 : memref<80x128xf32, #tpu.memory_space<vmem>>) target(%dma_start3A_382 : memref<80x128xf32, #tpu.memory_space<hbm>>) target_semaphore(%run_scoped3A : memref<!tpu.dma_semaphore, #tpu.memory_space<semaphore_mem>>)
      %dma_wait3A_383 = arith.constant 0 : i32
      %dma_wait3A_384 = tpu.memref_slice %arg5[%arg0, %add3A_368, %dma_wait3A_383] : memref<2x10240x128xf32, #tpu.memory_space<hbm>> -> memref<1x80x128xf32, #tpu.memory_space<hbm>>
      %dma_wait3A_385 = tpu.memref_squeeze %dma_wait3A_384 : memref<1x80x128xf32, #tpu.memory_space<hbm>> -> memref<80x128xf32, #tpu.memory_space<hbm>>
      %dma_wait3A_386 = arith.constant 0 : i32
      %dma_wait3A_387 = tpu.memref_slice %arg5[%arg0, %add3A_368, %dma_wait3A_386] : memref<2x10240x128xf32, #tpu.memory_space<hbm>> -> memref<1x80x128xf32, #tpu.memory_space<hbm>>
      %dma_wait3A_388 = tpu.memref_squeeze %dma_wait3A_387 : memref<1x80x128xf32, #tpu.memory_space<hbm>> -> memref<80x128xf32, #tpu.memory_space<hbm>>
      tpu.wait_dma2 semaphore(%run_scoped3A : memref<!tpu.dma_semaphore, #tpu.memory_space<semaphore_mem>>) src(%arg11 : memref<80x128xf32, #tpu.memory_space<vmem>>) dst(%dma_wait3A_388 : memref<80x128xf32, #tpu.memory_space<hbm>>)
      tpu.yield
    }) : () -> ()
    "tpu.region"() ({
      %run_scoped3A = tpu.sem_alloc : memref<!tpu.dma_semaphore, #tpu.memory_space<semaphore_mem>>
      %dma_start3A_377 = tpu.memref_slice %arg18[%add3A_368] : memref<10240xf32, #tpu.memory_space<vmem_shared>> -> memref<80xf32, #tpu.memory_space<vmem_shared>>
      %dma_start3A_378 = tpu.memref_slice %arg18[%add3A_368] : memref<10240xf32, #tpu.memory_space<vmem_shared>> -> memref<80xf32, #tpu.memory_space<vmem_shared>>
      tpu.enqueue_dma source(%dma_start3A_378 : memref<80xf32, #tpu.memory_space<vmem_shared>>) target(%arg15 : memref<80xf32, #tpu.memory_space<vmem>>) target_semaphore(%run_scoped3A : memref<!tpu.dma_semaphore, #tpu.memory_space<semaphore_mem>>)
      %dma_wait3A_379 = tpu.memref_slice %arg18[%add3A_368] : memref<10240xf32, #tpu.memory_space<vmem_shared>> -> memref<80xf32, #tpu.memory_space<vmem_shared>>
      %dma_wait3A_380 = tpu.memref_slice %arg18[%add3A_368] : memref<10240xf32, #tpu.memory_space<vmem_shared>> -> memref<80xf32, #tpu.memory_space<vmem_shared>>
      tpu.wait_dma2 semaphore(%run_scoped3A : memref<!tpu.dma_semaphore, #tpu.memory_space<semaphore_mem>>) src(%dma_wait3A_380 : memref<80xf32, #tpu.memory_space<vmem_shared>>) dst(%arg15 : memref<80xf32, #tpu.memory_space<vmem>>)
      tpu.yield
    }) : () -> ()
    %mul3A_369 = arith.constant 10240 : i32
    %mul3A_370 = arith.muli %arg0, %mul3A_369 : i32
    %add3A_371 = arith.addi %mul3A_370, %add3A_368 : i32
    "tpu.region"() ({
      %run_scoped3A = tpu.sem_alloc : memref<!tpu.dma_semaphore, #tpu.memory_space<semaphore_mem>>
      %dma_start3A_377 = tpu.memref_slice %arg6[%add3A_371] : memref<20480xf32, #tpu.memory_space<hbm>> -> memref<80xf32, #tpu.memory_space<hbm>>
      %dma_start3A_378 = tpu.memref_slice %arg6[%add3A_371] : memref<20480xf32, #tpu.memory_space<hbm>> -> memref<80xf32, #tpu.memory_space<hbm>>
      tpu.enqueue_dma source(%arg15 : memref<80xf32, #tpu.memory_space<vmem>>) target(%dma_start3A_378 : memref<80xf32, #tpu.memory_space<hbm>>) target_semaphore(%run_scoped3A : memref<!tpu.dma_semaphore, #tpu.memory_space<semaphore_mem>>)
      %dma_wait3A_379 = tpu.memref_slice %arg6[%add3A_371] : memref<20480xf32, #tpu.memory_space<hbm>> -> memref<80xf32, #tpu.memory_space<hbm>>
      %dma_wait3A_380 = tpu.memref_slice %arg6[%add3A_371] : memref<20480xf32, #tpu.memory_space<hbm>> -> memref<80xf32, #tpu.memory_space<hbm>>
      tpu.wait_dma2 semaphore(%run_scoped3A : memref<!tpu.dma_semaphore, #tpu.memory_space<semaphore_mem>>) src(%arg15 : memref<80xf32, #tpu.memory_space<vmem>>) dst(%dma_wait3A_380 : memref<80xf32, #tpu.memory_space<hbm>>)
      tpu.yield
    }) : () -> ()
    %add3A_372 = arith.constant 560 : i32
    %add3A_373 = arith.addi %mul3A_2, %add3A_372 : i32
    "tpu.region"() ({
      %run_scoped3A = tpu.sem_alloc : memref<!tpu.dma_semaphore, #tpu.memory_space<semaphore_mem>>
      %dma_start3A_377 = arith.constant 0 : i32
      %dma_start3A_378 = tpu.memref_slice %arg17[%add3A_373, %dma_start3A_377] : memref<10240x128xf32, #tpu.memory_space<vmem_shared>> -> memref<80x128xf32, #tpu.memory_space<vmem_shared>>
      %dma_start3A_379 = arith.constant 0 : i32
      %dma_start3A_380 = tpu.memref_slice %arg17[%add3A_373, %dma_start3A_379] : memref<10240x128xf32, #tpu.memory_space<vmem_shared>> -> memref<80x128xf32, #tpu.memory_space<vmem_shared>>
      tpu.enqueue_dma source(%dma_start3A_380 : memref<80x128xf32, #tpu.memory_space<vmem_shared>>) target(%arg11 : memref<80x128xf32, #tpu.memory_space<vmem>>) target_semaphore(%run_scoped3A : memref<!tpu.dma_semaphore, #tpu.memory_space<semaphore_mem>>)
      %dma_wait3A_381 = arith.constant 0 : i32
      %dma_wait3A_382 = tpu.memref_slice %arg17[%add3A_373, %dma_wait3A_381] : memref<10240x128xf32, #tpu.memory_space<vmem_shared>> -> memref<80x128xf32, #tpu.memory_space<vmem_shared>>
      %dma_wait3A_383 = arith.constant 0 : i32
      %dma_wait3A_384 = tpu.memref_slice %arg17[%add3A_373, %dma_wait3A_383] : memref<10240x128xf32, #tpu.memory_space<vmem_shared>> -> memref<80x128xf32, #tpu.memory_space<vmem_shared>>
      tpu.wait_dma2 semaphore(%run_scoped3A : memref<!tpu.dma_semaphore, #tpu.memory_space<semaphore_mem>>) src(%dma_wait3A_384 : memref<80x128xf32, #tpu.memory_space<vmem_shared>>) dst(%arg11 : memref<80x128xf32, #tpu.memory_space<vmem>>)
      tpu.yield
    }) : () -> ()
    "tpu.region"() ({
      %run_scoped3A = tpu.sem_alloc : memref<!tpu.dma_semaphore, #tpu.memory_space<semaphore_mem>>
      %dma_start3A_377 = arith.constant 0 : i32
      %dma_start3A_378 = tpu.memref_slice %arg5[%arg0, %add3A_373, %dma_start3A_377] : memref<2x10240x128xf32, #tpu.memory_space<hbm>> -> memref<1x80x128xf32, #tpu.memory_space<hbm>>
      %dma_start3A_379 = tpu.memref_squeeze %dma_start3A_378 : memref<1x80x128xf32, #tpu.memory_space<hbm>> -> memref<80x128xf32, #tpu.memory_space<hbm>>
      %dma_start3A_380 = arith.constant 0 : i32
      %dma_start3A_381 = tpu.memref_slice %arg5[%arg0, %add3A_373, %dma_start3A_380] : memref<2x10240x128xf32, #tpu.memory_space<hbm>> -> memref<1x80x128xf32, #tpu.memory_space<hbm>>
      %dma_start3A_382 = tpu.memref_squeeze %dma_start3A_381 : memref<1x80x128xf32, #tpu.memory_space<hbm>> -> memref<80x128xf32, #tpu.memory_space<hbm>>
      tpu.enqueue_dma source(%arg11 : memref<80x128xf32, #tpu.memory_space<vmem>>) target(%dma_start3A_382 : memref<80x128xf32, #tpu.memory_space<hbm>>) target_semaphore(%run_scoped3A : memref<!tpu.dma_semaphore, #tpu.memory_space<semaphore_mem>>)
      %dma_wait3A_383 = arith.constant 0 : i32
      %dma_wait3A_384 = tpu.memref_slice %arg5[%arg0, %add3A_373, %dma_wait3A_383] : memref<2x10240x128xf32, #tpu.memory_space<hbm>> -> memref<1x80x128xf32, #tpu.memory_space<hbm>>
      %dma_wait3A_385 = tpu.memref_squeeze %dma_wait3A_384 : memref<1x80x128xf32, #tpu.memory_space<hbm>> -> memref<80x128xf32, #tpu.memory_space<hbm>>
      %dma_wait3A_386 = arith.constant 0 : i32
      %dma_wait3A_387 = tpu.memref_slice %arg5[%arg0, %add3A_373, %dma_wait3A_386] : memref<2x10240x128xf32, #tpu.memory_space<hbm>> -> memref<1x80x128xf32, #tpu.memory_space<hbm>>
      %dma_wait3A_388 = tpu.memref_squeeze %dma_wait3A_387 : memref<1x80x128xf32, #tpu.memory_space<hbm>> -> memref<80x128xf32, #tpu.memory_space<hbm>>
      tpu.wait_dma2 semaphore(%run_scoped3A : memref<!tpu.dma_semaphore, #tpu.memory_space<semaphore_mem>>) src(%arg11 : memref<80x128xf32, #tpu.memory_space<vmem>>) dst(%dma_wait3A_388 : memref<80x128xf32, #tpu.memory_space<hbm>>)
      tpu.yield
    }) : () -> ()
    "tpu.region"() ({
      %run_scoped3A = tpu.sem_alloc : memref<!tpu.dma_semaphore, #tpu.memory_space<semaphore_mem>>
      %dma_start3A_377 = tpu.memref_slice %arg18[%add3A_373] : memref<10240xf32, #tpu.memory_space<vmem_shared>> -> memref<80xf32, #tpu.memory_space<vmem_shared>>
      %dma_start3A_378 = tpu.memref_slice %arg18[%add3A_373] : memref<10240xf32, #tpu.memory_space<vmem_shared>> -> memref<80xf32, #tpu.memory_space<vmem_shared>>
      tpu.enqueue_dma source(%dma_start3A_378 : memref<80xf32, #tpu.memory_space<vmem_shared>>) target(%arg15 : memref<80xf32, #tpu.memory_space<vmem>>) target_semaphore(%run_scoped3A : memref<!tpu.dma_semaphore, #tpu.memory_space<semaphore_mem>>)
      %dma_wait3A_379 = tpu.memref_slice %arg18[%add3A_373] : memref<10240xf32, #tpu.memory_space<vmem_shared>> -> memref<80xf32, #tpu.memory_space<vmem_shared>>
      %dma_wait3A_380 = tpu.memref_slice %arg18[%add3A_373] : memref<10240xf32, #tpu.memory_space<vmem_shared>> -> memref<80xf32, #tpu.memory_space<vmem_shared>>
      tpu.wait_dma2 semaphore(%run_scoped3A : memref<!tpu.dma_semaphore, #tpu.memory_space<semaphore_mem>>) src(%dma_wait3A_380 : memref<80xf32, #tpu.memory_space<vmem_shared>>) dst(%arg15 : memref<80xf32, #tpu.memory_space<vmem>>)
      tpu.yield
    }) : () -> ()
    %mul3A_374 = arith.constant 10240 : i32
    %mul3A_375 = arith.muli %arg0, %mul3A_374 : i32
    %add3A_376 = arith.addi %mul3A_375, %add3A_373 : i32
    "tpu.region"() ({
      %run_scoped3A = tpu.sem_alloc : memref<!tpu.dma_semaphore, #tpu.memory_space<semaphore_mem>>
      %dma_start3A_377 = tpu.memref_slice %arg6[%add3A_376] : memref<20480xf32, #tpu.memory_space<hbm>> -> memref<80xf32, #tpu.memory_space<hbm>>
      %dma_start3A_378 = tpu.memref_slice %arg6[%add3A_376] : memref<20480xf32, #tpu.memory_space<hbm>> -> memref<80xf32, #tpu.memory_space<hbm>>
      tpu.enqueue_dma source(%arg15 : memref<80xf32, #tpu.memory_space<vmem>>) target(%dma_start3A_378 : memref<80xf32, #tpu.memory_space<hbm>>) target_semaphore(%run_scoped3A : memref<!tpu.dma_semaphore, #tpu.memory_space<semaphore_mem>>)
      %dma_wait3A_379 = tpu.memref_slice %arg6[%add3A_376] : memref<20480xf32, #tpu.memory_space<hbm>> -> memref<80xf32, #tpu.memory_space<hbm>>
      %dma_wait3A_380 = tpu.memref_slice %arg6[%add3A_376] : memref<20480xf32, #tpu.memory_space<hbm>> -> memref<80xf32, #tpu.memory_space<hbm>>
      tpu.wait_dma2 semaphore(%run_scoped3A : memref<!tpu.dma_semaphore, #tpu.memory_space<semaphore_mem>>) src(%arg15 : memref<80xf32, #tpu.memory_space<vmem>>) dst(%dma_wait3A_380 : memref<80xf32, #tpu.memory_space<hbm>>)
      tpu.yield
    }) : () -> ()
    return
  }
}

module attributes {stable_mosaic.version = 14 : i64} {
  func.func @_dense_tail_body(%arg0: i32, %arg1: memref<1000x128xf32, #tpu.memory_space<vmem>>, %arg2: memref<2x1000x128xf32, #tpu.memory_space<vmem>>, %arg3: memref<2x1000x1xf32, #tpu.memory_space<vmem>>, %arg4: memref<256x512xf32, #tpu.memory_space<vmem>>, %arg5: memref<256x128xf32, #tpu.memory_space<vmem>>, %arg6: memref<128x256xf32, #tpu.memory_space<vmem>>, %arg7: memref<128x128xf32, #tpu.memory_space<vmem>>, %arg8: memref<128x256xf32, #tpu.memory_space<vmem>>, %arg9: memref<1x128xf32, #tpu.memory_space<vmem>>, %arg10: memref<1000x128xf32, #tpu.memory_space<vmem>>) attributes {dimension_semantics = [#tpu.dimension_semantics<arbitrary>], iteration_bounds = array<i64: 10>, scalar_prefetch = 0 : i64, scratch_operands = 0 : i64, tpu.core_type = #tpu.core_type<tc>, window_params = [{transform_indices = @transform_0, window_bounds = array<i64: 1000, 128>}, {transform_indices = @transform_1, window_bounds = array<i64: 2, 1000, 128>}, {transform_indices = @transform_2, window_bounds = array<i64: 2, 1000, 1>}, {pipeline_mode = #tpu.pipeline_mode<synchronous>, transform_indices = @transform_3, window_bounds = array<i64: 256, 512>}, {pipeline_mode = #tpu.pipeline_mode<synchronous>, transform_indices = @transform_4, window_bounds = array<i64: 256, 128>}, {pipeline_mode = #tpu.pipeline_mode<synchronous>, transform_indices = @transform_5, window_bounds = array<i64: 128, 256>}, {pipeline_mode = #tpu.pipeline_mode<synchronous>, transform_indices = @transform_6, window_bounds = array<i64: 128, 128>}, {pipeline_mode = #tpu.pipeline_mode<synchronous>, transform_indices = @transform_7, window_bounds = array<i64: 128, 256>}, {pipeline_mode = #tpu.pipeline_mode<synchronous>, transform_indices = @transform_8, window_bounds = array<i64: 1, 128>}, {transform_indices = @transform_9, window_bounds = array<i64: 1000, 128>}]} {
    %get3A = arith.constant 0 : index
    %get3A_0 = arith.constant 0 : index
    %get3A_1 = vector.load %arg1[%get3A, %get3A_0] : memref<1000x128xf32, #tpu.memory_space<vmem>>, vector<1000x128xf32>
    %get3A_2 = arith.constant 0 : index
    %get3A_3 = arith.constant 0 : index
    %get3A_4 = arith.constant 0 : index
    %get3A_5 = vector.load %arg2[%get3A_2, %get3A_3, %get3A_4] : memref<2x1000x128xf32, #tpu.memory_space<vmem>>, vector<2x1000x128xf32>
    %get3A_6 = arith.constant 0 : index
    %get3A_7 = arith.constant 0 : index
    %get3A_8 = arith.constant 0 : index
    %get3A_9 = vector.load %arg3[%get3A_6, %get3A_7, %get3A_8] : memref<2x1000x1xf32, #tpu.memory_space<vmem>>, vector<2x1000x1xf32>
    %get3A_10 = arith.constant 0 : index
    %get3A_11 = arith.constant 0 : index
    %get3A_12 = vector.load %arg4[%get3A_10, %get3A_11] : memref<256x512xf32, #tpu.memory_space<vmem>>, vector<256x512xf32>
    %get3A_13 = arith.constant 0 : index
    %get3A_14 = arith.constant 0 : index
    %get3A_15 = vector.load %arg5[%get3A_13, %get3A_14] : memref<256x128xf32, #tpu.memory_space<vmem>>, vector<256x128xf32>
    %slice3A = vector.extract_strided_slice %get3A_9 {offsets = [0, 0, 0], sizes = [1, 1000, 1], strides = [1, 1, 1]} : vector<2x1000x1xf32> to vector<1x1000x1xf32>
    %squeeze3A = vector.shape_cast %slice3A : vector<1x1000x1xf32> to vector<1000x1xf32>
    %slice3A_16 = vector.extract_strided_slice %get3A_9 {offsets = [1, 0, 0], sizes = [1, 1000, 1], strides = [1, 1, 1]} : vector<2x1000x1xf32> to vector<1x1000x1xf32>
    %squeeze3A_17 = vector.shape_cast %slice3A_16 : vector<1x1000x1xf32> to vector<1000x1xf32>
    %add3A = arith.addf %squeeze3A, %squeeze3A_17 : vector<1000x1xf32>
    %gt3A = arith.constant 0.000000e+00 : f32
    %gt3A_18 = vector.broadcast %gt3A : f32 to vector<1000x1xf32>
    %gt3A_19 = arith.cmpf ogt, %add3A, %gt3A_18 : vector<1000x1xf32>
    %broadcast_in_dim3A = arith.constant 1.000000e+00 : f32
    %broadcast_in_dim3A_20 = vector.broadcast %broadcast_in_dim3A : f32 to vector<1000x1xf32>
    %select_n3A = arith.select %gt3A_19, %add3A, %broadcast_in_dim3A_20 : vector<1000x1xi1>, vector<1000x1xf32>
    %div3A = arith.constant 1.000000e+00 : f32
    %div3A_21 = vector.broadcast %div3A : f32 to vector<1000x1xf32>
    %div3A_22 = arith.divf %div3A_21, %select_n3A : vector<1000x1xf32>
    %broadcast_in_dim3A_23 = arith.constant 0.000000e+00 : f32
    %broadcast_in_dim3A_24 = vector.broadcast %broadcast_in_dim3A_23 : f32 to vector<1000x1xf32>
    %select_n3A_25 = arith.select %gt3A_19, %div3A_22, %broadcast_in_dim3A_24 : vector<1000x1xi1>, vector<1000x1xf32>
    %broadcast_in_dim3A_26 = arith.constant 1.000000e+00 : f32
    %broadcast_in_dim3A_27 = vector.broadcast %broadcast_in_dim3A_26 : f32 to vector<1000x1xf32>
    %broadcast_in_dim3A_28 = arith.constant 0.000000e+00 : f32
    %broadcast_in_dim3A_29 = vector.broadcast %broadcast_in_dim3A_28 : f32 to vector<1000x1xf32>
    %select_n3A_30 = arith.select %gt3A_19, %broadcast_in_dim3A_27, %broadcast_in_dim3A_29 : vector<1000x1xi1>, vector<1000x1xf32>
    %slice3A_31 = vector.extract_strided_slice %get3A_5 {offsets = [0, 0, 0], sizes = [1, 1000, 128], strides = [1, 1, 1]} : vector<2x1000x128xf32> to vector<1x1000x128xf32>
    %squeeze3A_32 = vector.shape_cast %slice3A_31 : vector<1x1000x128xf32> to vector<1000x128xf32>
    %slice3A_33 = vector.extract_strided_slice %get3A_5 {offsets = [1, 0, 0], sizes = [1, 1000, 128], strides = [1, 1, 1]} : vector<2x1000x128xf32> to vector<1x1000x128xf32>
    %squeeze3A_34 = vector.shape_cast %slice3A_33 : vector<1x1000x128xf32> to vector<1000x128xf32>
    %add3A_35 = arith.addf %squeeze3A_32, %squeeze3A_34 : vector<1000x128xf32>
    %mul3A = vector.broadcast %select_n3A_25 : vector<1000x1xf32> to vector<1000x128xf32>
    %mul3A_36 = arith.mulf %add3A_35, %mul3A : vector<1000x128xf32>
    %slice3A_37 = vector.extract_strided_slice %get3A_12 {offsets = [0, 0], sizes = [256, 128], strides = [1, 1]} : vector<256x512xf32> to vector<256x128xf32>
    %transpose3A = tpu.transpose %slice3A_37, [1, 0] : vector<256x128xf32> -> vector<128x256xf32>
    %slice3A_38 = vector.extract_strided_slice %get3A_12 {offsets = [0, 128], sizes = [256, 128], strides = [1, 1]} : vector<256x512xf32> to vector<256x128xf32>
    %transpose3A_39 = tpu.transpose %slice3A_38, [1, 0] : vector<256x128xf32> -> vector<128x256xf32>
    %transpose3A_40 = tpu.transpose %get3A_15, [1, 0] : vector<256x128xf32> -> vector<128x256xf32>
    %slice3A_41 = vector.extract_strided_slice %get3A_12 {offsets = [0, 256], sizes = [256, 256], strides = [1, 1]} : vector<256x512xf32> to vector<256x256xf32>
    %transpose3A_42 = tpu.transpose %slice3A_41, [1, 0] : vector<256x256xf32> -> vector<256x256xf32>
    %dot_general3A = arith.constant dense<0.000000e+00> : vector<128x256xf32>
    %dot_general3A_43 = tpu.matmul %transpose3A_40, %transpose3A_42, %dot_general3A {dimension_numbers = #tpu.dot_dimension_numbers<[1], [0], [0], [1], [0, 0, 1, 1], [], []>, transpose_lhs_hint = false} : vector<128x256xf32>, vector<256x256xf32>, vector<128x256xf32> -> vector<128x256xf32>
    %mul3A_44 = vector.broadcast %select_n3A_30 : vector<1000x1xf32> to vector<1000x128xf32>
    %mul3A_45 = arith.mulf %get3A_1, %mul3A_44 : vector<1000x128xf32>
    %dot_general3A_46 = arith.constant dense<0.000000e+00> : vector<1000x256xf32>
    %dot_general3A_47 = tpu.matmul %mul3A_45, %transpose3A, %dot_general3A_46 {dimension_numbers = #tpu.dot_dimension_numbers<[1], [0], [0], [1], [0, 0, 1, 1], [], []>, transpose_lhs_hint = false} : vector<1000x128xf32>, vector<128x256xf32>, vector<1000x256xf32> -> vector<1000x256xf32>
    %dot_general3A_48 = arith.constant dense<0.000000e+00> : vector<1000x256xf32>
    %dot_general3A_49 = tpu.matmul %mul3A_36, %transpose3A_39, %dot_general3A_48 {dimension_numbers = #tpu.dot_dimension_numbers<[1], [0], [0], [1], [0, 0, 1, 1], [], []>, transpose_lhs_hint = false} : vector<1000x128xf32>, vector<128x256xf32>, vector<1000x256xf32> -> vector<1000x256xf32>
    %add3A_50 = arith.addf %dot_general3A_47, %dot_general3A_49 : vector<1000x256xf32>
    %dot_general3A_51 = arith.constant dense<0.000000e+00> : vector<1000x256xf32>
    %dot_general3A_52 = tpu.matmul %get3A_1, %dot_general3A_43, %dot_general3A_51 {dimension_numbers = #tpu.dot_dimension_numbers<[1], [0], [0], [1], [0, 0, 1, 1], [], []>, transpose_lhs_hint = false} : vector<1000x128xf32>, vector<128x256xf32>, vector<1000x256xf32> -> vector<1000x256xf32>
    %add3A_53 = arith.addf %add3A_50, %dot_general3A_52 : vector<1000x256xf32>
    %tanh3A = math.tanh %add3A_53 : vector<1000x256xf32>
    %get3A_54 = arith.constant 0 : index
    %get3A_55 = arith.constant 0 : index
    %get3A_56 = vector.load %arg6[%get3A_54, %get3A_55] : memref<128x256xf32, #tpu.memory_space<vmem>>, vector<128x256xf32>
    %transpose3A_57 = tpu.transpose %get3A_56, [1, 0] : vector<128x256xf32> -> vector<256x128xf32>
    %dot_general3A_58 = arith.constant dense<0.000000e+00> : vector<1000x128xf32>
    %dot_general3A_59 = tpu.matmul %tanh3A, %transpose3A_57, %dot_general3A_58 {dimension_numbers = #tpu.dot_dimension_numbers<[1], [0], [0], [1], [0, 0, 1, 1], [], []>, transpose_lhs_hint = false} : vector<1000x256xf32>, vector<256x128xf32>, vector<1000x128xf32> -> vector<1000x128xf32>
    %max3A = arith.constant 0.000000e+00 : f32
    %max3A_60 = vector.broadcast %max3A : f32 to vector<1000x128xf32>
    %max3A_61 = arith.maximumf %dot_general3A_59, %max3A_60 : vector<1000x128xf32>
    %get3A_62 = arith.constant 0 : index
    %get3A_63 = arith.constant 0 : index
    %get3A_64 = vector.load %arg7[%get3A_62, %get3A_63] : memref<128x128xf32, #tpu.memory_space<vmem>>, vector<128x128xf32>
    %transpose3A_65 = tpu.transpose %get3A_64, [1, 0] : vector<128x128xf32> -> vector<128x128xf32>
    %dot_general3A_66 = arith.constant dense<0.000000e+00> : vector<1000x128xf32>
    %dot_general3A_67 = tpu.matmul %get3A_1, %transpose3A_65, %dot_general3A_66 {dimension_numbers = #tpu.dot_dimension_numbers<[1], [0], [0], [1], [0, 0, 1, 1], [], []>, transpose_lhs_hint = false} : vector<1000x128xf32>, vector<128x128xf32>, vector<1000x128xf32> -> vector<1000x128xf32>
    %get3A_68 = arith.constant 0 : index
    %get3A_69 = arith.constant 0 : index
    %get3A_70 = vector.load %arg8[%get3A_68, %get3A_69] : memref<128x256xf32, #tpu.memory_space<vmem>>, vector<128x256xf32>
    %slice3A_71 = vector.extract_strided_slice %get3A_70 {offsets = [0, 0], sizes = [128, 128], strides = [1, 1]} : vector<128x256xf32> to vector<128x128xf32>
    %transpose3A_72 = tpu.transpose %slice3A_71, [1, 0] : vector<128x128xf32> -> vector<128x128xf32>
    %dot_general3A_73 = arith.constant dense<0.000000e+00> : vector<1000x128xf32>
    %dot_general3A_74 = tpu.matmul %dot_general3A_67, %transpose3A_72, %dot_general3A_73 {dimension_numbers = #tpu.dot_dimension_numbers<[1], [0], [0], [1], [0, 0, 1, 1], [], []>, transpose_lhs_hint = false} : vector<1000x128xf32>, vector<128x128xf32>, vector<1000x128xf32> -> vector<1000x128xf32>
    %slice3A_75 = vector.extract_strided_slice %get3A_70 {offsets = [0, 128], sizes = [128, 128], strides = [1, 1]} : vector<128x256xf32> to vector<128x128xf32>
    %transpose3A_76 = tpu.transpose %slice3A_75, [1, 0] : vector<128x128xf32> -> vector<128x128xf32>
    %dot_general3A_77 = arith.constant dense<0.000000e+00> : vector<1000x128xf32>
    %dot_general3A_78 = tpu.matmul %max3A_61, %transpose3A_76, %dot_general3A_77 {dimension_numbers = #tpu.dot_dimension_numbers<[1], [0], [0], [1], [0, 0, 1, 1], [], []>, transpose_lhs_hint = false} : vector<1000x128xf32>, vector<128x128xf32>, vector<1000x128xf32> -> vector<1000x128xf32>
    %add3A_79 = arith.addf %dot_general3A_74, %dot_general3A_78 : vector<1000x128xf32>
    %get3A_80 = arith.constant 0 : index
    %get3A_81 = arith.constant 0 : index
    %get3A_82 = vector.load %arg9[%get3A_80, %get3A_81] : memref<1x128xf32, #tpu.memory_space<vmem>>, vector<1x128xf32>
    %add3A_83 = vector.broadcast %get3A_82 : vector<1x128xf32> to vector<1000x128xf32>
    %add3A_84 = arith.addf %add3A_79, %add3A_83 : vector<1000x128xf32>
    %swap3A = arith.constant 0 : index
    %swap3A_85 = arith.constant 0 : index
    %swap3A_86 = vector.load %arg10[%swap3A, %swap3A_85] : memref<1000x128xf32, #tpu.memory_space<vmem>>, vector<1000x128xf32>
    tpu.vector_store %arg10[%swap3A, %swap3A_85], %add3A_84 {strides = array<i32>} : memref<1000x128xf32, #tpu.memory_space<vmem>>, vector<1000x128xf32>,
    return
  }
  func.func @transform_0(%arg0: i32) -> (i32, i32) {
    %c0_i32 = arith.constant 0 : i32
    %c0_i32_0 = arith.constant 0 : i32
    return %arg0, %c0_i32 : i32, i32
  }
  func.func @transform_1(%arg0: i32) -> (i32, i32, i32) {
    %c0_i32 = arith.constant 0 : i32
    %c0_i32_0 = arith.constant 0 : i32
    %c0_i32_1 = arith.constant 0 : i32
    return %c0_i32, %arg0, %c0_i32_0 : i32, i32, i32
  }
  func.func @transform_2(%arg0: i32) -> (i32, i32, i32) {
    %c0_i32 = arith.constant 0 : i32
    %c0_i32_0 = arith.constant 0 : i32
    %c0_i32_1 = arith.constant 0 : i32
    return %c0_i32, %arg0, %c0_i32_0 : i32, i32, i32
  }
  func.func @transform_3(%arg0: i32) -> (i32, i32) {
    %c0_i32 = arith.constant 0 : i32
    %c0_i32_0 = arith.constant 0 : i32
    %c0_i32_1 = arith.constant 0 : i32
    return %c0_i32, %c0_i32_0 : i32, i32
  }
  func.func @transform_4(%arg0: i32) -> (i32, i32) {
    %c0_i32 = arith.constant 0 : i32
    %c0_i32_0 = arith.constant 0 : i32
    %c0_i32_1 = arith.constant 0 : i32
    return %c0_i32, %c0_i32_0 : i32, i32
  }
  func.func @transform_5(%arg0: i32) -> (i32, i32) {
    %c0_i32 = arith.constant 0 : i32
    %c0_i32_0 = arith.constant 0 : i32
    %c0_i32_1 = arith.constant 0 : i32
    return %c0_i32, %c0_i32_0 : i32, i32
  }
  func.func @transform_6(%arg0: i32) -> (i32, i32) {
    %c0_i32 = arith.constant 0 : i32
    %c0_i32_0 = arith.constant 0 : i32
    %c0_i32_1 = arith.constant 0 : i32
    return %c0_i32, %c0_i32_0 : i32, i32
  }
  func.func @transform_7(%arg0: i32) -> (i32, i32) {
    %c0_i32 = arith.constant 0 : i32
    %c0_i32_0 = arith.constant 0 : i32
    %c0_i32_1 = arith.constant 0 : i32
    return %c0_i32, %c0_i32_0 : i32, i32
  }
  func.func @transform_8(%arg0: i32) -> (i32, i32) {
    %c0_i32 = arith.constant 0 : i32
    %c0_i32_0 = arith.constant 0 : i32
    %c0_i32_1 = arith.constant 0 : i32
    return %c0_i32, %c0_i32_0 : i32, i32
  }
  func.func @transform_9(%arg0: i32) -> (i32, i32) {
    %c0_i32 = arith.constant 0 : i32
    %c0_i32_0 = arith.constant 0 : i32
    return %arg0, %c0_i32 : i32, i32
  }
}

module attributes {stable_mosaic.version = 14 : i64} {
  func.func @_q2_body(%arg0: i32, %arg1: memref<1000x128xf32, #tpu.memory_space<vmem>>, %arg2: memref<128x128xf32, #tpu.memory_space<vmem>>, %arg3: memref<1000x128xf32, #tpu.memory_space<vmem>>) attributes {dimension_semantics = [#tpu.dimension_semantics<arbitrary>], iteration_bounds = array<i64: 10>, scalar_prefetch = 0 : i64, scratch_operands = 0 : i64, tpu.core_type = #tpu.core_type<tc>, window_params = [{transform_indices = @transform_0, window_bounds = array<i64: 1000, 128>}, {pipeline_mode = #tpu.pipeline_mode<synchronous>, transform_indices = @transform_1, window_bounds = array<i64: 128, 128>}, {transform_indices = @transform_2, window_bounds = array<i64: 1000, 128>}]} {
    %get3A = arith.constant 0 : index
    %get3A_0 = arith.constant 0 : index
    %get3A_1 = vector.load %arg1[%get3A, %get3A_0] : memref<1000x128xf32, #tpu.memory_space<vmem>>, vector<1000x128xf32>
    %get3A_2 = arith.constant 0 : index
    %get3A_3 = arith.constant 0 : index
    %get3A_4 = vector.load %arg2[%get3A_2, %get3A_3] : memref<128x128xf32, #tpu.memory_space<vmem>>, vector<128x128xf32>
    %dot_general3A = arith.constant dense<0.000000e+00> : vector<1000x128xf32>
    %dot_general3A_5 = tpu.matmul %get3A_1, %get3A_4, %dot_general3A {dimension_numbers = #tpu.dot_dimension_numbers<[1], [1], [0], [0], [0, 0, 1, 0], [], []>, transpose_lhs_hint = false} : vector<1000x128xf32>, vector<128x128xf32>, vector<1000x128xf32> -> vector<1000x128xf32>
    %swap3A = arith.constant 0 : index
    %swap3A_6 = arith.constant 0 : index
    %swap3A_7 = vector.load %arg3[%swap3A, %swap3A_6] : memref<1000x128xf32, #tpu.memory_space<vmem>>, vector<1000x128xf32>
    tpu.vector_store %arg3[%swap3A, %swap3A_6], %dot_general3A_5 {strides = array<i32>} : memref<1000x128xf32, #tpu.memory_space<vmem>>, vector<1000x128xf32>,
    return
  }
  func.func @transform_0(%arg0: i32) -> (i32, i32) {
    %c0_i32 = arith.constant 0 : i32
    %c0_i32_0 = arith.constant 0 : i32
    return %arg0, %c0_i32 : i32, i32
  }
  func.func @transform_1(%arg0: i32) -> (i32, i32) {
    %c0_i32 = arith.constant 0 : i32
    %c0_i32_0 = arith.constant 0 : i32
    %c0_i32_1 = arith.constant 0 : i32
    return %c0_i32, %c0_i32_0 : i32, i32
  }
  func.func @transform_2(%arg0: i32) -> (i32, i32) {
    %c0_i32 = arith.constant 0 : i32
    %c0_i32_0 = arith.constant 0 : i32
    return %arg0, %c0_i32 : i32, i32
  }
}

</mosaic_0001>

<sc_bundles>
// kernel: kernel.5.cloned.1.call-start
scs
__scs_entry_jumppad:
0x0: {  	(pc) =	sbr.rel $0x88, $3  }
0x1: {  	(tag) =	ssettag $0x0;
	lr =	simm.s32 $0x1  }
0x2: {  	[smem:$0x3F98] =	sst lr;
	_ =	strace $0xD0000000  }
0x3: {  	_ = 	snop  }
0x4: {  	_ = 	snop  }
0x5: {  	_ = 	snop  }
0x6: {  	_ = 	snop  }
0x7: {  	_ = 	snop  }
__scs_overlays_trampoline_lowered:
0x8: {  	[smem:$0x3FA7] =	sst s0  }
0x9: {  	[smem:$0x3FA8] =	sst s1  }
0xa: {  	[smem:$0x3FA9] =	sst s2  }
0xb: {  	[smem:$0x3FAA] =	sst s3  }
0xc: {  	[smem:$0x3FAB] =	sst s4  }
0xd: {  	[smem:$0x3FAC] =	sst s5  }
0xe: {  	[smem:$0x3FAD] =	sst s6  }
0xf: {  	[smem:$0x3FAE] =	sst s7  }
0x10: {  	[smem:$0x3FAF] =	sst s8  }
0x11: {  	[smem:$0x3FB0] =	sst s9;
	s0 =	simm.s32 @!p0 $0x0  }
0x12: {  	s1 =	sld [smem:$0x3F96];
	s0 =	simm.s32 @p0 $0x1  }
0x13: {  	[smem:$0x3FB1] =	sst s0;
	s0 =	simm.s32 @!p1 $0x0  }
0x14: {  	s2 =	sld [smem:$0x3F95];
	s0 =	simm.s32 @p1 $0x1  }
0x15: {  	[smem:$0x3FB2] =	sst s0;
	s0 =	simm.s32 @!p2 $0x0  }
0x16: {  	s3 =	sld [smem:$0x3FDB];
	s0 =	simm.s32 @p2 $0x1  }
0x17: {  	s4 =	simm.s32 $0x1BF5;
	[smem:$0x3FB4] =	sst s0  }
0x18: {  	s0 =	sld [smem:$0x3F97];
	_ =	swait.ge [sflag:s4], $0x0  }
0x19: {  	s7 =	sld [smem:$0x3F98]  }
0x1a: {  	s8 =	sadd.s32 $0xFFFFE003, lr  }
0x1b: {  	s9 =	sadd.s32 $0xFFFFFEF7, lr;
	s5 =	simm.s32 $0xFFFFFFFF;
	p2 =	slt.u32 s8, $0xFFFFF086  }
0x1c: {  	p1 =	slt.u32 s9, $0xF7A;
	s5 =	simm.s32 @!p2 $0x0  }
0x1d: {  	s5 =	simm.s32 @p1 $0x1;
	p0 =	seq.s32 s7, s2  }
0x1e: {  	s7 =	smul.u32 @!p0 $0xF7A, s2;
	p2 =	seq.s32 @!p0 s5, $0x0  }
0x1f: {  	s9 =	smul.u32 $0xF7A, s1;
	s8 =	simm.s32 @!p0 $0x1BF5;
	p2 =	por !p2, p0  }
0x20: {  	[sflag:s8] =	ssyncset.s32 @!p0 $0xFFFFF086;
	s6 =	sadd.s32 @!p0 s3, s7;
	s7 =	simm.s32 @!p0 $0x108  }
0x21: {  	s3 =	sadd.s32 s3, s9;
	s6 =	sadd.s32 @!p0 $0x88, s6;
	s7 =	simm.s32 @p2 $0x1082  }
0x22: {  	[simem:s7], [sflag:s8] =	dma.local @!p0 [hbm:s6], $0xF7A  }
0x23: {  	s9 =	sor.u32 $0xD0000000, s2;
	s6 =	simm.s32 $0x108;
	_ =	swait.ge @!p0 [sflag:s8], $0x0  }
0x24: {  	s3 =	sadd.s32 $0x88, s3;
	s6 =	simm.s32 @!p1 $0x1082;
	[sflag:s4] =	ssyncset.s32 $0xFFFFF086  }
0x25: {  	[simem:s6], [sflag:s4] =	dma.local [hbm:s3], $0xF7A  }
0x26: {  	[smem:$0x3F98] =	sst s1;
	(tag) =	ssettag s2;
	_ =	strace s9  }
0x27: {  	s1 =	sld [smem:$0x3FA8]  }
0x28: {  	s2 =	sld [smem:$0x3FA9]  }
0x29: {  	s4 =	sld [smem:$0x3FAB]  }
0x2a: {  	p0 =	seq.s32 s5, $0x0;
	s5 =	sld [smem:$0x3FAC]  }
0x2b: {  	s6 =	sld [smem:$0x3FAD]  }
0x2c: {  	s7 =	sld [smem:$0x3FAE]  }
0x2d: {  	s3 =	simm.s32 $0x108;
	s8 =	sld [smem:$0x3FAF]  }
0x2e: {  	s3 =	simm.s32 @!p0 $0x1082;
	s9 =	sld [smem:$0x3FB0]  }
0x2f: {  	lr =	sadd.s32 s0, s3;
	s0 =	sld [smem:$0x3FA7]  }
0x30: {  	s3 =	sld [smem:$0x3FAA]  }
0x31: {  	[smem:$0x3FB3] =	sst s10  }
0x32: {  	s10 =	sld [smem:$0x3FB1];
	_ =	sdelay $0x3  }
0x33: {  	p0 =	seq.s32 s10, $0x1;
	s10 =	sld [smem:$0x3FB3];
	_ =	sdelay $0x3  }
0x34: {  	[smem:$0x3FB3] =	sst s10  }
0x35: {  	s10 =	sld [smem:$0x3FB2];
	_ =	sdelay $0x3  }
0x36: {  	p1 =	seq.s32 s10, $0x1;
	s10 =	sld [smem:$0x3FB3];
	_ =	sdelay $0x3  }
0x37: {  	[smem:$0x3FB3] =	sst s10  }
0x38: {  	s10 =	sld [smem:$0x3FB4]  }
0x39: {  	_ = 	snop;
	(pc) =	sbr.ind lr, $3  }
0x3a: {  	_ = 	snop  }
0x3b: {  	_ = 	snop  }
0x3c: {  	p2 =	seq.s32 s10, $0x1;
	s10 =	sld [smem:$0x3FB3]  }
0x3d: {  	_ =	shalt  }
0x3e: {  	_ =	shalt  }
0x3f: {  	_ =	shalt  }
0x40: {  	_ =	shalt  }
0x41: {  	_ =	shalt  }
0x42: {  	_ =	shalt  }
0x43: {  	_ =	shalt  }
0x44: {  	_ =	shalt  }
0x45: {  	_ =	shalt  }
0x46: {  	_ =	shalt  }
0x47: {  	_ =	shalt  }
0x48: {  	_ =	shalt  }
0x49: {  	_ =	shalt  }
0x4a: {  	_ =	shalt  }
0x4b: {  	_ =	shalt  }
0x4c: {  	_ =	shalt  }
0x4d: {  	_ =	shalt  }
0x4e: {  	_ =	shalt  }
0x4f: {  	_ =	shalt  }
0x50: {  	_ =	shalt  }
0x51: {  	_ =	shalt  }
0x52: {  	_ =	shalt  }
0x53: {  	_ =	shalt  }
0x54: {  	_ =	shalt  }
0x55: {  	_ =	shalt  }
0x56: {  	_ =	shalt  }
0x57: {  	_ =	shalt  }
0x58: {  	_ =	shalt  }
0x59: {  	_ =	shalt  }
0x5a: {  	_ =	shalt  }
0x5b: {  	_ =	shalt  }
0x5c: {  	_ =	shalt  }
0x5d: {  	_ =	shalt  }
0x5e: {  	_ =	shalt  }
0x5f: {  	_ =	shalt  }
0x60: {  	_ =	shalt  }
0x61: {  	_ =	shalt  }
0x62: {  	_ =	shalt  }
0x63: {  	_ =	shalt  }
0x64: {  	_ =	shalt  }
0x65: {  	_ =	shalt  }
0x66: {  	_ =	shalt  }
0x67: {  	_ =	shalt  }
0x68: {  	_ =	shalt  }
0x69: {  	_ =	shalt  }
0x6a: {  	_ =	shalt  }
0x6b: {  	_ =	shalt  }
0x6c: {  	_ =	shalt  }
0x6d: {  	_ =	shalt  }
0x6e: {  	_ =	shalt  }
0x6f: {  	_ =	shalt  }
0x70: {  	_ =	shalt  }
0x71: {  	_ =	shalt  }
0x72: {  	_ =	shalt  }
0x73: {  	_ =	shalt  }
0x74: {  	_ =	shalt  }
0x75: {  	_ =	shalt  }
0x76: {  	_ =	shalt  }
0x77: {  	_ =	shalt  }
0x78: {  	_ =	shalt  }
0x79: {  	_ =	shalt  }
0x7a: {  	_ =	shalt  }
0x7b: {  	_ =	shalt  }
0x7c: {  	_ =	shalt  }
0x7d: {  	_ =	shalt  }
0x7e: {  	_ =	shalt  }
0x7f: {  	_ =	shalt  }
0x80: {  	_ =	shalt  }
0x81: {  	_ =	shalt  }
0x82: {  	_ =	shalt  }
0x83: {  	_ =	shalt  }
0x84: {  	_ =	shalt  }
0x85: {  	_ =	shalt  }
0x86: {  	_ =	shalt  }
0x87: {  	_ =	shalt  }
.Lfunc_end0:
.L_simem_size_0:
called_computation_lowered:
.L_overlay_start_0:
0x88: {  	s2 =	sld [smem:$0x3FD9]  }
0x89: {  	s3 =	sld [smem:$0x3FFE];
	_ =	sdelay $0x1  }
0x8a: {  	s1 =	srdreg.scid  }
0x8b: {  	s0 =	sand.u32 $0x1, s1  }
0x8c: {  	s17 =	sshll.u32 s0, $0xA;
	s2 =	sadd.s32 s3, s2  }
0x8d: {  	s2 =	sadd.s32 s2, s17  }
0x8e: {  	[smem:$0x3FBF] =	sst s2  }
0x8f: {  	_ = 	snop  }
0x90: {  	s2 =	sld [smem:$0x3FC8]  }
0x91: {  	s18 =	sld [smem:$0x3FD0];
	(tm) =	ssettm $0x1  }
0x92: {  	s4 =	sld [smem:$0x3FFB];
	_ =	sdelay $0x3  }
0x93: {  	_ =	strace s4  }
0x94: {  	s4 =	sld [smem:$0x3FFC];
	_ =	sdelay $0x3  }
0x95: {  	_ =	strace s4  }
0x96: {  	s4 =	sld [smem:$0x3FFD];
	_ =	sdelay $0x3  }
0x97: {  	_ =	strace s4  }
0x98: {  	_ =	strace $0x8FFFFFFF  }
0x99: {  	s19 =	sld [smem:$0x3FDB];
	_ =	sdelay $0x1  }
0x9a: {  	s5 =	simm.s32 $_scs_section_size  }
0x9b: {  	s6 =	simm.s32 $_size__tile_overlayer_lowered;
	s7 =	simm.s32 $_tile_overlayer_lowered  }
0x9c: {  	s22 =	simm.s32 $0x1BFF;
	s21 =	sshll.u32 s7, $0x1;
	s4 =	sadd.s32 s5, s19  }
0x9d: {  	s8 =	simm.s32 $0x0;
	s20 =	sshll.u32 s6, $0x1;
	s6 =	sadd.s32 s21, s4  }
0x9e: {  	[timem:s8], [sflag:s22] =	dma.local [hbm:s6], s20  }
0x9f: {  	_ =	swait.ge [sflag:s22], s20  }
0xa0: {  	s5 =	ssub.s32 $0x0, s20;
	[sflag:s22] =	ssyncset.done $0x0  }
0xa1: {  	[sflag:s22] =	ssyncadd.s32 s5;
	_ =	sdelay $0x1  }
0xa2: {  	s23 =	simm.s32 $0x1B8B  }
0xa3: {  	_ =	swait.ge [sflag:s23], $0x1  }
0xa4: {  	[sflag:s23] =	ssyncset.done $0x0  }
0xa5: {  	s25 =	simm.s32 $0x1B8E;
	s24 =	sld [smem:$0x3FFE];
	[sflag:s23] =	ssyncadd.s32 $0xFFFFFFFF  }
0xa6: {  	s26 =	simm.s32 $execute0_lowered;
	[smem:$0x3FD2] =	sst s25  }
0xa7: {  	s6 =	sshll.u32 s26, $0x1;
	_ =	strace $0x80000046;
	[dreg:$0x1] =	wrdreg $0xFFFFFFFF  }
0xa8: {  	s28 =	simm.s32 $_size_execute0_lowered;
	s4 =	sadd.s32 s4, s6;
	[dreg:$0x0] =	wrdreg $0x0  }
0xa9: {  	s6 =	sshll.u32 s28, $0x1;
	[dreg:$0x2] =	wrdreg s4  }
0xaa: {  	[dreg:$0x3] =	wrdreg s6  }
0xab: {  	[dreg:$0x4] =	wrdreg $0xC0  }
0xac: {  	_ =	task [dreg:s8], $0x5FFFF  }
0xad: {  	[dreg:$0x1] =	wrdreg $0xFFFFFFFF  }
0xae: {  	[dreg:$0x0] =	wrdreg $0x60  }
0xaf: {  	[dreg:$0x2] =	wrdreg s18  }
0xb0: {  	[dreg:$0x3] =	wrdreg s2  }
0xb1: {  	[dreg:$0x4] =	wrdreg s24  }
0xb2: {  	[dreg:$0x5] =	wrdreg $0xA1E00  }
0xb3: {  	[dreg:$0x6] =	wrdreg $0x1E1E00  }
0xb4: {  	[dreg:$0x7] =	wrdreg $0x9  }
0xb5: {  	_ =	task.clear_ibuf [dreg:s8], $0x8FFFF;
	_ =	strace $0x90000046  }
0xb6: {  	s29 =	simm.s32 $0x9;
	_ =	strace $0x80000048  }
0xb7: {  	_ =	swait.ge [sflag:s29], $0x1  }
0xb8: {  	[sflag:s29] =	ssyncadd.s32 $0xFFFFFFFF  }
0xb9: {  	_ =	strace $0x90000048  }
0xba: {  	_ =	sfence  }
0xbb: {  	s30 =	sld [smem:$0x0];
	_ =	sdelay $0x2  }
0xbc: {  	s31 =	sshll.u32 s1, $0xD;
	s1 =	sshrl.u32 s1, $0x2  }
0xbd: {  	s3 =	sand.u32 $0x4000, s31;
	s1 =	sadd.s32 s1, s30  }
0xbe: {  	s0 =	sor.u32 s3, s0;
	s1 =	sshll.u32 s1, $0x11  }
0xbf: {  	s0 =	sor.u32 s1, s0  }
0xc0: {  	s0 =	sadd.s32 $0x8F2B, s0  }
0xc1: {  	[sflag:s0] =	ssyncadd.remote.s32 $0x1  }
0xc2: {  	_ =	sfence.sel $0xFFFF  }
0xc3: {  	[dreg:$0x0] =	wrdreg $0xFFFFFFFF;
	(pc) =	sbr.abs _section_cstart, $3  }
0xc4: {  	[dreg:$0x1] =	wrdreg $0xFFFFFFFF  }
0xc5: {  	_ =	task.clear_ibuf [dreg:s8], $0x2FFFF;
	_ =	strace $0x9FFFFFFF  }
0xc6: {  	(tm) =	ssettm $0x7FFFFFFF  }
0xc7: {  	_ =	shalt  }
tec
execute0_lowered:
.L_overlay_start_1:
0x0: {  	(tag) =	ssettag $0x1  }
0x1: {  	s6 =	stileid.u32  }
0x2: {  	s0 =	srdreg.scid;
	s3 =	smul.u32 $0x280, s6  }
0x3: {  	s2 =	rddreg [dreg:$0x2];
	s10 =	sand.u32 $0x1, s0;
	s14 =	smul.u32 $0x14000, s6  }
0x4: {  	s16 =	sadd.s32 $0xC600, s2;
	s17 =	smul.u32 $0x140000, s10  }
0x5: {  	s24 =	sshll.u32 s6, $0x1;
	s0 =	ssub.s32 $0x2, s10;
	s20 =	smul.u32 $0x2800, s10  }
0x6: {  	s1 =	sshrl.u32 s0, $0x1;
	s5 =	sor.u32 $0x50, s3;
	s4 =	sadd.s32 $0xA0, s3  }
0x7: {  	s7 =	sadd.s32 $0xF0, s3;
	s6 =	sadd.s32 $0x140, s3;
	s8 =	sadd.s32 $0x190, s3  }
0x8: {  	s0 =	ssub.s32 s0, s1;
	s1 =	sor.u32 s10, s24;
	s11 =	sshll.u32 s5, $0x7  }
0x9: {  	s9 =	sshll.u32 s4, $0x7;
	s15 =	sshll.u32 s7, $0x7;
	s12 =	sshll.u32 s6, $0x7  }
0xa: {  	s13 =	sshll.u32 s8, $0x7;
	s18 =	sadd.s32 s14, s17;
	s10 =	sadd.s32 $0x1E0, s3  }
0xb: {  	s25 =	sadd.s32 s3, s20;
	s18 =	sshrl.u32 s18, $0x3;
	s19 =	sadd.s32 s17, s11  }
0xc: {  	s26 =	sadd.s32 s17, s9;
	s21 =	sadd.s32 s17, s15;
	s22 =	sadd.s32 s17, s12  }
0xd: {  	s24 =	sadd.s32 s17, s13;
	s18 =	sadd.s32 s16, s18;
	s19 =	sshrl.u32 s19, $0x3  }
0xe: {  	s22 =	sshrl.u32 s22, $0x3;
	[dreg:$0x6] =	wrdreg s18;
	s19 =	sadd.s32 s16, s19  }
0xf: {  	s23 =	sadd.s32 s16, s22;
	[dreg:$0x7] =	wrdreg s19;
	s19 =	sshrl.u32 s26, $0x3  }
0x10: {  	s21 =	sshrl.u32 s21, $0x3;
	[dreg:$0xa] =	wrdreg s23;
	s19 =	sadd.s32 s16, s19  }
0x11: {  	s18 =	sshrl.u32 s25, $0x3;
	[dreg:$0x8] =	wrdreg s19;
	s19 =	sadd.s32 s16, s21  }
0x12: {  	s22 =	sadd.s32 $0x230, s3;
	s21 =	sshll.u32 s10, $0x7;
	[dreg:$0x9] =	wrdreg s19  }
0x13: {  	s23 =	sadd.s32 s17, s21;
	s19 =	sshrl.u32 s24, $0x3;
	s24 =	sshll.u32 s22, $0x7  }
0x14: {  	s23 =	sshrl.u32 s23, $0x3;
	s19 =	sadd.s32 s16, s19;
	s17 =	sadd.s32 s17, s24  }
0x15: {  	[dreg:$0xb] =	wrdreg s19;
	s25 =	sadd.s32 s16, s23;
	s17 =	sshrl.u32 s17, $0x3  }
0x16: {  	[dreg:$0xc] =	wrdreg s25;
	s16 =	sadd.s32 s16, s17  }
0x17: {  	s23 =	sadd.s32 $0xBC00, s2;
	s25 =	simm.s32 $0x0;
	[dreg:$0xd] =	wrdreg s16  }
0x18: {  	s26 =	sadd.s32 s23, s18;
	s17 =	sadd.s32 s20, s5;
	[smem:$0x7FF] =	sst s25  }
0x19: {  	s18 =	sadd.s32 s20, s4;
	[dreg:$0xe] =	wrdreg s26;
	s16 =	sshrl.u32 s17, $0x3  }
0x1a: {  	s25 =	sadd.s32 s20, s7;
	s17 =	sshrl.u32 s18, $0x3;
	s16 =	sadd.s32 s23, s16  }
0x1b: {  	s18 =	sshrl.u32 s25, $0x3;
	s26 =	sadd.s32 s23, s17;
	[dreg:$0xf] =	wrdreg s16  }
0x1c: {  	[dreg:$0x10] =	wrdreg s26;
	s17 =	sadd.s32 s23, s18  }
0x1d: {  	s18 =	sadd.s32 s20, s6;
	[dreg:$0x11] =	wrdreg s17  }
0x1e: {  	s25 =	sadd.s32 s20, s8;
	s16 =	sshrl.u32 s18, $0x3;
	s18 =	rddreg [dreg:$0x1]  }
0x1f: {  	s17 =	sshrl.u32 s25, $0x3;
	s25 =	rddreg [dreg:$0x3];
	s16 =	sadd.s32 s23, s16  }
0x20: {  	s26 =	sadd.s32 s23, s17;
	s17 =	sadd.s32 s20, s10;
	[dreg:$0x12] =	wrdreg s16  }
0x21: {  	s20 =	sadd.s32 s20, s22;
	[dreg:$0x13] =	wrdreg s26;
	s16 =	sshrl.u32 s17, $0x3  }
0x22: {  	s26 =	rddreg [dreg:$0x4];
	s17 =	sshrl.u32 s20, $0x3;
	s16 =	sadd.s32 s23, s16  }
0x23: {  	s23 =	sadd.s32 s23, s17;
	[dreg:$0x14] =	wrdreg s16  }
0x24: {  	s17 =	sadd.s32 s3, s26;
	s3 =	sadd.s32 s11, s25;
	[dreg:$0x15] =	wrdreg s23  }
0x25: {  	s11 =	sadd.s32 s5, s26;
	_ =	strace $0x80000047;
	[dreg:$0x18] =	wrdreg s3  }
0x26: {  	s16 =	sadd.s32 s4, s26;
	[dreg:$0x19] =	wrdreg s11  }
0x27: {  	s20 =	sadd.s32 s12, s25;
	[dreg:$0x1b] =	wrdreg s16  }
0x28: {  	s4 =	sadd.s32 s24, s25;
	[dreg:$0x1e] =	wrdreg s20  }
0x29: {  	s5 =	sadd.s32 s22, s26;
	[smem:$0x7ED] =	sst s4  }
0x2a: {  	s0 =	smax.u32 s0, $0x1;
	[smem:$0x7EE] =	sst s5  }
0x2b: {  	s14 =	sadd.s32 s14, s25;
	[smem:$0x7F9] =	sst s0  }
0x2c: {  	s28 =	simm.s32 $0x2940;
	s29 =	simm.s32 $0xA0;
	[dreg:$0x16] =	wrdreg s14  }
0x2d: {  	s30 =	simm.s32 $0x7;
	s9 =	sadd.s32 s9, s25;
	[dreg:$0x17] =	wrdreg s17  }
0x2e: {  	s31 =	simm.s32 $0x9;
	s15 =	sadd.s32 s15, s25;
	[dreg:$0x1a] =	wrdreg s9  }
0x2f: {  	s19 =	simm.s32 $0x0;
	s7 =	sadd.s32 s7, s26;
	[dreg:$0x1c] =	wrdreg s15  }
0x30: {  	s13 =	sadd.s32 s13, s25;
	s21 =	sadd.s32 s21, s25;
	[dreg:$0x1d] =	wrdreg s7  }
0x31: {  	s8 =	sadd.s32 s8, s26;
	s10 =	sadd.s32 s10, s26;
	[smem:$0x7FA] =	sst s13  }
0x32: {  	s23 =	sadd.s32 $0x1E00, s2;
	s2 =	smul.u32 $0x2710, s1;
	[smem:$0x7FB] =	sst s8  }
0x33: {  	s1 =	smul.u32 $0x27100, s1;
	s3 =	sadd.s32 s6, s26;
	[smem:$0x7FC] =	sst s21  }
0x34: {  	s20 =	smov.u32 s26;
	s0 =	simm.s32 $0x6;
	[smem:$0x7FD] =	sst s10  }
0x35: {  	v0 =	vimm.s32 $0xFEDCBA98;
	s4 =	simm.s32 $0x8;
	s5 =	simm.s32 $0xA;
	[dreg:$0x1f] =	wrdreg s3  }
0x36: {  	v1 =	vimm.s32 $0x76543210;
	v2 =	vimm.s32 $0x3210FEDC;
	s6 =	sshrl.u32 s2, $0x3;
	s11 =	sadd.s32 $0x50, s2;
	s1 =	sadd.s32 s18, s1  }
0x37: {  	v3 =	vimm.s32 $0xBA987654;
	s22 =	sadd.s32 $0xA0, s2;
	s2 =	sadd.s32 $0xF0, s2;
	[smem:$0x7F0] =	sst s1  }
0x38: {  	v4 =	vimm.s32 $0x10FEDCBA;
	v5 =	vimm.s32 $0x98765432;
	s3 =	sadd.s32 s23, s6;
	s12 =	sshrl.u32 s11, $0x3;
	[smem:$0x7F2] =	sst s11  }
0x39: {  	v6 =	vimm.s32 $0xFEDCBA9;
	v7 =	vimm.s32 $0x87654321;
	s16 =	sshll.u32 s11, $0x4;
	s24 =	sshrl.u32 s22, $0x3;
	[smem:$0x7F5] =	sst s22  }
0x3a: {  	v0 =	vunpack.c.l.s4.s8 v0;
	v1 =	vunpack.c.l.s4.s8 v1;
	v2 =	vunpack.c.l.s4.s8 v2;
	s25 =	sshll.u32 s22, $0x4;
	[smem:$0x7F6] =	sst s2;
	s2 =	sshrl.u32 s2, $0x3  }
0x3b: {  	v3 =	vunpack.c.l.s4.s8 v3;
	v4 =	vunpack.c.l.s4.s8 v4;
	v5 =	vunpack.c.l.s4.s8 v5;
	s22 =	simm.s32 $0x50;
	s11 =	simm.s32 $0x3;
	s6 =	simm.s32 $0x0  }
0x3c: {  	v6 =	vunpack.c.l.s4.s8 v6;
	v7 =	vunpack.c.l.s4.s8 v7;
	v0 =	vunpack.c.0.s8.s32 v0;
	[smem:$0x7EF] =	sst s3;
	s1 =	sadd.s32 s23, s12;
	s26 =	sadd.s32 s23, s2  }
0x3d: {  	v1 =	vunpack.c.0.s8.s32 v1;
	v2 =	vunpack.c.0.s8.s32 v2;
	v3 =	vunpack.c.0.s8.s32 v3;
	s12 =	simm.s32 $0x140;
	s2 =	simm.s32 $0xF0;
	[smem:$0x7F1] =	sst s1  }
0x3e: {  	v4 =	vunpack.c.0.s8.s32 v4;
	v5 =	vunpack.c.0.s8.s32 v5;
	v0 =	vand.u32 $0xF, v0;
	s1 =	sadd.s32 s18, s16;
	[smem:$0x7F8] =	sst s26;
	s16 =	simm.s32 $0xB  }
0x3f: {  	v6 =	vunpack.c.0.s8.s32 v6;
	v7 =	vunpack.c.0.s8.s32 v7;
	v0 =	vcombine.low v0, v1;
	[smem:$0x7F3] =	sst s1;
	s1 =	sadd.s32 s23, s24;
	s24 =	simm.s32 $0x5  }
0x40: {  	v1 =	vcombine.low v3, v2;
	v2 =	vcombine.low v5, v4;
	[smem:$0x7F4] =	sst s1;
	s1 =	sadd.s32 s18, s25;
	s25 =	simm.s32 $0x2  }
0x41: {  	v3 =	vimm.f32 $0.0e+00;
	v4 =	vcombine.low v7, v6;
	v5 =	vlaneseq.u32;
	s18 =	simm.s32 $0x4;
	[smem:$0x7F7] =	sst s1;
	s1 =	simm.s32 $0x1  }
.LBB2_1:
0x42: {  	[smem:$0x7EC] =	sst s6;
	s3 =	simm.s32 $0x0;
	s6 =	simm.s32 $0x200  }
.LBB2_2:
0x43: {  	p0 =	sne.s32 s6, $0x9E00;
	[tilespmem:s3+$0x1B0] =	vst v3  }
0x44: {  	[tilespmem:s3+$0x140] =	vst v3  }
0x45: {  	[tilespmem:s3+$0x150] =	vst v3  }
.Ltmp0:
0x46: {  	[tilespmem:s3+$0x160] =	vst v3;
	(pc) =	sbr.rel @p0 .LBB2_2-.Ltmp0, $4  }
0x47: {  	[tilespmem:s3+$0x170] =	vst v3  }
0x48: {  	[tilespmem:s3+$0x180] =	vst v3  }
0x49: {  	[tilespmem:s3+$0x190] =	vst v3  }
0x4a: {  	[tilespmem:s3+$0x1A0] =	vst v3;
	s3 =	sshra.s32 s6, $0x2;
	s6 =	sadd.s32 $0x200, s6  }
0x4b: {  	[tilespmem:s3+$0x1B0] =	vst v3  }
0x4c: {  	[tilespmem:s3+$0x140] =	vst v3  }
0x4d: {  	[tilespmem:s3+$0x150] =	vst v3  }
0x4e: {  	[tilespmem:s3+$0x160] =	vst v3  }
0x4f: {  	[tilespmem:s3+$0x170] =	vst v3  }
0x50: {  	[tilespmem:s3+$0x180] =	vst v3  }
0x51: {  	[tilespmem:s3+$0x190] =	vst v3  }
0x52: {  	[tilespmem:s3+$0x1A0] =	vst v3  }
0x53: {  	[tilespmem:$0xA140] =	vst v3  }
0x54: {  	[tilespmem:$0xA150] =	vst v3  }
0x55: {  	[tilespmem:$0xA160] =	vst v3  }
0x56: {  	[tilespmem:$0xA170] =	vst v3  }
0x57: {  	[tilespmem:$0xA180] =	vst v3  }
0x58: {  	[spmem:s14] =	stream.linear.scatter [tilespmem:s12], [sflag:$0xB], $0x2800, $0x38;
	[tilespmem:$0x1E460] =	vst v63  }
0x59: {  	_ =	swait.ge [sflag:s16], $0x2800  }
0x5a: {  	[sflag:s16] =	ssyncset.done $0x0  }
0x5b: {  	s6 =	simm.s32 $0xA140;
	[sflag:s16] =	ssyncadd.s32 $0xFFFFD800  }
0x5c: {  	[spmem:s17] =	stream.linear.scatter [tilespmem:s6], [sflag:$0xB], $0x50, $0x38;
	[tilespmem:$0x1E460] =	vst v63  }
0x5d: {  	_ =	swait.ge [sflag:s16], $0x50  }
0x5e: {  	[sflag:s16] =	ssyncset.done $0x0  }
0x5f: {  	s26 =	rddreg [dreg:$0x18];
	[sflag:s16] =	ssyncadd.s32 $0xFFFFFFB0  }
0x60: {  	[spmem:s26] =	stream.linear.scatter [tilespmem:s12], [sflag:$0xB], $0x2800, $0x38;
	[tilespmem:$0x1E460] =	vst v63  }
0x61: {  	_ =	swait.ge [sflag:s16], $0x2800  }
0x62: {  	[sflag:s16] =	ssyncset.done $0x0  }
0x63: {  	s14 =	rddreg [dreg:$0x19];
	[sflag:s16] =	ssyncadd.s32 $0xFFFFD800  }
0x64: {  	[spmem:s14] =	stream.linear.scatter [tilespmem:s6], [sflag:$0xB], $0x50, $0x38;
	[tilespmem:$0x1E460] =	vst v63  }
0x65: {  	_ =	swait.ge [sflag:s16], $0x50  }
0x66: {  	[sflag:s16] =	ssyncset.done $0x0  }
0x67: {  	[sflag:s16] =	ssyncadd.s32 $0xFFFFFFB0  }
0x68: {  	[spmem:s9] =	stream.linear.scatter [tilespmem:s12], [sflag:$0xB], $0x2800, $0x38;
	[tilespmem:$0x1E460] =	vst v63  }
0x69: {  	_ =	swait.ge [sflag:s16], $0x2800  }
0x6a: {  	[sflag:s16] =	ssyncset.done $0x0  }
0x6b: {  	s17 =	rddreg [dreg:$0x1b];
	[sflag:s16] =	ssyncadd.s32 $0xFFFFD800  }
0x6c: {  	[spmem:s17] =	stream.linear.scatter [tilespmem:s6], [sflag:$0xB], $0x50, $0x38;
	[tilespmem:$0x1E460] =	vst v63  }
0x6d: {  	_ =	swait.ge [sflag:s16], $0x50  }
0x6e: {  	[sflag:s16] =	ssyncset.done $0x0  }
0x6f: {  	[sflag:s16] =	ssyncadd.s32 $0xFFFFFFB0  }
0x70: {  	[spmem:s15] =	stream.linear.scatter [tilespmem:s12], [sflag:$0xB], $0x2800, $0x38;
	[tilespmem:$0x1E460] =	vst v63  }
0x71: {  	_ =	swait.ge [sflag:s16], $0x2800  }
0x72: {  	[sflag:s16] =	ssyncset.done $0x0  }
0x73: {  	[sflag:s16] =	ssyncadd.s32 $0xFFFFD800  }
0x74: {  	[spmem:s7] =	stream.linear.scatter [tilespmem:s6], [sflag:$0xB], $0x50, $0x38;
	[tilespmem:$0x1E460] =	vst v63  }
0x75: {  	_ =	swait.ge [sflag:s16], $0x50  }
0x76: {  	[sflag:s16] =	ssyncset.done $0x0  }
0x77: {  	s26 =	rddreg [dreg:$0x1e];
	[sflag:s16] =	ssyncadd.s32 $0xFFFFFFB0  }
0x78: {  	[spmem:s26] =	stream.linear.scatter [tilespmem:s12], [sflag:$0xB], $0x2800, $0x38;
	[tilespmem:$0x1E460] =	vst v63  }
0x79: {  	_ =	swait.ge [sflag:s16], $0x2800  }
0x7a: {  	[sflag:s16] =	ssyncset.done $0x0  }
0x7b: {  	s7 =	rddreg [dreg:$0x1f];
	[sflag:s16] =	ssyncadd.s32 $0xFFFFD800  }
0x7c: {  	[spmem:s7] =	stream.linear.scatter [tilespmem:s6], [sflag:$0xB], $0x50, $0x38;
	[tilespmem:$0x1E460] =	vst v63  }
0x7d: {  	_ =	swait.ge [sflag:s16], $0x50  }
0x7e: {  	[sflag:s16] =	ssyncset.done $0x0  }
0x7f: {  	[sflag:s16] =	ssyncadd.s32 $0xFFFFFFB0  }
0x80: {  	[spmem:s13] =	stream.linear.scatter [tilespmem:s12], [sflag:$0xB], $0x2800, $0x38;
	[tilespmem:$0x1E460] =	vst v63  }
0x81: {  	_ =	swait.ge [sflag:s16], $0x2800  }
0x82: {  	[sflag:s16] =	ssyncset.done $0x0  }
0x83: {  	[sflag:s16] =	ssyncadd.s32 $0xFFFFD800  }
0x84: {  	[spmem:s8] =	stream.linear.scatter [tilespmem:s6], [sflag:$0xB], $0x50, $0x38;
	[tilespmem:$0x1E460] =	vst v63  }
0x85: {  	_ =	swait.ge [sflag:s16], $0x50  }
0x86: {  	[sflag:s16] =	ssyncset.done $0x0  }
0x87: {  	[sflag:s16] =	ssyncadd.s32 $0xFFFFFFB0  }
0x88: {  	[spmem:s21] =	stream.linear.scatter [tilespmem:s12], [sflag:$0xB], $0x2800, $0x38;
	[tilespmem:$0x1E460] =	vst v63  }
0x89: {  	_ =	swait.ge [sflag:s16], $0x2800  }
0x8a: {  	[sflag:s16] =	ssyncset.done $0x0  }
0x8b: {  	[sflag:s16] =	ssyncadd.s32 $0xFFFFD800  }
0x8c: {  	[spmem:s10] =	stream.linear.scatter [tilespmem:s6], [sflag:$0xB], $0x50, $0x38;
	[tilespmem:$0x1E460] =	vst v63  }
0x8d: {  	_ =	swait.ge [sflag:s16], $0x50  }
0x8e: {  	s8 =	sld [smem:$0x7ED]  }
0x8f: {  	[sflag:s16] =	ssyncset.done $0x0  }
0x90: {  	[sflag:s16] =	ssyncadd.s32 $0xFFFFFFB0  }
0x91: {  	[spmem:s8] =	stream.linear.scatter [tilespmem:s12], [sflag:$0xB], $0x2800, $0x38;
	[tilespmem:$0x1E460] =	vst v63  }
0x92: {  	_ =	swait.ge [sflag:s16], $0x2800  }
0x93: {  	s9 =	sld [smem:$0x7EE]  }
0x94: {  	[sflag:s16] =	ssyncset.done $0x0  }
0x95: {  	[sflag:s16] =	ssyncadd.s32 $0xFFFFD800  }
0x96: {  	[spmem:s9] =	stream.linear.scatter [tilespmem:s6], [sflag:$0xB], $0x50, $0x38;
	[tilespmem:$0x1E460] =	vst v63  }
0x97: {  	_ =	swait.ge [sflag:s16], $0x50  }
0x98: {  	[sflag:s16] =	ssyncset.done $0x0  }
0x99: {  	[sflag:s16] =	ssyncadd.s32 $0xFFFFFFB0  }
0x9a: {  	[bflag:$0x0] =	sbarrier.arrive $0xFFFF  }
0x9b: {  	s10 =	sld [smem:$0x7EF];
	_ =	sdelay $0x1  }
0x9c: {  	s6 =	simm.s32 $0x0  }
0x9d: {  	[tilespmem:s6], [sflag:$0xB] =	stream.linear.gather [hbm4b:s10+s6], $0x50, $0x38;
	[tilespmem:$0x1E460] =	vst v63  }
0x9e: {  	_ =	swait.ge [sflag:s16], $0x50  }
0x9f: {  	[sflag:s16] =	ssyncset.done $0x0  }
0xa0: {  	s15 =	sld [smem:$0x7F0];
	[sflag:s16] =	ssyncadd.s32 $0xFFFFFFB0  }
0xa1: {  	s14 =	simm.s32 $0x5140;
	s13 =	rddreg [dreg:$0x0]  }
0xa2: {  	[tilespmem:s14], [sflag:$0x3] =	stream.indirect.gather [hbm4b:s13+s22], $0x80, s6, s22, $0xb8;
	[tilespmem:$0x1E460] =	vst v63  }
0xa3: {  	s17 =	sld [smem:$0x7F1]  }
0xa4: {  	[tilespmem:s12], [sflag:$0x5] =	stream.linear.gather [hbm4b:s15+s6], $0x2800, $0x38;
	[tilespmem:$0x1E460] =	vst v63  }
0xa5: {  	_ = 	snop  }
0xa6: {  	[tilespmem:s22], [sflag:$0x2] =	stream.linear.gather [hbm4b:s17+s6], $0x50, $0x38;
	[tilespmem:$0x1E460] =	vst v63  }
0xa7: {  	_ =	swait.ge [sflag:s11], $0x2800  }
0xa8: {  	[sflag:s11] =	ssyncset.done $0x0  }
0xa9: {  	[sflag:s11] =	ssyncadd.s32 $0xFFFFD800  }
0xaa: {  	_ =	swait.ge [sflag:s24], $0x2800  }
0xab: {  	[sflag:s24] =	ssyncset.done $0x0  }
0xac: {  	[sflag:s24] =	ssyncadd.s32 $0xFFFFD800  }
0xad: {  	_ =	swait.ge [sflag:s25], $0x50  }
0xae: {  	[sflag:s25] =	ssyncset.done $0x0  }
0xaf: {  	s21 =	simm.s32 $0x7940;
	s26 =	sld [smem:$0x7F3];
	[sflag:s25] =	ssyncadd.s32 $0xFFFFFFB0  }
0xb0: {  	[tilespmem:s21], [sflag:$0x4] =	stream.indirect.gather [hbm4b:s13+s22], $0x80, s22, s22, $0xb8;
	[tilespmem:$0x1E460] =	vst v63  }
0xb1: {  	s3 =	simm.s32 $0x5180;
	s7 =	simm.s32 $0x180;
	s10 =	simm.s32 $0x0  }
0xb2: {  	[tilespmem:s28], [sflag:$0x6] =	stream.linear.gather [hbm4b:s26+s6], $0x2800, $0x38;
	[tilespmem:$0x1E460] =	vst v63  }
.LBB2_4:
0xb3: {  	v12 =	vld [tilespmem:s7+$0xFFFFFFC0]  }
0xb4: {  	v6 =	vld [tilespmem:s7+$0xFFFFFFD0]  }
0xb5: {  	v8 =	vld [tilespmem:s3+$0xFFFFFFC0]  }
0xb6: {  	v10 =	vld [tilespmem:s3+$0xFFFFFFD0]  }
0xb7: {  	v11 =	vld [tilespmem:s3+$0xFFFFFFE0]  }
0xb8: {  	v7 =	vld [tilespmem:s7+$0xFFFFFFE0]  }
0xb9: {  	v13 =	vld [tilespmem:s7+$0xFFFFFFF0]  }
0xba: {  	v14 =	vld [tilespmem:s3+$0xFFFFFFF0]  }
0xbb: {  	v9 =	vld [tilespmem:s7+$0x0];
	v8 =	vmul.f32 v8, v12;
	v15 =	vmul.f32 v10, v6  }
0xbc: {  	v16 =	vld [tilespmem:s3+$0x0]  }
0xbd: {  	v10 =	vld [tilespmem:s7+$0x10];
	v11 =	vmul.f32 v11, v7;
	v8 =	vadd.f32 v15, v8  }
0xbe: {  	v15 =	vld [tilespmem:s3+$0x10]  }
0xbf: {  	v17 =	vld [tilespmem:s7+$0x20];
	v8 =	vadd.f32 v11, v8;
	v11 =	vmul.f32 v14, v13  }
0xc0: {  	v14 =	vld [tilespmem:s3+$0x20]  }
0xc1: {  	v18 =	vld [tilespmem:s7+$0x30];
	v8 =	vadd.f32 v11, v8;
	v11 =	vmul.f32 v16, v9  }
0xc2: {  	v16 =	vld [tilespmem:s3+$0x30]  }
0xc3: {  	v8 =	vadd.f32 v11, v8;
	v11 =	vmul.f32 v15, v10;
	_ =	sdelay $0x1  }
0xc4: {  	v8 =	vadd.f32 v11, v8;
	v11 =	vmul.f32 v14, v17;
	_ =	sdelay $0x1  }
0xc5: {  	v8 =	vadd.f32 v11, v8;
	v11 =	vmul.f32 v16, v18;
	_ =	sdelay $0x1  }
0xc6: {  	v8 =	vadd.f32 v11, v8;
	_ =	sdelay $0x1  }
0xc7: {  	v11 =	vperm.xlane v8, v0;
	_ =	sdelay $0x1  }
0xc8: {  	v8 =	vadd.f32 v8, v11;
	_ =	sdelay $0x1  }
0xc9: {  	v11 =	vperm.xlane v8, v1;
	_ =	sdelay $0x1  }
0xca: {  	v8 =	vadd.f32 v8, v11;
	_ =	sdelay $0x1  }
0xcb: {  	v11 =	vperm.xlane v8, v2;
	_ =	sdelay $0x1  }
0xcc: {  	v8 =	vadd.f32 v8, v11;
	_ =	sdelay $0x1  }
0xcd: {  	v11 =	vperm.xlane v8, v4;
	_ =	sdelay $0x1  }
0xce: {  	v8 =	vadd.f32 v8, v11;
	_ =	sdelay $0x1  }
0xcf: {  	v8 =	vmin.f32 v8, $8.000000000e+01  }
0xd0: {  	v8 =	vmul.f32 $1.442695020e+00, v8;
	_ =	sdelay $0x1  }
0xd1: {  	(erf) = vpow2.f32 v8;
	_ =	sdelay $0x7  }
0xd2: {  	v14 =	vmov s6  }
0xd3: {  	vm0 =	veq.s32 v14, v5;
	v11 =	vpop (erf)  }
0xd4: {  	s8 =	sshll.u32 s10, $0x4;
	s15 =	simm.s32 $0x1;
	v8 =	vimm.f32 $0.0e+00;
	v15 =	vmul.f32 v11, v13;
	v13 =	vmul.f32 v11, v18  }
0xd5: {  	s21 =	smov.u32 s7;
	s9 =	smov.u32 s7;
	s13 =	smov.u32 s3;
	v8 =	vsel vm0, v11, v8;
	v12 =	vmul.f32 v11, v12;
	v14 =	vmul.f32 v11, v17  }
.LBB2_5:
0xd6: {  	p0 =	sne.s32 s15, $0xF;
	v7 =	vmul.f32 v11, v7;
	[tilespmem:s21+$0xFFFFFFF0] =	vst v15;
	v9 =	vmul.f32 v11, v9;
	s9 =	sadd.s32 $0x80, s9;
	s13 =	sadd.s32 $0x80, s13  }
0xd7: {  	v6 =	vmul.f32 v11, v6;
	v10 =	vmul.f32 v11, v10;
	s17 =	smov.u32 s15;
	s15 =	sadd.s32 $0x1, s15;
	[tilespmem:s21+$0x30] =	vst v13  }
0xd8: {  	[tilespmem:s21+$0x20] =	vst v14  }
0xd9: {  	[tilespmem:s21+$0xFFFFFFC0] =	vst v12  }
0xda: {  	[tilespmem:s21+$0xFFFFFFD0] =	vst v6  }
0xdb: {  	[tilespmem:s21+$0x10] =	vst v10  }
0xdc: {  	v12 =	vld [tilespmem:s9+$0xFFFFFFC0];
	[tilespmem:s21+$0x0] =	vst v9  }
0xdd: {  	v6 =	vld [tilespmem:s9+$0xFFFFFFD0];
	[tilespmem:s21+$0xFFFFFFE0] =	vst v7;
	s21 =	smov.u32 s9  }
0xde: {  	v10 =	vld [tilespmem:s13+$0xFFFFFFC0]  }
0xdf: {  	v11 =	vld [tilespmem:s13+$0xFFFFFFD0]  }
0xe0: {  	v13 =	vld [tilespmem:s13+$0xFFFFFFE0]  }
0xe1: {  	v7 =	vld [tilespmem:s9+$0xFFFFFFE0]  }
0xe2: {  	v14 =	vld [tilespmem:s9+$0xFFFFFFF0]  }
0xe3: {  	v15 =	vld [tilespmem:s13+$0xFFFFFFF0]  }
0xe4: {  	v16 =	vmul.f32 v10, v12;
	v9 =	vld [tilespmem:s9+$0x0];
	v11 =	vmul.f32 v11, v6  }
0xe5: {  	v17 =	vld [tilespmem:s13+$0x0]  }
0xe6: {  	v10 =	vld [tilespmem:s9+$0x10];
	v11 =	vadd.f32 v11, v16;
	v13 =	vmul.f32 v13, v7  }
0xe7: {  	v16 =	vld [tilespmem:s13+$0x10]  }
0xe8: {  	v18 =	vld [tilespmem:s9+$0x20];
	v11 =	vadd.f32 v13, v11;
	v13 =	vmul.f32 v15, v14  }
0xe9: {  	v15 =	vld [tilespmem:s13+$0x20]  }
0xea: {  	v19 =	vld [tilespmem:s9+$0x30];
	v11 =	vadd.f32 v13, v11;
	v13 =	vmul.f32 v17, v9  }
0xeb: {  	v17 =	vld [tilespmem:s13+$0x30]  }
0xec: {  	v11 =	vadd.f32 v13, v11;
	v13 =	vmul.f32 v16, v10;
	_ =	sdelay $0x1  }
0xed: {  	v11 =	vadd.f32 v13, v11;
	v13 =	vmul.f32 v15, v18;
	_ =	sdelay $0x1  }
0xee: {  	v11 =	vadd.f32 v13, v11;
	v13 =	vmul.f32 v17, v19;
	_ =	sdelay $0x1  }
0xef: {  	v11 =	vadd.f32 v13, v11;
	_ =	sdelay $0x1  }
0xf0: {  	v13 =	vperm.xlane v11, v0;
	_ =	sdelay $0x1  }
0xf1: {  	v11 =	vadd.f32 v11, v13;
	_ =	sdelay $0x1  }
0xf2: {  	v13 =	vperm.xlane v11, v1;
	_ =	sdelay $0x1  }
0xf3: {  	v11 =	vadd.f32 v11, v13;
	_ =	sdelay $0x1  }
0xf4: {  	v13 =	vperm.xlane v11, v2;
	_ =	sdelay $0x1  }
0xf5: {  	v11 =	vadd.f32 v11, v13;
	_ =	sdelay $0x1  }
0xf6: {  	v13 =	vperm.xlane v11, v4;
	_ =	sdelay $0x1  }
0xf7: {  	v11 =	vadd.f32 v11, v13;
	_ =	sdelay $0x1  }
0xf8: {  	v11 =	vmin.f32 v11, $8.000000000e+01  }
0xf9: {  	v11 =	vmul.f32 $1.442695020e+00, v11;
	_ =	sdelay $0x1  }
0xfa: {  	(erf) = vpow2.f32 v11;
	_ =	sdelay $0x6  }
.Ltmp1:
0xfb: {  	(pc) =	sbr.rel @p0 .LBB2_5-.Ltmp1, $4  }
0xfc: {  	v13 =	vmov s17  }
0xfd: {  	vm0 =	veq.s32 v13, v5;
	v11 =	vpop (erf)  }
0xfe: {  	v15 =	vmul.f32 v11, v14;
	v13 =	vmul.f32 v11, v19;
	v8 =	vsel vm0, v11, v8  }
0xff: {  	v12 =	vmul.f32 v11, v12;
	v14 =	vmul.f32 v11, v18  }
0x100: {  	[tilespmem:s21+$0xFFFFFFF0] =	vst v15  }
0x101: {  	[tilespmem:s21+$0x30] =	vst v13  }
0x102: {  	v6 =	vmul.f32 v11, v6;
	s10 =	sadd.s32 $0x1, s10;
	[tilespmem:s21+$0x20] =	vst v14  }
0x103: {  	v10 =	vmul.f32 v11, v10;
	[tilespmem:s21+$0xFFFFFFC0] =	vst v12;
	p0 =	sne.s32 s10, $0x5  }
.Ltmp2:
0x104: {  	v9 =	vmul.f32 v11, v9;
	[tilespmem:s21+$0xFFFFFFD0] =	vst v6;
	(pc) =	sbr.rel @p0 .LBB2_4-.Ltmp2, $4  }
0x105: {  	v6 =	vmul.f32 v11, v7;
	[tilespmem:s21+$0x10] =	vst v10  }
0x106: {  	[tilespmem:s21+$0x0] =	vst v9  }
0x107: {  	[tilespmem:s21+$0xFFFFFFE0] =	vst v6  }
0x108: {  	s7 =	sadd.s32 $0x800, s7;
	s3 =	sadd.s32 $0x800, s3;
	[tilespmem:s8+$0xA140] =	vst v8  }
0x109: {  	v6 =	vld [tilespmem:$0x0]  }
0x10a: {  	v7 =	vld [tilespmem:$0x10]  }
0x10b: {  	v8 =	vld [tilespmem:$0x20]  }
0x10c: {  	v9 =	vld [tilespmem:$0x30]  }
0x10d: {  	v10 =	vld [tilespmem:$0x40]  }
0x10e: {  	[tilespmem:$0xA0] =	vst v6  }
0x10f: {  	[tilespmem:$0xB0] =	vst v7  }
0x110: {  	[tilespmem:$0xC0] =	vst v8  }
0x111: {  	[tilespmem:$0xD0] =	vst v9  }
0x112: {  	s3 =	simm.s32 $0xA140;
	s15 =	rddreg [dreg:$0x3];
	[tilespmem:$0xE0] =	vst v10  }
0x113: {  	[spmem:s20] =	stream.indirect.scatter.add.f32 [tilespmem:s3], [sflag:$0x7], $0x1, s29, s22, $0xb8;
	[tilespmem:$0x1E460] =	vst v63  }
0x114: {  	s17 =	sld [smem:$0x7F4]  }
0x115: {  	[spmem:s15] =	stream.indirect.scatter.add.f32 [tilespmem:s12], [sflag:$0x9], $0x80, s29, s22, $0xb8;
	[tilespmem:$0x1E460] =	vst v63  }
0x116: {  	s6 =	simm.s32 $0x0  }
0x117: {  	[tilespmem:s6], [sflag:$0x1] =	stream.linear.gather [hbm4b:s17+s6], $0x50, $0x38;
	[tilespmem:$0x1E460] =	vst v63  }
0x118: {  	_ =	swait.ge [sflag:s30], $0x50  }
0x119: {  	[sflag:s30] =	ssyncset.done $0x0  }
0x11a: {  	[sflag:s30] =	ssyncadd.s32 $0xFFFFFFB0  }
0x11b: {  	_ =	swait.ge [sflag:s31], $0x2800  }
0x11c: {  	[sflag:s31] =	ssyncset.done $0x0  }
0x11d: {  	[sflag:s31] =	ssyncadd.s32 $0xFFFFD800  }
0x11e: {  	_ =	swait.ge [sflag:s18], $0x2800  }
0x11f: {  	[sflag:s18] =	ssyncset.done $0x0  }
0x120: {  	[sflag:s18] =	ssyncadd.s32 $0xFFFFD800  }
0x121: {  	_ =	swait.ge [sflag:s0], $0x2800  }
0x122: {  	[sflag:s0] =	ssyncset.done $0x0  }
0x123: {  	[sflag:s0] =	ssyncadd.s32 $0xFFFFD800  }
0x124: {  	_ =	swait.ge [sflag:s1], $0x50  }
0x125: {  	[sflag:s1] =	ssyncset.done $0x0  }
0x126: {  	s26 =	sld [smem:$0x7F7];
	[sflag:s1] =	ssyncadd.s32 $0xFFFFFFB0  }
0x127: {  	s7 =	simm.s32 $0x5140;
	s21 =	rddreg [dreg:$0x0]  }
0x128: {  	[tilespmem:s7], [sflag:$0x3] =	stream.indirect.gather [hbm4b:s21+s22], $0x80, s6, s22, $0xb8;
	[tilespmem:$0x1E460] =	vst v63  }
0x129: {  	s10 =	simm.s32 $0x0;
	s3 =	simm.s32 $0x7980;
	s7 =	simm.s32 $0x2980  }
0x12a: {  	[tilespmem:s12], [sflag:$0x5] =	stream.linear.gather [hbm4b:s26+s6], $0x2800, $0x38;
	[tilespmem:$0x1E460] =	vst v63  }
.LBB2_8:
0x12b: {  	v12 =	vld [tilespmem:s7+$0xFFFFFFC0]  }
0x12c: {  	v6 =	vld [tilespmem:s7+$0xFFFFFFD0]  }
0x12d: {  	v8 =	vld [tilespmem:s3+$0xFFFFFFC0]  }
0x12e: {  	v10 =	vld [tilespmem:s3+$0xFFFFFFD0]  }
0x12f: {  	v11 =	vld [tilespmem:s3+$0xFFFFFFE0]  }
0x130: {  	v7 =	vld [tilespmem:s7+$0xFFFFFFE0]  }
0x131: {  	v13 =	vld [tilespmem:s7+$0xFFFFFFF0]  }
0x132: {  	v14 =	vld [tilespmem:s3+$0xFFFFFFF0]  }
0x133: {  	v9 =	vld [tilespmem:s7+$0x0];
	v8 =	vmul.f32 v8, v12;
	v15 =	vmul.f32 v10, v6  }
0x134: {  	v16 =	vld [tilespmem:s3+$0x0]  }
0x135: {  	v10 =	vld [tilespmem:s7+$0x10];
	v11 =	vmul.f32 v11, v7;
	v8 =	vadd.f32 v15, v8  }
0x136: {  	v15 =	vld [tilespmem:s3+$0x10]  }
0x137: {  	v17 =	vld [tilespmem:s7+$0x20];
	v8 =	vadd.f32 v11, v8;
	v11 =	vmul.f32 v14, v13  }
0x138: {  	v14 =	vld [tilespmem:s3+$0x20]  }
0x139: {  	v18 =	vld [tilespmem:s7+$0x30];
	v8 =	vadd.f32 v11, v8;
	v11 =	vmul.f32 v16, v9  }
0x13a: {  	v16 =	vld [tilespmem:s3+$0x30]  }
0x13b: {  	v8 =	vadd.f32 v11, v8;
	v11 =	vmul.f32 v15, v10;
	_ =	sdelay $0x1  }
0x13c: {  	v8 =	vadd.f32 v11, v8;
	v11 =	vmul.f32 v14, v17;
	_ =	sdelay $0x1  }
0x13d: {  	v8 =	vadd.f32 v11, v8;
	v11 =	vmul.f32 v16, v18;
	_ =	sdelay $0x1  }
0x13e: {  	v8 =	vadd.f32 v11, v8;
	_ =	sdelay $0x1  }
0x13f: {  	v11 =	vperm.xlane v8, v0;
	_ =	sdelay $0x1  }
0x140: {  	v8 =	vadd.f32 v8, v11;
	_ =	sdelay $0x1  }
0x141: {  	v11 =	vperm.xlane v8, v1;
	_ =	sdelay $0x1  }
0x142: {  	v8 =	vadd.f32 v8, v11;
	_ =	sdelay $0x1  }
0x143: {  	v11 =	vperm.xlane v8, v2;
	_ =	sdelay $0x1  }
0x144: {  	v8 =	vadd.f32 v8, v11;
	_ =	sdelay $0x1  }
0x145: {  	v11 =	vperm.xlane v8, v4;
	_ =	sdelay $0x1  }
0x146: {  	v8 =	vadd.f32 v8, v11;
	_ =	sdelay $0x1  }
0x147: {  	v8 =	vmin.f32 v8, $8.000000000e+01  }
0x148: {  	v8 =	vmul.f32 $1.442695020e+00, v8;
	_ =	sdelay $0x1  }
0x149: {  	(erf) = vpow2.f32 v8;
	_ =	sdelay $0x7  }
0x14a: {  	v14 =	vmov s6  }
0x14b: {  	vm0 =	veq.s32 v14, v5;
	v11 =	vpop (erf)  }
0x14c: {  	s8 =	sshll.u32 s10, $0x4;
	s15 =	simm.s32 $0x1;
	v8 =	vimm.f32 $0.0e+00;
	v15 =	vmul.f32 v11, v13;
	v13 =	vmul.f32 v11, v18  }
0x14d: {  	s21 =	smov.u32 s7;
	s9 =	smov.u32 s7;
	s13 =	smov.u32 s3;
	v8 =	vsel vm0, v11, v8;
	v12 =	vmul.f32 v11, v12;
	v14 =	vmul.f32 v11, v17  }
.LBB2_9:
0x14e: {  	p0 =	sne.s32 s15, $0xF;
	v7 =	vmul.f32 v11, v7;
	[tilespmem:s21+$0xFFFFFFF0] =	vst v15;
	v9 =	vmul.f32 v11, v9;
	s9 =	sadd.s32 $0x80, s9;
	s13 =	sadd.s32 $0x80, s13  }
0x14f: {  	v6 =	vmul.f32 v11, v6;
	v10 =	vmul.f32 v11, v10;
	s17 =	smov.u32 s15;
	s15 =	sadd.s32 $0x1, s15;
	[tilespmem:s21+$0x30] =	vst v13  }
0x150: {  	[tilespmem:s21+$0x20] =	vst v14  }
0x151: {  	[tilespmem:s21+$0xFFFFFFC0] =	vst v12  }
0x152: {  	[tilespmem:s21+$0xFFFFFFD0] =	vst v6  }
0x153: {  	[tilespmem:s21+$0x10] =	vst v10  }
0x154: {  	v12 =	vld [tilespmem:s9+$0xFFFFFFC0];
	[tilespmem:s21+$0x0] =	vst v9  }
0x155: {  	v6 =	vld [tilespmem:s9+$0xFFFFFFD0];
	[tilespmem:s21+$0xFFFFFFE0] =	vst v7;
	s21 =	smov.u32 s9  }
0x156: {  	v10 =	vld [tilespmem:s13+$0xFFFFFFC0]  }
0x157: {  	v11 =	vld [tilespmem:s13+$0xFFFFFFD0]  }
0x158: {  	v13 =	vld [tilespmem:s13+$0xFFFFFFE0]  }
0x159: {  	v7 =	vld [tilespmem:s9+$0xFFFFFFE0]  }
0x15a: {  	v14 =	vld [tilespmem:s9+$0xFFFFFFF0]  }
0x15b: {  	v15 =	vld [tilespmem:s13+$0xFFFFFFF0]  }
0x15c: {  	v16 =	vmul.f32 v10, v12;
	v9 =	vld [tilespmem:s9+$0x0];
	v11 =	vmul.f32 v11, v6  }
0x15d: {  	v17 =	vld [tilespmem:s13+$0x0]  }
0x15e: {  	v10 =	vld [tilespmem:s9+$0x10];
	v11 =	vadd.f32 v11, v16;
	v13 =	vmul.f32 v13, v7  }
0x15f: {  	v16 =	vld [tilespmem:s13+$0x10]  }
0x160: {  	v18 =	vld [tilespmem:s9+$0x20];
	v11 =	vadd.f32 v13, v11;
	v13 =	vmul.f32 v15, v14  }
0x161: {  	v15 =	vld [tilespmem:s13+$0x20]  }
0x162: {  	v19 =	vld [tilespmem:s9+$0x30];
	v11 =	vadd.f32 v13, v11;
	v13 =	vmul.f32 v17, v9  }
0x163: {  	v17 =	vld [tilespmem:s13+$0x30]  }
0x164: {  	v11 =	vadd.f32 v13, v11;
	v13 =	vmul.f32 v16, v10;
	_ =	sdelay $0x1  }
0x165: {  	v11 =	vadd.f32 v13, v11;
	v13 =	vmul.f32 v15, v18;
	_ =	sdelay $0x1  }
0x166: {  	v11 =	vadd.f32 v13, v11;
	v13 =	vmul.f32 v17, v19;
	_ =	sdelay $0x1  }
0x167: {  	v11 =	vadd.f32 v13, v11;
	_ =	sdelay $0x1  }
0x168: {  	v13 =	vperm.xlane v11, v0;
	_ =	sdelay $0x1  }
0x169: {  	v11 =	vadd.f32 v11, v13;
	_ =	sdelay $0x1  }
0x16a: {  	v13 =	vperm.xlane v11, v1;
	_ =	sdelay $0x1  }
0x16b: {  	v11 =	vadd.f32 v11, v13;
	_ =	sdelay $0x1  }
0x16c: {  	v13 =	vperm.xlane v11, v2;
	_ =	sdelay $0x1  }
0x16d: {  	v11 =	vadd.f32 v11, v13;
	_ =	sdelay $0x1  }
0x16e: {  	v13 =	vperm.xlane v11, v4;
	_ =	sdelay $0x1  }
0x16f: {  	v11 =	vadd.f32 v11, v13;
	_ =	sdelay $0x1  }
0x170: {  	v11 =	vmin.f32 v11, $8.000000000e+01  }
0x171: {  	v11 =	vmul.f32 $1.442695020e+00, v11;
	_ =	sdelay $0x1  }
0x172: {  	(erf) = vpow2.f32 v11;
	_ =	sdelay $0x6  }
.Ltmp3:
0x173: {  	(pc) =	sbr.rel @p0 .LBB2_9-.Ltmp3, $4  }
0x174: {  	v13 =	vmov s17  }
0x175: {  	vm0 =	veq.s32 v13, v5;
	v11 =	vpop (erf)  }
0x176: {  	v15 =	vmul.f32 v11, v14;
	v13 =	vmul.f32 v11, v19;
	v8 =	vsel vm0, v11, v8  }
0x177: {  	v12 =	vmul.f32 v11, v12;
	v14 =	vmul.f32 v11, v18  }
0x178: {  	[tilespmem:s21+$0xFFFFFFF0] =	vst v15  }
0x179: {  	[tilespmem:s21+$0x30] =	vst v13  }
0x17a: {  	v6 =	vmul.f32 v11, v6;
	s10 =	sadd.s32 $0x1, s10;
	[tilespmem:s21+$0x20] =	vst v14  }
0x17b: {  	v10 =	vmul.f32 v11, v10;
	[tilespmem:s21+$0xFFFFFFC0] =	vst v12;
	p0 =	sne.s32 s10, $0x5  }
.Ltmp4:
0x17c: {  	v9 =	vmul.f32 v11, v9;
	[tilespmem:s21+$0xFFFFFFD0] =	vst v6;
	(pc) =	sbr.rel @p0 .LBB2_8-.Ltmp4, $4  }
0x17d: {  	v6 =	vmul.f32 v11, v7;
	[tilespmem:s21+$0x10] =	vst v10  }
0x17e: {  	[tilespmem:s21+$0x0] =	vst v9  }
0x17f: {  	[tilespmem:s21+$0xFFFFFFE0] =	vst v6  }
0x180: {  	s7 =	sadd.s32 $0x800, s7;
	s3 =	sadd.s32 $0x800, s3;
	[tilespmem:s8+$0xA190] =	vst v8  }
0x181: {  	v6 =	vld [tilespmem:$0x50]  }
0x182: {  	v7 =	vld [tilespmem:$0x60]  }
0x183: {  	v8 =	vld [tilespmem:$0x70]  }
0x184: {  	v9 =	vld [tilespmem:$0x80]  }
0x185: {  	v10 =	vld [tilespmem:$0x90]  }
0x186: {  	[tilespmem:$0xF0] =	vst v6  }
0x187: {  	[tilespmem:$0x100] =	vst v7  }
0x188: {  	[tilespmem:$0x110] =	vst v8  }
0x189: {  	[tilespmem:$0x120] =	vst v9  }
0x18a: {  	s3 =	simm.s32 $0xA190;
	s21 =	rddreg [dreg:$0x3];
	[tilespmem:$0x130] =	vst v10  }
0x18b: {  	[spmem:s20] =	stream.indirect.scatter.add.f32 [tilespmem:s3], [sflag:$0x8], $0x1, s2, s22, $0xb8;
	[tilespmem:$0x1E460] =	vst v63  }
0x18c: {  	s26 =	sld [smem:$0x7F8]  }
0x18d: {  	[spmem:s21] =	stream.indirect.scatter.add.f32 [tilespmem:s28], [sflag:$0xA], $0x80, s2, s22, $0xb8;
	[tilespmem:$0x1E460] =	vst v63  }
0x18e: {  	s7 =	simm.s32 $0x1  }
0x18f: {  	[tilespmem:s22], [sflag:$0x2] =	stream.linear.gather [hbm4b:s26+s19], $0x50, $0x38;
	[tilespmem:$0x1E460] =	vst v63  }
.LBB2_12:
0x190: {  	_ =	swait.ge [sflag:s4], $0x50  }
0x191: {  	[sflag:s4] =	ssyncset.done $0x0  }
0x192: {  	[sflag:s4] =	ssyncadd.s32 $0xFFFFFFB0  }
0x193: {  	_ =	swait.ge [sflag:s5], $0x2800  }
0x194: {  	[sflag:s5] =	ssyncset.done $0x0  }
0x195: {  	[sflag:s5] =	ssyncadd.s32 $0xFFFFD800  }
0x196: {  	_ =	swait.ge [sflag:s11], $0x2800  }
0x197: {  	[sflag:s11] =	ssyncset.done $0x0  }
0x198: {  	[sflag:s11] =	ssyncadd.s32 $0xFFFFD800  }
0x199: {  	_ =	swait.ge [sflag:s24], $0x2800  }
0x19a: {  	[sflag:s24] =	ssyncset.done $0x0  }
0x19b: {  	[sflag:s24] =	ssyncadd.s32 $0xFFFFD800  }
0x19c: {  	_ =	swait.ge [sflag:s25], $0x50  }
0x19d: {  	[sflag:s25] =	ssyncset.done $0x0  }
0x19e: {  	s21 =	sld [smem:$0x7F2];
	[sflag:s25] =	ssyncadd.s32 $0xFFFFFFB0  }
0x19f: {  	s6 =	smul.u32 $0xA0, s7;
	s8 =	simm.s32 $0x7940;
	s3 =	rddreg [dreg:$0x0]  }
0x1a0: {  	[tilespmem:s8], [sflag:$0x4] =	stream.indirect.gather [hbm4b:s3+s22], $0x80, s22, s22, $0xb8;
	[tilespmem:$0x1E460] =	vst v63  }
0x1a1: {  	s3 =	sadd.s32 s6, s21  }
0x1a2: {  	s13 =	simm.s32 $0x180;
	s3 =	sshll.u32 s3, $0x4  }
0x1a3: {  	s17 =	simm.s32 $0x5180;
	s26 =	rddreg [dreg:$0x1];
	s3 =	sand.u32 $0x1FFFFF00, s3  }
0x1a4: {  	s8 =	simm.s32 $0x0;
	s3 =	sadd.s32 s26, s3;
	s26 =	simm.s32 $0x0  }
0x1a5: {  	[tilespmem:s28], [sflag:$0x6] =	stream.linear.gather [hbm4b:s3+s26], $0x2800, $0x38;
	[tilespmem:$0x1E460] =	vst v63  }
.LBB2_13:
0x1a6: {  	v12 =	vld [tilespmem:s13+$0xFFFFFFC0]  }
0x1a7: {  	v6 =	vld [tilespmem:s13+$0xFFFFFFD0]  }
0x1a8: {  	v8 =	vld [tilespmem:s17+$0xFFFFFFC0]  }
0x1a9: {  	v10 =	vld [tilespmem:s17+$0xFFFFFFD0]  }
0x1aa: {  	v11 =	vld [tilespmem:s17+$0xFFFFFFE0]  }
0x1ab: {  	v7 =	vld [tilespmem:s13+$0xFFFFFFE0]  }
0x1ac: {  	v13 =	vld [tilespmem:s13+$0xFFFFFFF0]  }
0x1ad: {  	v14 =	vld [tilespmem:s17+$0xFFFFFFF0]  }
0x1ae: {  	v9 =	vld [tilespmem:s13+$0x0];
	v8 =	vmul.f32 v8, v12;
	v15 =	vmul.f32 v10, v6  }
0x1af: {  	v16 =	vld [tilespmem:s17+$0x0]  }
0x1b0: {  	v10 =	vld [tilespmem:s13+$0x10];
	v11 =	vmul.f32 v11, v7;
	v8 =	vadd.f32 v15, v8  }
0x1b1: {  	v15 =	vld [tilespmem:s17+$0x10]  }
0x1b2: {  	v17 =	vld [tilespmem:s13+$0x20];
	v8 =	vadd.f32 v11, v8;
	v11 =	vmul.f32 v14, v13  }
0x1b3: {  	v14 =	vld [tilespmem:s17+$0x20]  }
0x1b4: {  	v18 =	vld [tilespmem:s13+$0x30];
	v8 =	vadd.f32 v11, v8;
	v11 =	vmul.f32 v16, v9  }
0x1b5: {  	v16 =	vld [tilespmem:s17+$0x30]  }
0x1b6: {  	v8 =	vadd.f32 v11, v8;
	v11 =	vmul.f32 v15, v10;
	_ =	sdelay $0x1  }
0x1b7: {  	v8 =	vadd.f32 v11, v8;
	v11 =	vmul.f32 v14, v17;
	_ =	sdelay $0x1  }
0x1b8: {  	v8 =	vadd.f32 v11, v8;
	v11 =	vmul.f32 v16, v18;
	_ =	sdelay $0x1  }
0x1b9: {  	v8 =	vadd.f32 v11, v8;
	_ =	sdelay $0x1  }
0x1ba: {  	v11 =	vperm.xlane v8, v0;
	_ =	sdelay $0x1  }
0x1bb: {  	v8 =	vadd.f32 v8, v11;
	_ =	sdelay $0x1  }
0x1bc: {  	v11 =	vperm.xlane v8, v1;
	_ =	sdelay $0x1  }
0x1bd: {  	v8 =	vadd.f32 v8, v11;
	_ =	sdelay $0x1  }
0x1be: {  	v11 =	vperm.xlane v8, v2;
	_ =	sdelay $0x1  }
0x1bf: {  	v8 =	vadd.f32 v8, v11;
	_ =	sdelay $0x1  }
0x1c0: {  	v11 =	vperm.xlane v8, v4;
	_ =	sdelay $0x1  }
0x1c1: {  	v8 =	vadd.f32 v8, v11;
	_ =	sdelay $0x1  }
0x1c2: {  	v8 =	vmin.f32 v8, $8.000000000e+01  }
0x1c3: {  	v8 =	vmul.f32 $1.442695020e+00, v8;
	_ =	sdelay $0x1  }
0x1c4: {  	(erf) = vpow2.f32 v8;
	_ =	sdelay $0x7  }
0x1c5: {  	v14 =	vmov s26  }
0x1c6: {  	vm0 =	veq.s32 v14, v5;
	v11 =	vpop (erf)  }
0x1c7: {  	s21 =	sshll.u32 s8, $0x4;
	s9 =	simm.s32 $0x1;
	v8 =	vimm.f32 $0.0e+00;
	v15 =	vmul.f32 v11, v13;
	v13 =	vmul.f32 v11, v18  }
0x1c8: {  	s3 =	smov.u32 s13;
	s15 =	smov.u32 s13;
	s10 =	smov.u32 s17;
	v8 =	vsel vm0, v11, v8;
	v12 =	vmul.f32 v11, v12;
	v14 =	vmul.f32 v11, v17  }
.LBB2_14:
0x1c9: {  	p0 =	sne.s32 s9, $0xF;
	v7 =	vmul.f32 v11, v7;
	[tilespmem:s3+$0xFFFFFFF0] =	vst v15;
	v9 =	vmul.f32 v11, v9;
	s15 =	sadd.s32 $0x80, s15;
	s10 =	sadd.s32 $0x80, s10  }
0x1ca: {  	v6 =	vmul.f32 v11, v6;
	v10 =	vmul.f32 v11, v10;
	s14 =	smov.u32 s9;
	s9 =	sadd.s32 $0x1, s9;
	[tilespmem:s3+$0x30] =	vst v13  }
0x1cb: {  	[tilespmem:s3+$0x20] =	vst v14  }
0x1cc: {  	[tilespmem:s3+$0xFFFFFFC0] =	vst v12  }
0x1cd: {  	[tilespmem:s3+$0xFFFFFFD0] =	vst v6  }
0x1ce: {  	[tilespmem:s3+$0x10] =	vst v10  }
0x1cf: {  	v12 =	vld [tilespmem:s15+$0xFFFFFFC0];
	[tilespmem:s3+$0x0] =	vst v9  }
0x1d0: {  	v6 =	vld [tilespmem:s15+$0xFFFFFFD0];
	[tilespmem:s3+$0xFFFFFFE0] =	vst v7;
	s3 =	smov.u32 s15  }
0x1d1: {  	v10 =	vld [tilespmem:s10+$0xFFFFFFC0]  }
0x1d2: {  	v11 =	vld [tilespmem:s10+$0xFFFFFFD0]  }
0x1d3: {  	v13 =	vld [tilespmem:s10+$0xFFFFFFE0]  }
0x1d4: {  	v7 =	vld [tilespmem:s15+$0xFFFFFFE0]  }
0x1d5: {  	v14 =	vld [tilespmem:s15+$0xFFFFFFF0]  }
0x1d6: {  	v15 =	vld [tilespmem:s10+$0xFFFFFFF0]  }
0x1d7: {  	v16 =	vmul.f32 v10, v12;
	v9 =	vld [tilespmem:s15+$0x0];
	v11 =	vmul.f32 v11, v6  }
0x1d8: {  	v17 =	vld [tilespmem:s10+$0x0]  }
0x1d9: {  	v10 =	vld [tilespmem:s15+$0x10];
	v11 =	vadd.f32 v11, v16;
	v13 =	vmul.f32 v13, v7  }
0x1da: {  	v16 =	vld [tilespmem:s10+$0x10]  }
0x1db: {  	v18 =	vld [tilespmem:s15+$0x20];
	v11 =	vadd.f32 v13, v11;
	v13 =	vmul.f32 v15, v14  }
0x1dc: {  	v15 =	vld [tilespmem:s10+$0x20]  }
0x1dd: {  	v19 =	vld [tilespmem:s15+$0x30];
	v11 =	vadd.f32 v13, v11;
	v13 =	vmul.f32 v17, v9  }
0x1de: {  	v17 =	vld [tilespmem:s10+$0x30]  }
0x1df: {  	v11 =	vadd.f32 v13, v11;
	v13 =	vmul.f32 v16, v10;
	_ =	sdelay $0x1  }
0x1e0: {  	v11 =	vadd.f32 v13, v11;
	v13 =	vmul.f32 v15, v18;
	_ =	sdelay $0x1  }
0x1e1: {  	v11 =	vadd.f32 v13, v11;
	v13 =	vmul.f32 v17, v19;
	_ =	sdelay $0x1  }
0x1e2: {  	v11 =	vadd.f32 v13, v11;
	_ =	sdelay $0x1  }
0x1e3: {  	v13 =	vperm.xlane v11, v0;
	_ =	sdelay $0x1  }
0x1e4: {  	v11 =	vadd.f32 v11, v13;
	_ =	sdelay $0x1  }
0x1e5: {  	v13 =	vperm.xlane v11, v1;
	_ =	sdelay $0x1  }
0x1e6: {  	v11 =	vadd.f32 v11, v13;
	_ =	sdelay $0x1  }
0x1e7: {  	v13 =	vperm.xlane v11, v2;
	_ =	sdelay $0x1  }
0x1e8: {  	v11 =	vadd.f32 v11, v13;
	_ =	sdelay $0x1  }
0x1e9: {  	v13 =	vperm.xlane v11, v4;
	_ =	sdelay $0x1  }
0x1ea: {  	v11 =	vadd.f32 v11, v13;
	_ =	sdelay $0x1  }
0x1eb: {  	v11 =	vmin.f32 v11, $8.000000000e+01  }
0x1ec: {  	v11 =	vmul.f32 $1.442695020e+00, v11;
	_ =	sdelay $0x1  }
0x1ed: {  	(erf) = vpow2.f32 v11;
	_ =	sdelay $0x6  }
.Ltmp5:
0x1ee: {  	(pc) =	sbr.rel @p0 .LBB2_14-.Ltmp5, $4  }
0x1ef: {  	v13 =	vmov s14  }
0x1f0: {  	vm0 =	veq.s32 v13, v5;
	v11 =	vpop (erf)  }
0x1f1: {  	v15 =	vmul.f32 v11, v14;
	v13 =	vmul.f32 v11, v19;
	v8 =	vsel vm0, v11, v8  }
0x1f2: {  	v12 =	vmul.f32 v11, v12;
	v14 =	vmul.f32 v11, v18  }
0x1f3: {  	[tilespmem:s3+$0xFFFFFFF0] =	vst v15  }
0x1f4: {  	[tilespmem:s3+$0x30] =	vst v13  }
0x1f5: {  	v6 =	vmul.f32 v11, v6;
	s8 =	sadd.s32 $0x1, s8;
	[tilespmem:s3+$0x20] =	vst v14  }
0x1f6: {  	v10 =	vmul.f32 v11, v10;
	[tilespmem:s3+$0xFFFFFFC0] =	vst v12;
	p0 =	sne.s32 s8, $0x5  }
.Ltmp6:
0x1f7: {  	v9 =	vmul.f32 v11, v9;
	[tilespmem:s3+$0xFFFFFFD0] =	vst v6;
	(pc) =	sbr.rel @p0 .LBB2_13-.Ltmp6, $4  }
0x1f8: {  	v6 =	vmul.f32 v11, v7;
	[tilespmem:s3+$0x10] =	vst v10  }
0x1f9: {  	[tilespmem:s3+$0x0] =	vst v9  }
0x1fa: {  	[tilespmem:s3+$0xFFFFFFE0] =	vst v6  }
0x1fb: {  	s13 =	sadd.s32 $0x800, s13;
	s17 =	sadd.s32 $0x800, s17;
	[tilespmem:s21+$0xA140] =	vst v8  }
0x1fc: {  	v6 =	vld [tilespmem:$0x0]  }
0x1fd: {  	v7 =	vld [tilespmem:$0x10]  }
0x1fe: {  	v8 =	vld [tilespmem:$0x20]  }
0x1ff: {  	v9 =	vld [tilespmem:$0x30]  }
0x200: {  	v10 =	vld [tilespmem:$0x40]  }
0x201: {  	[tilespmem:$0xA0] =	vst v6  }
0x202: {  	[tilespmem:$0xB0] =	vst v7  }
0x203: {  	[tilespmem:$0xC0] =	vst v8  }
0x204: {  	s17 =	sld [smem:$0x7F5];
	[tilespmem:$0xD0] =	vst v9  }
0x205: {  	s3 =	simm.s32 $0xA140;
	[tilespmem:$0xE0] =	vst v10  }
0x206: {  	[spmem:s20] =	stream.indirect.scatter.add.f32 [tilespmem:s3], [sflag:$0x7], $0x1, s29, s22, $0xb8;
	[tilespmem:$0x1E460] =	vst v63  }
0x207: {  	s3 =	sadd.s32 s17, s6  }
0x208: {  	s15 =	rddreg [dreg:$0x3];
	s6 =	sshrl.u32 s3, $0x3  }
0x209: {  	[spmem:s15] =	stream.indirect.scatter.add.f32 [tilespmem:s12], [sflag:$0x9], $0x80, s29, s22, $0xb8;
	[tilespmem:$0x1E460] =	vst v63  }
0x20a: {  	s8 =	sadd.s32 s23, s6;
	s6 =	simm.s32 $0x0  }
0x20b: {  	[tilespmem:s6], [sflag:$0x1] =	stream.linear.gather [hbm4b:s8+s6], $0x50, $0x38;
	[tilespmem:$0x1E460] =	vst v63  }
0x20c: {  	_ =	swait.ge [sflag:s30], $0x50  }
0x20d: {  	[sflag:s30] =	ssyncset.done $0x0  }
0x20e: {  	[sflag:s30] =	ssyncadd.s32 $0xFFFFFFB0  }
0x20f: {  	_ =	swait.ge [sflag:s31], $0x2800  }
0x210: {  	[sflag:s31] =	ssyncset.done $0x0  }
0x211: {  	[sflag:s31] =	ssyncadd.s32 $0xFFFFD800  }
0x212: {  	_ =	swait.ge [sflag:s18], $0x2800  }
0x213: {  	[sflag:s18] =	ssyncset.done $0x0  }
0x214: {  	[sflag:s18] =	ssyncadd.s32 $0xFFFFD800  }
0x215: {  	_ =	swait.ge [sflag:s0], $0x2800  }
0x216: {  	[sflag:s0] =	ssyncset.done $0x0  }
0x217: {  	[sflag:s0] =	ssyncadd.s32 $0xFFFFD800  }
0x218: {  	_ =	swait.ge [sflag:s1], $0x50  }
0x219: {  	[sflag:s1] =	ssyncset.done $0x0  }
0x21a: {  	[sflag:s1] =	ssyncadd.s32 $0xFFFFFFB0  }
0x21b: {  	s3 =	sshll.u32 s3, $0x4;
	s21 =	rddreg [dreg:$0x0]  }
0x21c: {  	s9 =	simm.s32 $0x5140;
	s3 =	sand.u32 $0x1FFFFF00, s3;
	s26 =	rddreg [dreg:$0x1]  }
0x21d: {  	[tilespmem:s9], [sflag:$0x3] =	stream.indirect.gather [hbm4b:s21+s22], $0x80, s6, s22, $0xb8;
	[tilespmem:$0x1E460] =	vst v63  }
0x21e: {  	s10 =	simm.s32 $0x7980;
	s3 =	sadd.s32 s26, s3  }
0x21f: {  	[tilespmem:s12], [sflag:$0x5] =	stream.linear.gather [hbm4b:s3+s6], $0x2800, $0x38;
	[tilespmem:$0x1E460] =	vst v63  }
0x220: {  	s8 =	simm.s32 $0x0;
	s26 =	sshll.u32 s7, $0x1;
	s3 =	simm.s32 $0x2980  }
.LBB2_17:
0x221: {  	v12 =	vld [tilespmem:s3+$0xFFFFFFC0]  }
0x222: {  	v6 =	vld [tilespmem:s3+$0xFFFFFFD0]  }
0x223: {  	v8 =	vld [tilespmem:s10+$0xFFFFFFC0]  }
0x224: {  	v10 =	vld [tilespmem:s10+$0xFFFFFFD0]  }
0x225: {  	v11 =	vld [tilespmem:s10+$0xFFFFFFE0]  }
0x226: {  	v7 =	vld [tilespmem:s3+$0xFFFFFFE0]  }
0x227: {  	v13 =	vld [tilespmem:s3+$0xFFFFFFF0]  }
0x228: {  	v14 =	vld [tilespmem:s10+$0xFFFFFFF0]  }
0x229: {  	v9 =	vld [tilespmem:s3+$0x0];
	v8 =	vmul.f32 v8, v12;
	v15 =	vmul.f32 v10, v6  }
0x22a: {  	v16 =	vld [tilespmem:s10+$0x0]  }
0x22b: {  	v10 =	vld [tilespmem:s3+$0x10];
	v11 =	vmul.f32 v11, v7;
	v8 =	vadd.f32 v15, v8  }
0x22c: {  	v15 =	vld [tilespmem:s10+$0x10]  }
0x22d: {  	v17 =	vld [tilespmem:s3+$0x20];
	v8 =	vadd.f32 v11, v8;
	v11 =	vmul.f32 v14, v13  }
0x22e: {  	v14 =	vld [tilespmem:s10+$0x20]  }
0x22f: {  	v18 =	vld [tilespmem:s3+$0x30];
	v8 =	vadd.f32 v11, v8;
	v11 =	vmul.f32 v16, v9  }
0x230: {  	v16 =	vld [tilespmem:s10+$0x30]  }
0x231: {  	v8 =	vadd.f32 v11, v8;
	v11 =	vmul.f32 v15, v10;
	_ =	sdelay $0x1  }
0x232: {  	v8 =	vadd.f32 v11, v8;
	v11 =	vmul.f32 v14, v17;
	_ =	sdelay $0x1  }
0x233: {  	v8 =	vadd.f32 v11, v8;
	v11 =	vmul.f32 v16, v18;
	_ =	sdelay $0x1  }
0x234: {  	v8 =	vadd.f32 v11, v8;
	_ =	sdelay $0x1  }
0x235: {  	v11 =	vperm.xlane v8, v0;
	_ =	sdelay $0x1  }
0x236: {  	v8 =	vadd.f32 v8, v11;
	_ =	sdelay $0x1  }
0x237: {  	v11 =	vperm.xlane v8, v1;
	_ =	sdelay $0x1  }
0x238: {  	v8 =	vadd.f32 v8, v11;
	_ =	sdelay $0x1  }
0x239: {  	v11 =	vperm.xlane v8, v2;
	_ =	sdelay $0x1  }
0x23a: {  	v8 =	vadd.f32 v8, v11;
	_ =	sdelay $0x1  }
0x23b: {  	v11 =	vperm.xlane v8, v4;
	_ =	sdelay $0x1  }
0x23c: {  	v8 =	vadd.f32 v8, v11;
	_ =	sdelay $0x1  }
0x23d: {  	v8 =	vmin.f32 v8, $8.000000000e+01  }
0x23e: {  	v8 =	vmul.f32 $1.442695020e+00, v8;
	_ =	sdelay $0x1  }
0x23f: {  	(erf) = vpow2.f32 v8;
	_ =	sdelay $0x7  }
0x240: {  	v14 =	vmov s6  }
0x241: {  	vm0 =	veq.s32 v14, v5;
	v11 =	vpop (erf)  }
0x242: {  	s21 =	sshll.u32 s8, $0x4;
	s9 =	simm.s32 $0x1;
	v8 =	vimm.f32 $0.0e+00;
	v15 =	vmul.f32 v11, v13;
	v13 =	vmul.f32 v11, v18  }
0x243: {  	s15 =	smov.u32 s3;
	s13 =	smov.u32 s3;
	s17 =	smov.u32 s10;
	v8 =	vsel vm0, v11, v8;
	v12 =	vmul.f32 v11, v12;
	v14 =	vmul.f32 v11, v17  }
.LBB2_18:
0x244: {  	p0 =	sne.s32 s9, $0xF;
	v7 =	vmul.f32 v11, v7;
	[tilespmem:s15+$0xFFFFFFF0] =	vst v15;
	v9 =	vmul.f32 v11, v9;
	s13 =	sadd.s32 $0x80, s13;
	s17 =	sadd.s32 $0x80, s17  }
0x245: {  	v6 =	vmul.f32 v11, v6;
	v10 =	vmul.f32 v11, v10;
	s14 =	smov.u32 s9;
	s9 =	sadd.s32 $0x1, s9;
	[tilespmem:s15+$0x30] =	vst v13  }
0x246: {  	[tilespmem:s15+$0x20] =	vst v14  }
0x247: {  	[tilespmem:s15+$0xFFFFFFC0] =	vst v12  }
0x248: {  	[tilespmem:s15+$0xFFFFFFD0] =	vst v6  }
0x249: {  	[tilespmem:s15+$0x10] =	vst v10  }
0x24a: {  	v12 =	vld [tilespmem:s13+$0xFFFFFFC0];
	[tilespmem:s15+$0x0] =	vst v9  }
0x24b: {  	v6 =	vld [tilespmem:s13+$0xFFFFFFD0];
	[tilespmem:s15+$0xFFFFFFE0] =	vst v7;
	s15 =	smov.u32 s13  }
0x24c: {  	v10 =	vld [tilespmem:s17+$0xFFFFFFC0]  }
0x24d: {  	v11 =	vld [tilespmem:s17+$0xFFFFFFD0]  }
0x24e: {  	v13 =	vld [tilespmem:s17+$0xFFFFFFE0]  }
0x24f: {  	v7 =	vld [tilespmem:s13+$0xFFFFFFE0]  }
0x250: {  	v14 =	vld [tilespmem:s13+$0xFFFFFFF0]  }
0x251: {  	v15 =	vld [tilespmem:s17+$0xFFFFFFF0]  }
0x252: {  	v16 =	vmul.f32 v10, v12;
	v9 =	vld [tilespmem:s13+$0x0];
	v11 =	vmul.f32 v11, v6  }
0x253: {  	v17 =	vld [tilespmem:s17+$0x0]  }
0x254: {  	v10 =	vld [tilespmem:s13+$0x10];
	v11 =	vadd.f32 v11, v16;
	v13 =	vmul.f32 v13, v7  }
0x255: {  	v16 =	vld [tilespmem:s17+$0x10]  }
0x256: {  	v18 =	vld [tilespmem:s13+$0x20];
	v11 =	vadd.f32 v13, v11;
	v13 =	vmul.f32 v15, v14  }
0x257: {  	v15 =	vld [tilespmem:s17+$0x20]  }
0x258: {  	v19 =	vld [tilespmem:s13+$0x30];
	v11 =	vadd.f32 v13, v11;
	v13 =	vmul.f32 v17, v9  }
0x259: {  	v17 =	vld [tilespmem:s17+$0x30]  }
0x25a: {  	v11 =	vadd.f32 v13, v11;
	v13 =	vmul.f32 v16, v10;
	_ =	sdelay $0x1  }
0x25b: {  	v11 =	vadd.f32 v13, v11;
	v13 =	vmul.f32 v15, v18;
	_ =	sdelay $0x1  }
0x25c: {  	v11 =	vadd.f32 v13, v11;
	v13 =	vmul.f32 v17, v19;
	_ =	sdelay $0x1  }
0x25d: {  	v11 =	vadd.f32 v13, v11;
	_ =	sdelay $0x1  }
0x25e: {  	v13 =	vperm.xlane v11, v0;
	_ =	sdelay $0x1  }
0x25f: {  	v11 =	vadd.f32 v11, v13;
	_ =	sdelay $0x1  }
0x260: {  	v13 =	vperm.xlane v11, v1;
	_ =	sdelay $0x1  }
0x261: {  	v11 =	vadd.f32 v11, v13;
	_ =	sdelay $0x1  }
0x262: {  	v13 =	vperm.xlane v11, v2;
	_ =	sdelay $0x1  }
0x263: {  	v11 =	vadd.f32 v11, v13;
	_ =	sdelay $0x1  }
0x264: {  	v13 =	vperm.xlane v11, v4;
	_ =	sdelay $0x1  }
0x265: {  	v11 =	vadd.f32 v11, v13;
	_ =	sdelay $0x1  }
0x266: {  	v11 =	vmin.f32 v11, $8.000000000e+01  }
0x267: {  	v11 =	vmul.f32 $1.442695020e+00, v11;
	_ =	sdelay $0x1  }
0x268: {  	(erf) = vpow2.f32 v11;
	_ =	sdelay $0x6  }
.Ltmp7:
0x269: {  	(pc) =	sbr.rel @p0 .LBB2_18-.Ltmp7, $4  }
0x26a: {  	v13 =	vmov s14  }
0x26b: {  	vm0 =	veq.s32 v13, v5;
	v11 =	vpop (erf)  }
0x26c: {  	v15 =	vmul.f32 v11, v14;
	v13 =	vmul.f32 v11, v19;
	v8 =	vsel vm0, v11, v8  }
0x26d: {  	v12 =	vmul.f32 v11, v12;
	v14 =	vmul.f32 v11, v18  }
0x26e: {  	[tilespmem:s15+$0xFFFFFFF0] =	vst v15  }
0x26f: {  	[tilespmem:s15+$0x30] =	vst v13  }
0x270: {  	v6 =	vmul.f32 v11, v6;
	s8 =	sadd.s32 $0x1, s8;
	[tilespmem:s15+$0x20] =	vst v14  }
0x271: {  	v10 =	vmul.f32 v11, v10;
	[tilespmem:s15+$0xFFFFFFC0] =	vst v12;
	p0 =	sne.s32 s8, $0x5  }
.Ltmp8:
0x272: {  	v9 =	vmul.f32 v11, v9;
	[tilespmem:s15+$0xFFFFFFD0] =	vst v6;
	(pc) =	sbr.rel @p0 .LBB2_17-.Ltmp8, $4  }
0x273: {  	v6 =	vmul.f32 v11, v7;
	[tilespmem:s15+$0x10] =	vst v10  }
0x274: {  	[tilespmem:s15+$0x0] =	vst v9  }
0x275: {  	[tilespmem:s15+$0xFFFFFFE0] =	vst v6  }
0x276: {  	s3 =	sadd.s32 $0x800, s3;
	s10 =	sadd.s32 $0x800, s10;
	[tilespmem:s21+$0xA190] =	vst v8  }
0x277: {  	v6 =	vld [tilespmem:$0x50]  }
0x278: {  	v7 =	vld [tilespmem:$0x60]  }
0x279: {  	v8 =	vld [tilespmem:$0x70]  }
0x27a: {  	v9 =	vld [tilespmem:$0x80]  }
0x27b: {  	v10 =	vld [tilespmem:$0x90]  }
0x27c: {  	[tilespmem:$0xF0] =	vst v6  }
0x27d: {  	[tilespmem:$0x100] =	vst v7  }
0x27e: {  	[tilespmem:$0x110] =	vst v8  }
0x27f: {  	s3 =	simm.s32 $0xA190;
	[tilespmem:$0x120] =	vst v9  }
0x280: {  	s21 =	smin.u32 s26, $0x79;
	s6 =	rddreg [dreg:$0x3];
	s7 =	sadd.s32 $0x1, s7;
	[tilespmem:$0x130] =	vst v10  }
0x281: {  	[spmem:s20] =	stream.indirect.scatter.add.f32 [tilespmem:s3], [sflag:$0x8], $0x1, s2, s22, $0xb8;
	[tilespmem:$0x1E460] =	vst v63  }
0x282: {  	s26 =	sld [smem:$0x7F6];
	p0 =	sne.s32 s7, $0x3E;
	s3 =	smul.u32 $0x50, s21  }
0x283: {  	[spmem:s6] =	stream.indirect.scatter.add.f32 [tilespmem:s28], [sflag:$0xA], $0x80, s2, s22, $0xb8;
	[tilespmem:$0x1E460] =	vst v63  }
.Ltmp9:
0x284: {  	_ = 	snop;
	(pc) =	sbr.rel @p0 .LBB2_12-.Ltmp9, $4  }
0x285: {  	s3 =	sadd.s32 s3, s26  }
0x286: {  	s3 =	sshrl.u32 s3, $0x3  }
0x287: {  	s3 =	sadd.s32 s23, s3  }
0x288: {  	[tilespmem:s22], [sflag:$0x2] =	stream.linear.gather [hbm4b:s3+s19], $0x50, $0x38;
	[tilespmem:$0x1E460] =	vst v63  }
0x289: {  	_ =	swait.ge [sflag:s4], $0x50  }
0x28a: {  	[sflag:s4] =	ssyncset.done $0x0  }
0x28b: {  	[sflag:s4] =	ssyncadd.s32 $0xFFFFFFB0  }
0x28c: {  	_ =	swait.ge [sflag:s5], $0x2800  }
0x28d: {  	[sflag:s5] =	ssyncset.done $0x0  }
0x28e: {  	[sflag:s5] =	ssyncadd.s32 $0xFFFFD800  }
0x28f: {  	_ =	swait.ge [sflag:s25], $0x50  }
0x290: {  	[sflag:s25] =	ssyncset.done $0x0  }
0x291: {  	[sflag:s25] =	ssyncadd.s32 $0xFFFFFFB0  }
0x292: {  	_ =	swait.ge [sflag:s11], $0x2800  }
0x293: {  	[sflag:s11] =	ssyncset.done $0x0  }
0x294: {  	[sflag:s11] =	ssyncadd.s32 $0xFFFFD800  }
0x295: {  	s6 =	simm.s32 $0x0;
	_ =	swait.ge [sflag:s24], $0x2800  }
0x296: {  	s3 =	simm.s32 $0x180;
	s7 =	simm.s32 $0x5180;
	[sflag:s24] =	ssyncset.done $0x0  }
0x297: {  	s8 =	simm.s32 $0x0;
	s21 =	sld [smem:$0x7FC];
	[sflag:s24] =	ssyncadd.s32 $0xFFFFD800  }
.LBB2_22:
0x298: {  	v12 =	vld [tilespmem:s3+$0xFFFFFFC0]  }
0x299: {  	v6 =	vld [tilespmem:s3+$0xFFFFFFD0]  }
0x29a: {  	v8 =	vld [tilespmem:s7+$0xFFFFFFC0]  }
0x29b: {  	v10 =	vld [tilespmem:s7+$0xFFFFFFD0]  }
0x29c: {  	v11 =	vld [tilespmem:s7+$0xFFFFFFE0]  }
0x29d: {  	v7 =	vld [tilespmem:s3+$0xFFFFFFE0]  }
0x29e: {  	v13 =	vld [tilespmem:s3+$0xFFFFFFF0]  }
0x29f: {  	v14 =	vld [tilespmem:s7+$0xFFFFFFF0]  }
0x2a0: {  	v9 =	vld [tilespmem:s3+$0x0];
	v8 =	vmul.f32 v8, v12;
	v15 =	vmul.f32 v10, v6  }
0x2a1: {  	v16 =	vld [tilespmem:s7+$0x0]  }
0x2a2: {  	v10 =	vld [tilespmem:s3+$0x10];
	v11 =	vmul.f32 v11, v7;
	v8 =	vadd.f32 v15, v8  }
0x2a3: {  	v15 =	vld [tilespmem:s7+$0x10]  }
0x2a4: {  	v17 =	vld [tilespmem:s3+$0x20];
	v8 =	vadd.f32 v11, v8;
	v11 =	vmul.f32 v14, v13  }
0x2a5: {  	v14 =	vld [tilespmem:s7+$0x20]  }
0x2a6: {  	v18 =	vld [tilespmem:s3+$0x30];
	v8 =	vadd.f32 v11, v8;
	v11 =	vmul.f32 v16, v9  }
0x2a7: {  	v16 =	vld [tilespmem:s7+$0x30]  }
0x2a8: {  	v8 =	vadd.f32 v11, v8;
	v11 =	vmul.f32 v15, v10;
	_ =	sdelay $0x1  }
0x2a9: {  	v8 =	vadd.f32 v11, v8;
	v11 =	vmul.f32 v14, v17;
	_ =	sdelay $0x1  }
0x2aa: {  	v8 =	vadd.f32 v11, v8;
	v11 =	vmul.f32 v16, v18;
	_ =	sdelay $0x1  }
0x2ab: {  	v8 =	vadd.f32 v11, v8;
	_ =	sdelay $0x1  }
0x2ac: {  	v11 =	vperm.xlane v8, v0;
	_ =	sdelay $0x1  }
0x2ad: {  	v8 =	vadd.f32 v8, v11;
	_ =	sdelay $0x1  }
0x2ae: {  	v11 =	vperm.xlane v8, v1;
	_ =	sdelay $0x1  }
0x2af: {  	v8 =	vadd.f32 v8, v11;
	_ =	sdelay $0x1  }
0x2b0: {  	v11 =	vperm.xlane v8, v2;
	_ =	sdelay $0x1  }
0x2b1: {  	v8 =	vadd.f32 v8, v11;
	_ =	sdelay $0x1  }
0x2b2: {  	v11 =	vperm.xlane v8, v4;
	_ =	sdelay $0x1  }
0x2b3: {  	v8 =	vadd.f32 v8, v11;
	_ =	sdelay $0x1  }
0x2b4: {  	v8 =	vmin.f32 v8, $8.000000000e+01  }
0x2b5: {  	v8 =	vmul.f32 $1.442695020e+00, v8;
	_ =	sdelay $0x1  }
0x2b6: {  	(erf) = vpow2.f32 v8;
	_ =	sdelay $0x7  }
0x2b7: {  	v14 =	vmov s6  }
0x2b8: {  	vm0 =	veq.s32 v14, v5;
	v11 =	vpop (erf)  }
0x2b9: {  	s10 =	sshll.u32 s8, $0x4;
	s9 =	simm.s32 $0x1;
	v8 =	vimm.f32 $0.0e+00;
	v15 =	vmul.f32 v11, v13;
	v13 =	vmul.f32 v11, v18  }
0x2ba: {  	s15 =	smov.u32 s3;
	s13 =	smov.u32 s3;
	s17 =	smov.u32 s7;
	v8 =	vsel vm0, v11, v8;
	v12 =	vmul.f32 v11, v12;
	v14 =	vmul.f32 v11, v17  }
.LBB2_23:
0x2bb: {  	p0 =	sne.s32 s9, $0xF;
	v7 =	vmul.f32 v11, v7;
	[tilespmem:s15+$0xFFFFFFF0] =	vst v15;
	v9 =	vmul.f32 v11, v9;
	s13 =	sadd.s32 $0x80, s13;
	s17 =	sadd.s32 $0x80, s17  }
0x2bc: {  	v6 =	vmul.f32 v11, v6;
	v10 =	vmul.f32 v11, v10;
	s14 =	smov.u32 s9;
	s9 =	sadd.s32 $0x1, s9;
	[tilespmem:s15+$0x30] =	vst v13  }
0x2bd: {  	[tilespmem:s15+$0x20] =	vst v14  }
0x2be: {  	[tilespmem:s15+$0xFFFFFFC0] =	vst v12  }
0x2bf: {  	[tilespmem:s15+$0xFFFFFFD0] =	vst v6  }
0x2c0: {  	[tilespmem:s15+$0x10] =	vst v10  }
0x2c1: {  	v12 =	vld [tilespmem:s13+$0xFFFFFFC0];
	[tilespmem:s15+$0x0] =	vst v9  }
0x2c2: {  	v6 =	vld [tilespmem:s13+$0xFFFFFFD0];
	[tilespmem:s15+$0xFFFFFFE0] =	vst v7;
	s15 =	smov.u32 s13  }
0x2c3: {  	v10 =	vld [tilespmem:s17+$0xFFFFFFC0]  }
0x2c4: {  	v11 =	vld [tilespmem:s17+$0xFFFFFFD0]  }
0x2c5: {  	v13 =	vld [tilespmem:s17+$0xFFFFFFE0]  }
0x2c6: {  	v7 =	vld [tilespmem:s13+$0xFFFFFFE0]  }
0x2c7: {  	v14 =	vld [tilespmem:s13+$0xFFFFFFF0]  }
0x2c8: {  	v15 =	vld [tilespmem:s17+$0xFFFFFFF0]  }
0x2c9: {  	v16 =	vmul.f32 v10, v12;
	v9 =	vld [tilespmem:s13+$0x0];
	v11 =	vmul.f32 v11, v6  }
0x2ca: {  	v17 =	vld [tilespmem:s17+$0x0]  }
0x2cb: {  	v10 =	vld [tilespmem:s13+$0x10];
	v11 =	vadd.f32 v11, v16;
	v13 =	vmul.f32 v13, v7  }
0x2cc: {  	v16 =	vld [tilespmem:s17+$0x10]  }
0x2cd: {  	v18 =	vld [tilespmem:s13+$0x20];
	v11 =	vadd.f32 v13, v11;
	v13 =	vmul.f32 v15, v14  }
0x2ce: {  	v15 =	vld [tilespmem:s17+$0x20]  }
0x2cf: {  	v19 =	vld [tilespmem:s13+$0x30];
	v11 =	vadd.f32 v13, v11;
	v13 =	vmul.f32 v17, v9  }
0x2d0: {  	v17 =	vld [tilespmem:s17+$0x30]  }
0x2d1: {  	v11 =	vadd.f32 v13, v11;
	v13 =	vmul.f32 v16, v10;
	_ =	sdelay $0x1  }
0x2d2: {  	v11 =	vadd.f32 v13, v11;
	v13 =	vmul.f32 v15, v18;
	_ =	sdelay $0x1  }
0x2d3: {  	v11 =	vadd.f32 v13, v11;
	v13 =	vmul.f32 v17, v19;
	_ =	sdelay $0x1  }
0x2d4: {  	v11 =	vadd.f32 v13, v11;
	_ =	sdelay $0x1  }
0x2d5: {  	v13 =	vperm.xlane v11, v0;
	_ =	sdelay $0x1  }
0x2d6: {  	v11 =	vadd.f32 v11, v13;
	_ =	sdelay $0x1  }
0x2d7: {  	v13 =	vperm.xlane v11, v1;
	_ =	sdelay $0x1  }
0x2d8: {  	v11 =	vadd.f32 v11, v13;
	_ =	sdelay $0x1  }
0x2d9: {  	v13 =	vperm.xlane v11, v2;
	_ =	sdelay $0x1  }
0x2da: {  	v11 =	vadd.f32 v11, v13;
	_ =	sdelay $0x1  }
0x2db: {  	v13 =	vperm.xlane v11, v4;
	_ =	sdelay $0x1  }
0x2dc: {  	v11 =	vadd.f32 v11, v13;
	_ =	sdelay $0x1  }
0x2dd: {  	v11 =	vmin.f32 v11, $8.000000000e+01  }
0x2de: {  	v11 =	vmul.f32 $1.442695020e+00, v11;
	_ =	sdelay $0x1  }
0x2df: {  	(erf) = vpow2.f32 v11;
	_ =	sdelay $0x6  }
.Ltmp10:
0x2e0: {  	(pc) =	sbr.rel @p0 .LBB2_23-.Ltmp10, $4  }
0x2e1: {  	v13 =	vmov s14  }
0x2e2: {  	vm0 =	veq.s32 v13, v5;
	v11 =	vpop (erf)  }
0x2e3: {  	v15 =	vmul.f32 v11, v14;
	v13 =	vmul.f32 v11, v19;
	v8 =	vsel vm0, v11, v8  }
0x2e4: {  	v12 =	vmul.f32 v11, v12;
	v14 =	vmul.f32 v11, v18  }
0x2e5: {  	[tilespmem:s15+$0xFFFFFFF0] =	vst v15  }
0x2e6: {  	[tilespmem:s15+$0x30] =	vst v13  }
0x2e7: {  	v6 =	vmul.f32 v11, v6;
	s8 =	sadd.s32 $0x1, s8;
	[tilespmem:s15+$0x20] =	vst v14  }
0x2e8: {  	v10 =	vmul.f32 v11, v10;
	[tilespmem:s15+$0xFFFFFFC0] =	vst v12;
	p0 =	sne.s32 s8, $0x5  }
.Ltmp11:
0x2e9: {  	v9 =	vmul.f32 v11, v9;
	[tilespmem:s15+$0xFFFFFFD0] =	vst v6;
	(pc) =	sbr.rel @p0 .LBB2_22-.Ltmp11, $4  }
0x2ea: {  	v6 =	vmul.f32 v11, v7;
	[tilespmem:s15+$0x10] =	vst v10  }
0x2eb: {  	[tilespmem:s15+$0x0] =	vst v9  }
0x2ec: {  	[tilespmem:s15+$0xFFFFFFE0] =	vst v6  }
0x2ed: {  	s3 =	sadd.s32 $0x800, s3;
	s7 =	sadd.s32 $0x800, s7;
	[tilespmem:s10+$0xA140] =	vst v8  }
0x2ee: {  	v6 =	vld [tilespmem:$0x0]  }
0x2ef: {  	v7 =	vld [tilespmem:$0x10]  }
0x2f0: {  	v8 =	vld [tilespmem:$0x20]  }
0x2f1: {  	v9 =	vld [tilespmem:$0x30]  }
0x2f2: {  	v10 =	vld [tilespmem:$0x40]  }
0x2f3: {  	[tilespmem:$0xA0] =	vst v6  }
0x2f4: {  	[tilespmem:$0xB0] =	vst v7  }
0x2f5: {  	[tilespmem:$0xC0] =	vst v8  }
0x2f6: {  	[tilespmem:$0xD0] =	vst v9  }
0x2f7: {  	s26 =	simm.s32 $0xA140;
	[tilespmem:$0xE0] =	vst v10  }
0x2f8: {  	[spmem:s20] =	stream.indirect.scatter.add.f32 [tilespmem:s26], [sflag:$0x7], $0x1, s29, s22, $0xb8;
	[tilespmem:$0x1E460] =	vst v63  }
0x2f9: {  	s3 =	rddreg [dreg:$0x3]  }
0x2fa: {  	[spmem:s3] =	stream.indirect.scatter.add.f32 [tilespmem:s12], [sflag:$0x9], $0x80, s29, s22, $0xb8;
	[tilespmem:$0x1E460] =	vst v63  }
0x2fb: {  	_ =	swait.ge [sflag:s30], $0x50  }
0x2fc: {  	[sflag:s30] =	ssyncset.done $0x0  }
0x2fd: {  	[sflag:s30] =	ssyncadd.s32 $0xFFFFFFB0  }
0x2fe: {  	_ =	swait.ge [sflag:s31], $0x2800  }
0x2ff: {  	[sflag:s31] =	ssyncset.done $0x0  }
0x300: {  	[sflag:s31] =	ssyncadd.s32 $0xFFFFD800  }
0x301: {  	[bflag:$0x0] =	sbarrier.arrive $0xFFFF  }
0x302: {  	s14 =	rddreg [dreg:$0x16]  }
0x303: {  	[tilespmem:s12], [sflag:$0xB] =	stream.linear.gather [spmem:s14], $0x2800, $0x38;
	[tilespmem:$0x1E460] =	vst v63  }
0x304: {  	_ =	swait.ge [sflag:s16], $0x2800  }
0x305: {  	[sflag:s16] =	ssyncset.done $0x0  }
0x306: {  	s6 =	simm.s32 $0x0;
	s17 =	rddreg [dreg:$0x6];
	[sflag:s16] =	ssyncadd.s32 $0xFFFFD800  }
0x307: {  	[hbm4b:s17+s6] =	stream.linear.scatter [tilespmem:s12], [sflag:$0xB], $0x2800, $0x38;
	[tilespmem:$0x1E460] =	vst v63  }
0x308: {  	_ =	swait.ge [sflag:s16], $0x2800  }
0x309: {  	[sflag:s16] =	ssyncset.done $0x0  }
0x30a: {  	s17 =	rddreg [dreg:$0x17];
	[sflag:s16] =	ssyncadd.s32 $0xFFFFD800  }
0x30b: {  	[tilespmem:s26], [sflag:$0xB] =	stream.linear.gather [spmem:s17], $0x50, $0x38;
	[tilespmem:$0x1E460] =	vst v63  }
0x30c: {  	_ =	swait.ge [sflag:s16], $0x50  }
0x30d: {  	[sflag:s16] =	ssyncset.done $0x0  }
0x30e: {  	s19 =	rddreg [dreg:$0xe];
	[sflag:s16] =	ssyncadd.s32 $0xFFFFFFB0  }
0x30f: {  	[hbm4b:s19+s6] =	stream.linear.scatter [tilespmem:s26], [sflag:$0xB], $0x50, $0x38;
	[tilespmem:$0x1E460] =	vst v63  }
0x310: {  	_ =	swait.ge [sflag:s16], $0x50  }
0x311: {  	[sflag:s16] =	ssyncset.done $0x0  }
0x312: {  	s7 =	rddreg [dreg:$0x18];
	[sflag:s16] =	ssyncadd.s32 $0xFFFFFFB0  }
0x313: {  	[tilespmem:s12], [sflag:$0xB] =	stream.linear.gather [spmem:s7], $0x2800, $0x38;
	[tilespmem:$0x1E460] =	vst v63  }
0x314: {  	_ =	swait.ge [sflag:s16], $0x2800  }
0x315: {  	[sflag:s16] =	ssyncset.done $0x0  }
0x316: {  	s8 =	rddreg [dreg:$0x7];
	[sflag:s16] =	ssyncadd.s32 $0xFFFFD800  }
0x317: {  	[hbm4b:s8+s6] =	stream.linear.scatter [tilespmem:s12], [sflag:$0xB], $0x2800, $0x38;
	[tilespmem:$0x1E460] =	vst v63  }
0x318: {  	_ =	swait.ge [sflag:s16], $0x2800  }
0x319: {  	[sflag:s16] =	ssyncset.done $0x0  }
0x31a: {  	s9 =	rddreg [dreg:$0x19];
	[sflag:s16] =	ssyncadd.s32 $0xFFFFD800  }
0x31b: {  	[tilespmem:s26], [sflag:$0xB] =	stream.linear.gather [spmem:s9], $0x50, $0x38;
	[tilespmem:$0x1E460] =	vst v63  }
0x31c: {  	_ =	swait.ge [sflag:s16], $0x50  }
0x31d: {  	[sflag:s16] =	ssyncset.done $0x0  }
0x31e: {  	s10 =	rddreg [dreg:$0xf];
	[sflag:s16] =	ssyncadd.s32 $0xFFFFFFB0  }
0x31f: {  	[hbm4b:s10+s6] =	stream.linear.scatter [tilespmem:s26], [sflag:$0xB], $0x50, $0x38;
	[tilespmem:$0x1E460] =	vst v63  }
0x320: {  	_ =	swait.ge [sflag:s16], $0x50  }
0x321: {  	[sflag:s16] =	ssyncset.done $0x0  }
0x322: {  	s9 =	rddreg [dreg:$0x1a];
	[sflag:s16] =	ssyncadd.s32 $0xFFFFFFB0  }
0x323: {  	[tilespmem:s12], [sflag:$0xB] =	stream.linear.gather [spmem:s9], $0x2800, $0x38;
	[tilespmem:$0x1E460] =	vst v63  }
0x324: {  	_ =	swait.ge [sflag:s16], $0x2800  }
0x325: {  	[sflag:s16] =	ssyncset.done $0x0  }
0x326: {  	s13 =	rddreg [dreg:$0x8];
	[sflag:s16] =	ssyncadd.s32 $0xFFFFD800  }
0x327: {  	[hbm4b:s13+s6] =	stream.linear.scatter [tilespmem:s12], [sflag:$0xB], $0x2800, $0x38;
	[tilespmem:$0x1E460] =	vst v63  }
0x328: {  	_ =	swait.ge [sflag:s16], $0x2800  }
0x329: {  	[sflag:s16] =	ssyncset.done $0x0  }
0x32a: {  	s15 =	rddreg [dreg:$0x1b];
	[sflag:s16] =	ssyncadd.s32 $0xFFFFD800  }
0x32b: {  	[tilespmem:s26], [sflag:$0xB] =	stream.linear.gather [spmem:s15], $0x50, $0x38;
	[tilespmem:$0x1E460] =	vst v63  }
0x32c: {  	_ =	swait.ge [sflag:s16], $0x50  }
0x32d: {  	[sflag:s16] =	ssyncset.done $0x0  }
0x32e: {  	s19 =	rddreg [dreg:$0x10];
	[sflag:s16] =	ssyncadd.s32 $0xFFFFFFB0  }
0x32f: {  	[hbm4b:s19+s6] =	stream.linear.scatter [tilespmem:s26], [sflag:$0xB], $0x50, $0x38;
	[tilespmem:$0x1E460] =	vst v63  }
0x330: {  	_ =	swait.ge [sflag:s16], $0x50  }
0x331: {  	[sflag:s16] =	ssyncset.done $0x0  }
0x332: {  	s15 =	rddreg [dreg:$0x1c];
	[sflag:s16] =	ssyncadd.s32 $0xFFFFFFB0  }
0x333: {  	[tilespmem:s12], [sflag:$0xB] =	stream.linear.gather [spmem:s15], $0x2800, $0x38;
	[tilespmem:$0x1E460] =	vst v63  }
0x334: {  	_ =	swait.ge [sflag:s16], $0x2800  }
0x335: {  	[sflag:s16] =	ssyncset.done $0x0  }
0x336: {  	s7 =	rddreg [dreg:$0x9];
	[sflag:s16] =	ssyncadd.s32 $0xFFFFD800  }
0x337: {  	[hbm4b:s7+s6] =	stream.linear.scatter [tilespmem:s12], [sflag:$0xB], $0x2800, $0x38;
	[tilespmem:$0x1E460] =	vst v63  }
0x338: {  	_ =	swait.ge [sflag:s16], $0x2800  }
0x339: {  	[sflag:s16] =	ssyncset.done $0x0  }
0x33a: {  	s7 =	rddreg [dreg:$0x1d];
	[sflag:s16] =	ssyncadd.s32 $0xFFFFD800  }
0x33b: {  	[tilespmem:s26], [sflag:$0xB] =	stream.linear.gather [spmem:s7], $0x50, $0x38;
	[tilespmem:$0x1E460] =	vst v63  }
0x33c: {  	_ =	swait.ge [sflag:s16], $0x50  }
0x33d: {  	[sflag:s16] =	ssyncset.done $0x0  }
0x33e: {  	s8 =	rddreg [dreg:$0x11];
	[sflag:s16] =	ssyncadd.s32 $0xFFFFFFB0  }
0x33f: {  	[hbm4b:s8+s6] =	stream.linear.scatter [tilespmem:s26], [sflag:$0xB], $0x50, $0x38;
	[tilespmem:$0x1E460] =	vst v63  }
0x340: {  	_ =	swait.ge [sflag:s16], $0x50  }
0x341: {  	[sflag:s16] =	ssyncset.done $0x0  }
0x342: {  	s10 =	rddreg [dreg:$0x1e];
	[sflag:s16] =	ssyncadd.s32 $0xFFFFFFB0  }
0x343: {  	[tilespmem:s12], [sflag:$0xB] =	stream.linear.gather [spmem:s10], $0x2800, $0x38;
	[tilespmem:$0x1E460] =	vst v63  }
0x344: {  	_ =	swait.ge [sflag:s16], $0x2800  }
0x345: {  	[sflag:s16] =	ssyncset.done $0x0  }
0x346: {  	s13 =	rddreg [dreg:$0xa];
	[sflag:s16] =	ssyncadd.s32 $0xFFFFD800  }
0x347: {  	[hbm4b:s13+s6] =	stream.linear.scatter [tilespmem:s12], [sflag:$0xB], $0x2800, $0x38;
	[tilespmem:$0x1E460] =	vst v63  }
0x348: {  	_ =	swait.ge [sflag:s16], $0x2800  }
0x349: {  	[sflag:s16] =	ssyncset.done $0x0  }
0x34a: {  	s19 =	rddreg [dreg:$0x1f];
	[sflag:s16] =	ssyncadd.s32 $0xFFFFD800  }
0x34b: {  	[tilespmem:s26], [sflag:$0xB] =	stream.linear.gather [spmem:s19], $0x50, $0x38;
	[tilespmem:$0x1E460] =	vst v63  }
0x34c: {  	_ =	swait.ge [sflag:s16], $0x50  }
0x34d: {  	[sflag:s16] =	ssyncset.done $0x0  }
0x34e: {  	s8 =	rddreg [dreg:$0x12];
	[sflag:s16] =	ssyncadd.s32 $0xFFFFFFB0  }
0x34f: {  	[hbm4b:s8+s6] =	stream.linear.scatter [tilespmem:s26], [sflag:$0xB], $0x50, $0x38;
	[tilespmem:$0x1E460] =	vst v63  }
0x350: {  	_ =	swait.ge [sflag:s16], $0x50  }
0x351: {  	s13 =	sld [smem:$0x7FA]  }
0x352: {  	[sflag:s16] =	ssyncset.done $0x0  }
0x353: {  	[sflag:s16] =	ssyncadd.s32 $0xFFFFFFB0  }
0x354: {  	[tilespmem:s12], [sflag:$0xB] =	stream.linear.gather [spmem:s13], $0x2800, $0x38;
	[tilespmem:$0x1E460] =	vst v63  }
0x355: {  	_ =	swait.ge [sflag:s16], $0x2800  }
0x356: {  	[sflag:s16] =	ssyncset.done $0x0  }
0x357: {  	s10 =	rddreg [dreg:$0xb];
	[sflag:s16] =	ssyncadd.s32 $0xFFFFD800  }
0x358: {  	[hbm4b:s10+s6] =	stream.linear.scatter [tilespmem:s12], [sflag:$0xB], $0x2800, $0x38;
	[tilespmem:$0x1E460] =	vst v63  }
0x359: {  	_ =	swait.ge [sflag:s16], $0x2800  }
0x35a: {  	s8 =	sld [smem:$0x7FB]  }
0x35b: {  	[sflag:s16] =	ssyncset.done $0x0  }
0x35c: {  	[sflag:s16] =	ssyncadd.s32 $0xFFFFD800  }
0x35d: {  	[tilespmem:s26], [sflag:$0xB] =	stream.linear.gather [spmem:s8], $0x50, $0x38;
	[tilespmem:$0x1E460] =	vst v63  }
0x35e: {  	_ =	swait.ge [sflag:s16], $0x50  }
0x35f: {  	[sflag:s16] =	ssyncset.done $0x0  }
0x360: {  	s19 =	rddreg [dreg:$0x13];
	[sflag:s16] =	ssyncadd.s32 $0xFFFFFFB0  }
0x361: {  	[hbm4b:s19+s6] =	stream.linear.scatter [tilespmem:s26], [sflag:$0xB], $0x50, $0x38;
	[tilespmem:$0x1E460] =	vst v63  }
0x362: {  	_ =	swait.ge [sflag:s16], $0x50  }
0x363: {  	[sflag:s16] =	ssyncset.done $0x0  }
0x364: {  	[sflag:s16] =	ssyncadd.s32 $0xFFFFFFB0  }
0x365: {  	[tilespmem:s12], [sflag:$0xB] =	stream.linear.gather [spmem:s21], $0x2800, $0x38;
	[tilespmem:$0x1E460] =	vst v63  }
0x366: {  	_ =	swait.ge [sflag:s16], $0x2800  }
0x367: {  	[sflag:s16] =	ssyncset.done $0x0  }
0x368: {  	s10 =	rddreg [dreg:$0xc];
	[sflag:s16] =	ssyncadd.s32 $0xFFFFD800  }
0x369: {  	[hbm4b:s10+s6] =	stream.linear.scatter [tilespmem:s12], [sflag:$0xB], $0x2800, $0x38;
	[tilespmem:$0x1E460] =	vst v63  }
0x36a: {  	_ =	swait.ge [sflag:s16], $0x2800  }
0x36b: {  	s10 =	sld [smem:$0x7FD]  }
0x36c: {  	[sflag:s16] =	ssyncset.done $0x0  }
0x36d: {  	[sflag:s16] =	ssyncadd.s32 $0xFFFFD800  }
0x36e: {  	[tilespmem:s26], [sflag:$0xB] =	stream.linear.gather [spmem:s10], $0x50, $0x38;
	[tilespmem:$0x1E460] =	vst v63  }
0x36f: {  	_ =	swait.ge [sflag:s16], $0x50  }
0x370: {  	[sflag:s16] =	ssyncset.done $0x0  }
0x371: {  	s19 =	rddreg [dreg:$0x14];
	[sflag:s16] =	ssyncadd.s32 $0xFFFFFFB0  }
0x372: {  	[hbm4b:s19+s6] =	stream.linear.scatter [tilespmem:s26], [sflag:$0xB], $0x50, $0x38;
	[tilespmem:$0x1E460] =	vst v63  }
0x373: {  	_ =	swait.ge [sflag:s16], $0x50  }
0x374: {  	s19 =	sld [smem:$0x7ED]  }
0x375: {  	[sflag:s16] =	ssyncset.done $0x0  }
0x376: {  	[sflag:s16] =	ssyncadd.s32 $0xFFFFFFB0  }
0x377: {  	[tilespmem:s12], [sflag:$0xB] =	stream.linear.gather [spmem:s19], $0x2800, $0x38;
	[tilespmem:$0x1E460] =	vst v63  }
0x378: {  	_ =	swait.ge [sflag:s16], $0x2800  }
0x379: {  	[sflag:s16] =	ssyncset.done $0x0  }
0x37a: {  	s19 =	rddreg [dreg:$0xd];
	[sflag:s16] =	ssyncadd.s32 $0xFFFFD800  }
0x37b: {  	[hbm4b:s19+s6] =	stream.linear.scatter [tilespmem:s12], [sflag:$0xB], $0x2800, $0x38;
	[tilespmem:$0x1E460] =	vst v63  }
0x37c: {  	_ =	swait.ge [sflag:s16], $0x2800  }
0x37d: {  	s19 =	sld [smem:$0x7EE]  }
0x37e: {  	[sflag:s16] =	ssyncset.done $0x0  }
0x37f: {  	[sflag:s16] =	ssyncadd.s32 $0xFFFFD800  }
0x380: {  	[tilespmem:s26], [sflag:$0xB] =	stream.linear.gather [spmem:s19], $0x50, $0x38;
	[tilespmem:$0x1E460] =	vst v63  }
0x381: {  	_ =	swait.ge [sflag:s16], $0x50  }
0x382: {  	[sflag:s16] =	ssyncset.done $0x0  }
0x383: {  	s3 =	rddreg [dreg:$0x15];
	[sflag:s16] =	ssyncadd.s32 $0xFFFFFFB0  }
0x384: {  	[hbm4b:s3+s6] =	stream.linear.scatter [tilespmem:s26], [sflag:$0xB], $0x50, $0x38;
	[tilespmem:$0x1E460] =	vst v63  }
0x385: {  	_ =	swait.ge [sflag:s16], $0x50  }
0x386: {  	s3 =	sld [smem:$0x7EC]  }
0x387: {  	s26 =	sld [smem:$0x7F9];
	_ =	sdelay $0x1  }
0x388: {  	s6 =	sadd.s32 $0x1, s3  }
0x389: {  	p0 =	sne.s32 s6, s26  }
.Ltmp12:
0x38a: {  	_ = 	snop;
	(pc) =	sbr.rel @p0 .LBB2_1-.Ltmp12, $3  }
0x38b: {  	_ =	sdelay $0x1  }
0x38c: {  	[sflag:s16] =	ssyncset.done $0x0  }
0x38d: {  	s19 =	simm.s32 $0x0;
	[sflag:s16] =	ssyncadd.s32 $0xFFFFFFB0  }
0x38e: {  	_ =	sfence.sel $0x180000  }
0x38f: {  	[bflag:$0x0] =	sbarrier.arrive $0xFFFF  }
0x390: {  	_ =	strace $0x90000047  }
0x391: {  	s0 =	stileid.u32;
	[bflag:$0x2] =	sbarrier.arrive $0xFFFF  }
0x392: {  	p0 =	sne.s32 s0, $0x0;
	s0 =	rddreg [dreg:$0x5]  }
0x393: {  	s0 =	sadd.s32 @!p0 $0x100000, s0  }
0x394: {  	[sflag:s0] =	ssyncadd.tile.s32 @!p0 $0x1;
	_ =	shalt  }
.Lfunc_end2:
_tile_overlayer_lowered:
.L_overlay_start_2:
0x395: {  	(tag) =	ssettag $0x2  }
0x396: {  	s0 =	rddreg [dreg:$0x0];
	s2 =	stileid.u32  }
0x397: {  	s1 =	rddreg [dreg:$0x1];
	p0 =	sne.s32 s2, $0x0  }
0x398: {  	s3 =	rddreg [dreg:$0x2];
	[bflag:$0x3] =	sbarrier.arrive $0xFFFF;
	s2 =	simm.s32 @!p0 $0x1C0B  }
0x399: {  	[timem:s3], [sflag:s2] =	dma.local @!p0 [hbm:s0], s1  }
0x39a: {  	s0 =	simm.s32 @!p0 $0xB  }
0x39b: {  	_ =	swait.ge @!p0 [sflag:s0], s1  }
0x39c: {  	s1 =	ssub.s32 @!p0 $0x0, s1;
	[sflag:s0] =	ssyncset.done @!p0 $0x0  }
0x39d: {  	[sflag:s0] =	ssyncadd.s32 @!p0 s1  }
0x39e: {  	[bflag:$0x3] =	sbarrier.arrive $0xFFFF  }
0x39f: {  	_ =	shalt  }

</sc_bundles>
